<compile_context>
chip_gen: v7x
topology: tpu7x:2x2x1
jax: 0.10.2.dev20260603
libtpu: 0.0.44.dev20260713+nightly
codegen_flags: <defaults>
</compile_context>

<pallas_src>
import functools

import jax
import jax.numpy as jnp
from jax import lax
from jax.experimental import pallas as pl
from jax.experimental.pallas import tpu as pltpu
from jax.experimental.pallas import tpu_sc as plsc

VOCAB = 100000
LABEL = 128
B = 64
T = 50
K = 2 * T
VPAD = 100096
VROWS = VPAD // 128
TPAD = 64
NTF = B * TPAD
NEG_BIG = -1e30
CHUNK = 4352
NBLK_MAIN = 22
TAIL0 = NBLK_MAIN * CHUNK
IPB = 16
NSUBC = 32
ROWS_PER_SUBC = NTF // NSUBC


def _threefry(k1, k2, x0, x1):
    ks2 = k1 ^ k2 ^ jnp.uint32(0x1BD11BDA)
    ks = (k1, k2, ks2)
    x0 = x0 + ks[0]
    x1 = x1 + ks[1]
    rot0 = (13, 15, 26, 6)
    rot1 = (17, 29, 16, 24)
    for r in range(5):
        for rot in rot0 if r % 2 == 0 else rot1:
            x0 = x0 + x1
            x1 = (x1 << jnp.uint32(rot)) | (x1 >> jnp.uint32(32 - rot))
            x1 = x1 ^ x0
        x0 = x0 + ks[(r + 1) % 3]
        x1 = x1 + ks[(r + 2) % 3] + jnp.uint32(r + 1)
    return x0, x1


def _bits_to_gumbel(bits):
    fb = lax.bitcast_convert_type(
        (bits >> jnp.uint32(9)) | jnp.uint32(0x3F800000), jnp.float32) - 1.0
    tiny = jnp.float32(1.1754943508222875e-38)
    u = jnp.maximum(tiny, fb * (jnp.float32(1.0) - tiny) + tiny)
    return -jnp.log(-jnp.log(u))


def _sortkey(x):
    b = lax.bitcast_convert_type(x, jnp.int32)
    return jnp.where(b < 0, b ^ jnp.int32(0x7FFFFFFF), b)


def _logsig(x):
    return jnp.minimum(x, 0.0) - jnp.log1p(jnp.exp(-jnp.abs(x)))


def _sc_mesh():
    return plsc.VectorSubcoreMesh(
        core_axis_name="c", subcore_axis_name="s", num_cores=2, num_subcores=16
    )


def _sc_scatter(tflat, fz_init):

    @functools.partial(
        pl.kernel,
        out_type=jax.ShapeDtypeStruct((VPAD,), jnp.int32),
        mesh=_sc_mesh(),
        scratch_types=[
            pltpu.VMEM((NTF,), jnp.int32),
            pltpu.VMEM((VPAD,), jnp.int32),
        ],
        compiler_params=pltpu.CompilerParams(needs_layout_passes=False),
    )
    def sc_kernel(t_hbm, fzi_hbm, fz_out, tfl_v, fz_v):
        c = lax.axis_index("c")
        s = lax.axis_index("s")

        @pl.when(jnp.logical_and(c == 0, s == 0))
        def _():
            pltpu.sync_copy(t_hbm, tfl_v)
            pltpu.sync_copy(fzi_hbm, fz_v)

            def body(i, carry):
                ii = (NTF // 16 - 1) - i
                idx = tfl_v[pl.ds(ii * 16, 16)]
                bv = (ii * 16 + lax.iota(jnp.int32, 16)) >> 6
                plsc.store_scatter(fz_v, [idx], bv)
                return carry

            lax.fori_loop(0, NTF // 16, body, 0)
            pltpu.sync_copy(fz_v, fz_out)

    return sc_kernel(tflat, fz_init)


def _sc_gather(tflat_g, w):

    @functools.partial(
        pl.kernel,
        out_type=jax.ShapeDtypeStruct((NTF, LABEL), jnp.float32),
        mesh=_sc_mesh(),
        scratch_types=[
            pltpu.VMEM((ROWS_PER_SUBC,), jnp.int32),
            pltpu.VMEM((ROWS_PER_SUBC, LABEL), jnp.float32),
            pltpu.SemaphoreType.DMA,
        ],
        compiler_params=pltpu.CompilerParams(needs_layout_passes=False),
    )
    def sc_kernel(t_hbm, w_hbm, tw_out, idx_v, rows_v, sem):
        c = lax.axis_index("c")
        s = lax.axis_index("s")
        wid = s * 2 + c
        base = wid * ROWS_PER_SUBC
        pltpu.sync_copy(t_hbm.at[pl.ds(base, ROWS_PER_SUBC)], idx_v)
        pltpu.async_copy(w_hbm.at[idx_v], rows_v, sem).wait()
        pltpu.sync_copy(rows_v, tw_out.at[pl.ds(base, ROWS_PER_SUBC)])

    return sc_kernel(tflat_g, w)


def _thr_body(k_ref, fz_ref, p_ref, w_ref, o_ref):
    pid = pl.program_id(0)
    logp = jnp.log(jnp.clip(p_ref[...], 1e-20, None))
    logeps = jnp.log(jnp.float32(1e-20))
    vhi = lax.broadcasted_iota(jnp.uint32, (VROWS, 128), 0)
    vlo = lax.broadcasted_iota(jnp.uint32, (VROWS, 128), 1)
    v = vhi * jnp.uint32(128) + vlo
    pad = v >= jnp.uint32(VOCAB)
    for j in range(IPB):
        b = pid * IPB + j
        k1 = k_ref[b, 0]
        k2 = k_ref[b, 1]
        o0, o1 = _threefry(k1, k2, jnp.zeros_like(v), v)
        g = jnp.where(pad, jnp.float32(NEG_BIG), _bits_to_gumbel(o0 ^ o1))
        s = jnp.where(fz_ref[...] <= b, logeps, logp) + g
        w_ref[0, j] = _sortkey(s)

    kkf = jnp.int32(K)

    def _count(w, cand):
        return jnp.sum((w >= cand).astype(jnp.int32))

    def cond(st):
        i, ths, done = st
        all_done = functools.reduce(jnp.logical_and, done)
        return jnp.logical_and(i < 16, jnp.logical_not(all_done))

    def body(st):
        i, ths, done = st
        bit1 = jnp.left_shift(jnp.int32(1), 30 - 2 * i)
        has2 = i < 15
        bit2 = jnp.where(
            has2, jnp.left_shift(jnp.int32(1), jnp.maximum(29 - 2 * i, 0)),
            jnp.int32(0))
        ths2, done2 = [], []
        for j in range(IPB):
            w = w_ref[0, j]
            c1 = ths[j] + bit1
            n1 = _count(w, c1)
            n2a = _count(w, ths[j] + bit2)
            n2b = _count(w, c1 + bit2)
            nd = jnp.logical_not(done[j])
            take1 = jnp.logical_and(nd, n1 >= kkf)
            th1 = jnp.where(take1, c1, ths[j])
            n2 = jnp.where(take1, n2b, n2a)
            take2 = jnp.logical_and(jnp.logical_and(nd, has2), n2 >= kkf)
            ths2.append(jnp.where(take2, th1 + bit2, th1))
            done2.append(jnp.logical_or(
                done[j], jnp.logical_or(n1 == kkf, n2 == kkf)))
        return i + jnp.int32(1), tuple(ths2), tuple(done2)

    init = (jnp.int32(0),
            tuple(jnp.int32(-2147483648) for _ in range(IPB)),
            tuple(jnp.bool_(False) for _ in range(IPB)))
    _, ths, _ = lax.while_loop(cond, body, init)
    o_ref[...] = jnp.concatenate(
        [jnp.full((1, 1, 128), th, jnp.int32) for th in ths], axis=1)


def _noise_body(f_ref, w_ref, wk_ref, t_ref, o_ref):
    i = pl.program_id(0)
    z = lax.dot_general(f_ref[...], w_ref[...], (((1,), (1,)), ((), ())),
                        preferred_element_type=jnp.float32)
    mask = wk_ref[...] >= t_ref[:, :1]
    part = jnp.sum(jnp.where(mask, _logsig(-z), 0.0))

    @pl.when(i == 0)
    def _():
        o_ref[...] = jnp.full((1, 1), part, jnp.float32)

    @pl.when(i > 0)
    def _():
        o_ref[...] += jnp.full((1, 1), part, jnp.float32)


def _final_body(tw_ref, fr_ref, n1_ref, n2_ref, o_ref):
    z = jnp.sum(tw_ref[...] * fr_ref[...], axis=1, keepdims=True)
    slot = lax.broadcasted_iota(jnp.int32, (NTF, 1), 0) % TPAD
    tsum = jnp.sum(jnp.where(slot < T, _logsig(z), 0.0))
    total = -(tsum + n1_ref[0, 0] + n2_ref[0, 0]) / jnp.float32(T + K)
    o_ref[...] = jnp.full((1, 1), total, jnp.float32)


def kernel(features, targets, W, probs):
    targets = targets.astype(jnp.int32)
    probs_pad = jnp.pad(probs, (0, VPAD - VOCAB), constant_values=1.0)
    tflat_s = jnp.pad(targets, ((0, 0), (0, TPAD - T)),
                      constant_values=VOCAB).reshape(NTF)
    tflat_g = jnp.pad(targets, ((0, 0), (0, TPAD - T))).reshape(NTF)
    fz_init = jnp.full((VPAD,), B, jnp.int32)
    kd = jax.random.key_data(jax.random.split(jax.random.key(1), B))
    kd = kd.astype(jnp.uint32)
    w_tail = jnp.pad(W[TAIL0:], ((0, VPAD - VOCAB), (0, 0)))

    tw = _sc_gather(tflat_g, W)
    fz = _sc_scatter(tflat_s, fz_init)

    wkeys, thr = pl.pallas_call(
        _thr_body,
        grid=(B // IPB,),
        in_specs=[
            pl.BlockSpec(memory_space=pltpu.SMEM),
            pl.BlockSpec((VROWS, 128), lambda b: (0, 0)),
            pl.BlockSpec((VROWS, 128), lambda b: (0, 0)),
        ],
        out_specs=[
            pl.BlockSpec((1, IPB, VROWS, 128), lambda b: (b, 0, 0, 0)),
            pl.BlockSpec((1, IPB, 128), lambda b: (b, 0, 0)),
        ],
        out_shape=[
            jax.ShapeDtypeStruct((B // IPB, IPB, VROWS, 128), jnp.int32),
            jax.ShapeDtypeStruct((B // IPB, IPB, 128), jnp.int32),
        ],
    )(kd, fz.reshape(VROWS, 128), probs_pad.reshape(VROWS, 128))
    thr = thr.reshape(B, 128)
    wkeys = wkeys.reshape(B, VPAD)

    noise_specs = dict(
        out_specs=pl.BlockSpec((1, 1), lambda i: (0, 0)),
        out_shape=jax.ShapeDtypeStruct((1, 1), jnp.float32),
    )
    nmain = pl.pallas_call(
        _noise_body,
        grid=(NBLK_MAIN,),
        in_specs=[
            pl.BlockSpec((B, LABEL), lambda i: (0, 0)),
            pl.BlockSpec((CHUNK, LABEL), lambda i: (i, 0)),
            pl.BlockSpec((B, CHUNK), lambda i: (0, i)),
            pl.BlockSpec((B, 128), lambda i: (0, 0)),
        ],
        **noise_specs,
    )(features, W, wkeys, thr)
    ntail = pl.pallas_call(
        _noise_body,
        grid=(1,),
        in_specs=[
            pl.BlockSpec((B, LABEL), lambda i: (0, 0)),
            pl.BlockSpec((CHUNK, LABEL), lambda i: (0, 0)),
            pl.BlockSpec((B, CHUNK), lambda i: (0, NBLK_MAIN)),
            pl.BlockSpec((B, 128), lambda i: (0, 0)),
        ],
        **noise_specs,
    )(features, w_tail, wkeys, thr)

    featrep = jnp.repeat(features, TPAD, axis=0)
    out = pl.pallas_call(
        _final_body,
        in_specs=[
            pl.BlockSpec((NTF, LABEL), lambda: (0, 0)),
            pl.BlockSpec((NTF, LABEL), lambda: (0, 0)),
            pl.BlockSpec((1, 1), lambda: (0, 0)),
            pl.BlockSpec((1, 1), lambda: (0, 0)),
        ],
        out_specs=pl.BlockSpec((1, 1), lambda: (0, 0)),
        out_shape=jax.ShapeDtypeStruct((1, 1), jnp.float32),
    )(tw, featrep, nmain, ntail)
    return out[0, 0]

# --- scband reference (transcript-rebuilt; emitter-appended) ---
"""Pipeline reference for scband-negative-sample-loss-77000173683133 (READ-ONLY COPY).

The authoritative reference and input builder live on the scoring server;
editing this copy changes nothing except your own understanding.
"""

import jax, jax.numpy as jnp
import numpy as np

VOCAB = 100000
LABEL = 128
B = 64
T = 50
SAMPLE_RATIO = 2


def setup_inputs(seed: int = 0) -> dict:
    key = jax.random.key(seed)
    k1, k2, k3, k4 = jax.random.split(key, 4)
    features = jax.random.normal(k1, (B, LABEL), dtype=jnp.float32)
    targets = jax.random.randint(k2, (B, T), 0, VOCAB, dtype=jnp.int64)
    # h2o.weight: Linear(label_size -> vocab, bias=False) => weight [vocab, label_size]
    W = jax.random.normal(k3, (VOCAB, LABEL), dtype=jnp.float32) * 0.02
    # negative_sample_probs buffer: freqs**0.75 normalized (freqs simulated with uniform)
    freqs = jnp.power(jax.random.uniform(k4, (VOCAB,), minval=1e-5, maxval=1.0), 0.75)
    probs = (freqs / freqs.sum()).astype(jnp.float32)
    return {"features": features, "targets": targets, "W": W, "probs": probs}


def reference(features, targets, W, probs):
    # Faithful translation of NegativeSampleLoss.forward:
    #   sum over (feature, target) pairs of _forward(feature, target).
    # Note: torch's index_fill_ mutates the probs buffer IN-PLACE, so zeroed
    # entries accumulate across batch items -> carried through lax.scan.
    # multinomial-without-replacement is implemented via the Gumbel top-k trick.
    # Dropout is identity (eval mode) for determinism.
    k = SAMPLE_RATIO * T
    keys = jax.random.split(jax.random.key(1), B)

    def body(probs_c, xs):
        feat, tgt, rk = xs
        probs_c = probs_c.at[tgt].set(0.0)  # index_fill_(0, targets, 0), in-place semantics
        g = jax.random.gumbel(rk, (VOCAB,), dtype=jnp.float32)
        logp = jnp.log(jnp.clip(probs_c, 1e-20, None))
        _, noises = jax.lax.top_k(logp + g, k)  # multinomial w/o replacement
        t_w = jnp.take(W, tgt, axis=0)      # [T, d]  gather
        n_w = jnp.take(W, noises, axis=0)   # [k, d]  gather
        t_out = feat @ t_w.T                # F.linear(feature, weight)
        n_out = feat @ n_w.T
        out = jnp.concatenate([t_out, -n_out], axis=-1)
        loss = -jnp.mean(jax.nn.log_sigmoid(out))
        return probs_c, loss

    _, losses = jax.lax.scan(body, probs, (features, targets, keys))
    return jnp.sum(losses)

if __name__ == "__main__":
    import jax
    _d = setup_inputs()
    print(jax.jit(kernel)(*tuple(_d.values())))

</pallas_src>

<mosaic_0001>
#map = affine_map<(d0, d1) -> (0)>
#map1 = affine_map<(d0, d1) -> (0, 0)>
module attributes {stable_mosaic.version = 14 : i64} {
  func.func @sc_kernel(%arg0: i32, %arg1: i32, %arg2: memref<4096xi32, #tpu.memory_space<hbm>>, %arg3: memref<100000x128xf32, #tpu.memory_space<hbm>>, %arg4: memref<4096x128xf32, #tpu.memory_space<hbm>>, %arg5: memref<128xi32, #tpu.memory_space<vmem>>, %arg6: memref<128x128xf32, #tpu.memory_space<vmem>>, %arg7: memref<!tpu.dma_semaphore, #tpu.memory_space<semaphore_mem>>) attributes {dimension_semantics = [#tpu.dimension_semantics<core_parallel>, #tpu.dimension_semantics<subcore_parallel>], iteration_bounds = array<i64: 2, 16>, scalar_prefetch = 0 : i64, scratch_operands = 3 : i64, tpu.core_type = #tpu.core_type<sc_vector_subcore>, window_params = [{transform_indices = #map}, {transform_indices = #map1}, {transform_indices = #map1}]} {
    %mul3A = arith.constant 2 : i32
    %mul3A_0 = arith.muli %arg1, %mul3A : i32
    %add3A = arith.addi %mul3A_0, %arg0 : i32
    %mul3A_1 = arith.constant 128 : i32
    %mul3A_2 = arith.muli %add3A, %mul3A_1 : i32
    "tpu.region"() ({
      %run_scoped3A = tpu.sem_alloc : memref<!tpu.dma_semaphore, #tpu.memory_space<semaphore_mem>>
      %dma_start3A_7 = tpu.memref_slice %arg2[%mul3A_2] : memref<4096xi32, #tpu.memory_space<hbm>> -> memref<128xi32, #tpu.memory_space<hbm>>
      %dma_start3A_8 = tpu.memref_slice %arg2[%mul3A_2] : memref<4096xi32, #tpu.memory_space<hbm>> -> memref<128xi32, #tpu.memory_space<hbm>>
      tpu.enqueue_dma source(%dma_start3A_8 : memref<128xi32, #tpu.memory_space<hbm>>) target(%arg5 : memref<128xi32, #tpu.memory_space<vmem>>) target_semaphore(%run_scoped3A : memref<!tpu.dma_semaphore, #tpu.memory_space<semaphore_mem>>)
      %dma_wait3A_9 = tpu.memref_slice %arg2[%mul3A_2] : memref<4096xi32, #tpu.memory_space<hbm>> -> memref<128xi32, #tpu.memory_space<hbm>>
      %dma_wait3A_10 = tpu.memref_slice %arg2[%mul3A_2] : memref<4096xi32, #tpu.memory_space<hbm>> -> memref<128xi32, #tpu.memory_space<hbm>>
      tpu.wait_dma2 semaphore(%run_scoped3A : memref<!tpu.dma_semaphore, #tpu.memory_space<semaphore_mem>>) src(%dma_wait3A_10 : memref<128xi32, #tpu.memory_space<hbm>>) dst(%arg5 : memref<128xi32, #tpu.memory_space<vmem>>)
      tpu.yield
    }) : () -> ()
    %dma_start3A = arith.constant 0 : i32
    %dma_start3A_3 = arith.constant 0 : i32
    %dma_start3A_4 = tpu.memref_slice %arg3[%dma_start3A, %dma_start3A_3] : memref<100000x128xf32, #tpu.memory_space<hbm>> -> memref<100000x128xf32, #tpu.memory_space<hbm>>
    tpu.enqueue_indirect_dma source(%dma_start3A_4 : memref<100000x128xf32, #tpu.memory_space<hbm>>) target(%arg6 : memref<128x128xf32, #tpu.memory_space<vmem>>) offsets(%arg5 : memref<128xi32, #tpu.memory_space<vmem>>) semaphore(%arg7 : memref<!tpu.dma_semaphore, #tpu.memory_space<semaphore_mem>>)
    %dma_wait3A = arith.constant 0 : i32
    %dma_wait3A_5 = arith.constant 0 : i32
    %dma_wait3A_6 = tpu.memref_slice %arg3[%dma_wait3A, %dma_wait3A_5] : memref<100000x128xf32, #tpu.memory_space<hbm>> -> memref<100000x128xf32, #tpu.memory_space<hbm>>
    tpu.wait_indirect_dma semaphore(%arg7 : memref<!tpu.dma_semaphore, #tpu.memory_space<semaphore_mem>>) src(%dma_wait3A_6 : memref<100000x128xf32, #tpu.memory_space<hbm>>) dst(%arg6 : memref<128x128xf32, #tpu.memory_space<vmem>>)
    "tpu.region"() ({
      %run_scoped3A = tpu.sem_alloc : memref<!tpu.dma_semaphore, #tpu.memory_space<semaphore_mem>>
      %dma_start3A_7 = arith.constant 0 : i32
      %dma_start3A_8 = tpu.memref_slice %arg4[%mul3A_2, %dma_start3A_7] : memref<4096x128xf32, #tpu.memory_space<hbm>> -> memref<128x128xf32, #tpu.memory_space<hbm>>
      %dma_start3A_9 = arith.constant 0 : i32
      %dma_start3A_10 = tpu.memref_slice %arg4[%mul3A_2, %dma_start3A_9] : memref<4096x128xf32, #tpu.memory_space<hbm>> -> memref<128x128xf32, #tpu.memory_space<hbm>>
      tpu.enqueue_dma source(%arg6 : memref<128x128xf32, #tpu.memory_space<vmem>>) target(%dma_start3A_10 : memref<128x128xf32, #tpu.memory_space<hbm>>) target_semaphore(%run_scoped3A : memref<!tpu.dma_semaphore, #tpu.memory_space<semaphore_mem>>)
      %dma_wait3A_11 = arith.constant 0 : i32
      %dma_wait3A_12 = tpu.memref_slice %arg4[%mul3A_2, %dma_wait3A_11] : memref<4096x128xf32, #tpu.memory_space<hbm>> -> memref<128x128xf32, #tpu.memory_space<hbm>>
      %dma_wait3A_13 = arith.constant 0 : i32
      %dma_wait3A_14 = tpu.memref_slice %arg4[%mul3A_2, %dma_wait3A_13] : memref<4096x128xf32, #tpu.memory_space<hbm>> -> memref<128x128xf32, #tpu.memory_space<hbm>>
      tpu.wait_dma2 semaphore(%run_scoped3A : memref<!tpu.dma_semaphore, #tpu.memory_space<semaphore_mem>>) src(%arg6 : memref<128x128xf32, #tpu.memory_space<vmem>>) dst(%dma_wait3A_14 : memref<128x128xf32, #tpu.memory_space<hbm>>)
      tpu.yield
    }) : () -> ()
    return
  }
}

#map = affine_map<(d0, d1) -> (0)>
module attributes {stable_mosaic.version = 14 : i64} {
  func.func @sc_kernel(%arg0: i32, %arg1: i32, %arg2: memref<4096xi32, #tpu.memory_space<hbm>>, %arg3: memref<100096xi32, #tpu.memory_space<hbm>>, %arg4: memref<100096xi32, #tpu.memory_space<hbm>>, %arg5: memref<4096xi32, #tpu.memory_space<vmem>>, %arg6: memref<100096xi32, #tpu.memory_space<vmem>>) attributes {dimension_semantics = [#tpu.dimension_semantics<core_parallel>, #tpu.dimension_semantics<subcore_parallel>], iteration_bounds = array<i64: 2, 16>, scalar_prefetch = 0 : i64, scratch_operands = 2 : i64, tpu.core_type = #tpu.core_type<sc_vector_subcore>, window_params = [{transform_indices = #map}, {transform_indices = #map}, {transform_indices = #map}]} {
    %eq3A = arith.constant 0 : i32
    %eq3A_0 = arith.cmpi eq, %arg0, %eq3A : i32
    %eq3A_1 = arith.constant 0 : i32
    %eq3A_2 = arith.cmpi eq, %arg1, %eq3A_1 : i32
    %and3A = arith.andi %eq3A_0, %eq3A_2 : i1
    %convert_element_type3A = arith.extui %and3A : i1 to i32
    %cond3A = arith.constant 0 : i32
    %cond3A_3 = arith.cmpi ne, %convert_element_type3A, %cond3A : i32
    scf.if %cond3A_3 {
      "tpu.region"() ({
        %run_scoped3A = tpu.sem_alloc : memref<!tpu.dma_semaphore, #tpu.memory_space<semaphore_mem>>
        tpu.enqueue_dma source(%arg2 : memref<4096xi32, #tpu.memory_space<hbm>>) target(%arg5 : memref<4096xi32, #tpu.memory_space<vmem>>) target_semaphore(%run_scoped3A : memref<!tpu.dma_semaphore, #tpu.memory_space<semaphore_mem>>)
        tpu.wait_dma2 semaphore(%run_scoped3A : memref<!tpu.dma_semaphore, #tpu.memory_space<semaphore_mem>>) src(%arg2 : memref<4096xi32, #tpu.memory_space<hbm>>) dst(%arg5 : memref<4096xi32, #tpu.memory_space<vmem>>)
        tpu.yield
      }) : () -> ()
      "tpu.region"() ({
        %run_scoped3A = tpu.sem_alloc : memref<!tpu.dma_semaphore, #tpu.memory_space<semaphore_mem>>
        tpu.enqueue_dma source(%arg3 : memref<100096xi32, #tpu.memory_space<hbm>>) target(%arg6 : memref<100096xi32, #tpu.memory_space<vmem>>) target_semaphore(%run_scoped3A : memref<!tpu.dma_semaphore, #tpu.memory_space<semaphore_mem>>)
        tpu.wait_dma2 semaphore(%run_scoped3A : memref<!tpu.dma_semaphore, #tpu.memory_space<semaphore_mem>>) src(%arg3 : memref<100096xi32, #tpu.memory_space<hbm>>) dst(%arg6 : memref<100096xi32, #tpu.memory_space<vmem>>)
        tpu.yield
      }) : () -> ()
      %scan3A = arith.constant 0 : i32
      %scan3A_4 = arith.constant 0 : i32
      %scan3A_5 = arith.constant 256 : i32
      %scan3A_6 = arith.addi %scan3A_4, %scan3A_5 : i32
      %scan3A_7 = arith.constant 1 : i32
      scf.for %scan3A_9 = %scan3A_4 to %scan3A_6 step %scan3A_7  : i32 {
        %sub3A = arith.constant 255 : i32
        %sub3A_10 = arith.subi %sub3A, %scan3A_9 : i32
        %mul3A = arith.constant 16 : i32
        %mul3A_11 = arith.muli %sub3A_10, %mul3A : i32
        %get3A = arith.index_cast %mul3A_11 : i32 to index
        %get3A_12 = tpu.vector_load %arg5[%get3A] {strides = array<i32>} : memref<4096xi32, #tpu.memory_space<vmem>>, vector<16xi32>,
        %mul3A_13 = arith.constant 16 : i32
        %mul3A_14 = arith.muli %sub3A_10, %mul3A_13 : i32
        %iota3A = tpu.iota {dimensions = array<i32: 0>} : vector<16xi32>
        %add3A = vector.broadcast %mul3A_14 : i32 to vector<16xi32>
        %add3A_15 = arith.addi %add3A, %iota3A : vector<16xi32>
        %shift_right_arithmetic3A = arith.constant 6 : i32
        %shift_right_arithmetic3A_16 = vector.broadcast %shift_right_arithmetic3A : i32 to vector<16xi32>
        %shift_right_arithmetic3A_17 = arith.shrsi %add3A_15, %shift_right_arithmetic3A_16 : vector<16xi32>
        tpu.vector_store_idx %arg6[%get3A_12], %shift_right_arithmetic3A_17 : memref<100096xi32, #tpu.memory_space<vmem>>[vector<16xi32>], vector<16xi32>,
      }
      %scan3A_8 = arith.constant 256 : i32
      "tpu.region"() ({
        %run_scoped3A = tpu.sem_alloc : memref<!tpu.dma_semaphore, #tpu.memory_space<semaphore_mem>>
        tpu.enqueue_dma source(%arg6 : memref<100096xi32, #tpu.memory_space<vmem>>) target(%arg4 : memref<100096xi32, #tpu.memory_space<hbm>>) target_semaphore(%run_scoped3A : memref<!tpu.dma_semaphore, #tpu.memory_space<semaphore_mem>>)
        tpu.wait_dma2 semaphore(%run_scoped3A : memref<!tpu.dma_semaphore, #tpu.memory_space<semaphore_mem>>) src(%arg6 : memref<100096xi32, #tpu.memory_space<vmem>>) dst(%arg4 : memref<100096xi32, #tpu.memory_space<hbm>>)
        tpu.yield
      }) : () -> ()
    } else {
    }
    return
  }
}

module attributes {stable_mosaic.version = 14 : i64} {
  func.func @_noise_body(%arg0: i32, %arg1: memref<64x128xf32, #tpu.memory_space<vmem>>, %arg2: memref<4352x128xf32, #tpu.memory_space<vmem>>, %arg3: memref<64x4352xi32, #tpu.memory_space<vmem>>, %arg4: memref<64x128xi32, #tpu.memory_space<vmem>>, %arg5: memref<1x1xf32, #tpu.memory_space<vmem>>) attributes {dimension_semantics = [#tpu.dimension_semantics<arbitrary>], iteration_bounds = array<i64: 22>, scalar_prefetch = 0 : i64, scratch_operands = 0 : i64, tpu.core_type = #tpu.core_type<tc>, window_params = [{pipeline_mode = #tpu.pipeline_mode<synchronous>, transform_indices = @transform_0, window_bounds = array<i64: 64, 128>}, {transform_indices = @transform_1, window_bounds = array<i64: 4352, 128>}, {transform_indices = @transform_2, window_bounds = array<i64: 64, 4352>}, {pipeline_mode = #tpu.pipeline_mode<synchronous>, transform_indices = @transform_3, window_bounds = array<i64: 64, 128>}, {pipeline_mode = #tpu.pipeline_mode<synchronous>, transform_indices = @transform_4, window_bounds = array<i64: 1, 1>}]} {
    %get3A = arith.constant 0 : index
    %get3A_0 = arith.constant 0 : index
    %get3A_1 = vector.load %arg1[%get3A, %get3A_0] : memref<64x128xf32, #tpu.memory_space<vmem>>, vector<64x128xf32>
    %get3A_2 = arith.constant 0 : index
    %get3A_3 = arith.constant 0 : index
    %get3A_4 = vector.load %arg2[%get3A_2, %get3A_3] : memref<4352x128xf32, #tpu.memory_space<vmem>>, vector<4352x128xf32>
    %dot_general3A = arith.constant dense<0.000000e+00> : vector<64x4352xf32>
    %dot_general3A_5 = tpu.matmul %get3A_1, %get3A_4, %dot_general3A {dimension_numbers = #tpu.dot_dimension_numbers<[1], [1], [0], [0], [0, 0, 1, 0], [], []>, transpose_lhs_hint = false} : vector<64x128xf32>, vector<4352x128xf32>, vector<64x4352xf32> -> vector<64x4352xf32>
    %get3A_6 = arith.constant 0 : index
    %get3A_7 = arith.constant 0 : index
    %get3A_8 = vector.load %arg3[%get3A_6, %get3A_7] : memref<64x4352xi32, #tpu.memory_space<vmem>>, vector<64x4352xi32>
    %get3A_9 = arith.constant 0 : index
    %get3A_10 = arith.constant 0 : index
    %get3A_11 = vector.load %arg4[%get3A_9, %get3A_10] : memref<64x128xi32, #tpu.memory_space<vmem>>, vector<64x1xi32>
    %ge3A = vector.broadcast %get3A_11 : vector<64x1xi32> to vector<64x4352xi32>
    %ge3A_12 = arith.cmpi sge, %get3A_8, %ge3A : vector<64x4352xi32>
    %neg3A = arith.constant 0.000000e+00 : f32
    %neg3A_13 = vector.broadcast %neg3A : f32 to vector<64x4352xf32>
    %neg3A_14 = arith.subf %neg3A_13, %dot_general3A_5 : vector<64x4352xf32>
    %min3A = arith.constant 0.000000e+00 : f32
    %min3A_15 = vector.broadcast %min3A : f32 to vector<64x4352xf32>
    %min3A_16 = arith.minimumf %neg3A_14, %min3A_15 : vector<64x4352xf32>
    %abs3A = math.absf %neg3A_14 : vector<64x4352xf32>
    %neg3A_17 = arith.constant 0.000000e+00 : f32
    %neg3A_18 = vector.broadcast %neg3A_17 : f32 to vector<64x4352xf32>
    %neg3A_19 = arith.subf %neg3A_18, %abs3A : vector<64x4352xf32>
    %exp3A = math.exp %neg3A_19 : vector<64x4352xf32>
    %log1p3A = math.log1p %exp3A : vector<64x4352xf32>
    %sub3A = arith.subf %min3A_16, %log1p3A : vector<64x4352xf32>
    %jit3A = arith.constant 0.000000e+00 : f32
    %broadcast_in_dim3A = vector.broadcast %jit3A : f32 to vector<64x4352xf32>
    %select_n3A = arith.select %ge3A_12, %sub3A, %broadcast_in_dim3A : vector<64x4352xi1>, vector<64x4352xf32>
    %reduce_sum3A = vector.shape_cast %select_n3A : vector<64x4352xf32> to vector<1x64x4352xf32>
    %reduce_sum3A_20 = arith.constant dense<0.000000e+00> : vector<1xf32>
    %reduce_sum3A_21 = vector.multi_reduction <add>, %reduce_sum3A, %reduce_sum3A_20 [1, 2] : vector<1x64x4352xf32> to vector<1xf32>
    %reduce_sum3A_22 = vector.shape_cast %reduce_sum3A_21 : vector<1xf32> to vector<1x1x1xf32>
    %reduce_sum3A_23 = vector.extract %reduce_sum3A_22[0, 0, 0] : f32 from vector<1x1x1xf32>
    %eq3A = arith.constant 0 : i32
    %eq3A_24 = arith.cmpi eq, %arg0, %eq3A : i32
    %convert_element_type3A = arith.extui %eq3A_24 : i1 to i32
    %cond3A = arith.constant 0 : i32
    %cond3A_25 = arith.cmpi ne, %convert_element_type3A, %cond3A : i32
    scf.if %cond3A_25 {
      %broadcast_in_dim3A_30 = vector.broadcast %reduce_sum3A_23 : f32 to vector<1x1xf32>
      %swap3A = arith.constant 0 : index
      %swap3A_31 = arith.constant 0 : index
      %swap3A_32 = vector.load %arg5[%swap3A, %swap3A_31] : memref<1x1xf32, #tpu.memory_space<vmem>>, vector<1x1xf32>
      tpu.vector_store %arg5[%swap3A, %swap3A_31], %broadcast_in_dim3A_30 {strides = array<i32>} : memref<1x1xf32, #tpu.memory_space<vmem>>, vector<1x1xf32>,
    } else {
    }
    %gt3A = arith.constant 0 : i32
    %gt3A_26 = arith.cmpi sgt, %arg0, %gt3A : i32
    %convert_element_type3A_27 = arith.extui %gt3A_26 : i1 to i32
    %cond3A_28 = arith.constant 0 : i32
    %cond3A_29 = arith.cmpi ne, %convert_element_type3A_27, %cond3A_28 : i32
    scf.if %cond3A_29 {
      %get3A_30 = arith.constant 0 : index
      %get3A_31 = arith.constant 0 : index
      %get3A_32 = vector.load %arg5[%get3A_30, %get3A_31] : memref<1x1xf32, #tpu.memory_space<vmem>>, vector<1x1xf32>
      %broadcast_in_dim3A_33 = vector.broadcast %reduce_sum3A_23 : f32 to vector<1x1xf32>
      %add3A = arith.addf %get3A_32, %broadcast_in_dim3A_33 : vector<1x1xf32>
      %swap3A = arith.constant 0 : index
      %swap3A_34 = arith.constant 0 : index
      %swap3A_35 = vector.load %arg5[%swap3A, %swap3A_34] : memref<1x1xf32, #tpu.memory_space<vmem>>, vector<1x1xf32>
      tpu.vector_store %arg5[%swap3A, %swap3A_34], %add3A {strides = array<i32>} : memref<1x1xf32, #tpu.memory_space<vmem>>, vector<1x1xf32>,
    } else {
    }
    return
  }
  func.func @transform_0(%arg0: i32) -> (i32, i32) {
    %c0_i32 = arith.constant 0 : i32
    %c0_i32_0 = arith.constant 0 : i32
    %c0_i32_1 = arith.constant 0 : i32
    return %c0_i32, %c0_i32_0 : i32, i32
  }
  func.func @transform_1(%arg0: i32) -> (i32, i32) {
    %c0_i32 = arith.constant 0 : i32
    %c0_i32_0 = arith.constant 0 : i32
    return %arg0, %c0_i32 : i32, i32
  }
  func.func @transform_2(%arg0: i32) -> (i32, i32) {
    %c0_i32 = arith.constant 0 : i32
    %c0_i32_0 = arith.constant 0 : i32
    return %c0_i32, %arg0 : i32, i32
  }
  func.func @transform_3(%arg0: i32) -> (i32, i32) {
    %c0_i32 = arith.constant 0 : i32
    %c0_i32_0 = arith.constant 0 : i32
    %c0_i32_1 = arith.constant 0 : i32
    return %c0_i32, %c0_i32_0 : i32, i32
  }
  func.func @transform_4(%arg0: i32) -> (i32, i32) {
    %c0_i32 = arith.constant 0 : i32
    %c0_i32_0 = arith.constant 0 : i32
    %c0_i32_1 = arith.constant 0 : i32
    return %c0_i32, %c0_i32_0 : i32, i32
  }
}

module attributes {stable_mosaic.version = 14 : i64} {
  func.func @_noise_body(%arg0: i32, %arg1: memref<64x128xf32, #tpu.memory_space<vmem>>, %arg2: memref<4352x128xf32, #tpu.memory_space<vmem>>, %arg3: memref<64x4352xi32, #tpu.memory_space<vmem>>, %arg4: memref<64x128xi32, #tpu.memory_space<vmem>>, %arg5: memref<1x1xf32, #tpu.memory_space<vmem>>) attributes {dimension_semantics = [#tpu.dimension_semantics<arbitrary>], iteration_bounds = array<i64: 1>, scalar_prefetch = 0 : i64, scratch_operands = 0 : i64, tpu.core_type = #tpu.core_type<tc>, window_params = [{pipeline_mode = #tpu.pipeline_mode<synchronous>, transform_indices = @transform_0, window_bounds = array<i64: 64, 128>}, {pipeline_mode = #tpu.pipeline_mode<synchronous>, transform_indices = @transform_1, window_bounds = array<i64: 4352, 128>}, {transform_indices = @transform_2, window_bounds = array<i64: 64, 4352>}, {pipeline_mode = #tpu.pipeline_mode<synchronous>, transform_indices = @transform_3, window_bounds = array<i64: 64, 128>}, {pipeline_mode = #tpu.pipeline_mode<synchronous>, transform_indices = @transform_4, window_bounds = array<i64: 1, 1>}]} {
    %get3A = arith.constant 0 : index
    %get3A_0 = arith.constant 0 : index
    %get3A_1 = vector.load %arg1[%get3A, %get3A_0] : memref<64x128xf32, #tpu.memory_space<vmem>>, vector<64x128xf32>
    %get3A_2 = arith.constant 0 : index
    %get3A_3 = arith.constant 0 : index
    %get3A_4 = vector.load %arg2[%get3A_2, %get3A_3] : memref<4352x128xf32, #tpu.memory_space<vmem>>, vector<4352x128xf32>
    %dot_general3A = arith.constant dense<0.000000e+00> : vector<64x4352xf32>
    %dot_general3A_5 = tpu.matmul %get3A_1, %get3A_4, %dot_general3A {dimension_numbers = #tpu.dot_dimension_numbers<[1], [1], [0], [0], [0, 0, 1, 0], [], []>, transpose_lhs_hint = false} : vector<64x128xf32>, vector<4352x128xf32>, vector<64x4352xf32> -> vector<64x4352xf32>
    %get3A_6 = arith.constant 0 : index
    %get3A_7 = arith.constant 0 : index
    %get3A_8 = vector.load %arg3[%get3A_6, %get3A_7] : memref<64x4352xi32, #tpu.memory_space<vmem>>, vector<64x4352xi32>
    %get3A_9 = arith.constant 0 : index
    %get3A_10 = arith.constant 0 : index
    %get3A_11 = vector.load %arg4[%get3A_9, %get3A_10] : memref<64x128xi32, #tpu.memory_space<vmem>>, vector<64x1xi32>
    %ge3A = vector.broadcast %get3A_11 : vector<64x1xi32> to vector<64x4352xi32>
    %ge3A_12 = arith.cmpi sge, %get3A_8, %ge3A : vector<64x4352xi32>
    %neg3A = arith.constant 0.000000e+00 : f32
    %neg3A_13 = vector.broadcast %neg3A : f32 to vector<64x4352xf32>
    %neg3A_14 = arith.subf %neg3A_13, %dot_general3A_5 : vector<64x4352xf32>
    %min3A = arith.constant 0.000000e+00 : f32
    %min3A_15 = vector.broadcast %min3A : f32 to vector<64x4352xf32>
    %min3A_16 = arith.minimumf %neg3A_14, %min3A_15 : vector<64x4352xf32>
    %abs3A = math.absf %neg3A_14 : vector<64x4352xf32>
    %neg3A_17 = arith.constant 0.000000e+00 : f32
    %neg3A_18 = vector.broadcast %neg3A_17 : f32 to vector<64x4352xf32>
    %neg3A_19 = arith.subf %neg3A_18, %abs3A : vector<64x4352xf32>
    %exp3A = math.exp %neg3A_19 : vector<64x4352xf32>
    %log1p3A = math.log1p %exp3A : vector<64x4352xf32>
    %sub3A = arith.subf %min3A_16, %log1p3A : vector<64x4352xf32>
    %jit3A = arith.constant 0.000000e+00 : f32
    %broadcast_in_dim3A = vector.broadcast %jit3A : f32 to vector<64x4352xf32>
    %select_n3A = arith.select %ge3A_12, %sub3A, %broadcast_in_dim3A : vector<64x4352xi1>, vector<64x4352xf32>
    %reduce_sum3A = vector.shape_cast %select_n3A : vector<64x4352xf32> to vector<1x64x4352xf32>
    %reduce_sum3A_20 = arith.constant dense<0.000000e+00> : vector<1xf32>
    %reduce_sum3A_21 = vector.multi_reduction <add>, %reduce_sum3A, %reduce_sum3A_20 [1, 2] : vector<1x64x4352xf32> to vector<1xf32>
    %reduce_sum3A_22 = vector.shape_cast %reduce_sum3A_21 : vector<1xf32> to vector<1x1x1xf32>
    %reduce_sum3A_23 = vector.extract %reduce_sum3A_22[0, 0, 0] : f32 from vector<1x1x1xf32>
    %eq3A = arith.constant 0 : i32
    %eq3A_24 = arith.cmpi eq, %arg0, %eq3A : i32
    %convert_element_type3A = arith.extui %eq3A_24 : i1 to i32
    %cond3A = arith.constant 0 : i32
    %cond3A_25 = arith.cmpi ne, %convert_element_type3A, %cond3A : i32
    scf.if %cond3A_25 {
      %broadcast_in_dim3A_30 = vector.broadcast %reduce_sum3A_23 : f32 to vector<1x1xf32>
      %swap3A = arith.constant 0 : index
      %swap3A_31 = arith.constant 0 : index
      %swap3A_32 = vector.load %arg5[%swap3A, %swap3A_31] : memref<1x1xf32, #tpu.memory_space<vmem>>, vector<1x1xf32>
      tpu.vector_store %arg5[%swap3A, %swap3A_31], %broadcast_in_dim3A_30 {strides = array<i32>} : memref<1x1xf32, #tpu.memory_space<vmem>>, vector<1x1xf32>,
    } else {
    }
    %gt3A = arith.constant 0 : i32
    %gt3A_26 = arith.cmpi sgt, %arg0, %gt3A : i32
    %convert_element_type3A_27 = arith.extui %gt3A_26 : i1 to i32
    %cond3A_28 = arith.constant 0 : i32
    %cond3A_29 = arith.cmpi ne, %convert_element_type3A_27, %cond3A_28 : i32
    scf.if %cond3A_29 {
      %get3A_30 = arith.constant 0 : index
      %get3A_31 = arith.constant 0 : index
      %get3A_32 = vector.load %arg5[%get3A_30, %get3A_31] : memref<1x1xf32, #tpu.memory_space<vmem>>, vector<1x1xf32>
      %broadcast_in_dim3A_33 = vector.broadcast %reduce_sum3A_23 : f32 to vector<1x1xf32>
      %add3A = arith.addf %get3A_32, %broadcast_in_dim3A_33 : vector<1x1xf32>
      %swap3A = arith.constant 0 : index
      %swap3A_34 = arith.constant 0 : index
      %swap3A_35 = vector.load %arg5[%swap3A, %swap3A_34] : memref<1x1xf32, #tpu.memory_space<vmem>>, vector<1x1xf32>
      tpu.vector_store %arg5[%swap3A, %swap3A_34], %add3A {strides = array<i32>} : memref<1x1xf32, #tpu.memory_space<vmem>>, vector<1x1xf32>,
    } else {
    }
    return
  }
  func.func @transform_0(%arg0: i32) -> (i32, i32) {
    %c0_i32 = arith.constant 0 : i32
    %c0_i32_0 = arith.constant 0 : i32
    %c0_i32_1 = arith.constant 0 : i32
    return %c0_i32, %c0_i32_0 : i32, i32
  }
  func.func @transform_1(%arg0: i32) -> (i32, i32) {
    %c0_i32 = arith.constant 0 : i32
    %c0_i32_0 = arith.constant 0 : i32
    %c0_i32_1 = arith.constant 0 : i32
    return %c0_i32, %c0_i32_0 : i32, i32
  }
  func.func @transform_2(%arg0: i32) -> (i32, i32) {
    %c0_i32 = arith.constant 0 : i32
    %c22_i32 = arith.constant 22 : i32
    %c0_i32_0 = arith.constant 0 : i32
    return %c0_i32, %c22_i32 : i32, i32
  }
  func.func @transform_3(%arg0: i32) -> (i32, i32) {
    %c0_i32 = arith.constant 0 : i32
    %c0_i32_0 = arith.constant 0 : i32
    %c0_i32_1 = arith.constant 0 : i32
    return %c0_i32, %c0_i32_0 : i32, i32
  }
  func.func @transform_4(%arg0: i32) -> (i32, i32) {
    %c0_i32 = arith.constant 0 : i32
    %c0_i32_0 = arith.constant 0 : i32
    %c0_i32_1 = arith.constant 0 : i32
    return %c0_i32, %c0_i32_0 : i32, i32
  }
}

module attributes {stable_mosaic.version = 14 : i64} {
  func.func @_thr_body(%arg0: i32, %arg1: memref<64x2xi32, #tpu.memory_space<smem>>, %arg2: memref<782x128xi32, #tpu.memory_space<vmem>>, %arg3: memref<782x128xf32, #tpu.memory_space<vmem>>, %arg4: memref<1x16x782x128xi32, #tpu.memory_space<vmem>>, %arg5: memref<1x16x128xi32, #tpu.memory_space<vmem>>) attributes {dimension_semantics = [#tpu.dimension_semantics<arbitrary>], iteration_bounds = array<i64: 4>, scalar_prefetch = 0 : i64, scratch_operands = 0 : i64, tpu.core_type = #tpu.core_type<tc>, window_params = [{transform_indices = @transform_0, window_bounds = array<i64: 64, 2>}, {pipeline_mode = #tpu.pipeline_mode<synchronous>, transform_indices = @transform_1, window_bounds = array<i64: 782, 128>}, {pipeline_mode = #tpu.pipeline_mode<synchronous>, transform_indices = @transform_2, window_bounds = array<i64: 782, 128>}, {transform_indices = @transform_3, window_bounds = array<i64: 1, 16, 782, 128>}, {transform_indices = @transform_4, window_bounds = array<i64: 1, 16, 128>}]} {
    %get3A = arith.constant 0 : index
    %get3A_0 = arith.constant 0 : index
    %get3A_1 = vector.load %arg3[%get3A, %get3A_0] : memref<782x128xf32, #tpu.memory_space<vmem>>, vector<782x128xf32>
    %jit3A = arith.constant 9.99999968E-21 : f32
    %max3A = vector.broadcast %jit3A : f32 to vector<782x128xf32>
    %max3A_2 = arith.maximumf %max3A, %get3A_1 : vector<782x128xf32>
    %log3A = math.log %max3A_2 : vector<782x128xf32>
    %log3A_3 = arith.constant 9.99999968E-21 : f32
    %log3A_4 = math.log %log3A_3 : f32
    %iota3A = tpu.iota {dimensions = array<i32: 0>} : vector<782x128xi32>
    %iota3A_5 = tpu.iota {dimensions = array<i32: 1>} : vector<782x128xi32>
    %mul3A = arith.constant 128 : i32
    %mul3A_6 = vector.broadcast %mul3A : i32 to vector<782x128xi32>
    %mul3A_7 = arith.muli %iota3A, %mul3A_6 : vector<782x128xi32>
    %add3A = arith.addi %mul3A_7, %iota3A_5 : vector<782x128xi32>
    %ge3A = arith.constant 100000 : i32
    %ge3A_8 = vector.broadcast %ge3A : i32 to vector<782x128xi32>
    %ge3A_9 = arith.cmpi uge, %add3A, %ge3A_8 : vector<782x128xi32>
    %mul3A_10 = arith.constant 16 : i32
    %mul3A_11 = arith.muli %arg0, %mul3A_10 : i32
    %add3A_12 = arith.constant 0 : i32
    %add3A_13 = arith.addi %mul3A_11, %add3A_12 : i32
    %get3A_14 = arith.index_cast %add3A_13 : i32 to index
    %get3A_15 = arith.constant 0 : index
    %get3A_16 = memref.load %arg1[%get3A_14, %get3A_15] : memref<64x2xi32, #tpu.memory_space<smem>>
    %get3A_17 = arith.index_cast %add3A_13 : i32 to index
    %get3A_18 = arith.constant 1 : index
    %get3A_19 = memref.load %arg1[%get3A_17, %get3A_18] : memref<64x2xi32, #tpu.memory_space<smem>>
    %broadcast_in_dim3A = arith.constant 0 : i32
    %broadcast_in_dim3A_20 = vector.broadcast %broadcast_in_dim3A : i32 to vector<782x128xi32>
    %xor3A = arith.xori %get3A_16, %get3A_19 : i32
    %xor3A_21 = arith.constant 466688986 : i32
    %xor3A_22 = arith.xori %xor3A, %xor3A_21 : i32
    %add3A_23 = vector.broadcast %get3A_16 : i32 to vector<782x128xi32>
    %add3A_24 = arith.addi %broadcast_in_dim3A_20, %add3A_23 : vector<782x128xi32>
    %add3A_25 = vector.broadcast %get3A_19 : i32 to vector<782x128xi32>
    %add3A_26 = arith.addi %add3A, %add3A_25 : vector<782x128xi32>
    %add3A_27 = arith.addi %add3A_24, %add3A_26 : vector<782x128xi32>
    %shift_left3A = arith.constant 13 : i32
    %shift_left3A_28 = vector.broadcast %shift_left3A : i32 to vector<782x128xi32>
    %shift_left3A_29 = arith.shli %add3A_26, %shift_left3A_28 : vector<782x128xi32>
    %shift_right_logical3A = arith.constant 19 : i32
    %shift_right_logical3A_30 = vector.broadcast %shift_right_logical3A : i32 to vector<782x128xi32>
    %shift_right_logical3A_31 = arith.shrui %add3A_26, %shift_right_logical3A_30 : vector<782x128xi32>
    %or3A = arith.ori %shift_left3A_29, %shift_right_logical3A_31 : vector<782x128xi32>
    %xor3A_32 = arith.xori %or3A, %add3A_27 : vector<782x128xi32>
    %add3A_33 = arith.addi %add3A_27, %xor3A_32 : vector<782x128xi32>
    %shift_left3A_34 = arith.constant 15 : i32
    %shift_left3A_35 = vector.broadcast %shift_left3A_34 : i32 to vector<782x128xi32>
    %shift_left3A_36 = arith.shli %xor3A_32, %shift_left3A_35 : vector<782x128xi32>
    %shift_right_logical3A_37 = arith.constant 17 : i32
    %shift_right_logical3A_38 = vector.broadcast %shift_right_logical3A_37 : i32 to vector<782x128xi32>
    %shift_right_logical3A_39 = arith.shrui %xor3A_32, %shift_right_logical3A_38 : vector<782x128xi32>
    %or3A_40 = arith.ori %shift_left3A_36, %shift_right_logical3A_39 : vector<782x128xi32>
    %xor3A_41 = arith.xori %or3A_40, %add3A_33 : vector<782x128xi32>
    %add3A_42 = arith.addi %add3A_33, %xor3A_41 : vector<782x128xi32>
    %shift_left3A_43 = arith.constant 26 : i32
    %shift_left3A_44 = vector.broadcast %shift_left3A_43 : i32 to vector<782x128xi32>
    %shift_left3A_45 = arith.shli %xor3A_41, %shift_left3A_44 : vector<782x128xi32>
    %shift_right_logical3A_46 = arith.constant 6 : i32
    %shift_right_logical3A_47 = vector.broadcast %shift_right_logical3A_46 : i32 to vector<782x128xi32>
    %shift_right_logical3A_48 = arith.shrui %xor3A_41, %shift_right_logical3A_47 : vector<782x128xi32>
    %or3A_49 = arith.ori %shift_left3A_45, %shift_right_logical3A_48 : vector<782x128xi32>
    %xor3A_50 = arith.xori %or3A_49, %add3A_42 : vector<782x128xi32>
    %add3A_51 = arith.addi %add3A_42, %xor3A_50 : vector<782x128xi32>
    %shift_left3A_52 = arith.constant 6 : i32
    %shift_left3A_53 = vector.broadcast %shift_left3A_52 : i32 to vector<782x128xi32>
    %shift_left3A_54 = arith.shli %xor3A_50, %shift_left3A_53 : vector<782x128xi32>
    %shift_right_logical3A_55 = arith.constant 26 : i32
    %shift_right_logical3A_56 = vector.broadcast %shift_right_logical3A_55 : i32 to vector<782x128xi32>
    %shift_right_logical3A_57 = arith.shrui %xor3A_50, %shift_right_logical3A_56 : vector<782x128xi32>
    %or3A_58 = arith.ori %shift_left3A_54, %shift_right_logical3A_57 : vector<782x128xi32>
    %xor3A_59 = arith.xori %or3A_58, %add3A_51 : vector<782x128xi32>
    %add3A_60 = vector.broadcast %get3A_19 : i32 to vector<782x128xi32>
    %add3A_61 = arith.addi %add3A_51, %add3A_60 : vector<782x128xi32>
    %add3A_62 = vector.broadcast %xor3A_22 : i32 to vector<782x128xi32>
    %add3A_63 = arith.addi %xor3A_59, %add3A_62 : vector<782x128xi32>
    %add3A_64 = arith.constant 1 : i32
    %add3A_65 = vector.broadcast %add3A_64 : i32 to vector<782x128xi32>
    %add3A_66 = arith.addi %add3A_63, %add3A_65 : vector<782x128xi32>
    %add3A_67 = arith.addi %add3A_61, %add3A_66 : vector<782x128xi32>
    %shift_left3A_68 = arith.constant 17 : i32
    %shift_left3A_69 = vector.broadcast %shift_left3A_68 : i32 to vector<782x128xi32>
    %shift_left3A_70 = arith.shli %add3A_66, %shift_left3A_69 : vector<782x128xi32>
    %shift_right_logical3A_71 = arith.constant 15 : i32
    %shift_right_logical3A_72 = vector.broadcast %shift_right_logical3A_71 : i32 to vector<782x128xi32>
    %shift_right_logical3A_73 = arith.shrui %add3A_66, %shift_right_logical3A_72 : vector<782x128xi32>
    %or3A_74 = arith.ori %shift_left3A_70, %shift_right_logical3A_73 : vector<782x128xi32>
    %xor3A_75 = arith.xori %or3A_74, %add3A_67 : vector<782x128xi32>
    %add3A_76 = arith.addi %add3A_67, %xor3A_75 : vector<782x128xi32>
    %shift_left3A_77 = arith.constant 29 : i32
    %shift_left3A_78 = vector.broadcast %shift_left3A_77 : i32 to vector<782x128xi32>
    %shift_left3A_79 = arith.shli %xor3A_75, %shift_left3A_78 : vector<782x128xi32>
    %shift_right_logical3A_80 = arith.constant 3 : i32
    %shift_right_logical3A_81 = vector.broadcast %shift_right_logical3A_80 : i32 to vector<782x128xi32>
    %shift_right_logical3A_82 = arith.shrui %xor3A_75, %shift_right_logical3A_81 : vector<782x128xi32>
    %or3A_83 = arith.ori %shift_left3A_79, %shift_right_logical3A_82 : vector<782x128xi32>
    %xor3A_84 = arith.xori %or3A_83, %add3A_76 : vector<782x128xi32>
    %add3A_85 = arith.addi %add3A_76, %xor3A_84 : vector<782x128xi32>
    %shift_left3A_86 = arith.constant 16 : i32
    %shift_left3A_87 = vector.broadcast %shift_left3A_86 : i32 to vector<782x128xi32>
    %shift_left3A_88 = arith.shli %xor3A_84, %shift_left3A_87 : vector<782x128xi32>
    %shift_right_logical3A_89 = arith.constant 16 : i32
    %shift_right_logical3A_90 = vector.broadcast %shift_right_logical3A_89 : i32 to vector<782x128xi32>
    %shift_right_logical3A_91 = arith.shrui %xor3A_84, %shift_right_logical3A_90 : vector<782x128xi32>
    %or3A_92 = arith.ori %shift_left3A_88, %shift_right_logical3A_91 : vector<782x128xi32>
    %xor3A_93 = arith.xori %or3A_92, %add3A_85 : vector<782x128xi32>
    %add3A_94 = arith.addi %add3A_85, %xor3A_93 : vector<782x128xi32>
    %shift_left3A_95 = arith.constant 24 : i32
    %shift_left3A_96 = vector.broadcast %shift_left3A_95 : i32 to vector<782x128xi32>
    %shift_left3A_97 = arith.shli %xor3A_93, %shift_left3A_96 : vector<782x128xi32>
    %shift_right_logical3A_98 = arith.constant 8 : i32
    %shift_right_logical3A_99 = vector.broadcast %shift_right_logical3A_98 : i32 to vector<782x128xi32>
    %shift_right_logical3A_100 = arith.shrui %xor3A_93, %shift_right_logical3A_99 : vector<782x128xi32>
    %or3A_101 = arith.ori %shift_left3A_97, %shift_right_logical3A_100 : vector<782x128xi32>
    %xor3A_102 = arith.xori %or3A_101, %add3A_94 : vector<782x128xi32>
    %add3A_103 = vector.broadcast %xor3A_22 : i32 to vector<782x128xi32>
    %add3A_104 = arith.addi %add3A_94, %add3A_103 : vector<782x128xi32>
    %add3A_105 = vector.broadcast %get3A_16 : i32 to vector<782x128xi32>
    %add3A_106 = arith.addi %xor3A_102, %add3A_105 : vector<782x128xi32>
    %add3A_107 = arith.constant 2 : i32
    %add3A_108 = vector.broadcast %add3A_107 : i32 to vector<782x128xi32>
    %add3A_109 = arith.addi %add3A_106, %add3A_108 : vector<782x128xi32>
    %add3A_110 = arith.addi %add3A_104, %add3A_109 : vector<782x128xi32>
    %shift_left3A_111 = arith.constant 13 : i32
    %shift_left3A_112 = vector.broadcast %shift_left3A_111 : i32 to vector<782x128xi32>
    %shift_left3A_113 = arith.shli %add3A_109, %shift_left3A_112 : vector<782x128xi32>
    %shift_right_logical3A_114 = arith.constant 19 : i32
    %shift_right_logical3A_115 = vector.broadcast %shift_right_logical3A_114 : i32 to vector<782x128xi32>
    %shift_right_logical3A_116 = arith.shrui %add3A_109, %shift_right_logical3A_115 : vector<782x128xi32>
    %or3A_117 = arith.ori %shift_left3A_113, %shift_right_logical3A_116 : vector<782x128xi32>
    %xor3A_118 = arith.xori %or3A_117, %add3A_110 : vector<782x128xi32>
    %add3A_119 = arith.addi %add3A_110, %xor3A_118 : vector<782x128xi32>
    %shift_left3A_120 = arith.constant 15 : i32
    %shift_left3A_121 = vector.broadcast %shift_left3A_120 : i32 to vector<782x128xi32>
    %shift_left3A_122 = arith.shli %xor3A_118, %shift_left3A_121 : vector<782x128xi32>
    %shift_right_logical3A_123 = arith.constant 17 : i32
    %shift_right_logical3A_124 = vector.broadcast %shift_right_logical3A_123 : i32 to vector<782x128xi32>
    %shift_right_logical3A_125 = arith.shrui %xor3A_118, %shift_right_logical3A_124 : vector<782x128xi32>
    %or3A_126 = arith.ori %shift_left3A_122, %shift_right_logical3A_125 : vector<782x128xi32>
    %xor3A_127 = arith.xori %or3A_126, %add3A_119 : vector<782x128xi32>
    %add3A_128 = arith.addi %add3A_119, %xor3A_127 : vector<782x128xi32>
    %shift_left3A_129 = arith.constant 26 : i32
    %shift_left3A_130 = vector.broadcast %shift_left3A_129 : i32 to vector<782x128xi32>
    %shift_left3A_131 = arith.shli %xor3A_127, %shift_left3A_130 : vector<782x128xi32>
    %shift_right_logical3A_132 = arith.constant 6 : i32
    %shift_right_logical3A_133 = vector.broadcast %shift_right_logical3A_132 : i32 to vector<782x128xi32>
    %shift_right_logical3A_134 = arith.shrui %xor3A_127, %shift_right_logical3A_133 : vector<782x128xi32>
    %or3A_135 = arith.ori %shift_left3A_131, %shift_right_logical3A_134 : vector<782x128xi32>
    %xor3A_136 = arith.xori %or3A_135, %add3A_128 : vector<782x128xi32>
    %add3A_137 = arith.addi %add3A_128, %xor3A_136 : vector<782x128xi32>
    %shift_left3A_138 = arith.constant 6 : i32
    %shift_left3A_139 = vector.broadcast %shift_left3A_138 : i32 to vector<782x128xi32>
    %shift_left3A_140 = arith.shli %xor3A_136, %shift_left3A_139 : vector<782x128xi32>
    %shift_right_logical3A_141 = arith.constant 26 : i32
    %shift_right_logical3A_142 = vector.broadcast %shift_right_logical3A_141 : i32 to vector<782x128xi32>
    %shift_right_logical3A_143 = arith.shrui %xor3A_136, %shift_right_logical3A_142 : vector<782x128xi32>
    %or3A_144 = arith.ori %shift_left3A_140, %shift_right_logical3A_143 : vector<782x128xi32>
    %xor3A_145 = arith.xori %or3A_144, %add3A_137 : vector<782x128xi32>
    %add3A_146 = vector.broadcast %get3A_16 : i32 to vector<782x128xi32>
    %add3A_147 = arith.addi %add3A_137, %add3A_146 : vector<782x128xi32>
    %add3A_148 = vector.broadcast %get3A_19 : i32 to vector<782x128xi32>
    %add3A_149 = arith.addi %xor3A_145, %add3A_148 : vector<782x128xi32>
    %add3A_150 = arith.constant 3 : i32
    %add3A_151 = vector.broadcast %add3A_150 : i32 to vector<782x128xi32>
    %add3A_152 = arith.addi %add3A_149, %add3A_151 : vector<782x128xi32>
    %add3A_153 = arith.addi %add3A_147, %add3A_152 : vector<782x128xi32>
    %shift_left3A_154 = arith.constant 17 : i32
    %shift_left3A_155 = vector.broadcast %shift_left3A_154 : i32 to vector<782x128xi32>
    %shift_left3A_156 = arith.shli %add3A_152, %shift_left3A_155 : vector<782x128xi32>
    %shift_right_logical3A_157 = arith.constant 15 : i32
    %shift_right_logical3A_158 = vector.broadcast %shift_right_logical3A_157 : i32 to vector<782x128xi32>
    %shift_right_logical3A_159 = arith.shrui %add3A_152, %shift_right_logical3A_158 : vector<782x128xi32>
    %or3A_160 = arith.ori %shift_left3A_156, %shift_right_logical3A_159 : vector<782x128xi32>
    %xor3A_161 = arith.xori %or3A_160, %add3A_153 : vector<782x128xi32>
    %add3A_162 = arith.addi %add3A_153, %xor3A_161 : vector<782x128xi32>
    %shift_left3A_163 = arith.constant 29 : i32
    %shift_left3A_164 = vector.broadcast %shift_left3A_163 : i32 to vector<782x128xi32>
    %shift_left3A_165 = arith.shli %xor3A_161, %shift_left3A_164 : vector<782x128xi32>
    %shift_right_logical3A_166 = arith.constant 3 : i32
    %shift_right_logical3A_167 = vector.broadcast %shift_right_logical3A_166 : i32 to vector<782x128xi32>
    %shift_right_logical3A_168 = arith.shrui %xor3A_161, %shift_right_logical3A_167 : vector<782x128xi32>
    %or3A_169 = arith.ori %shift_left3A_165, %shift_right_logical3A_168 : vector<782x128xi32>
    %xor3A_170 = arith.xori %or3A_169, %add3A_162 : vector<782x128xi32>
    %add3A_171 = arith.addi %add3A_162, %xor3A_170 : vector<782x128xi32>
    %shift_left3A_172 = arith.constant 16 : i32
    %shift_left3A_173 = vector.broadcast %shift_left3A_172 : i32 to vector<782x128xi32>
    %shift_left3A_174 = arith.shli %xor3A_170, %shift_left3A_173 : vector<782x128xi32>
    %shift_right_logical3A_175 = arith.constant 16 : i32
    %shift_right_logical3A_176 = vector.broadcast %shift_right_logical3A_175 : i32 to vector<782x128xi32>
    %shift_right_logical3A_177 = arith.shrui %xor3A_170, %shift_right_logical3A_176 : vector<782x128xi32>
    %or3A_178 = arith.ori %shift_left3A_174, %shift_right_logical3A_177 : vector<782x128xi32>
    %xor3A_179 = arith.xori %or3A_178, %add3A_171 : vector<782x128xi32>
    %add3A_180 = arith.addi %add3A_171, %xor3A_179 : vector<782x128xi32>
    %shift_left3A_181 = arith.constant 24 : i32
    %shift_left3A_182 = vector.broadcast %shift_left3A_181 : i32 to vector<782x128xi32>
    %shift_left3A_183 = arith.shli %xor3A_179, %shift_left3A_182 : vector<782x128xi32>
    %shift_right_logical3A_184 = arith.constant 8 : i32
    %shift_right_logical3A_185 = vector.broadcast %shift_right_logical3A_184 : i32 to vector<782x128xi32>
    %shift_right_logical3A_186 = arith.shrui %xor3A_179, %shift_right_logical3A_185 : vector<782x128xi32>
    %or3A_187 = arith.ori %shift_left3A_183, %shift_right_logical3A_186 : vector<782x128xi32>
    %xor3A_188 = arith.xori %or3A_187, %add3A_180 : vector<782x128xi32>
    %add3A_189 = vector.broadcast %get3A_19 : i32 to vector<782x128xi32>
    %add3A_190 = arith.addi %add3A_180, %add3A_189 : vector<782x128xi32>
    %add3A_191 = vector.broadcast %xor3A_22 : i32 to vector<782x128xi32>
    %add3A_192 = arith.addi %xor3A_188, %add3A_191 : vector<782x128xi32>
    %add3A_193 = arith.constant 4 : i32
    %add3A_194 = vector.broadcast %add3A_193 : i32 to vector<782x128xi32>
    %add3A_195 = arith.addi %add3A_192, %add3A_194 : vector<782x128xi32>
    %add3A_196 = arith.addi %add3A_190, %add3A_195 : vector<782x128xi32>
    %shift_left3A_197 = arith.constant 13 : i32
    %shift_left3A_198 = vector.broadcast %shift_left3A_197 : i32 to vector<782x128xi32>
    %shift_left3A_199 = arith.shli %add3A_195, %shift_left3A_198 : vector<782x128xi32>
    %shift_right_logical3A_200 = arith.constant 19 : i32
    %shift_right_logical3A_201 = vector.broadcast %shift_right_logical3A_200 : i32 to vector<782x128xi32>
    %shift_right_logical3A_202 = arith.shrui %add3A_195, %shift_right_logical3A_201 : vector<782x128xi32>
    %or3A_203 = arith.ori %shift_left3A_199, %shift_right_logical3A_202 : vector<782x128xi32>
    %xor3A_204 = arith.xori %or3A_203, %add3A_196 : vector<782x128xi32>
    %add3A_205 = arith.addi %add3A_196, %xor3A_204 : vector<782x128xi32>
    %shift_left3A_206 = arith.constant 15 : i32
    %shift_left3A_207 = vector.broadcast %shift_left3A_206 : i32 to vector<782x128xi32>
    %shift_left3A_208 = arith.shli %xor3A_204, %shift_left3A_207 : vector<782x128xi32>
    %shift_right_logical3A_209 = arith.constant 17 : i32
    %shift_right_logical3A_210 = vector.broadcast %shift_right_logical3A_209 : i32 to vector<782x128xi32>
    %shift_right_logical3A_211 = arith.shrui %xor3A_204, %shift_right_logical3A_210 : vector<782x128xi32>
    %or3A_212 = arith.ori %shift_left3A_208, %shift_right_logical3A_211 : vector<782x128xi32>
    %xor3A_213 = arith.xori %or3A_212, %add3A_205 : vector<782x128xi32>
    %add3A_214 = arith.addi %add3A_205, %xor3A_213 : vector<782x128xi32>
    %shift_left3A_215 = arith.constant 26 : i32
    %shift_left3A_216 = vector.broadcast %shift_left3A_215 : i32 to vector<782x128xi32>
    %shift_left3A_217 = arith.shli %xor3A_213, %shift_left3A_216 : vector<782x128xi32>
    %shift_right_logical3A_218 = arith.constant 6 : i32
    %shift_right_logical3A_219 = vector.broadcast %shift_right_logical3A_218 : i32 to vector<782x128xi32>
    %shift_right_logical3A_220 = arith.shrui %xor3A_213, %shift_right_logical3A_219 : vector<782x128xi32>
    %or3A_221 = arith.ori %shift_left3A_217, %shift_right_logical3A_220 : vector<782x128xi32>
    %xor3A_222 = arith.xori %or3A_221, %add3A_214 : vector<782x128xi32>
    %add3A_223 = arith.addi %add3A_214, %xor3A_222 : vector<782x128xi32>
    %shift_left3A_224 = arith.constant 6 : i32
    %shift_left3A_225 = vector.broadcast %shift_left3A_224 : i32 to vector<782x128xi32>
    %shift_left3A_226 = arith.shli %xor3A_222, %shift_left3A_225 : vector<782x128xi32>
    %shift_right_logical3A_227 = arith.constant 26 : i32
    %shift_right_logical3A_228 = vector.broadcast %shift_right_logical3A_227 : i32 to vector<782x128xi32>
    %shift_right_logical3A_229 = arith.shrui %xor3A_222, %shift_right_logical3A_228 : vector<782x128xi32>
    %or3A_230 = arith.ori %shift_left3A_226, %shift_right_logical3A_229 : vector<782x128xi32>
    %xor3A_231 = arith.xori %or3A_230, %add3A_223 : vector<782x128xi32>
    %add3A_232 = vector.broadcast %xor3A_22 : i32 to vector<782x128xi32>
    %add3A_233 = arith.addi %add3A_223, %add3A_232 : vector<782x128xi32>
    %add3A_234 = vector.broadcast %get3A_16 : i32 to vector<782x128xi32>
    %add3A_235 = arith.addi %xor3A_231, %add3A_234 : vector<782x128xi32>
    %add3A_236 = arith.constant 5 : i32
    %add3A_237 = vector.broadcast %add3A_236 : i32 to vector<782x128xi32>
    %add3A_238 = arith.addi %add3A_235, %add3A_237 : vector<782x128xi32>
    %xor3A_239 = arith.xori %add3A_233, %add3A_238 : vector<782x128xi32>
    %shift_right_logical3A_240 = arith.constant 9 : i32
    %shift_right_logical3A_241 = vector.broadcast %shift_right_logical3A_240 : i32 to vector<782x128xi32>
    %shift_right_logical3A_242 = arith.shrui %xor3A_239, %shift_right_logical3A_241 : vector<782x128xi32>
    %or3A_243 = arith.constant 1065353216 : i32
    %or3A_244 = vector.broadcast %or3A_243 : i32 to vector<782x128xi32>
    %or3A_245 = arith.ori %shift_right_logical3A_242, %or3A_244 : vector<782x128xi32>
    %bitcast_convert_type3A = tpu.bitcast %or3A_245 : vector<782x128xi32> -> vector<782x128xf32>
    %sub3A = arith.constant 1.000000e+00 : f32
    %sub3A_246 = vector.broadcast %sub3A : f32 to vector<782x128xf32>
    %sub3A_247 = arith.subf %bitcast_convert_type3A, %sub3A_246 : vector<782x128xf32>
    %sub3A_248 = arith.constant 1.000000e+00 : f32
    %sub3A_249 = arith.constant 1.17549435E-38 : f32
    %sub3A_250 = arith.subf %sub3A_248, %sub3A_249 : f32
    %mul3A_251 = vector.broadcast %sub3A_250 : f32 to vector<782x128xf32>
    %mul3A_252 = arith.mulf %sub3A_247, %mul3A_251 : vector<782x128xf32>
    %add3A_253 = arith.constant 1.17549435E-38 : f32
    %add3A_254 = vector.broadcast %add3A_253 : f32 to vector<782x128xf32>
    %add3A_255 = arith.addf %mul3A_252, %add3A_254 : vector<782x128xf32>
    %max3A_256 = arith.constant 1.17549435E-38 : f32
    %max3A_257 = vector.broadcast %max3A_256 : f32 to vector<782x128xf32>
    %max3A_258 = arith.maximumf %max3A_257, %add3A_255 : vector<782x128xf32>
    %log3A_259 = math.log %max3A_258 : vector<782x128xf32>
    %neg3A = arith.constant 0.000000e+00 : f32
    %neg3A_260 = vector.broadcast %neg3A : f32 to vector<782x128xf32>
    %neg3A_261 = arith.subf %neg3A_260, %log3A_259 : vector<782x128xf32>
    %log3A_262 = math.log %neg3A_261 : vector<782x128xf32>
    %neg3A_263 = arith.constant 0.000000e+00 : f32
    %neg3A_264 = vector.broadcast %neg3A_263 : f32 to vector<782x128xf32>
    %neg3A_265 = arith.subf %neg3A_264, %log3A_262 : vector<782x128xf32>
    %jit3A_266 = arith.constant -1.000000e+30 : f32
    %broadcast_in_dim3A_267 = vector.broadcast %jit3A_266 : f32 to vector<782x128xf32>
    %select_n3A = arith.select %ge3A_9, %broadcast_in_dim3A_267, %neg3A_265 : vector<782x128xi1>, vector<782x128xf32>
    %get3A_268 = arith.constant 0 : index
    %get3A_269 = arith.constant 0 : index
    %get3A_270 = vector.load %arg2[%get3A_268, %get3A_269] : memref<782x128xi32, #tpu.memory_space<vmem>>, vector<782x128xi32>
    %le3A = vector.broadcast %add3A_13 : i32 to vector<782x128xi32>
    %le3A_271 = arith.cmpi sle, %get3A_270, %le3A : vector<782x128xi32>
    %broadcast_in_dim3A_272 = vector.broadcast %log3A_4 : f32 to vector<782x128xf32>
    %select_n3A_273 = arith.select %le3A_271, %broadcast_in_dim3A_272, %log3A : vector<782x128xi1>, vector<782x128xf32>
    %add3A_274 = arith.addf %select_n3A_273, %select_n3A : vector<782x128xf32>
    %bitcast_convert_type3A_275 = tpu.bitcast %add3A_274 : vector<782x128xf32> -> vector<782x128xi32>
    %lt3A = arith.constant 0 : i32
    %lt3A_276 = vector.broadcast %lt3A : i32 to vector<782x128xi32>
    %lt3A_277 = arith.cmpi slt, %bitcast_convert_type3A_275, %lt3A_276 : vector<782x128xi32>
    %xor3A_278 = arith.constant 2147483647 : i32
    %xor3A_279 = vector.broadcast %xor3A_278 : i32 to vector<782x128xi32>
    %xor3A_280 = arith.xori %bitcast_convert_type3A_275, %xor3A_279 : vector<782x128xi32>
    %select_n3A_281 = arith.select %lt3A_277, %xor3A_280, %bitcast_convert_type3A_275 : vector<782x128xi1>, vector<782x128xi32>
    %swap3A = arith.constant 0 : index
    %swap3A_282 = arith.constant 0 : index
    %swap3A_283 = arith.constant 0 : index
    %swap3A_284 = arith.constant 0 : index
    %swap3A_285 = vector.load %arg4[%swap3A, %swap3A_282, %swap3A_283, %swap3A_284] : memref<1x16x782x128xi32, #tpu.memory_space<vmem>>, vector<1x1x782x128xi32>
    %swap3A_286 = vector.shape_cast %swap3A_285 : vector<1x1x782x128xi32> to vector<782x128xi32>
    %swap3A_287 = vector.shape_cast %select_n3A_281 : vector<782x128xi32> to vector<1x1x782x128xi32>
    tpu.vector_store %arg4[%swap3A, %swap3A_282, %swap3A_283, %swap3A_284], %swap3A_287 {strides = array<i32>} : memref<1x16x782x128xi32, #tpu.memory_space<vmem>>, vector<1x1x782x128xi32>,
    %mul3A_288 = arith.constant 16 : i32
    %mul3A_289 = arith.muli %arg0, %mul3A_288 : i32
    %add3A_290 = arith.constant 1 : i32
    %add3A_291 = arith.addi %mul3A_289, %add3A_290 : i32
    %get3A_292 = arith.index_cast %add3A_291 : i32 to index
    %get3A_293 = arith.constant 0 : index
    %get3A_294 = memref.load %arg1[%get3A_292, %get3A_293] : memref<64x2xi32, #tpu.memory_space<smem>>
    %get3A_295 = arith.index_cast %add3A_291 : i32 to index
    %get3A_296 = arith.constant 1 : index
    %get3A_297 = memref.load %arg1[%get3A_295, %get3A_296] : memref<64x2xi32, #tpu.memory_space<smem>>
    %broadcast_in_dim3A_298 = arith.constant 0 : i32
    %broadcast_in_dim3A_299 = vector.broadcast %broadcast_in_dim3A_298 : i32 to vector<782x128xi32>
    %xor3A_300 = arith.xori %get3A_294, %get3A_297 : i32
    %xor3A_301 = arith.constant 466688986 : i32
    %xor3A_302 = arith.xori %xor3A_300, %xor3A_301 : i32
    %add3A_303 = vector.broadcast %get3A_294 : i32 to vector<782x128xi32>
    %add3A_304 = arith.addi %broadcast_in_dim3A_299, %add3A_303 : vector<782x128xi32>
    %add3A_305 = vector.broadcast %get3A_297 : i32 to vector<782x128xi32>
    %add3A_306 = arith.addi %add3A, %add3A_305 : vector<782x128xi32>
    %add3A_307 = arith.addi %add3A_304, %add3A_306 : vector<782x128xi32>
    %shift_left3A_308 = arith.constant 13 : i32
    %shift_left3A_309 = vector.broadcast %shift_left3A_308 : i32 to vector<782x128xi32>
    %shift_left3A_310 = arith.shli %add3A_306, %shift_left3A_309 : vector<782x128xi32>
    %shift_right_logical3A_311 = arith.constant 19 : i32
    %shift_right_logical3A_312 = vector.broadcast %shift_right_logical3A_311 : i32 to vector<782x128xi32>
    %shift_right_logical3A_313 = arith.shrui %add3A_306, %shift_right_logical3A_312 : vector<782x128xi32>
    %or3A_314 = arith.ori %shift_left3A_310, %shift_right_logical3A_313 : vector<782x128xi32>
    %xor3A_315 = arith.xori %or3A_314, %add3A_307 : vector<782x128xi32>
    %add3A_316 = arith.addi %add3A_307, %xor3A_315 : vector<782x128xi32>
    %shift_left3A_317 = arith.constant 15 : i32
    %shift_left3A_318 = vector.broadcast %shift_left3A_317 : i32 to vector<782x128xi32>
    %shift_left3A_319 = arith.shli %xor3A_315, %shift_left3A_318 : vector<782x128xi32>
    %shift_right_logical3A_320 = arith.constant 17 : i32
    %shift_right_logical3A_321 = vector.broadcast %shift_right_logical3A_320 : i32 to vector<782x128xi32>
    %shift_right_logical3A_322 = arith.shrui %xor3A_315, %shift_right_logical3A_321 : vector<782x128xi32>
    %or3A_323 = arith.ori %shift_left3A_319, %shift_right_logical3A_322 : vector<782x128xi32>
    %xor3A_324 = arith.xori %or3A_323, %add3A_316 : vector<782x128xi32>
    %add3A_325 = arith.addi %add3A_316, %xor3A_324 : vector<782x128xi32>
    %shift_left3A_326 = arith.constant 26 : i32
    %shift_left3A_327 = vector.broadcast %shift_left3A_326 : i32 to vector<782x128xi32>
    %shift_left3A_328 = arith.shli %xor3A_324, %shift_left3A_327 : vector<782x128xi32>
    %shift_right_logical3A_329 = arith.constant 6 : i32
    %shift_right_logical3A_330 = vector.broadcast %shift_right_logical3A_329 : i32 to vector<782x128xi32>
    %shift_right_logical3A_331 = arith.shrui %xor3A_324, %shift_right_logical3A_330 : vector<782x128xi32>
    %or3A_332 = arith.ori %shift_left3A_328, %shift_right_logical3A_331 : vector<782x128xi32>
    %xor3A_333 = arith.xori %or3A_332, %add3A_325 : vector<782x128xi32>
    %add3A_334 = arith.addi %add3A_325, %xor3A_333 : vector<782x128xi32>
    %shift_left3A_335 = arith.constant 6 : i32
    %shift_left3A_336 = vector.broadcast %shift_left3A_335 : i32 to vector<782x128xi32>
    %shift_left3A_337 = arith.shli %xor3A_333, %shift_left3A_336 : vector<782x128xi32>
    %shift_right_logical3A_338 = arith.constant 26 : i32
    %shift_right_logical3A_339 = vector.broadcast %shift_right_logical3A_338 : i32 to vector<782x128xi32>
    %shift_right_logical3A_340 = arith.shrui %xor3A_333, %shift_right_logical3A_339 : vector<782x128xi32>
    %or3A_341 = arith.ori %shift_left3A_337, %shift_right_logical3A_340 : vector<782x128xi32>
    %xor3A_342 = arith.xori %or3A_341, %add3A_334 : vector<782x128xi32>
    %add3A_343 = vector.broadcast %get3A_297 : i32 to vector<782x128xi32>
    %add3A_344 = arith.addi %add3A_334, %add3A_343 : vector<782x128xi32>
    %add3A_345 = vector.broadcast %xor3A_302 : i32 to vector<782x128xi32>
    %add3A_346 = arith.addi %xor3A_342, %add3A_345 : vector<782x128xi32>
    %add3A_347 = arith.constant 1 : i32
    %add3A_348 = vector.broadcast %add3A_347 : i32 to vector<782x128xi32>
    %add3A_349 = arith.addi %add3A_346, %add3A_348 : vector<782x128xi32>
    %add3A_350 = arith.addi %add3A_344, %add3A_349 : vector<782x128xi32>
    %shift_left3A_351 = arith.constant 17 : i32
    %shift_left3A_352 = vector.broadcast %shift_left3A_351 : i32 to vector<782x128xi32>
    %shift_left3A_353 = arith.shli %add3A_349, %shift_left3A_352 : vector<782x128xi32>
    %shift_right_logical3A_354 = arith.constant 15 : i32
    %shift_right_logical3A_355 = vector.broadcast %shift_right_logical3A_354 : i32 to vector<782x128xi32>
    %shift_right_logical3A_356 = arith.shrui %add3A_349, %shift_right_logical3A_355 : vector<782x128xi32>
    %or3A_357 = arith.ori %shift_left3A_353, %shift_right_logical3A_356 : vector<782x128xi32>
    %xor3A_358 = arith.xori %or3A_357, %add3A_350 : vector<782x128xi32>
    %add3A_359 = arith.addi %add3A_350, %xor3A_358 : vector<782x128xi32>
    %shift_left3A_360 = arith.constant 29 : i32
    %shift_left3A_361 = vector.broadcast %shift_left3A_360 : i32 to vector<782x128xi32>
    %shift_left3A_362 = arith.shli %xor3A_358, %shift_left3A_361 : vector<782x128xi32>
    %shift_right_logical3A_363 = arith.constant 3 : i32
    %shift_right_logical3A_364 = vector.broadcast %shift_right_logical3A_363 : i32 to vector<782x128xi32>
    %shift_right_logical3A_365 = arith.shrui %xor3A_358, %shift_right_logical3A_364 : vector<782x128xi32>
    %or3A_366 = arith.ori %shift_left3A_362, %shift_right_logical3A_365 : vector<782x128xi32>
    %xor3A_367 = arith.xori %or3A_366, %add3A_359 : vector<782x128xi32>
    %add3A_368 = arith.addi %add3A_359, %xor3A_367 : vector<782x128xi32>
    %shift_left3A_369 = arith.constant 16 : i32
    %shift_left3A_370 = vector.broadcast %shift_left3A_369 : i32 to vector<782x128xi32>
    %shift_left3A_371 = arith.shli %xor3A_367, %shift_left3A_370 : vector<782x128xi32>
    %shift_right_logical3A_372 = arith.constant 16 : i32
    %shift_right_logical3A_373 = vector.broadcast %shift_right_logical3A_372 : i32 to vector<782x128xi32>
    %shift_right_logical3A_374 = arith.shrui %xor3A_367, %shift_right_logical3A_373 : vector<782x128xi32>
    %or3A_375 = arith.ori %shift_left3A_371, %shift_right_logical3A_374 : vector<782x128xi32>
    %xor3A_376 = arith.xori %or3A_375, %add3A_368 : vector<782x128xi32>
    %add3A_377 = arith.addi %add3A_368, %xor3A_376 : vector<782x128xi32>
    %shift_left3A_378 = arith.constant 24 : i32
    %shift_left3A_379 = vector.broadcast %shift_left3A_378 : i32 to vector<782x128xi32>
    %shift_left3A_380 = arith.shli %xor3A_376, %shift_left3A_379 : vector<782x128xi32>
    %shift_right_logical3A_381 = arith.constant 8 : i32
    %shift_right_logical3A_382 = vector.broadcast %shift_right_logical3A_381 : i32 to vector<782x128xi32>
    %shift_right_logical3A_383 = arith.shrui %xor3A_376, %shift_right_logical3A_382 : vector<782x128xi32>
    %or3A_384 = arith.ori %shift_left3A_380, %shift_right_logical3A_383 : vector<782x128xi32>
    %xor3A_385 = arith.xori %or3A_384, %add3A_377 : vector<782x128xi32>
    %add3A_386 = vector.broadcast %xor3A_302 : i32 to vector<782x128xi32>
    %add3A_387 = arith.addi %add3A_377, %add3A_386 : vector<782x128xi32>
    %add3A_388 = vector.broadcast %get3A_294 : i32 to vector<782x128xi32>
    %add3A_389 = arith.addi %xor3A_385, %add3A_388 : vector<782x128xi32>
    %add3A_390 = arith.constant 2 : i32
    %add3A_391 = vector.broadcast %add3A_390 : i32 to vector<782x128xi32>
    %add3A_392 = arith.addi %add3A_389, %add3A_391 : vector<782x128xi32>
    %add3A_393 = arith.addi %add3A_387, %add3A_392 : vector<782x128xi32>
    %shift_left3A_394 = arith.constant 13 : i32
    %shift_left3A_395 = vector.broadcast %shift_left3A_394 : i32 to vector<782x128xi32>
    %shift_left3A_396 = arith.shli %add3A_392, %shift_left3A_395 : vector<782x128xi32>
    %shift_right_logical3A_397 = arith.constant 19 : i32
    %shift_right_logical3A_398 = vector.broadcast %shift_right_logical3A_397 : i32 to vector<782x128xi32>
    %shift_right_logical3A_399 = arith.shrui %add3A_392, %shift_right_logical3A_398 : vector<782x128xi32>
    %or3A_400 = arith.ori %shift_left3A_396, %shift_right_logical3A_399 : vector<782x128xi32>
    %xor3A_401 = arith.xori %or3A_400, %add3A_393 : vector<782x128xi32>
    %add3A_402 = arith.addi %add3A_393, %xor3A_401 : vector<782x128xi32>
    %shift_left3A_403 = arith.constant 15 : i32
    %shift_left3A_404 = vector.broadcast %shift_left3A_403 : i32 to vector<782x128xi32>
    %shift_left3A_405 = arith.shli %xor3A_401, %shift_left3A_404 : vector<782x128xi32>
    %shift_right_logical3A_406 = arith.constant 17 : i32
    %shift_right_logical3A_407 = vector.broadcast %shift_right_logical3A_406 : i32 to vector<782x128xi32>
    %shift_right_logical3A_408 = arith.shrui %xor3A_401, %shift_right_logical3A_407 : vector<782x128xi32>
    %or3A_409 = arith.ori %shift_left3A_405, %shift_right_logical3A_408 : vector<782x128xi32>
    %xor3A_410 = arith.xori %or3A_409, %add3A_402 : vector<782x128xi32>
    %add3A_411 = arith.addi %add3A_402, %xor3A_410 : vector<782x128xi32>
    %shift_left3A_412 = arith.constant 26 : i32
    %shift_left3A_413 = vector.broadcast %shift_left3A_412 : i32 to vector<782x128xi32>
    %shift_left3A_414 = arith.shli %xor3A_410, %shift_left3A_413 : vector<782x128xi32>
    %shift_right_logical3A_415 = arith.constant 6 : i32
    %shift_right_logical3A_416 = vector.broadcast %shift_right_logical3A_415 : i32 to vector<782x128xi32>
    %shift_right_logical3A_417 = arith.shrui %xor3A_410, %shift_right_logical3A_416 : vector<782x128xi32>
    %or3A_418 = arith.ori %shift_left3A_414, %shift_right_logical3A_417 : vector<782x128xi32>
    %xor3A_419 = arith.xori %or3A_418, %add3A_411 : vector<782x128xi32>
    %add3A_420 = arith.addi %add3A_411, %xor3A_419 : vector<782x128xi32>
    %shift_left3A_421 = arith.constant 6 : i32
    %shift_left3A_422 = vector.broadcast %shift_left3A_421 : i32 to vector<782x128xi32>
    %shift_left3A_423 = arith.shli %xor3A_419, %shift_left3A_422 : vector<782x128xi32>
    %shift_right_logical3A_424 = arith.constant 26 : i32
    %shift_right_logical3A_425 = vector.broadcast %shift_right_logical3A_424 : i32 to vector<782x128xi32>
    %shift_right_logical3A_426 = arith.shrui %xor3A_419, %shift_right_logical3A_425 : vector<782x128xi32>
    %or3A_427 = arith.ori %shift_left3A_423, %shift_right_logical3A_426 : vector<782x128xi32>
    %xor3A_428 = arith.xori %or3A_427, %add3A_420 : vector<782x128xi32>
    %add3A_429 = vector.broadcast %get3A_294 : i32 to vector<782x128xi32>
    %add3A_430 = arith.addi %add3A_420, %add3A_429 : vector<782x128xi32>
    %add3A_431 = vector.broadcast %get3A_297 : i32 to vector<782x128xi32>
    %add3A_432 = arith.addi %xor3A_428, %add3A_431 : vector<782x128xi32>
    %add3A_433 = arith.constant 3 : i32
    %add3A_434 = vector.broadcast %add3A_433 : i32 to vector<782x128xi32>
    %add3A_435 = arith.addi %add3A_432, %add3A_434 : vector<782x128xi32>
    %add3A_436 = arith.addi %add3A_430, %add3A_435 : vector<782x128xi32>
    %shift_left3A_437 = arith.constant 17 : i32
    %shift_left3A_438 = vector.broadcast %shift_left3A_437 : i32 to vector<782x128xi32>
    %shift_left3A_439 = arith.shli %add3A_435, %shift_left3A_438 : vector<782x128xi32>
    %shift_right_logical3A_440 = arith.constant 15 : i32
    %shift_right_logical3A_441 = vector.broadcast %shift_right_logical3A_440 : i32 to vector<782x128xi32>
    %shift_right_logical3A_442 = arith.shrui %add3A_435, %shift_right_logical3A_441 : vector<782x128xi32>
    %or3A_443 = arith.ori %shift_left3A_439, %shift_right_logical3A_442 : vector<782x128xi32>
    %xor3A_444 = arith.xori %or3A_443, %add3A_436 : vector<782x128xi32>
    %add3A_445 = arith.addi %add3A_436, %xor3A_444 : vector<782x128xi32>
    %shift_left3A_446 = arith.constant 29 : i32
    %shift_left3A_447 = vector.broadcast %shift_left3A_446 : i32 to vector<782x128xi32>
    %shift_left3A_448 = arith.shli %xor3A_444, %shift_left3A_447 : vector<782x128xi32>
    %shift_right_logical3A_449 = arith.constant 3 : i32
    %shift_right_logical3A_450 = vector.broadcast %shift_right_logical3A_449 : i32 to vector<782x128xi32>
    %shift_right_logical3A_451 = arith.shrui %xor3A_444, %shift_right_logical3A_450 : vector<782x128xi32>
    %or3A_452 = arith.ori %shift_left3A_448, %shift_right_logical3A_451 : vector<782x128xi32>
    %xor3A_453 = arith.xori %or3A_452, %add3A_445 : vector<782x128xi32>
    %add3A_454 = arith.addi %add3A_445, %xor3A_453 : vector<782x128xi32>
    %shift_left3A_455 = arith.constant 16 : i32
    %shift_left3A_456 = vector.broadcast %shift_left3A_455 : i32 to vector<782x128xi32>
    %shift_left3A_457 = arith.shli %xor3A_453, %shift_left3A_456 : vector<782x128xi32>
    %shift_right_logical3A_458 = arith.constant 16 : i32
    %shift_right_logical3A_459 = vector.broadcast %shift_right_logical3A_458 : i32 to vector<782x128xi32>
    %shift_right_logical3A_460 = arith.shrui %xor3A_453, %shift_right_logical3A_459 : vector<782x128xi32>
    %or3A_461 = arith.ori %shift_left3A_457, %shift_right_logical3A_460 : vector<782x128xi32>
    %xor3A_462 = arith.xori %or3A_461, %add3A_454 : vector<782x128xi32>
    %add3A_463 = arith.addi %add3A_454, %xor3A_462 : vector<782x128xi32>
    %shift_left3A_464 = arith.constant 24 : i32
    %shift_left3A_465 = vector.broadcast %shift_left3A_464 : i32 to vector<782x128xi32>
    %shift_left3A_466 = arith.shli %xor3A_462, %shift_left3A_465 : vector<782x128xi32>
    %shift_right_logical3A_467 = arith.constant 8 : i32
    %shift_right_logical3A_468 = vector.broadcast %shift_right_logical3A_467 : i32 to vector<782x128xi32>
    %shift_right_logical3A_469 = arith.shrui %xor3A_462, %shift_right_logical3A_468 : vector<782x128xi32>
    %or3A_470 = arith.ori %shift_left3A_466, %shift_right_logical3A_469 : vector<782x128xi32>
    %xor3A_471 = arith.xori %or3A_470, %add3A_463 : vector<782x128xi32>
    %add3A_472 = vector.broadcast %get3A_297 : i32 to vector<782x128xi32>
    %add3A_473 = arith.addi %add3A_463, %add3A_472 : vector<782x128xi32>
    %add3A_474 = vector.broadcast %xor3A_302 : i32 to vector<782x128xi32>
    %add3A_475 = arith.addi %xor3A_471, %add3A_474 : vector<782x128xi32>
    %add3A_476 = arith.constant 4 : i32
    %add3A_477 = vector.broadcast %add3A_476 : i32 to vector<782x128xi32>
    %add3A_478 = arith.addi %add3A_475, %add3A_477 : vector<782x128xi32>
    %add3A_479 = arith.addi %add3A_473, %add3A_478 : vector<782x128xi32>
    %shift_left3A_480 = arith.constant 13 : i32
    %shift_left3A_481 = vector.broadcast %shift_left3A_480 : i32 to vector<782x128xi32>
    %shift_left3A_482 = arith.shli %add3A_478, %shift_left3A_481 : vector<782x128xi32>
    %shift_right_logical3A_483 = arith.constant 19 : i32
    %shift_right_logical3A_484 = vector.broadcast %shift_right_logical3A_483 : i32 to vector<782x128xi32>
    %shift_right_logical3A_485 = arith.shrui %add3A_478, %shift_right_logical3A_484 : vector<782x128xi32>
    %or3A_486 = arith.ori %shift_left3A_482, %shift_right_logical3A_485 : vector<782x128xi32>
    %xor3A_487 = arith.xori %or3A_486, %add3A_479 : vector<782x128xi32>
    %add3A_488 = arith.addi %add3A_479, %xor3A_487 : vector<782x128xi32>
    %shift_left3A_489 = arith.constant 15 : i32
    %shift_left3A_490 = vector.broadcast %shift_left3A_489 : i32 to vector<782x128xi32>
    %shift_left3A_491 = arith.shli %xor3A_487, %shift_left3A_490 : vector<782x128xi32>
    %shift_right_logical3A_492 = arith.constant 17 : i32
    %shift_right_logical3A_493 = vector.broadcast %shift_right_logical3A_492 : i32 to vector<782x128xi32>
    %shift_right_logical3A_494 = arith.shrui %xor3A_487, %shift_right_logical3A_493 : vector<782x128xi32>
    %or3A_495 = arith.ori %shift_left3A_491, %shift_right_logical3A_494 : vector<782x128xi32>
    %xor3A_496 = arith.xori %or3A_495, %add3A_488 : vector<782x128xi32>
    %add3A_497 = arith.addi %add3A_488, %xor3A_496 : vector<782x128xi32>
    %shift_left3A_498 = arith.constant 26 : i32
    %shift_left3A_499 = vector.broadcast %shift_left3A_498 : i32 to vector<782x128xi32>
    %shift_left3A_500 = arith.shli %xor3A_496, %shift_left3A_499 : vector<782x128xi32>
    %shift_right_logical3A_501 = arith.constant 6 : i32
    %shift_right_logical3A_502 = vector.broadcast %shift_right_logical3A_501 : i32 to vector<782x128xi32>
    %shift_right_logical3A_503 = arith.shrui %xor3A_496, %shift_right_logical3A_502 : vector<782x128xi32>
    %or3A_504 = arith.ori %shift_left3A_500, %shift_right_logical3A_503 : vector<782x128xi32>
    %xor3A_505 = arith.xori %or3A_504, %add3A_497 : vector<782x128xi32>
    %add3A_506 = arith.addi %add3A_497, %xor3A_505 : vector<782x128xi32>
    %shift_left3A_507 = arith.constant 6 : i32
    %shift_left3A_508 = vector.broadcast %shift_left3A_507 : i32 to vector<782x128xi32>
    %shift_left3A_509 = arith.shli %xor3A_505, %shift_left3A_508 : vector<782x128xi32>
    %shift_right_logical3A_510 = arith.constant 26 : i32
    %shift_right_logical3A_511 = vector.broadcast %shift_right_logical3A_510 : i32 to vector<782x128xi32>
    %shift_right_logical3A_512 = arith.shrui %xor3A_505, %shift_right_logical3A_511 : vector<782x128xi32>
    %or3A_513 = arith.ori %shift_left3A_509, %shift_right_logical3A_512 : vector<782x128xi32>
    %xor3A_514 = arith.xori %or3A_513, %add3A_506 : vector<782x128xi32>
    %add3A_515 = vector.broadcast %xor3A_302 : i32 to vector<782x128xi32>
    %add3A_516 = arith.addi %add3A_506, %add3A_515 : vector<782x128xi32>
    %add3A_517 = vector.broadcast %get3A_294 : i32 to vector<782x128xi32>
    %add3A_518 = arith.addi %xor3A_514, %add3A_517 : vector<782x128xi32>
    %add3A_519 = arith.constant 5 : i32
    %add3A_520 = vector.broadcast %add3A_519 : i32 to vector<782x128xi32>
    %add3A_521 = arith.addi %add3A_518, %add3A_520 : vector<782x128xi32>
    %xor3A_522 = arith.xori %add3A_516, %add3A_521 : vector<782x128xi32>
    %shift_right_logical3A_523 = arith.constant 9 : i32
    %shift_right_logical3A_524 = vector.broadcast %shift_right_logical3A_523 : i32 to vector<782x128xi32>
    %shift_right_logical3A_525 = arith.shrui %xor3A_522, %shift_right_logical3A_524 : vector<782x128xi32>
    %or3A_526 = arith.constant 1065353216 : i32
    %or3A_527 = vector.broadcast %or3A_526 : i32 to vector<782x128xi32>
    %or3A_528 = arith.ori %shift_right_logical3A_525, %or3A_527 : vector<782x128xi32>
    %bitcast_convert_type3A_529 = tpu.bitcast %or3A_528 : vector<782x128xi32> -> vector<782x128xf32>
    %sub3A_530 = arith.constant 1.000000e+00 : f32
    %sub3A_531 = vector.broadcast %sub3A_530 : f32 to vector<782x128xf32>
    %sub3A_532 = arith.subf %bitcast_convert_type3A_529, %sub3A_531 : vector<782x128xf32>
    %sub3A_533 = arith.constant 1.000000e+00 : f32
    %sub3A_534 = arith.constant 1.17549435E-38 : f32
    %sub3A_535 = arith.subf %sub3A_533, %sub3A_534 : f32
    %mul3A_536 = vector.broadcast %sub3A_535 : f32 to vector<782x128xf32>
    %mul3A_537 = arith.mulf %sub3A_532, %mul3A_536 : vector<782x128xf32>
    %add3A_538 = arith.constant 1.17549435E-38 : f32
    %add3A_539 = vector.broadcast %add3A_538 : f32 to vector<782x128xf32>
    %add3A_540 = arith.addf %mul3A_537, %add3A_539 : vector<782x128xf32>
    %max3A_541 = arith.constant 1.17549435E-38 : f32
    %max3A_542 = vector.broadcast %max3A_541 : f32 to vector<782x128xf32>
    %max3A_543 = arith.maximumf %max3A_542, %add3A_540 : vector<782x128xf32>
    %log3A_544 = math.log %max3A_543 : vector<782x128xf32>
    %neg3A_545 = arith.constant 0.000000e+00 : f32
    %neg3A_546 = vector.broadcast %neg3A_545 : f32 to vector<782x128xf32>
    %neg3A_547 = arith.subf %neg3A_546, %log3A_544 : vector<782x128xf32>
    %log3A_548 = math.log %neg3A_547 : vector<782x128xf32>
    %neg3A_549 = arith.constant 0.000000e+00 : f32
    %neg3A_550 = vector.broadcast %neg3A_549 : f32 to vector<782x128xf32>
    %neg3A_551 = arith.subf %neg3A_550, %log3A_548 : vector<782x128xf32>
    %jit3A_552 = arith.constant -1.000000e+30 : f32
    %broadcast_in_dim3A_553 = vector.broadcast %jit3A_552 : f32 to vector<782x128xf32>
    %select_n3A_554 = arith.select %ge3A_9, %broadcast_in_dim3A_553, %neg3A_551 : vector<782x128xi1>, vector<782x128xf32>
    %get3A_555 = arith.constant 0 : index
    %get3A_556 = arith.constant 0 : index
    %get3A_557 = vector.load %arg2[%get3A_555, %get3A_556] : memref<782x128xi32, #tpu.memory_space<vmem>>, vector<782x128xi32>
    %le3A_558 = vector.broadcast %add3A_291 : i32 to vector<782x128xi32>
    %le3A_559 = arith.cmpi sle, %get3A_557, %le3A_558 : vector<782x128xi32>
    %broadcast_in_dim3A_560 = vector.broadcast %log3A_4 : f32 to vector<782x128xf32>
    %select_n3A_561 = arith.select %le3A_559, %broadcast_in_dim3A_560, %log3A : vector<782x128xi1>, vector<782x128xf32>
    %add3A_562 = arith.addf %select_n3A_561, %select_n3A_554 : vector<782x128xf32>
    %bitcast_convert_type3A_563 = tpu.bitcast %add3A_562 : vector<782x128xf32> -> vector<782x128xi32>
    %lt3A_564 = arith.constant 0 : i32
    %lt3A_565 = vector.broadcast %lt3A_564 : i32 to vector<782x128xi32>
    %lt3A_566 = arith.cmpi slt, %bitcast_convert_type3A_563, %lt3A_565 : vector<782x128xi32>
    %xor3A_567 = arith.constant 2147483647 : i32
    %xor3A_568 = vector.broadcast %xor3A_567 : i32 to vector<782x128xi32>
    %xor3A_569 = arith.xori %bitcast_convert_type3A_563, %xor3A_568 : vector<782x128xi32>
    %select_n3A_570 = arith.select %lt3A_566, %xor3A_569, %bitcast_convert_type3A_563 : vector<782x128xi1>, vector<782x128xi32>
    %swap3A_571 = arith.constant 0 : index
    %swap3A_572 = arith.constant 1 : index
    %swap3A_573 = arith.constant 0 : index
    %swap3A_574 = arith.constant 0 : index
    %swap3A_575 = vector.load %arg4[%swap3A_571, %swap3A_572, %swap3A_573, %swap3A_574] : memref<1x16x782x128xi32, #tpu.memory_space<vmem>>, vector<1x1x782x128xi32>
    %swap3A_576 = vector.shape_cast %swap3A_575 : vector<1x1x782x128xi32> to vector<782x128xi32>
    %swap3A_577 = vector.shape_cast %select_n3A_570 : vector<782x128xi32> to vector<1x1x782x128xi32>
    tpu.vector_store %arg4[%swap3A_571, %swap3A_572, %swap3A_573, %swap3A_574], %swap3A_577 {strides = array<i32>} : memref<1x16x782x128xi32, #tpu.memory_space<vmem>>, vector<1x1x782x128xi32>,
    %mul3A_578 = arith.constant 16 : i32
    %mul3A_579 = arith.muli %arg0, %mul3A_578 : i32
    %add3A_580 = arith.constant 2 : i32
    %add3A_581 = arith.addi %mul3A_579, %add3A_580 : i32
    %get3A_582 = arith.index_cast %add3A_581 : i32 to index
    %get3A_583 = arith.constant 0 : index
    %get3A_584 = memref.load %arg1[%get3A_582, %get3A_583] : memref<64x2xi32, #tpu.memory_space<smem>>
    %get3A_585 = arith.index_cast %add3A_581 : i32 to index
    %get3A_586 = arith.constant 1 : index
    %get3A_587 = memref.load %arg1[%get3A_585, %get3A_586] : memref<64x2xi32, #tpu.memory_space<smem>>
    %broadcast_in_dim3A_588 = arith.constant 0 : i32
    %broadcast_in_dim3A_589 = vector.broadcast %broadcast_in_dim3A_588 : i32 to vector<782x128xi32>
    %xor3A_590 = arith.xori %get3A_584, %get3A_587 : i32
    %xor3A_591 = arith.constant 466688986 : i32
    %xor3A_592 = arith.xori %xor3A_590, %xor3A_591 : i32
    %add3A_593 = vector.broadcast %get3A_584 : i32 to vector<782x128xi32>
    %add3A_594 = arith.addi %broadcast_in_dim3A_589, %add3A_593 : vector<782x128xi32>
    %add3A_595 = vector.broadcast %get3A_587 : i32 to vector<782x128xi32>
    %add3A_596 = arith.addi %add3A, %add3A_595 : vector<782x128xi32>
    %add3A_597 = arith.addi %add3A_594, %add3A_596 : vector<782x128xi32>
    %shift_left3A_598 = arith.constant 13 : i32
    %shift_left3A_599 = vector.broadcast %shift_left3A_598 : i32 to vector<782x128xi32>
    %shift_left3A_600 = arith.shli %add3A_596, %shift_left3A_599 : vector<782x128xi32>
    %shift_right_logical3A_601 = arith.constant 19 : i32
    %shift_right_logical3A_602 = vector.broadcast %shift_right_logical3A_601 : i32 to vector<782x128xi32>
    %shift_right_logical3A_603 = arith.shrui %add3A_596, %shift_right_logical3A_602 : vector<782x128xi32>
    %or3A_604 = arith.ori %shift_left3A_600, %shift_right_logical3A_603 : vector<782x128xi32>
    %xor3A_605 = arith.xori %or3A_604, %add3A_597 : vector<782x128xi32>
    %add3A_606 = arith.addi %add3A_597, %xor3A_605 : vector<782x128xi32>
    %shift_left3A_607 = arith.constant 15 : i32
    %shift_left3A_608 = vector.broadcast %shift_left3A_607 : i32 to vector<782x128xi32>
    %shift_left3A_609 = arith.shli %xor3A_605, %shift_left3A_608 : vector<782x128xi32>
    %shift_right_logical3A_610 = arith.constant 17 : i32
    %shift_right_logical3A_611 = vector.broadcast %shift_right_logical3A_610 : i32 to vector<782x128xi32>
    %shift_right_logical3A_612 = arith.shrui %xor3A_605, %shift_right_logical3A_611 : vector<782x128xi32>
    %or3A_613 = arith.ori %shift_left3A_609, %shift_right_logical3A_612 : vector<782x128xi32>
    %xor3A_614 = arith.xori %or3A_613, %add3A_606 : vector<782x128xi32>
    %add3A_615 = arith.addi %add3A_606, %xor3A_614 : vector<782x128xi32>
    %shift_left3A_616 = arith.constant 26 : i32
    %shift_left3A_617 = vector.broadcast %shift_left3A_616 : i32 to vector<782x128xi32>
    %shift_left3A_618 = arith.shli %xor3A_614, %shift_left3A_617 : vector<782x128xi32>
    %shift_right_logical3A_619 = arith.constant 6 : i32
    %shift_right_logical3A_620 = vector.broadcast %shift_right_logical3A_619 : i32 to vector<782x128xi32>
    %shift_right_logical3A_621 = arith.shrui %xor3A_614, %shift_right_logical3A_620 : vector<782x128xi32>
    %or3A_622 = arith.ori %shift_left3A_618, %shift_right_logical3A_621 : vector<782x128xi32>
    %xor3A_623 = arith.xori %or3A_622, %add3A_615 : vector<782x128xi32>
    %add3A_624 = arith.addi %add3A_615, %xor3A_623 : vector<782x128xi32>
    %shift_left3A_625 = arith.constant 6 : i32
    %shift_left3A_626 = vector.broadcast %shift_left3A_625 : i32 to vector<782x128xi32>
    %shift_left3A_627 = arith.shli %xor3A_623, %shift_left3A_626 : vector<782x128xi32>
    %shift_right_logical3A_628 = arith.constant 26 : i32
    %shift_right_logical3A_629 = vector.broadcast %shift_right_logical3A_628 : i32 to vector<782x128xi32>
    %shift_right_logical3A_630 = arith.shrui %xor3A_623, %shift_right_logical3A_629 : vector<782x128xi32>
    %or3A_631 = arith.ori %shift_left3A_627, %shift_right_logical3A_630 : vector<782x128xi32>
    %xor3A_632 = arith.xori %or3A_631, %add3A_624 : vector<782x128xi32>
    %add3A_633 = vector.broadcast %get3A_587 : i32 to vector<782x128xi32>
    %add3A_634 = arith.addi %add3A_624, %add3A_633 : vector<782x128xi32>
    %add3A_635 = vector.broadcast %xor3A_592 : i32 to vector<782x128xi32>
    %add3A_636 = arith.addi %xor3A_632, %add3A_635 : vector<782x128xi32>
    %add3A_637 = arith.constant 1 : i32
    %add3A_638 = vector.broadcast %add3A_637 : i32 to vector<782x128xi32>
    %add3A_639 = arith.addi %add3A_636, %add3A_638 : vector<782x128xi32>
    %add3A_640 = arith.addi %add3A_634, %add3A_639 : vector<782x128xi32>
    %shift_left3A_641 = arith.constant 17 : i32
    %shift_left3A_642 = vector.broadcast %shift_left3A_641 : i32 to vector<782x128xi32>
    %shift_left3A_643 = arith.shli %add3A_639, %shift_left3A_642 : vector<782x128xi32>
    %shift_right_logical3A_644 = arith.constant 15 : i32
    %shift_right_logical3A_645 = vector.broadcast %shift_right_logical3A_644 : i32 to vector<782x128xi32>
    %shift_right_logical3A_646 = arith.shrui %add3A_639, %shift_right_logical3A_645 : vector<782x128xi32>
    %or3A_647 = arith.ori %shift_left3A_643, %shift_right_logical3A_646 : vector<782x128xi32>
    %xor3A_648 = arith.xori %or3A_647, %add3A_640 : vector<782x128xi32>
    %add3A_649 = arith.addi %add3A_640, %xor3A_648 : vector<782x128xi32>
    %shift_left3A_650 = arith.constant 29 : i32
    %shift_left3A_651 = vector.broadcast %shift_left3A_650 : i32 to vector<782x128xi32>
    %shift_left3A_652 = arith.shli %xor3A_648, %shift_left3A_651 : vector<782x128xi32>
    %shift_right_logical3A_653 = arith.constant 3 : i32
    %shift_right_logical3A_654 = vector.broadcast %shift_right_logical3A_653 : i32 to vector<782x128xi32>
    %shift_right_logical3A_655 = arith.shrui %xor3A_648, %shift_right_logical3A_654 : vector<782x128xi32>
    %or3A_656 = arith.ori %shift_left3A_652, %shift_right_logical3A_655 : vector<782x128xi32>
    %xor3A_657 = arith.xori %or3A_656, %add3A_649 : vector<782x128xi32>
    %add3A_658 = arith.addi %add3A_649, %xor3A_657 : vector<782x128xi32>
    %shift_left3A_659 = arith.constant 16 : i32
    %shift_left3A_660 = vector.broadcast %shift_left3A_659 : i32 to vector<782x128xi32>
    %shift_left3A_661 = arith.shli %xor3A_657, %shift_left3A_660 : vector<782x128xi32>
    %shift_right_logical3A_662 = arith.constant 16 : i32
    %shift_right_logical3A_663 = vector.broadcast %shift_right_logical3A_662 : i32 to vector<782x128xi32>
    %shift_right_logical3A_664 = arith.shrui %xor3A_657, %shift_right_logical3A_663 : vector<782x128xi32>
    %or3A_665 = arith.ori %shift_left3A_661, %shift_right_logical3A_664 : vector<782x128xi32>
    %xor3A_666 = arith.xori %or3A_665, %add3A_658 : vector<782x128xi32>
    %add3A_667 = arith.addi %add3A_658, %xor3A_666 : vector<782x128xi32>
    %shift_left3A_668 = arith.constant 24 : i32
    %shift_left3A_669 = vector.broadcast %shift_left3A_668 : i32 to vector<782x128xi32>
    %shift_left3A_670 = arith.shli %xor3A_666, %shift_left3A_669 : vector<782x128xi32>
    %shift_right_logical3A_671 = arith.constant 8 : i32
    %shift_right_logical3A_672 = vector.broadcast %shift_right_logical3A_671 : i32 to vector<782x128xi32>
    %shift_right_logical3A_673 = arith.shrui %xor3A_666, %shift_right_logical3A_672 : vector<782x128xi32>
    %or3A_674 = arith.ori %shift_left3A_670, %shift_right_logical3A_673 : vector<782x128xi32>
    %xor3A_675 = arith.xori %or3A_674, %add3A_667 : vector<782x128xi32>
    %add3A_676 = vector.broadcast %xor3A_592 : i32 to vector<782x128xi32>
    %add3A_677 = arith.addi %add3A_667, %add3A_676 : vector<782x128xi32>
    %add3A_678 = vector.broadcast %get3A_584 : i32 to vector<782x128xi32>
    %add3A_679 = arith.addi %xor3A_675, %add3A_678 : vector<782x128xi32>
    %add3A_680 = arith.constant 2 : i32
    %add3A_681 = vector.broadcast %add3A_680 : i32 to vector<782x128xi32>
    %add3A_682 = arith.addi %add3A_679, %add3A_681 : vector<782x128xi32>
    %add3A_683 = arith.addi %add3A_677, %add3A_682 : vector<782x128xi32>
    %shift_left3A_684 = arith.constant 13 : i32
    %shift_left3A_685 = vector.broadcast %shift_left3A_684 : i32 to vector<782x128xi32>
    %shift_left3A_686 = arith.shli %add3A_682, %shift_left3A_685 : vector<782x128xi32>
    %shift_right_logical3A_687 = arith.constant 19 : i32
    %shift_right_logical3A_688 = vector.broadcast %shift_right_logical3A_687 : i32 to vector<782x128xi32>
    %shift_right_logical3A_689 = arith.shrui %add3A_682, %shift_right_logical3A_688 : vector<782x128xi32>
    %or3A_690 = arith.ori %shift_left3A_686, %shift_right_logical3A_689 : vector<782x128xi32>
    %xor3A_691 = arith.xori %or3A_690, %add3A_683 : vector<782x128xi32>
    %add3A_692 = arith.addi %add3A_683, %xor3A_691 : vector<782x128xi32>
    %shift_left3A_693 = arith.constant 15 : i32
    %shift_left3A_694 = vector.broadcast %shift_left3A_693 : i32 to vector<782x128xi32>
    %shift_left3A_695 = arith.shli %xor3A_691, %shift_left3A_694 : vector<782x128xi32>
    %shift_right_logical3A_696 = arith.constant 17 : i32
    %shift_right_logical3A_697 = vector.broadcast %shift_right_logical3A_696 : i32 to vector<782x128xi32>
    %shift_right_logical3A_698 = arith.shrui %xor3A_691, %shift_right_logical3A_697 : vector<782x128xi32>
    %or3A_699 = arith.ori %shift_left3A_695, %shift_right_logical3A_698 : vector<782x128xi32>
    %xor3A_700 = arith.xori %or3A_699, %add3A_692 : vector<782x128xi32>
    %add3A_701 = arith.addi %add3A_692, %xor3A_700 : vector<782x128xi32>
    %shift_left3A_702 = arith.constant 26 : i32
    %shift_left3A_703 = vector.broadcast %shift_left3A_702 : i32 to vector<782x128xi32>
    %shift_left3A_704 = arith.shli %xor3A_700, %shift_left3A_703 : vector<782x128xi32>
    %shift_right_logical3A_705 = arith.constant 6 : i32
    %shift_right_logical3A_706 = vector.broadcast %shift_right_logical3A_705 : i32 to vector<782x128xi32>
    %shift_right_logical3A_707 = arith.shrui %xor3A_700, %shift_right_logical3A_706 : vector<782x128xi32>
    %or3A_708 = arith.ori %shift_left3A_704, %shift_right_logical3A_707 : vector<782x128xi32>
    %xor3A_709 = arith.xori %or3A_708, %add3A_701 : vector<782x128xi32>
    %add3A_710 = arith.addi %add3A_701, %xor3A_709 : vector<782x128xi32>
    %shift_left3A_711 = arith.constant 6 : i32
    %shift_left3A_712 = vector.broadcast %shift_left3A_711 : i32 to vector<782x128xi32>
    %shift_left3A_713 = arith.shli %xor3A_709, %shift_left3A_712 : vector<782x128xi32>
    %shift_right_logical3A_714 = arith.constant 26 : i32
    %shift_right_logical3A_715 = vector.broadcast %shift_right_logical3A_714 : i32 to vector<782x128xi32>
    %shift_right_logical3A_716 = arith.shrui %xor3A_709, %shift_right_logical3A_715 : vector<782x128xi32>
    %or3A_717 = arith.ori %shift_left3A_713, %shift_right_logical3A_716 : vector<782x128xi32>
    %xor3A_718 = arith.xori %or3A_717, %add3A_710 : vector<782x128xi32>
    %add3A_719 = vector.broadcast %get3A_584 : i32 to vector<782x128xi32>
    %add3A_720 = arith.addi %add3A_710, %add3A_719 : vector<782x128xi32>
    %add3A_721 = vector.broadcast %get3A_587 : i32 to vector<782x128xi32>
    %add3A_722 = arith.addi %xor3A_718, %add3A_721 : vector<782x128xi32>
    %add3A_723 = arith.constant 3 : i32
    %add3A_724 = vector.broadcast %add3A_723 : i32 to vector<782x128xi32>
    %add3A_725 = arith.addi %add3A_722, %add3A_724 : vector<782x128xi32>
    %add3A_726 = arith.addi %add3A_720, %add3A_725 : vector<782x128xi32>
    %shift_left3A_727 = arith.constant 17 : i32
    %shift_left3A_728 = vector.broadcast %shift_left3A_727 : i32 to vector<782x128xi32>
    %shift_left3A_729 = arith.shli %add3A_725, %shift_left3A_728 : vector<782x128xi32>
    %shift_right_logical3A_730 = arith.constant 15 : i32
    %shift_right_logical3A_731 = vector.broadcast %shift_right_logical3A_730 : i32 to vector<782x128xi32>
    %shift_right_logical3A_732 = arith.shrui %add3A_725, %shift_right_logical3A_731 : vector<782x128xi32>
    %or3A_733 = arith.ori %shift_left3A_729, %shift_right_logical3A_732 : vector<782x128xi32>
    %xor3A_734 = arith.xori %or3A_733, %add3A_726 : vector<782x128xi32>
    %add3A_735 = arith.addi %add3A_726, %xor3A_734 : vector<782x128xi32>
    %shift_left3A_736 = arith.constant 29 : i32
    %shift_left3A_737 = vector.broadcast %shift_left3A_736 : i32 to vector<782x128xi32>
    %shift_left3A_738 = arith.shli %xor3A_734, %shift_left3A_737 : vector<782x128xi32>
    %shift_right_logical3A_739 = arith.constant 3 : i32
    %shift_right_logical3A_740 = vector.broadcast %shift_right_logical3A_739 : i32 to vector<782x128xi32>
    %shift_right_logical3A_741 = arith.shrui %xor3A_734, %shift_right_logical3A_740 : vector<782x128xi32>
    %or3A_742 = arith.ori %shift_left3A_738, %shift_right_logical3A_741 : vector<782x128xi32>
    %xor3A_743 = arith.xori %or3A_742, %add3A_735 : vector<782x128xi32>
    %add3A_744 = arith.addi %add3A_735, %xor3A_743 : vector<782x128xi32>
    %shift_left3A_745 = arith.constant 16 : i32
    %shift_left3A_746 = vector.broadcast %shift_left3A_745 : i32 to vector<782x128xi32>
    %shift_left3A_747 = arith.shli %xor3A_743, %shift_left3A_746 : vector<782x128xi32>
    %shift_right_logical3A_748 = arith.constant 16 : i32
    %shift_right_logical3A_749 = vector.broadcast %shift_right_logical3A_748 : i32 to vector<782x128xi32>
    %shift_right_logical3A_750 = arith.shrui %xor3A_743, %shift_right_logical3A_749 : vector<782x128xi32>
    %or3A_751 = arith.ori %shift_left3A_747, %shift_right_logical3A_750 : vector<782x128xi32>
    %xor3A_752 = arith.xori %or3A_751, %add3A_744 : vector<782x128xi32>
    %add3A_753 = arith.addi %add3A_744, %xor3A_752 : vector<782x128xi32>
    %shift_left3A_754 = arith.constant 24 : i32
    %shift_left3A_755 = vector.broadcast %shift_left3A_754 : i32 to vector<782x128xi32>
    %shift_left3A_756 = arith.shli %xor3A_752, %shift_left3A_755 : vector<782x128xi32>
    %shift_right_logical3A_757 = arith.constant 8 : i32
    %shift_right_logical3A_758 = vector.broadcast %shift_right_logical3A_757 : i32 to vector<782x128xi32>
    %shift_right_logical3A_759 = arith.shrui %xor3A_752, %shift_right_logical3A_758 : vector<782x128xi32>
    %or3A_760 = arith.ori %shift_left3A_756, %shift_right_logical3A_759 : vector<782x128xi32>
    %xor3A_761 = arith.xori %or3A_760, %add3A_753 : vector<782x128xi32>
    %add3A_762 = vector.broadcast %get3A_587 : i32 to vector<782x128xi32>
    %add3A_763 = arith.addi %add3A_753, %add3A_762 : vector<782x128xi32>
    %add3A_764 = vector.broadcast %xor3A_592 : i32 to vector<782x128xi32>
    %add3A_765 = arith.addi %xor3A_761, %add3A_764 : vector<782x128xi32>
    %add3A_766 = arith.constant 4 : i32
    %add3A_767 = vector.broadcast %add3A_766 : i32 to vector<782x128xi32>
    %add3A_768 = arith.addi %add3A_765, %add3A_767 : vector<782x128xi32>
    %add3A_769 = arith.addi %add3A_763, %add3A_768 : vector<782x128xi32>
    %shift_left3A_770 = arith.constant 13 : i32
    %shift_left3A_771 = vector.broadcast %shift_left3A_770 : i32 to vector<782x128xi32>
    %shift_left3A_772 = arith.shli %add3A_768, %shift_left3A_771 : vector<782x128xi32>
    %shift_right_logical3A_773 = arith.constant 19 : i32
    %shift_right_logical3A_774 = vector.broadcast %shift_right_logical3A_773 : i32 to vector<782x128xi32>
    %shift_right_logical3A_775 = arith.shrui %add3A_768, %shift_right_logical3A_774 : vector<782x128xi32>
    %or3A_776 = arith.ori %shift_left3A_772, %shift_right_logical3A_775 : vector<782x128xi32>
    %xor3A_777 = arith.xori %or3A_776, %add3A_769 : vector<782x128xi32>
    %add3A_778 = arith.addi %add3A_769, %xor3A_777 : vector<782x128xi32>
    %shift_left3A_779 = arith.constant 15 : i32
    %shift_left3A_780 = vector.broadcast %shift_left3A_779 : i32 to vector<782x128xi32>
    %shift_left3A_781 = arith.shli %xor3A_777, %shift_left3A_780 : vector<782x128xi32>
    %shift_right_logical3A_782 = arith.constant 17 : i32
    %shift_right_logical3A_783 = vector.broadcast %shift_right_logical3A_782 : i32 to vector<782x128xi32>
    %shift_right_logical3A_784 = arith.shrui %xor3A_777, %shift_right_logical3A_783 : vector<782x128xi32>
    %or3A_785 = arith.ori %shift_left3A_781, %shift_right_logical3A_784 : vector<782x128xi32>
    %xor3A_786 = arith.xori %or3A_785, %add3A_778 : vector<782x128xi32>
    %add3A_787 = arith.addi %add3A_778, %xor3A_786 : vector<782x128xi32>
    %shift_left3A_788 = arith.constant 26 : i32
    %shift_left3A_789 = vector.broadcast %shift_left3A_788 : i32 to vector<782x128xi32>
    %shift_left3A_790 = arith.shli %xor3A_786, %shift_left3A_789 : vector<782x128xi32>
    %shift_right_logical3A_791 = arith.constant 6 : i32
    %shift_right_logical3A_792 = vector.broadcast %shift_right_logical3A_791 : i32 to vector<782x128xi32>
    %shift_right_logical3A_793 = arith.shrui %xor3A_786, %shift_right_logical3A_792 : vector<782x128xi32>
    %or3A_794 = arith.ori %shift_left3A_790, %shift_right_logical3A_793 : vector<782x128xi32>
    %xor3A_795 = arith.xori %or3A_794, %add3A_787 : vector<782x128xi32>
    %add3A_796 = arith.addi %add3A_787, %xor3A_795 : vector<782x128xi32>
    %shift_left3A_797 = arith.constant 6 : i32
    %shift_left3A_798 = vector.broadcast %shift_left3A_797 : i32 to vector<782x128xi32>
    %shift_left3A_799 = arith.shli %xor3A_795, %shift_left3A_798 : vector<782x128xi32>
    %shift_right_logical3A_800 = arith.constant 26 : i32
    %shift_right_logical3A_801 = vector.broadcast %shift_right_logical3A_800 : i32 to vector<782x128xi32>
    %shift_right_logical3A_802 = arith.shrui %xor3A_795, %shift_right_logical3A_801 : vector<782x128xi32>
    %or3A_803 = arith.ori %shift_left3A_799, %shift_right_logical3A_802 : vector<782x128xi32>
    %xor3A_804 = arith.xori %or3A_803, %add3A_796 : vector<782x128xi32>
    %add3A_805 = vector.broadcast %xor3A_592 : i32 to vector<782x128xi32>
    %add3A_806 = arith.addi %add3A_796, %add3A_805 : vector<782x128xi32>
    %add3A_807 = vector.broadcast %get3A_584 : i32 to vector<782x128xi32>
    %add3A_808 = arith.addi %xor3A_804, %add3A_807 : vector<782x128xi32>
    %add3A_809 = arith.constant 5 : i32
    %add3A_810 = vector.broadcast %add3A_809 : i32 to vector<782x128xi32>
    %add3A_811 = arith.addi %add3A_808, %add3A_810 : vector<782x128xi32>
    %xor3A_812 = arith.xori %add3A_806, %add3A_811 : vector<782x128xi32>
    %shift_right_logical3A_813 = arith.constant 9 : i32
    %shift_right_logical3A_814 = vector.broadcast %shift_right_logical3A_813 : i32 to vector<782x128xi32>
    %shift_right_logical3A_815 = arith.shrui %xor3A_812, %shift_right_logical3A_814 : vector<782x128xi32>
    %or3A_816 = arith.constant 1065353216 : i32
    %or3A_817 = vector.broadcast %or3A_816 : i32 to vector<782x128xi32>
    %or3A_818 = arith.ori %shift_right_logical3A_815, %or3A_817 : vector<782x128xi32>
    %bitcast_convert_type3A_819 = tpu.bitcast %or3A_818 : vector<782x128xi32> -> vector<782x128xf32>
    %sub3A_820 = arith.constant 1.000000e+00 : f32
    %sub3A_821 = vector.broadcast %sub3A_820 : f32 to vector<782x128xf32>
    %sub3A_822 = arith.subf %bitcast_convert_type3A_819, %sub3A_821 : vector<782x128xf32>
    %sub3A_823 = arith.constant 1.000000e+00 : f32
    %sub3A_824 = arith.constant 1.17549435E-38 : f32
    %sub3A_825 = arith.subf %sub3A_823, %sub3A_824 : f32
    %mul3A_826 = vector.broadcast %sub3A_825 : f32 to vector<782x128xf32>
    %mul3A_827 = arith.mulf %sub3A_822, %mul3A_826 : vector<782x128xf32>
    %add3A_828 = arith.constant 1.17549435E-38 : f32
    %add3A_829 = vector.broadcast %add3A_828 : f32 to vector<782x128xf32>
    %add3A_830 = arith.addf %mul3A_827, %add3A_829 : vector<782x128xf32>
    %max3A_831 = arith.constant 1.17549435E-38 : f32
    %max3A_832 = vector.broadcast %max3A_831 : f32 to vector<782x128xf32>
    %max3A_833 = arith.maximumf %max3A_832, %add3A_830 : vector<782x128xf32>
    %log3A_834 = math.log %max3A_833 : vector<782x128xf32>
    %neg3A_835 = arith.constant 0.000000e+00 : f32
    %neg3A_836 = vector.broadcast %neg3A_835 : f32 to vector<782x128xf32>
    %neg3A_837 = arith.subf %neg3A_836, %log3A_834 : vector<782x128xf32>
    %log3A_838 = math.log %neg3A_837 : vector<782x128xf32>
    %neg3A_839 = arith.constant 0.000000e+00 : f32
    %neg3A_840 = vector.broadcast %neg3A_839 : f32 to vector<782x128xf32>
    %neg3A_841 = arith.subf %neg3A_840, %log3A_838 : vector<782x128xf32>
    %jit3A_842 = arith.constant -1.000000e+30 : f32
    %broadcast_in_dim3A_843 = vector.broadcast %jit3A_842 : f32 to vector<782x128xf32>
    %select_n3A_844 = arith.select %ge3A_9, %broadcast_in_dim3A_843, %neg3A_841 : vector<782x128xi1>, vector<782x128xf32>
    %get3A_845 = arith.constant 0 : index
    %get3A_846 = arith.constant 0 : index
    %get3A_847 = vector.load %arg2[%get3A_845, %get3A_846] : memref<782x128xi32, #tpu.memory_space<vmem>>, vector<782x128xi32>
    %le3A_848 = vector.broadcast %add3A_581 : i32 to vector<782x128xi32>
    %le3A_849 = arith.cmpi sle, %get3A_847, %le3A_848 : vector<782x128xi32>
    %broadcast_in_dim3A_850 = vector.broadcast %log3A_4 : f32 to vector<782x128xf32>
    %select_n3A_851 = arith.select %le3A_849, %broadcast_in_dim3A_850, %log3A : vector<782x128xi1>, vector<782x128xf32>
    %add3A_852 = arith.addf %select_n3A_851, %select_n3A_844 : vector<782x128xf32>
    %bitcast_convert_type3A_853 = tpu.bitcast %add3A_852 : vector<782x128xf32> -> vector<782x128xi32>
    %lt3A_854 = arith.constant 0 : i32
    %lt3A_855 = vector.broadcast %lt3A_854 : i32 to vector<782x128xi32>
    %lt3A_856 = arith.cmpi slt, %bitcast_convert_type3A_853, %lt3A_855 : vector<782x128xi32>
    %xor3A_857 = arith.constant 2147483647 : i32
    %xor3A_858 = vector.broadcast %xor3A_857 : i32 to vector<782x128xi32>
    %xor3A_859 = arith.xori %bitcast_convert_type3A_853, %xor3A_858 : vector<782x128xi32>
    %select_n3A_860 = arith.select %lt3A_856, %xor3A_859, %bitcast_convert_type3A_853 : vector<782x128xi1>, vector<782x128xi32>
    %swap3A_861 = arith.constant 0 : index
    %swap3A_862 = arith.constant 2 : index
    %swap3A_863 = arith.constant 0 : index
    %swap3A_864 = arith.constant 0 : index
    %swap3A_865 = vector.load %arg4[%swap3A_861, %swap3A_862, %swap3A_863, %swap3A_864] : memref<1x16x782x128xi32, #tpu.memory_space<vmem>>, vector<1x1x782x128xi32>
    %swap3A_866 = vector.shape_cast %swap3A_865 : vector<1x1x782x128xi32> to vector<782x128xi32>
    %swap3A_867 = vector.shape_cast %select_n3A_860 : vector<782x128xi32> to vector<1x1x782x128xi32>
    tpu.vector_store %arg4[%swap3A_861, %swap3A_862, %swap3A_863, %swap3A_864], %swap3A_867 {strides = array<i32>} : memref<1x16x782x128xi32, #tpu.memory_space<vmem>>, vector<1x1x782x128xi32>,
    %mul3A_868 = arith.constant 16 : i32
    %mul3A_869 = arith.muli %arg0, %mul3A_868 : i32
    %add3A_870 = arith.constant 3 : i32
    %add3A_871 = arith.addi %mul3A_869, %add3A_870 : i32
    %get3A_872 = arith.index_cast %add3A_871 : i32 to index
    %get3A_873 = arith.constant 0 : index
    %get3A_874 = memref.load %arg1[%get3A_872, %get3A_873] : memref<64x2xi32, #tpu.memory_space<smem>>
    %get3A_875 = arith.index_cast %add3A_871 : i32 to index
    %get3A_876 = arith.constant 1 : index
    %get3A_877 = memref.load %arg1[%get3A_875, %get3A_876] : memref<64x2xi32, #tpu.memory_space<smem>>
    %broadcast_in_dim3A_878 = arith.constant 0 : i32
    %broadcast_in_dim3A_879 = vector.broadcast %broadcast_in_dim3A_878 : i32 to vector<782x128xi32>
    %xor3A_880 = arith.xori %get3A_874, %get3A_877 : i32
    %xor3A_881 = arith.constant 466688986 : i32
    %xor3A_882 = arith.xori %xor3A_880, %xor3A_881 : i32
    %add3A_883 = vector.broadcast %get3A_874 : i32 to vector<782x128xi32>
    %add3A_884 = arith.addi %broadcast_in_dim3A_879, %add3A_883 : vector<782x128xi32>
    %add3A_885 = vector.broadcast %get3A_877 : i32 to vector<782x128xi32>
    %add3A_886 = arith.addi %add3A, %add3A_885 : vector<782x128xi32>
    %add3A_887 = arith.addi %add3A_884, %add3A_886 : vector<782x128xi32>
    %shift_left3A_888 = arith.constant 13 : i32
    %shift_left3A_889 = vector.broadcast %shift_left3A_888 : i32 to vector<782x128xi32>
    %shift_left3A_890 = arith.shli %add3A_886, %shift_left3A_889 : vector<782x128xi32>
    %shift_right_logical3A_891 = arith.constant 19 : i32
    %shift_right_logical3A_892 = vector.broadcast %shift_right_logical3A_891 : i32 to vector<782x128xi32>
    %shift_right_logical3A_893 = arith.shrui %add3A_886, %shift_right_logical3A_892 : vector<782x128xi32>
    %or3A_894 = arith.ori %shift_left3A_890, %shift_right_logical3A_893 : vector<782x128xi32>
    %xor3A_895 = arith.xori %or3A_894, %add3A_887 : vector<782x128xi32>
    %add3A_896 = arith.addi %add3A_887, %xor3A_895 : vector<782x128xi32>
    %shift_left3A_897 = arith.constant 15 : i32
    %shift_left3A_898 = vector.broadcast %shift_left3A_897 : i32 to vector<782x128xi32>
    %shift_left3A_899 = arith.shli %xor3A_895, %shift_left3A_898 : vector<782x128xi32>
    %shift_right_logical3A_900 = arith.constant 17 : i32
    %shift_right_logical3A_901 = vector.broadcast %shift_right_logical3A_900 : i32 to vector<782x128xi32>
    %shift_right_logical3A_902 = arith.shrui %xor3A_895, %shift_right_logical3A_901 : vector<782x128xi32>
    %or3A_903 = arith.ori %shift_left3A_899, %shift_right_logical3A_902 : vector<782x128xi32>
    %xor3A_904 = arith.xori %or3A_903, %add3A_896 : vector<782x128xi32>
    %add3A_905 = arith.addi %add3A_896, %xor3A_904 : vector<782x128xi32>
    %shift_left3A_906 = arith.constant 26 : i32
    %shift_left3A_907 = vector.broadcast %shift_left3A_906 : i32 to vector<782x128xi32>
    %shift_left3A_908 = arith.shli %xor3A_904, %shift_left3A_907 : vector<782x128xi32>
    %shift_right_logical3A_909 = arith.constant 6 : i32
    %shift_right_logical3A_910 = vector.broadcast %shift_right_logical3A_909 : i32 to vector<782x128xi32>
    %shift_right_logical3A_911 = arith.shrui %xor3A_904, %shift_right_logical3A_910 : vector<782x128xi32>
    %or3A_912 = arith.ori %shift_left3A_908, %shift_right_logical3A_911 : vector<782x128xi32>
    %xor3A_913 = arith.xori %or3A_912, %add3A_905 : vector<782x128xi32>
    %add3A_914 = arith.addi %add3A_905, %xor3A_913 : vector<782x128xi32>
    %shift_left3A_915 = arith.constant 6 : i32
    %shift_left3A_916 = vector.broadcast %shift_left3A_915 : i32 to vector<782x128xi32>
    %shift_left3A_917 = arith.shli %xor3A_913, %shift_left3A_916 : vector<782x128xi32>
    %shift_right_logical3A_918 = arith.constant 26 : i32
    %shift_right_logical3A_919 = vector.broadcast %shift_right_logical3A_918 : i32 to vector<782x128xi32>
    %shift_right_logical3A_920 = arith.shrui %xor3A_913, %shift_right_logical3A_919 : vector<782x128xi32>
    %or3A_921 = arith.ori %shift_left3A_917, %shift_right_logical3A_920 : vector<782x128xi32>
    %xor3A_922 = arith.xori %or3A_921, %add3A_914 : vector<782x128xi32>
    %add3A_923 = vector.broadcast %get3A_877 : i32 to vector<782x128xi32>
    %add3A_924 = arith.addi %add3A_914, %add3A_923 : vector<782x128xi32>
    %add3A_925 = vector.broadcast %xor3A_882 : i32 to vector<782x128xi32>
    %add3A_926 = arith.addi %xor3A_922, %add3A_925 : vector<782x128xi32>
    %add3A_927 = arith.constant 1 : i32
    %add3A_928 = vector.broadcast %add3A_927 : i32 to vector<782x128xi32>
    %add3A_929 = arith.addi %add3A_926, %add3A_928 : vector<782x128xi32>
    %add3A_930 = arith.addi %add3A_924, %add3A_929 : vector<782x128xi32>
    %shift_left3A_931 = arith.constant 17 : i32
    %shift_left3A_932 = vector.broadcast %shift_left3A_931 : i32 to vector<782x128xi32>
    %shift_left3A_933 = arith.shli %add3A_929, %shift_left3A_932 : vector<782x128xi32>
    %shift_right_logical3A_934 = arith.constant 15 : i32
    %shift_right_logical3A_935 = vector.broadcast %shift_right_logical3A_934 : i32 to vector<782x128xi32>
    %shift_right_logical3A_936 = arith.shrui %add3A_929, %shift_right_logical3A_935 : vector<782x128xi32>
    %or3A_937 = arith.ori %shift_left3A_933, %shift_right_logical3A_936 : vector<782x128xi32>
    %xor3A_938 = arith.xori %or3A_937, %add3A_930 : vector<782x128xi32>
    %add3A_939 = arith.addi %add3A_930, %xor3A_938 : vector<782x128xi32>
    %shift_left3A_940 = arith.constant 29 : i32
    %shift_left3A_941 = vector.broadcast %shift_left3A_940 : i32 to vector<782x128xi32>
    %shift_left3A_942 = arith.shli %xor3A_938, %shift_left3A_941 : vector<782x128xi32>
    %shift_right_logical3A_943 = arith.constant 3 : i32
    %shift_right_logical3A_944 = vector.broadcast %shift_right_logical3A_943 : i32 to vector<782x128xi32>
    %shift_right_logical3A_945 = arith.shrui %xor3A_938, %shift_right_logical3A_944 : vector<782x128xi32>
    %or3A_946 = arith.ori %shift_left3A_942, %shift_right_logical3A_945 : vector<782x128xi32>
    %xor3A_947 = arith.xori %or3A_946, %add3A_939 : vector<782x128xi32>
    %add3A_948 = arith.addi %add3A_939, %xor3A_947 : vector<782x128xi32>
    %shift_left3A_949 = arith.constant 16 : i32
    %shift_left3A_950 = vector.broadcast %shift_left3A_949 : i32 to vector<782x128xi32>
    %shift_left3A_951 = arith.shli %xor3A_947, %shift_left3A_950 : vector<782x128xi32>
    %shift_right_logical3A_952 = arith.constant 16 : i32
    %shift_right_logical3A_953 = vector.broadcast %shift_right_logical3A_952 : i32 to vector<782x128xi32>
    %shift_right_logical3A_954 = arith.shrui %xor3A_947, %shift_right_logical3A_953 : vector<782x128xi32>
    %or3A_955 = arith.ori %shift_left3A_951, %shift_right_logical3A_954 : vector<782x128xi32>
    %xor3A_956 = arith.xori %or3A_955, %add3A_948 : vector<782x128xi32>
    %add3A_957 = arith.addi %add3A_948, %xor3A_956 : vector<782x128xi32>
    %shift_left3A_958 = arith.constant 24 : i32
    %shift_left3A_959 = vector.broadcast %shift_left3A_958 : i32 to vector<782x128xi32>
    %shift_left3A_960 = arith.shli %xor3A_956, %shift_left3A_959 : vector<782x128xi32>
    %shift_right_logical3A_961 = arith.constant 8 : i32
    %shift_right_logical3A_962 = vector.broadcast %shift_right_logical3A_961 : i32 to vector<782x128xi32>
    %shift_right_logical3A_963 = arith.shrui %xor3A_956, %shift_right_logical3A_962 : vector<782x128xi32>
    %or3A_964 = arith.ori %shift_left3A_960, %shift_right_logical3A_963 : vector<782x128xi32>
    %xor3A_965 = arith.xori %or3A_964, %add3A_957 : vector<782x128xi32>
    %add3A_966 = vector.broadcast %xor3A_882 : i32 to vector<782x128xi32>
    %add3A_967 = arith.addi %add3A_957, %add3A_966 : vector<782x128xi32>
    %add3A_968 = vector.broadcast %get3A_874 : i32 to vector<782x128xi32>
    %add3A_969 = arith.addi %xor3A_965, %add3A_968 : vector<782x128xi32>
    %add3A_970 = arith.constant 2 : i32
    %add3A_971 = vector.broadcast %add3A_970 : i32 to vector<782x128xi32>
    %add3A_972 = arith.addi %add3A_969, %add3A_971 : vector<782x128xi32>
    %add3A_973 = arith.addi %add3A_967, %add3A_972 : vector<782x128xi32>
    %shift_left3A_974 = arith.constant 13 : i32
    %shift_left3A_975 = vector.broadcast %shift_left3A_974 : i32 to vector<782x128xi32>
    %shift_left3A_976 = arith.shli %add3A_972, %shift_left3A_975 : vector<782x128xi32>
    %shift_right_logical3A_977 = arith.constant 19 : i32
    %shift_right_logical3A_978 = vector.broadcast %shift_right_logical3A_977 : i32 to vector<782x128xi32>
    %shift_right_logical3A_979 = arith.shrui %add3A_972, %shift_right_logical3A_978 : vector<782x128xi32>
    %or3A_980 = arith.ori %shift_left3A_976, %shift_right_logical3A_979 : vector<782x128xi32>
    %xor3A_981 = arith.xori %or3A_980, %add3A_973 : vector<782x128xi32>
    %add3A_982 = arith.addi %add3A_973, %xor3A_981 : vector<782x128xi32>
    %shift_left3A_983 = arith.constant 15 : i32
    %shift_left3A_984 = vector.broadcast %shift_left3A_983 : i32 to vector<782x128xi32>
    %shift_left3A_985 = arith.shli %xor3A_981, %shift_left3A_984 : vector<782x128xi32>
    %shift_right_logical3A_986 = arith.constant 17 : i32
    %shift_right_logical3A_987 = vector.broadcast %shift_right_logical3A_986 : i32 to vector<782x128xi32>
    %shift_right_logical3A_988 = arith.shrui %xor3A_981, %shift_right_logical3A_987 : vector<782x128xi32>
    %or3A_989 = arith.ori %shift_left3A_985, %shift_right_logical3A_988 : vector<782x128xi32>
    %xor3A_990 = arith.xori %or3A_989, %add3A_982 : vector<782x128xi32>
    %add3A_991 = arith.addi %add3A_982, %xor3A_990 : vector<782x128xi32>
    %shift_left3A_992 = arith.constant 26 : i32
    %shift_left3A_993 = vector.broadcast %shift_left3A_992 : i32 to vector<782x128xi32>
    %shift_left3A_994 = arith.shli %xor3A_990, %shift_left3A_993 : vector<782x128xi32>
    %shift_right_logical3A_995 = arith.constant 6 : i32
    %shift_right_logical3A_996 = vector.broadcast %shift_right_logical3A_995 : i32 to vector<782x128xi32>
    %shift_right_logical3A_997 = arith.shrui %xor3A_990, %shift_right_logical3A_996 : vector<782x128xi32>
    %or3A_998 = arith.ori %shift_left3A_994, %shift_right_logical3A_997 : vector<782x128xi32>
    %xor3A_999 = arith.xori %or3A_998, %add3A_991 : vector<782x128xi32>
    %add3A_1000 = arith.addi %add3A_991, %xor3A_999 : vector<782x128xi32>
    %shift_left3A_1001 = arith.constant 6 : i32
    %shift_left3A_1002 = vector.broadcast %shift_left3A_1001 : i32 to vector<782x128xi32>
    %shift_left3A_1003 = arith.shli %xor3A_999, %shift_left3A_1002 : vector<782x128xi32>
    %shift_right_logical3A_1004 = arith.constant 26 : i32
    %shift_right_logical3A_1005 = vector.broadcast %shift_right_logical3A_1004 : i32 to vector<782x128xi32>
    %shift_right_logical3A_1006 = arith.shrui %xor3A_999, %shift_right_logical3A_1005 : vector<782x128xi32>
    %or3A_1007 = arith.ori %shift_left3A_1003, %shift_right_logical3A_1006 : vector<782x128xi32>
    %xor3A_1008 = arith.xori %or3A_1007, %add3A_1000 : vector<782x128xi32>
    %add3A_1009 = vector.broadcast %get3A_874 : i32 to vector<782x128xi32>
    %add3A_1010 = arith.addi %add3A_1000, %add3A_1009 : vector<782x128xi32>
    %add3A_1011 = vector.broadcast %get3A_877 : i32 to vector<782x128xi32>
    %add3A_1012 = arith.addi %xor3A_1008, %add3A_1011 : vector<782x128xi32>
    %add3A_1013 = arith.constant 3 : i32
    %add3A_1014 = vector.broadcast %add3A_1013 : i32 to vector<782x128xi32>
    %add3A_1015 = arith.addi %add3A_1012, %add3A_1014 : vector<782x128xi32>
    %add3A_1016 = arith.addi %add3A_1010, %add3A_1015 : vector<782x128xi32>
    %shift_left3A_1017 = arith.constant 17 : i32
    %shift_left3A_1018 = vector.broadcast %shift_left3A_1017 : i32 to vector<782x128xi32>
    %shift_left3A_1019 = arith.shli %add3A_1015, %shift_left3A_1018 : vector<782x128xi32>
    %shift_right_logical3A_1020 = arith.constant 15 : i32
    %shift_right_logical3A_1021 = vector.broadcast %shift_right_logical3A_1020 : i32 to vector<782x128xi32>
    %shift_right_logical3A_1022 = arith.shrui %add3A_1015, %shift_right_logical3A_1021 : vector<782x128xi32>
    %or3A_1023 = arith.ori %shift_left3A_1019, %shift_right_logical3A_1022 : vector<782x128xi32>
    %xor3A_1024 = arith.xori %or3A_1023, %add3A_1016 : vector<782x128xi32>
    %add3A_1025 = arith.addi %add3A_1016, %xor3A_1024 : vector<782x128xi32>
    %shift_left3A_1026 = arith.constant 29 : i32
    %shift_left3A_1027 = vector.broadcast %shift_left3A_1026 : i32 to vector<782x128xi32>
    %shift_left3A_1028 = arith.shli %xor3A_1024, %shift_left3A_1027 : vector<782x128xi32>
    %shift_right_logical3A_1029 = arith.constant 3 : i32
    %shift_right_logical3A_1030 = vector.broadcast %shift_right_logical3A_1029 : i32 to vector<782x128xi32>
    %shift_right_logical3A_1031 = arith.shrui %xor3A_1024, %shift_right_logical3A_1030 : vector<782x128xi32>
    %or3A_1032 = arith.ori %shift_left3A_1028, %shift_right_logical3A_1031 : vector<782x128xi32>
    %xor3A_1033 = arith.xori %or3A_1032, %add3A_1025 : vector<782x128xi32>
    %add3A_1034 = arith.addi %add3A_1025, %xor3A_1033 : vector<782x128xi32>
    %shift_left3A_1035 = arith.constant 16 : i32
    %shift_left3A_1036 = vector.broadcast %shift_left3A_1035 : i32 to vector<782x128xi32>
    %shift_left3A_1037 = arith.shli %xor3A_1033, %shift_left3A_1036 : vector<782x128xi32>
    %shift_right_logical3A_1038 = arith.constant 16 : i32
    %shift_right_logical3A_1039 = vector.broadcast %shift_right_logical3A_1038 : i32 to vector<782x128xi32>
    %shift_right_logical3A_1040 = arith.shrui %xor3A_1033, %shift_right_logical3A_1039 : vector<782x128xi32>
    %or3A_1041 = arith.ori %shift_left3A_1037, %shift_right_logical3A_1040 : vector<782x128xi32>
    %xor3A_1042 = arith.xori %or3A_1041, %add3A_1034 : vector<782x128xi32>
    %add3A_1043 = arith.addi %add3A_1034, %xor3A_1042 : vector<782x128xi32>
    %shift_left3A_1044 = arith.constant 24 : i32
    %shift_left3A_1045 = vector.broadcast %shift_left3A_1044 : i32 to vector<782x128xi32>
    %shift_left3A_1046 = arith.shli %xor3A_1042, %shift_left3A_1045 : vector<782x128xi32>
    %shift_right_logical3A_1047 = arith.constant 8 : i32
    %shift_right_logical3A_1048 = vector.broadcast %shift_right_logical3A_1047 : i32 to vector<782x128xi32>
    %shift_right_logical3A_1049 = arith.shrui %xor3A_1042, %shift_right_logical3A_1048 : vector<782x128xi32>
    %or3A_1050 = arith.ori %shift_left3A_1046, %shift_right_logical3A_1049 : vector<782x128xi32>
    %xor3A_1051 = arith.xori %or3A_1050, %add3A_1043 : vector<782x128xi32>
    %add3A_1052 = vector.broadcast %get3A_877 : i32 to vector<782x128xi32>
    %add3A_1053 = arith.addi %add3A_1043, %add3A_1052 : vector<782x128xi32>
    %add3A_1054 = vector.broadcast %xor3A_882 : i32 to vector<782x128xi32>
    %add3A_1055 = arith.addi %xor3A_1051, %add3A_1054 : vector<782x128xi32>
    %add3A_1056 = arith.constant 4 : i32
    %add3A_1057 = vector.broadcast %add3A_1056 : i32 to vector<782x128xi32>
    %add3A_1058 = arith.addi %add3A_1055, %add3A_1057 : vector<782x128xi32>
    %add3A_1059 = arith.addi %add3A_1053, %add3A_1058 : vector<782x128xi32>
    %shift_left3A_1060 = arith.constant 13 : i32
    %shift_left3A_1061 = vector.broadcast %shift_left3A_1060 : i32 to vector<782x128xi32>
    %shift_left3A_1062 = arith.shli %add3A_1058, %shift_left3A_1061 : vector<782x128xi32>
    %shift_right_logical3A_1063 = arith.constant 19 : i32
    %shift_right_logical3A_1064 = vector.broadcast %shift_right_logical3A_1063 : i32 to vector<782x128xi32>
    %shift_right_logical3A_1065 = arith.shrui %add3A_1058, %shift_right_logical3A_1064 : vector<782x128xi32>
    %or3A_1066 = arith.ori %shift_left3A_1062, %shift_right_logical3A_1065 : vector<782x128xi32>
    %xor3A_1067 = arith.xori %or3A_1066, %add3A_1059 : vector<782x128xi32>
    %add3A_1068 = arith.addi %add3A_1059, %xor3A_1067 : vector<782x128xi32>
    %shift_left3A_1069 = arith.constant 15 : i32
    %shift_left3A_1070 = vector.broadcast %shift_left3A_1069 : i32 to vector<782x128xi32>
    %shift_left3A_1071 = arith.shli %xor3A_1067, %shift_left3A_1070 : vector<782x128xi32>
    %shift_right_logical3A_1072 = arith.constant 17 : i32
    %shift_right_logical3A_1073 = vector.broadcast %shift_right_logical3A_1072 : i32 to vector<782x128xi32>
    %shift_right_logical3A_1074 = arith.shrui %xor3A_1067, %shift_right_logical3A_1073 : vector<782x128xi32>
    %or3A_1075 = arith.ori %shift_left3A_1071, %shift_right_logical3A_1074 : vector<782x128xi32>
    %xor3A_1076 = arith.xori %or3A_1075, %add3A_1068 : vector<782x128xi32>
    %add3A_1077 = arith.addi %add3A_1068, %xor3A_1076 : vector<782x128xi32>
    %shift_left3A_1078 = arith.constant 26 : i32
    %shift_left3A_1079 = vector.broadcast %shift_left3A_1078 : i32 to vector<782x128xi32>
    %shift_left3A_1080 = arith.shli %xor3A_1076, %shift_left3A_1079 : vector<782x128xi32>
    %shift_right_logical3A_1081 = arith.constant 6 : i32
    %shift_right_logical3A_1082 = vector.broadcast %shift_right_logical3A_1081 : i32 to vector<782x128xi32>
    %shift_right_logical3A_1083 = arith.shrui %xor3A_1076, %shift_right_logical3A_1082 : vector<782x128xi32>
    %or3A_1084 = arith.ori %shift_left3A_1080, %shift_right_logical3A_1083 : vector<782x128xi32>
    %xor3A_1085 = arith.xori %or3A_1084, %add3A_1077 : vector<782x128xi32>
    %add3A_1086 = arith.addi %add3A_1077, %xor3A_1085 : vector<782x128xi32>
    %shift_left3A_1087 = arith.constant 6 : i32
    %shift_left3A_1088 = vector.broadcast %shift_left3A_1087 : i32 to vector<782x128xi32>
    %shift_left3A_1089 = arith.shli %xor3A_1085, %shift_left3A_1088 : vector<782x128xi32>
    %shift_right_logical3A_1090 = arith.constant 26 : i32
    %shift_right_logical3A_1091 = vector.broadcast %shift_right_logical3A_1090 : i32 to vector<782x128xi32>
    %shift_right_logical3A_1092 = arith.shrui %xor3A_1085, %shift_right_logical3A_1091 : vector<782x128xi32>
    %or3A_1093 = arith.ori %shift_left3A_1089, %shift_right_logical3A_1092 : vector<782x128xi32>
    %xor3A_1094 = arith.xori %or3A_1093, %add3A_1086 : vector<782x128xi32>
    %add3A_1095 = vector.broadcast %xor3A_882 : i32 to vector<782x128xi32>
    %add3A_1096 = arith.addi %add3A_1086, %add3A_1095 : vector<782x128xi32>
    %add3A_1097 = vector.broadcast %get3A_874 : i32 to vector<782x128xi32>
    %add3A_1098 = arith.addi %xor3A_1094, %add3A_1097 : vector<782x128xi32>
    %add3A_1099 = arith.constant 5 : i32
    %add3A_1100 = vector.broadcast %add3A_1099 : i32 to vector<782x128xi32>
    %add3A_1101 = arith.addi %add3A_1098, %add3A_1100 : vector<782x128xi32>
    %xor3A_1102 = arith.xori %add3A_1096, %add3A_1101 : vector<782x128xi32>
    %shift_right_logical3A_1103 = arith.constant 9 : i32
    %shift_right_logical3A_1104 = vector.broadcast %shift_right_logical3A_1103 : i32 to vector<782x128xi32>
    %shift_right_logical3A_1105 = arith.shrui %xor3A_1102, %shift_right_logical3A_1104 : vector<782x128xi32>
    %or3A_1106 = arith.constant 1065353216 : i32
    %or3A_1107 = vector.broadcast %or3A_1106 : i32 to vector<782x128xi32>
    %or3A_1108 = arith.ori %shift_right_logical3A_1105, %or3A_1107 : vector<782x128xi32>
    %bitcast_convert_type3A_1109 = tpu.bitcast %or3A_1108 : vector<782x128xi32> -> vector<782x128xf32>
    %sub3A_1110 = arith.constant 1.000000e+00 : f32
    %sub3A_1111 = vector.broadcast %sub3A_1110 : f32 to vector<782x128xf32>
    %sub3A_1112 = arith.subf %bitcast_convert_type3A_1109, %sub3A_1111 : vector<782x128xf32>
    %sub3A_1113 = arith.constant 1.000000e+00 : f32
    %sub3A_1114 = arith.constant 1.17549435E-38 : f32
    %sub3A_1115 = arith.subf %sub3A_1113, %sub3A_1114 : f32
    %mul3A_1116 = vector.broadcast %sub3A_1115 : f32 to vector<782x128xf32>
    %mul3A_1117 = arith.mulf %sub3A_1112, %mul3A_1116 : vector<782x128xf32>
    %add3A_1118 = arith.constant 1.17549435E-38 : f32
    %add3A_1119 = vector.broadcast %add3A_1118 : f32 to vector<782x128xf32>
    %add3A_1120 = arith.addf %mul3A_1117, %add3A_1119 : vector<782x128xf32>
    %max3A_1121 = arith.constant 1.17549435E-38 : f32
    %max3A_1122 = vector.broadcast %max3A_1121 : f32 to vector<782x128xf32>
    %max3A_1123 = arith.maximumf %max3A_1122, %add3A_1120 : vector<782x128xf32>
    %log3A_1124 = math.log %max3A_1123 : vector<782x128xf32>
    %neg3A_1125 = arith.constant 0.000000e+00 : f32
    %neg3A_1126 = vector.broadcast %neg3A_1125 : f32 to vector<782x128xf32>
    %neg3A_1127 = arith.subf %neg3A_1126, %log3A_1124 : vector<782x128xf32>
    %log3A_1128 = math.log %neg3A_1127 : vector<782x128xf32>
    %neg3A_1129 = arith.constant 0.000000e+00 : f32
    %neg3A_1130 = vector.broadcast %neg3A_1129 : f32 to vector<782x128xf32>
    %neg3A_1131 = arith.subf %neg3A_1130, %log3A_1128 : vector<782x128xf32>
    %jit3A_1132 = arith.constant -1.000000e+30 : f32
    %broadcast_in_dim3A_1133 = vector.broadcast %jit3A_1132 : f32 to vector<782x128xf32>
    %select_n3A_1134 = arith.select %ge3A_9, %broadcast_in_dim3A_1133, %neg3A_1131 : vector<782x128xi1>, vector<782x128xf32>
    %get3A_1135 = arith.constant 0 : index
    %get3A_1136 = arith.constant 0 : index
    %get3A_1137 = vector.load %arg2[%get3A_1135, %get3A_1136] : memref<782x128xi32, #tpu.memory_space<vmem>>, vector<782x128xi32>
    %le3A_1138 = vector.broadcast %add3A_871 : i32 to vector<782x128xi32>
    %le3A_1139 = arith.cmpi sle, %get3A_1137, %le3A_1138 : vector<782x128xi32>
    %broadcast_in_dim3A_1140 = vector.broadcast %log3A_4 : f32 to vector<782x128xf32>
    %select_n3A_1141 = arith.select %le3A_1139, %broadcast_in_dim3A_1140, %log3A : vector<782x128xi1>, vector<782x128xf32>
    %add3A_1142 = arith.addf %select_n3A_1141, %select_n3A_1134 : vector<782x128xf32>
    %bitcast_convert_type3A_1143 = tpu.bitcast %add3A_1142 : vector<782x128xf32> -> vector<782x128xi32>
    %lt3A_1144 = arith.constant 0 : i32
    %lt3A_1145 = vector.broadcast %lt3A_1144 : i32 to vector<782x128xi32>
    %lt3A_1146 = arith.cmpi slt, %bitcast_convert_type3A_1143, %lt3A_1145 : vector<782x128xi32>
    %xor3A_1147 = arith.constant 2147483647 : i32
    %xor3A_1148 = vector.broadcast %xor3A_1147 : i32 to vector<782x128xi32>
    %xor3A_1149 = arith.xori %bitcast_convert_type3A_1143, %xor3A_1148 : vector<782x128xi32>
    %select_n3A_1150 = arith.select %lt3A_1146, %xor3A_1149, %bitcast_convert_type3A_1143 : vector<782x128xi1>, vector<782x128xi32>
    %swap3A_1151 = arith.constant 0 : index
    %swap3A_1152 = arith.constant 3 : index
    %swap3A_1153 = arith.constant 0 : index
    %swap3A_1154 = arith.constant 0 : index
    %swap3A_1155 = vector.load %arg4[%swap3A_1151, %swap3A_1152, %swap3A_1153, %swap3A_1154] : memref<1x16x782x128xi32, #tpu.memory_space<vmem>>, vector<1x1x782x128xi32>
    %swap3A_1156 = vector.shape_cast %swap3A_1155 : vector<1x1x782x128xi32> to vector<782x128xi32>
    %swap3A_1157 = vector.shape_cast %select_n3A_1150 : vector<782x128xi32> to vector<1x1x782x128xi32>
    tpu.vector_store %arg4[%swap3A_1151, %swap3A_1152, %swap3A_1153, %swap3A_1154], %swap3A_1157 {strides = array<i32>} : memref<1x16x782x128xi32, #tpu.memory_space<vmem>>, vector<1x1x782x128xi32>,
    %mul3A_1158 = arith.constant 16 : i32
    %mul3A_1159 = arith.muli %arg0, %mul3A_1158 : i32
    %add3A_1160 = arith.constant 4 : i32
    %add3A_1161 = arith.addi %mul3A_1159, %add3A_1160 : i32
    %get3A_1162 = arith.index_cast %add3A_1161 : i32 to index
    %get3A_1163 = arith.constant 0 : index
    %get3A_1164 = memref.load %arg1[%get3A_1162, %get3A_1163] : memref<64x2xi32, #tpu.memory_space<smem>>
    %get3A_1165 = arith.index_cast %add3A_1161 : i32 to index
    %get3A_1166 = arith.constant 1 : index
    %get3A_1167 = memref.load %arg1[%get3A_1165, %get3A_1166] : memref<64x2xi32, #tpu.memory_space<smem>>
    %broadcast_in_dim3A_1168 = arith.constant 0 : i32
    %broadcast_in_dim3A_1169 = vector.broadcast %broadcast_in_dim3A_1168 : i32 to vector<782x128xi32>
    %xor3A_1170 = arith.xori %get3A_1164, %get3A_1167 : i32
    %xor3A_1171 = arith.constant 466688986 : i32
    %xor3A_1172 = arith.xori %xor3A_1170, %xor3A_1171 : i32
    %add3A_1173 = vector.broadcast %get3A_1164 : i32 to vector<782x128xi32>
    %add3A_1174 = arith.addi %broadcast_in_dim3A_1169, %add3A_1173 : vector<782x128xi32>
    %add3A_1175 = vector.broadcast %get3A_1167 : i32 to vector<782x128xi32>
    %add3A_1176 = arith.addi %add3A, %add3A_1175 : vector<782x128xi32>
    %add3A_1177 = arith.addi %add3A_1174, %add3A_1176 : vector<782x128xi32>
    %shift_left3A_1178 = arith.constant 13 : i32
    %shift_left3A_1179 = vector.broadcast %shift_left3A_1178 : i32 to vector<782x128xi32>
    %shift_left3A_1180 = arith.shli %add3A_1176, %shift_left3A_1179 : vector<782x128xi32>
    %shift_right_logical3A_1181 = arith.constant 19 : i32
    %shift_right_logical3A_1182 = vector.broadcast %shift_right_logical3A_1181 : i32 to vector<782x128xi32>
    %shift_right_logical3A_1183 = arith.shrui %add3A_1176, %shift_right_logical3A_1182 : vector<782x128xi32>
    %or3A_1184 = arith.ori %shift_left3A_1180, %shift_right_logical3A_1183 : vector<782x128xi32>
    %xor3A_1185 = arith.xori %or3A_1184, %add3A_1177 : vector<782x128xi32>
    %add3A_1186 = arith.addi %add3A_1177, %xor3A_1185 : vector<782x128xi32>
    %shift_left3A_1187 = arith.constant 15 : i32
    %shift_left3A_1188 = vector.broadcast %shift_left3A_1187 : i32 to vector<782x128xi32>
    %shift_left3A_1189 = arith.shli %xor3A_1185, %shift_left3A_1188 : vector<782x128xi32>
    %shift_right_logical3A_1190 = arith.constant 17 : i32
    %shift_right_logical3A_1191 = vector.broadcast %shift_right_logical3A_1190 : i32 to vector<782x128xi32>
    %shift_right_logical3A_1192 = arith.shrui %xor3A_1185, %shift_right_logical3A_1191 : vector<782x128xi32>
    %or3A_1193 = arith.ori %shift_left3A_1189, %shift_right_logical3A_1192 : vector<782x128xi32>
    %xor3A_1194 = arith.xori %or3A_1193, %add3A_1186 : vector<782x128xi32>
    %add3A_1195 = arith.addi %add3A_1186, %xor3A_1194 : vector<782x128xi32>
    %shift_left3A_1196 = arith.constant 26 : i32
    %shift_left3A_1197 = vector.broadcast %shift_left3A_1196 : i32 to vector<782x128xi32>
    %shift_left3A_1198 = arith.shli %xor3A_1194, %shift_left3A_1197 : vector<782x128xi32>
    %shift_right_logical3A_1199 = arith.constant 6 : i32
    %shift_right_logical3A_1200 = vector.broadcast %shift_right_logical3A_1199 : i32 to vector<782x128xi32>
    %shift_right_logical3A_1201 = arith.shrui %xor3A_1194, %shift_right_logical3A_1200 : vector<782x128xi32>
    %or3A_1202 = arith.ori %shift_left3A_1198, %shift_right_logical3A_1201 : vector<782x128xi32>
    %xor3A_1203 = arith.xori %or3A_1202, %add3A_1195 : vector<782x128xi32>
    %add3A_1204 = arith.addi %add3A_1195, %xor3A_1203 : vector<782x128xi32>
    %shift_left3A_1205 = arith.constant 6 : i32
    %shift_left3A_1206 = vector.broadcast %shift_left3A_1205 : i32 to vector<782x128xi32>
    %shift_left3A_1207 = arith.shli %xor3A_1203, %shift_left3A_1206 : vector<782x128xi32>
    %shift_right_logical3A_1208 = arith.constant 26 : i32
    %shift_right_logical3A_1209 = vector.broadcast %shift_right_logical3A_1208 : i32 to vector<782x128xi32>
    %shift_right_logical3A_1210 = arith.shrui %xor3A_1203, %shift_right_logical3A_1209 : vector<782x128xi32>
    %or3A_1211 = arith.ori %shift_left3A_1207, %shift_right_logical3A_1210 : vector<782x128xi32>
    %xor3A_1212 = arith.xori %or3A_1211, %add3A_1204 : vector<782x128xi32>
    %add3A_1213 = vector.broadcast %get3A_1167 : i32 to vector<782x128xi32>
    %add3A_1214 = arith.addi %add3A_1204, %add3A_1213 : vector<782x128xi32>
    %add3A_1215 = vector.broadcast %xor3A_1172 : i32 to vector<782x128xi32>
    %add3A_1216 = arith.addi %xor3A_1212, %add3A_1215 : vector<782x128xi32>
    %add3A_1217 = arith.constant 1 : i32
    %add3A_1218 = vector.broadcast %add3A_1217 : i32 to vector<782x128xi32>
    %add3A_1219 = arith.addi %add3A_1216, %add3A_1218 : vector<782x128xi32>
    %add3A_1220 = arith.addi %add3A_1214, %add3A_1219 : vector<782x128xi32>
    %shift_left3A_1221 = arith.constant 17 : i32
    %shift_left3A_1222 = vector.broadcast %shift_left3A_1221 : i32 to vector<782x128xi32>
    %shift_left3A_1223 = arith.shli %add3A_1219, %shift_left3A_1222 : vector<782x128xi32>
    %shift_right_logical3A_1224 = arith.constant 15 : i32
    %shift_right_logical3A_1225 = vector.broadcast %shift_right_logical3A_1224 : i32 to vector<782x128xi32>
    %shift_right_logical3A_1226 = arith.shrui %add3A_1219, %shift_right_logical3A_1225 : vector<782x128xi32>
    %or3A_1227 = arith.ori %shift_left3A_1223, %shift_right_logical3A_1226 : vector<782x128xi32>
    %xor3A_1228 = arith.xori %or3A_1227, %add3A_1220 : vector<782x128xi32>
    %add3A_1229 = arith.addi %add3A_1220, %xor3A_1228 : vector<782x128xi32>
    %shift_left3A_1230 = arith.constant 29 : i32
    %shift_left3A_1231 = vector.broadcast %shift_left3A_1230 : i32 to vector<782x128xi32>
    %shift_left3A_1232 = arith.shli %xor3A_1228, %shift_left3A_1231 : vector<782x128xi32>
    %shift_right_logical3A_1233 = arith.constant 3 : i32
    %shift_right_logical3A_1234 = vector.broadcast %shift_right_logical3A_1233 : i32 to vector<782x128xi32>
    %shift_right_logical3A_1235 = arith.shrui %xor3A_1228, %shift_right_logical3A_1234 : vector<782x128xi32>
    %or3A_1236 = arith.ori %shift_left3A_1232, %shift_right_logical3A_1235 : vector<782x128xi32>
    %xor3A_1237 = arith.xori %or3A_1236, %add3A_1229 : vector<782x128xi32>
    %add3A_1238 = arith.addi %add3A_1229, %xor3A_1237 : vector<782x128xi32>
    %shift_left3A_1239 = arith.constant 16 : i32
    %shift_left3A_1240 = vector.broadcast %shift_left3A_1239 : i32 to vector<782x128xi32>
    %shift_left3A_1241 = arith.shli %xor3A_1237, %shift_left3A_1240 : vector<782x128xi32>
    %shift_right_logical3A_1242 = arith.constant 16 : i32
    %shift_right_logical3A_1243 = vector.broadcast %shift_right_logical3A_1242 : i32 to vector<782x128xi32>
    %shift_right_logical3A_1244 = arith.shrui %xor3A_1237, %shift_right_logical3A_1243 : vector<782x128xi32>
    %or3A_1245 = arith.ori %shift_left3A_1241, %shift_right_logical3A_1244 : vector<782x128xi32>
    %xor3A_1246 = arith.xori %or3A_1245, %add3A_1238 : vector<782x128xi32>
    %add3A_1247 = arith.addi %add3A_1238, %xor3A_1246 : vector<782x128xi32>
    %shift_left3A_1248 = arith.constant 24 : i32
    %shift_left3A_1249 = vector.broadcast %shift_left3A_1248 : i32 to vector<782x128xi32>
    %shift_left3A_1250 = arith.shli %xor3A_1246, %shift_left3A_1249 : vector<782x128xi32>
    %shift_right_logical3A_1251 = arith.constant 8 : i32
    %shift_right_logical3A_1252 = vector.broadcast %shift_right_logical3A_1251 : i32 to vector<782x128xi32>
    %shift_right_logical3A_1253 = arith.shrui %xor3A_1246, %shift_right_logical3A_1252 : vector<782x128xi32>
    %or3A_1254 = arith.ori %shift_left3A_1250, %shift_right_logical3A_1253 : vector<782x128xi32>
    %xor3A_1255 = arith.xori %or3A_1254, %add3A_1247 : vector<782x128xi32>
    %add3A_1256 = vector.broadcast %xor3A_1172 : i32 to vector<782x128xi32>
    %add3A_1257 = arith.addi %add3A_1247, %add3A_1256 : vector<782x128xi32>
    %add3A_1258 = vector.broadcast %get3A_1164 : i32 to vector<782x128xi32>
    %add3A_1259 = arith.addi %xor3A_1255, %add3A_1258 : vector<782x128xi32>
    %add3A_1260 = arith.constant 2 : i32
    %add3A_1261 = vector.broadcast %add3A_1260 : i32 to vector<782x128xi32>
    %add3A_1262 = arith.addi %add3A_1259, %add3A_1261 : vector<782x128xi32>
    %add3A_1263 = arith.addi %add3A_1257, %add3A_1262 : vector<782x128xi32>
    %shift_left3A_1264 = arith.constant 13 : i32
    %shift_left3A_1265 = vector.broadcast %shift_left3A_1264 : i32 to vector<782x128xi32>
    %shift_left3A_1266 = arith.shli %add3A_1262, %shift_left3A_1265 : vector<782x128xi32>
    %shift_right_logical3A_1267 = arith.constant 19 : i32
    %shift_right_logical3A_1268 = vector.broadcast %shift_right_logical3A_1267 : i32 to vector<782x128xi32>
    %shift_right_logical3A_1269 = arith.shrui %add3A_1262, %shift_right_logical3A_1268 : vector<782x128xi32>
    %or3A_1270 = arith.ori %shift_left3A_1266, %shift_right_logical3A_1269 : vector<782x128xi32>
    %xor3A_1271 = arith.xori %or3A_1270, %add3A_1263 : vector<782x128xi32>
    %add3A_1272 = arith.addi %add3A_1263, %xor3A_1271 : vector<782x128xi32>
    %shift_left3A_1273 = arith.constant 15 : i32
    %shift_left3A_1274 = vector.broadcast %shift_left3A_1273 : i32 to vector<782x128xi32>
    %shift_left3A_1275 = arith.shli %xor3A_1271, %shift_left3A_1274 : vector<782x128xi32>
    %shift_right_logical3A_1276 = arith.constant 17 : i32
    %shift_right_logical3A_1277 = vector.broadcast %shift_right_logical3A_1276 : i32 to vector<782x128xi32>
    %shift_right_logical3A_1278 = arith.shrui %xor3A_1271, %shift_right_logical3A_1277 : vector<782x128xi32>
    %or3A_1279 = arith.ori %shift_left3A_1275, %shift_right_logical3A_1278 : vector<782x128xi32>
    %xor3A_1280 = arith.xori %or3A_1279, %add3A_1272 : vector<782x128xi32>
    %add3A_1281 = arith.addi %add3A_1272, %xor3A_1280 : vector<782x128xi32>
    %shift_left3A_1282 = arith.constant 26 : i32
    %shift_left3A_1283 = vector.broadcast %shift_left3A_1282 : i32 to vector<782x128xi32>
    %shift_left3A_1284 = arith.shli %xor3A_1280, %shift_left3A_1283 : vector<782x128xi32>
    %shift_right_logical3A_1285 = arith.constant 6 : i32
    %shift_right_logical3A_1286 = vector.broadcast %shift_right_logical3A_1285 : i32 to vector<782x128xi32>
    %shift_right_logical3A_1287 = arith.shrui %xor3A_1280, %shift_right_logical3A_1286 : vector<782x128xi32>
    %or3A_1288 = arith.ori %shift_left3A_1284, %shift_right_logical3A_1287 : vector<782x128xi32>
    %xor3A_1289 = arith.xori %or3A_1288, %add3A_1281 : vector<782x128xi32>
    %add3A_1290 = arith.addi %add3A_1281, %xor3A_1289 : vector<782x128xi32>
    %shift_left3A_1291 = arith.constant 6 : i32
    %shift_left3A_1292 = vector.broadcast %shift_left3A_1291 : i32 to vector<782x128xi32>
    %shift_left3A_1293 = arith.shli %xor3A_1289, %shift_left3A_1292 : vector<782x128xi32>
    %shift_right_logical3A_1294 = arith.constant 26 : i32
    %shift_right_logical3A_1295 = vector.broadcast %shift_right_logical3A_1294 : i32 to vector<782x128xi32>
    %shift_right_logical3A_1296 = arith.shrui %xor3A_1289, %shift_right_logical3A_1295 : vector<782x128xi32>
    %or3A_1297 = arith.ori %shift_left3A_1293, %shift_right_logical3A_1296 : vector<782x128xi32>
    %xor3A_1298 = arith.xori %or3A_1297, %add3A_1290 : vector<782x128xi32>
    %add3A_1299 = vector.broadcast %get3A_1164 : i32 to vector<782x128xi32>
    %add3A_1300 = arith.addi %add3A_1290, %add3A_1299 : vector<782x128xi32>
    %add3A_1301 = vector.broadcast %get3A_1167 : i32 to vector<782x128xi32>
    %add3A_1302 = arith.addi %xor3A_1298, %add3A_1301 : vector<782x128xi32>
    %add3A_1303 = arith.constant 3 : i32
    %add3A_1304 = vector.broadcast %add3A_1303 : i32 to vector<782x128xi32>
    %add3A_1305 = arith.addi %add3A_1302, %add3A_1304 : vector<782x128xi32>
    %add3A_1306 = arith.addi %add3A_1300, %add3A_1305 : vector<782x128xi32>
    %shift_left3A_1307 = arith.constant 17 : i32
    %shift_left3A_1308 = vector.broadcast %shift_left3A_1307 : i32 to vector<782x128xi32>
    %shift_left3A_1309 = arith.shli %add3A_1305, %shift_left3A_1308 : vector<782x128xi32>
    %shift_right_logical3A_1310 = arith.constant 15 : i32
    %shift_right_logical3A_1311 = vector.broadcast %shift_right_logical3A_1310 : i32 to vector<782x128xi32>
    %shift_right_logical3A_1312 = arith.shrui %add3A_1305, %shift_right_logical3A_1311 : vector<782x128xi32>
    %or3A_1313 = arith.ori %shift_left3A_1309, %shift_right_logical3A_1312 : vector<782x128xi32>
    %xor3A_1314 = arith.xori %or3A_1313, %add3A_1306 : vector<782x128xi32>
    %add3A_1315 = arith.addi %add3A_1306, %xor3A_1314 : vector<782x128xi32>
    %shift_left3A_1316 = arith.constant 29 : i32
    %shift_left3A_1317 = vector.broadcast %shift_left3A_1316 : i32 to vector<782x128xi32>
    %shift_left3A_1318 = arith.shli %xor3A_1314, %shift_left3A_1317 : vector<782x128xi32>
    %shift_right_logical3A_1319 = arith.constant 3 : i32
    %shift_right_logical3A_1320 = vector.broadcast %shift_right_logical3A_1319 : i32 to vector<782x128xi32>
    %shift_right_logical3A_1321 = arith.shrui %xor3A_1314, %shift_right_logical3A_1320 : vector<782x128xi32>
    %or3A_1322 = arith.ori %shift_left3A_1318, %shift_right_logical3A_1321 : vector<782x128xi32>
    %xor3A_1323 = arith.xori %or3A_1322, %add3A_1315 : vector<782x128xi32>
    %add3A_1324 = arith.addi %add3A_1315, %xor3A_1323 : vector<782x128xi32>
    %shift_left3A_1325 = arith.constant 16 : i32
    %shift_left3A_1326 = vector.broadcast %shift_left3A_1325 : i32 to vector<782x128xi32>
    %shift_left3A_1327 = arith.shli %xor3A_1323, %shift_left3A_1326 : vector<782x128xi32>
    %shift_right_logical3A_1328 = arith.constant 16 : i32
    %shift_right_logical3A_1329 = vector.broadcast %shift_right_logical3A_1328 : i32 to vector<782x128xi32>
    %shift_right_logical3A_1330 = arith.shrui %xor3A_1323, %shift_right_logical3A_1329 : vector<782x128xi32>
    %or3A_1331 = arith.ori %shift_left3A_1327, %shift_right_logical3A_1330 : vector<782x128xi32>
    %xor3A_1332 = arith.xori %or3A_1331, %add3A_1324 : vector<782x128xi32>
    %add3A_1333 = arith.addi %add3A_1324, %xor3A_1332 : vector<782x128xi32>
    %shift_left3A_1334 = arith.constant 24 : i32
    %shift_left3A_1335 = vector.broadcast %shift_left3A_1334 : i32 to vector<782x128xi32>
    %shift_left3A_1336 = arith.shli %xor3A_1332, %shift_left3A_1335 : vector<782x128xi32>
    %shift_right_logical3A_1337 = arith.constant 8 : i32
    %shift_right_logical3A_1338 = vector.broadcast %shift_right_logical3A_1337 : i32 to vector<782x128xi32>
    %shift_right_logical3A_1339 = arith.shrui %xor3A_1332, %shift_right_logical3A_1338 : vector<782x128xi32>
    %or3A_1340 = arith.ori %shift_left3A_1336, %shift_right_logical3A_1339 : vector<782x128xi32>
    %xor3A_1341 = arith.xori %or3A_1340, %add3A_1333 : vector<782x128xi32>
    %add3A_1342 = vector.broadcast %get3A_1167 : i32 to vector<782x128xi32>
    %add3A_1343 = arith.addi %add3A_1333, %add3A_1342 : vector<782x128xi32>
    %add3A_1344 = vector.broadcast %xor3A_1172 : i32 to vector<782x128xi32>
    %add3A_1345 = arith.addi %xor3A_1341, %add3A_1344 : vector<782x128xi32>
    %add3A_1346 = arith.constant 4 : i32
    %add3A_1347 = vector.broadcast %add3A_1346 : i32 to vector<782x128xi32>
    %add3A_1348 = arith.addi %add3A_1345, %add3A_1347 : vector<782x128xi32>
    %add3A_1349 = arith.addi %add3A_1343, %add3A_1348 : vector<782x128xi32>
    %shift_left3A_1350 = arith.constant 13 : i32
    %shift_left3A_1351 = vector.broadcast %shift_left3A_1350 : i32 to vector<782x128xi32>
    %shift_left3A_1352 = arith.shli %add3A_1348, %shift_left3A_1351 : vector<782x128xi32>
    %shift_right_logical3A_1353 = arith.constant 19 : i32
    %shift_right_logical3A_1354 = vector.broadcast %shift_right_logical3A_1353 : i32 to vector<782x128xi32>
    %shift_right_logical3A_1355 = arith.shrui %add3A_1348, %shift_right_logical3A_1354 : vector<782x128xi32>
    %or3A_1356 = arith.ori %shift_left3A_1352, %shift_right_logical3A_1355 : vector<782x128xi32>
    %xor3A_1357 = arith.xori %or3A_1356, %add3A_1349 : vector<782x128xi32>
    %add3A_1358 = arith.addi %add3A_1349, %xor3A_1357 : vector<782x128xi32>
    %shift_left3A_1359 = arith.constant 15 : i32
    %shift_left3A_1360 = vector.broadcast %shift_left3A_1359 : i32 to vector<782x128xi32>
    %shift_left3A_1361 = arith.shli %xor3A_1357, %shift_left3A_1360 : vector<782x128xi32>
    %shift_right_logical3A_1362 = arith.constant 17 : i32
    %shift_right_logical3A_1363 = vector.broadcast %shift_right_logical3A_1362 : i32 to vector<782x128xi32>
    %shift_right_logical3A_1364 = arith.shrui %xor3A_1357, %shift_right_logical3A_1363 : vector<782x128xi32>
    %or3A_1365 = arith.ori %shift_left3A_1361, %shift_right_logical3A_1364 : vector<782x128xi32>
    %xor3A_1366 = arith.xori %or3A_1365, %add3A_1358 : vector<782x128xi32>
    %add3A_1367 = arith.addi %add3A_1358, %xor3A_1366 : vector<782x128xi32>
    %shift_left3A_1368 = arith.constant 26 : i32
    %shift_left3A_1369 = vector.broadcast %shift_left3A_1368 : i32 to vector<782x128xi32>
    %shift_left3A_1370 = arith.shli %xor3A_1366, %shift_left3A_1369 : vector<782x128xi32>
    %shift_right_logical3A_1371 = arith.constant 6 : i32
    %shift_right_logical3A_1372 = vector.broadcast %shift_right_logical3A_1371 : i32 to vector<782x128xi32>
    %shift_right_logical3A_1373 = arith.shrui %xor3A_1366, %shift_right_logical3A_1372 : vector<782x128xi32>
    %or3A_1374 = arith.ori %shift_left3A_1370, %shift_right_logical3A_1373 : vector<782x128xi32>
    %xor3A_1375 = arith.xori %or3A_1374, %add3A_1367 : vector<782x128xi32>
    %add3A_1376 = arith.addi %add3A_1367, %xor3A_1375 : vector<782x128xi32>
    %shift_left3A_1377 = arith.constant 6 : i32
    %shift_left3A_1378 = vector.broadcast %shift_left3A_1377 : i32 to vector<782x128xi32>
    %shift_left3A_1379 = arith.shli %xor3A_1375, %shift_left3A_1378 : vector<782x128xi32>
    %shift_right_logical3A_1380 = arith.constant 26 : i32
    %shift_right_logical3A_1381 = vector.broadcast %shift_right_logical3A_1380 : i32 to vector<782x128xi32>
    %shift_right_logical3A_1382 = arith.shrui %xor3A_1375, %shift_right_logical3A_1381 : vector<782x128xi32>
    %or3A_1383 = arith.ori %shift_left3A_1379, %shift_right_logical3A_1382 : vector<782x128xi32>
    %xor3A_1384 = arith.xori %or3A_1383, %add3A_1376 : vector<782x128xi32>
    %add3A_1385 = vector.broadcast %xor3A_1172 : i32 to vector<782x128xi32>
    %add3A_1386 = arith.addi %add3A_1376, %add3A_1385 : vector<782x128xi32>
    %add3A_1387 = vector.broadcast %get3A_1164 : i32 to vector<782x128xi32>
    %add3A_1388 = arith.addi %xor3A_1384, %add3A_1387 : vector<782x128xi32>
    %add3A_1389 = arith.constant 5 : i32
    %add3A_1390 = vector.broadcast %add3A_1389 : i32 to vector<782x128xi32>
    %add3A_1391 = arith.addi %add3A_1388, %add3A_1390 : vector<782x128xi32>
    %xor3A_1392 = arith.xori %add3A_1386, %add3A_1391 : vector<782x128xi32>
    %shift_right_logical3A_1393 = arith.constant 9 : i32
    %shift_right_logical3A_1394 = vector.broadcast %shift_right_logical3A_1393 : i32 to vector<782x128xi32>
    %shift_right_logical3A_1395 = arith.shrui %xor3A_1392, %shift_right_logical3A_1394 : vector<782x128xi32>
    %or3A_1396 = arith.constant 1065353216 : i32
    %or3A_1397 = vector.broadcast %or3A_1396 : i32 to vector<782x128xi32>
    %or3A_1398 = arith.ori %shift_right_logical3A_1395, %or3A_1397 : vector<782x128xi32>
    %bitcast_convert_type3A_1399 = tpu.bitcast %or3A_1398 : vector<782x128xi32> -> vector<782x128xf32>
    %sub3A_1400 = arith.constant 1.000000e+00 : f32
    %sub3A_1401 = vector.broadcast %sub3A_1400 : f32 to vector<782x128xf32>
    %sub3A_1402 = arith.subf %bitcast_convert_type3A_1399, %sub3A_1401 : vector<782x128xf32>
    %sub3A_1403 = arith.constant 1.000000e+00 : f32
    %sub3A_1404 = arith.constant 1.17549435E-38 : f32
    %sub3A_1405 = arith.subf %sub3A_1403, %sub3A_1404 : f32
    %mul3A_1406 = vector.broadcast %sub3A_1405 : f32 to vector<782x128xf32>
    %mul3A_1407 = arith.mulf %sub3A_1402, %mul3A_1406 : vector<782x128xf32>
    %add3A_1408 = arith.constant 1.17549435E-38 : f32
    %add3A_1409 = vector.broadcast %add3A_1408 : f32 to vector<782x128xf32>
    %add3A_1410 = arith.addf %mul3A_1407, %add3A_1409 : vector<782x128xf32>
    %max3A_1411 = arith.constant 1.17549435E-38 : f32
    %max3A_1412 = vector.broadcast %max3A_1411 : f32 to vector<782x128xf32>
    %max3A_1413 = arith.maximumf %max3A_1412, %add3A_1410 : vector<782x128xf32>
    %log3A_1414 = math.log %max3A_1413 : vector<782x128xf32>
    %neg3A_1415 = arith.constant 0.000000e+00 : f32
    %neg3A_1416 = vector.broadcast %neg3A_1415 : f32 to vector<782x128xf32>
    %neg3A_1417 = arith.subf %neg3A_1416, %log3A_1414 : vector<782x128xf32>
    %log3A_1418 = math.log %neg3A_1417 : vector<782x128xf32>
    %neg3A_1419 = arith.constant 0.000000e+00 : f32
    %neg3A_1420 = vector.broadcast %neg3A_1419 : f32 to vector<782x128xf32>
    %neg3A_1421 = arith.subf %neg3A_1420, %log3A_1418 : vector<782x128xf32>
    %jit3A_1422 = arith.constant -1.000000e+30 : f32
    %broadcast_in_dim3A_1423 = vector.broadcast %jit3A_1422 : f32 to vector<782x128xf32>
    %select_n3A_1424 = arith.select %ge3A_9, %broadcast_in_dim3A_1423, %neg3A_1421 : vector<782x128xi1>, vector<782x128xf32>
    %get3A_1425 = arith.constant 0 : index
    %get3A_1426 = arith.constant 0 : index
    %get3A_1427 = vector.load %arg2[%get3A_1425, %get3A_1426] : memref<782x128xi32, #tpu.memory_space<vmem>>, vector<782x128xi32>
    %le3A_1428 = vector.broadcast %add3A_1161 : i32 to vector<782x128xi32>
    %le3A_1429 = arith.cmpi sle, %get3A_1427, %le3A_1428 : vector<782x128xi32>
    %broadcast_in_dim3A_1430 = vector.broadcast %log3A_4 : f32 to vector<782x128xf32>
    %select_n3A_1431 = arith.select %le3A_1429, %broadcast_in_dim3A_1430, %log3A : vector<782x128xi1>, vector<782x128xf32>
    %add3A_1432 = arith.addf %select_n3A_1431, %select_n3A_1424 : vector<782x128xf32>
    %bitcast_convert_type3A_1433 = tpu.bitcast %add3A_1432 : vector<782x128xf32> -> vector<782x128xi32>
    %lt3A_1434 = arith.constant 0 : i32
    %lt3A_1435 = vector.broadcast %lt3A_1434 : i32 to vector<782x128xi32>
    %lt3A_1436 = arith.cmpi slt, %bitcast_convert_type3A_1433, %lt3A_1435 : vector<782x128xi32>
    %xor3A_1437 = arith.constant 2147483647 : i32
    %xor3A_1438 = vector.broadcast %xor3A_1437 : i32 to vector<782x128xi32>
    %xor3A_1439 = arith.xori %bitcast_convert_type3A_1433, %xor3A_1438 : vector<782x128xi32>
    %select_n3A_1440 = arith.select %lt3A_1436, %xor3A_1439, %bitcast_convert_type3A_1433 : vector<782x128xi1>, vector<782x128xi32>
    %swap3A_1441 = arith.constant 0 : index
    %swap3A_1442 = arith.constant 4 : index
    %swap3A_1443 = arith.constant 0 : index
    %swap3A_1444 = arith.constant 0 : index
    %swap3A_1445 = vector.load %arg4[%swap3A_1441, %swap3A_1442, %swap3A_1443, %swap3A_1444] : memref<1x16x782x128xi32, #tpu.memory_space<vmem>>, vector<1x1x782x128xi32>
    %swap3A_1446 = vector.shape_cast %swap3A_1445 : vector<1x1x782x128xi32> to vector<782x128xi32>
    %swap3A_1447 = vector.shape_cast %select_n3A_1440 : vector<782x128xi32> to vector<1x1x782x128xi32>
    tpu.vector_store %arg4[%swap3A_1441, %swap3A_1442, %swap3A_1443, %swap3A_1444], %swap3A_1447 {strides = array<i32>} : memref<1x16x782x128xi32, #tpu.memory_space<vmem>>, vector<1x1x782x128xi32>,
    %mul3A_1448 = arith.constant 16 : i32
    %mul3A_1449 = arith.muli %arg0, %mul3A_1448 : i32
    %add3A_1450 = arith.constant 5 : i32
    %add3A_1451 = arith.addi %mul3A_1449, %add3A_1450 : i32
    %get3A_1452 = arith.index_cast %add3A_1451 : i32 to index
    %get3A_1453 = arith.constant 0 : index
    %get3A_1454 = memref.load %arg1[%get3A_1452, %get3A_1453] : memref<64x2xi32, #tpu.memory_space<smem>>
    %get3A_1455 = arith.index_cast %add3A_1451 : i32 to index
    %get3A_1456 = arith.constant 1 : index
    %get3A_1457 = memref.load %arg1[%get3A_1455, %get3A_1456] : memref<64x2xi32, #tpu.memory_space<smem>>
    %broadcast_in_dim3A_1458 = arith.constant 0 : i32
    %broadcast_in_dim3A_1459 = vector.broadcast %broadcast_in_dim3A_1458 : i32 to vector<782x128xi32>
    %xor3A_1460 = arith.xori %get3A_1454, %get3A_1457 : i32
    %xor3A_1461 = arith.constant 466688986 : i32
    %xor3A_1462 = arith.xori %xor3A_1460, %xor3A_1461 : i32
    %add3A_1463 = vector.broadcast %get3A_1454 : i32 to vector<782x128xi32>
    %add3A_1464 = arith.addi %broadcast_in_dim3A_1459, %add3A_1463 : vector<782x128xi32>
    %add3A_1465 = vector.broadcast %get3A_1457 : i32 to vector<782x128xi32>
    %add3A_1466 = arith.addi %add3A, %add3A_1465 : vector<782x128xi32>
    %add3A_1467 = arith.addi %add3A_1464, %add3A_1466 : vector<782x128xi32>
    %shift_left3A_1468 = arith.constant 13 : i32
    %shift_left3A_1469 = vector.broadcast %shift_left3A_1468 : i32 to vector<782x128xi32>
    %shift_left3A_1470 = arith.shli %add3A_1466, %shift_left3A_1469 : vector<782x128xi32>
    %shift_right_logical3A_1471 = arith.constant 19 : i32
    %shift_right_logical3A_1472 = vector.broadcast %shift_right_logical3A_1471 : i32 to vector<782x128xi32>
    %shift_right_logical3A_1473 = arith.shrui %add3A_1466, %shift_right_logical3A_1472 : vector<782x128xi32>
    %or3A_1474 = arith.ori %shift_left3A_1470, %shift_right_logical3A_1473 : vector<782x128xi32>
    %xor3A_1475 = arith.xori %or3A_1474, %add3A_1467 : vector<782x128xi32>
    %add3A_1476 = arith.addi %add3A_1467, %xor3A_1475 : vector<782x128xi32>
    %shift_left3A_1477 = arith.constant 15 : i32
    %shift_left3A_1478 = vector.broadcast %shift_left3A_1477 : i32 to vector<782x128xi32>
    %shift_left3A_1479 = arith.shli %xor3A_1475, %shift_left3A_1478 : vector<782x128xi32>
    %shift_right_logical3A_1480 = arith.constant 17 : i32
    %shift_right_logical3A_1481 = vector.broadcast %shift_right_logical3A_1480 : i32 to vector<782x128xi32>
    %shift_right_logical3A_1482 = arith.shrui %xor3A_1475, %shift_right_logical3A_1481 : vector<782x128xi32>
    %or3A_1483 = arith.ori %shift_left3A_1479, %shift_right_logical3A_1482 : vector<782x128xi32>
    %xor3A_1484 = arith.xori %or3A_1483, %add3A_1476 : vector<782x128xi32>
    %add3A_1485 = arith.addi %add3A_1476, %xor3A_1484 : vector<782x128xi32>
    %shift_left3A_1486 = arith.constant 26 : i32
    %shift_left3A_1487 = vector.broadcast %shift_left3A_1486 : i32 to vector<782x128xi32>
    %shift_left3A_1488 = arith.shli %xor3A_1484, %shift_left3A_1487 : vector<782x128xi32>
    %shift_right_logical3A_1489 = arith.constant 6 : i32
    %shift_right_logical3A_1490 = vector.broadcast %shift_right_logical3A_1489 : i32 to vector<782x128xi32>
    %shift_right_logical3A_1491 = arith.shrui %xor3A_1484, %shift_right_logical3A_1490 : vector<782x128xi32>
    %or3A_1492 = arith.ori %shift_left3A_1488, %shift_right_logical3A_1491 : vector<782x128xi32>
    %xor3A_1493 = arith.xori %or3A_1492, %add3A_1485 : vector<782x128xi32>
    %add3A_1494 = arith.addi %add3A_1485, %xor3A_1493 : vector<782x128xi32>
    %shift_left3A_1495 = arith.constant 6 : i32
    %shift_left3A_1496 = vector.broadcast %shift_left3A_1495 : i32 to vector<782x128xi32>
    %shift_left3A_1497 = arith.shli %xor3A_1493, %shift_left3A_1496 : vector<782x128xi32>
    %shift_right_logical3A_1498 = arith.constant 26 : i32
    %shift_right_logical3A_1499 = vector.broadcast %shift_right_logical3A_1498 : i32 to vector<782x128xi32>
    %shift_right_logical3A_1500 = arith.shrui %xor3A_1493, %shift_right_logical3A_1499 : vector<782x128xi32>
    %or3A_1501 = arith.ori %shift_left3A_1497, %shift_right_logical3A_1500 : vector<782x128xi32>
    %xor3A_1502 = arith.xori %or3A_1501, %add3A_1494 : vector<782x128xi32>
    %add3A_1503 = vector.broadcast %get3A_1457 : i32 to vector<782x128xi32>
    %add3A_1504 = arith.addi %add3A_1494, %add3A_1503 : vector<782x128xi32>
    %add3A_1505 = vector.broadcast %xor3A_1462 : i32 to vector<782x128xi32>
    %add3A_1506 = arith.addi %xor3A_1502, %add3A_1505 : vector<782x128xi32>
    %add3A_1507 = arith.constant 1 : i32
    %add3A_1508 = vector.broadcast %add3A_1507 : i32 to vector<782x128xi32>
    %add3A_1509 = arith.addi %add3A_1506, %add3A_1508 : vector<782x128xi32>
    %add3A_1510 = arith.addi %add3A_1504, %add3A_1509 : vector<782x128xi32>
    %shift_left3A_1511 = arith.constant 17 : i32
    %shift_left3A_1512 = vector.broadcast %shift_left3A_1511 : i32 to vector<782x128xi32>
    %shift_left3A_1513 = arith.shli %add3A_1509, %shift_left3A_1512 : vector<782x128xi32>
    %shift_right_logical3A_1514 = arith.constant 15 : i32
    %shift_right_logical3A_1515 = vector.broadcast %shift_right_logical3A_1514 : i32 to vector<782x128xi32>
    %shift_right_logical3A_1516 = arith.shrui %add3A_1509, %shift_right_logical3A_1515 : vector<782x128xi32>
    %or3A_1517 = arith.ori %shift_left3A_1513, %shift_right_logical3A_1516 : vector<782x128xi32>
    %xor3A_1518 = arith.xori %or3A_1517, %add3A_1510 : vector<782x128xi32>
    %add3A_1519 = arith.addi %add3A_1510, %xor3A_1518 : vector<782x128xi32>
    %shift_left3A_1520 = arith.constant 29 : i32
    %shift_left3A_1521 = vector.broadcast %shift_left3A_1520 : i32 to vector<782x128xi32>
    %shift_left3A_1522 = arith.shli %xor3A_1518, %shift_left3A_1521 : vector<782x128xi32>
    %shift_right_logical3A_1523 = arith.constant 3 : i32
    %shift_right_logical3A_1524 = vector.broadcast %shift_right_logical3A_1523 : i32 to vector<782x128xi32>
    %shift_right_logical3A_1525 = arith.shrui %xor3A_1518, %shift_right_logical3A_1524 : vector<782x128xi32>
    %or3A_1526 = arith.ori %shift_left3A_1522, %shift_right_logical3A_1525 : vector<782x128xi32>
    %xor3A_1527 = arith.xori %or3A_1526, %add3A_1519 : vector<782x128xi32>
    %add3A_1528 = arith.addi %add3A_1519, %xor3A_1527 : vector<782x128xi32>
    %shift_left3A_1529 = arith.constant 16 : i32
    %shift_left3A_1530 = vector.broadcast %shift_left3A_1529 : i32 to vector<782x128xi32>
    %shift_left3A_1531 = arith.shli %xor3A_1527, %shift_left3A_1530 : vector<782x128xi32>
    %shift_right_logical3A_1532 = arith.constant 16 : i32
    %shift_right_logical3A_1533 = vector.broadcast %shift_right_logical3A_1532 : i32 to vector<782x128xi32>
    %shift_right_logical3A_1534 = arith.shrui %xor3A_1527, %shift_right_logical3A_1533 : vector<782x128xi32>
    %or3A_1535 = arith.ori %shift_left3A_1531, %shift_right_logical3A_1534 : vector<782x128xi32>
    %xor3A_1536 = arith.xori %or3A_1535, %add3A_1528 : vector<782x128xi32>
    %add3A_1537 = arith.addi %add3A_1528, %xor3A_1536 : vector<782x128xi32>
    %shift_left3A_1538 = arith.constant 24 : i32
    %shift_left3A_1539 = vector.broadcast %shift_left3A_1538 : i32 to vector<782x128xi32>
    %shift_left3A_1540 = arith.shli %xor3A_1536, %shift_left3A_1539 : vector<782x128xi32>
    %shift_right_logical3A_1541 = arith.constant 8 : i32
    %shift_right_logical3A_1542 = vector.broadcast %shift_right_logical3A_1541 : i32 to vector<782x128xi32>
    %shift_right_logical3A_1543 = arith.shrui %xor3A_1536, %shift_right_logical3A_1542 : vector<782x128xi32>
    %or3A_1544 = arith.ori %shift_left3A_1540, %shift_right_logical3A_1543 : vector<782x128xi32>
    %xor3A_1545 = arith.xori %or3A_1544, %add3A_1537 : vector<782x128xi32>
    %add3A_1546 = vector.broadcast %xor3A_1462 : i32 to vector<782x128xi32>
    %add3A_1547 = arith.addi %add3A_1537, %add3A_1546 : vector<782x128xi32>
    %add3A_1548 = vector.broadcast %get3A_1454 : i32 to vector<782x128xi32>
    %add3A_1549 = arith.addi %xor3A_1545, %add3A_1548 : vector<782x128xi32>
    %add3A_1550 = arith.constant 2 : i32
    %add3A_1551 = vector.broadcast %add3A_1550 : i32 to vector<782x128xi32>
    %add3A_1552 = arith.addi %add3A_1549, %add3A_1551 : vector<782x128xi32>
    %add3A_1553 = arith.addi %add3A_1547, %add3A_1552 : vector<782x128xi32>
    %shift_left3A_1554 = arith.constant 13 : i32
    %shift_left3A_1555 = vector.broadcast %shift_left3A_1554 : i32 to vector<782x128xi32>
    %shift_left3A_1556 = arith.shli %add3A_1552, %shift_left3A_1555 : vector<782x128xi32>
    %shift_right_logical3A_1557 = arith.constant 19 : i32
    %shift_right_logical3A_1558 = vector.broadcast %shift_right_logical3A_1557 : i32 to vector<782x128xi32>
    %shift_right_logical3A_1559 = arith.shrui %add3A_1552, %shift_right_logical3A_1558 : vector<782x128xi32>
    %or3A_1560 = arith.ori %shift_left3A_1556, %shift_right_logical3A_1559 : vector<782x128xi32>
    %xor3A_1561 = arith.xori %or3A_1560, %add3A_1553 : vector<782x128xi32>
    %add3A_1562 = arith.addi %add3A_1553, %xor3A_1561 : vector<782x128xi32>
    %shift_left3A_1563 = arith.constant 15 : i32
    %shift_left3A_1564 = vector.broadcast %shift_left3A_1563 : i32 to vector<782x128xi32>
    %shift_left3A_1565 = arith.shli %xor3A_1561, %shift_left3A_1564 : vector<782x128xi32>
    %shift_right_logical3A_1566 = arith.constant 17 : i32
    %shift_right_logical3A_1567 = vector.broadcast %shift_right_logical3A_1566 : i32 to vector<782x128xi32>
    %shift_right_logical3A_1568 = arith.shrui %xor3A_1561, %shift_right_logical3A_1567 : vector<782x128xi32>
    %or3A_1569 = arith.ori %shift_left3A_1565, %shift_right_logical3A_1568 : vector<782x128xi32>
    %xor3A_1570 = arith.xori %or3A_1569, %add3A_1562 : vector<782x128xi32>
    %add3A_1571 = arith.addi %add3A_1562, %xor3A_1570 : vector<782x128xi32>
    %shift_left3A_1572 = arith.constant 26 : i32
    %shift_left3A_1573 = vector.broadcast %shift_left3A_1572 : i32 to vector<782x128xi32>
    %shift_left3A_1574 = arith.shli %xor3A_1570, %shift_left3A_1573 : vector<782x128xi32>
    %shift_right_logical3A_1575 = arith.constant 6 : i32
    %shift_right_logical3A_1576 = vector.broadcast %shift_right_logical3A_1575 : i32 to vector<782x128xi32>
    %shift_right_logical3A_1577 = arith.shrui %xor3A_1570, %shift_right_logical3A_1576 : vector<782x128xi32>
    %or3A_1578 = arith.ori %shift_left3A_1574, %shift_right_logical3A_1577 : vector<782x128xi32>
    %xor3A_1579 = arith.xori %or3A_1578, %add3A_1571 : vector<782x128xi32>
    %add3A_1580 = arith.addi %add3A_1571, %xor3A_1579 : vector<782x128xi32>
    %shift_left3A_1581 = arith.constant 6 : i32
    %shift_left3A_1582 = vector.broadcast %shift_left3A_1581 : i32 to vector<782x128xi32>
    %shift_left3A_1583 = arith.shli %xor3A_1579, %shift_left3A_1582 : vector<782x128xi32>
    %shift_right_logical3A_1584 = arith.constant 26 : i32
    %shift_right_logical3A_1585 = vector.broadcast %shift_right_logical3A_1584 : i32 to vector<782x128xi32>
    %shift_right_logical3A_1586 = arith.shrui %xor3A_1579, %shift_right_logical3A_1585 : vector<782x128xi32>
    %or3A_1587 = arith.ori %shift_left3A_1583, %shift_right_logical3A_1586 : vector<782x128xi32>
    %xor3A_1588 = arith.xori %or3A_1587, %add3A_1580 : vector<782x128xi32>
    %add3A_1589 = vector.broadcast %get3A_1454 : i32 to vector<782x128xi32>
    %add3A_1590 = arith.addi %add3A_1580, %add3A_1589 : vector<782x128xi32>
    %add3A_1591 = vector.broadcast %get3A_1457 : i32 to vector<782x128xi32>
    %add3A_1592 = arith.addi %xor3A_1588, %add3A_1591 : vector<782x128xi32>
    %add3A_1593 = arith.constant 3 : i32
    %add3A_1594 = vector.broadcast %add3A_1593 : i32 to vector<782x128xi32>
    %add3A_1595 = arith.addi %add3A_1592, %add3A_1594 : vector<782x128xi32>
    %add3A_1596 = arith.addi %add3A_1590, %add3A_1595 : vector<782x128xi32>
    %shift_left3A_1597 = arith.constant 17 : i32
    %shift_left3A_1598 = vector.broadcast %shift_left3A_1597 : i32 to vector<782x128xi32>
    %shift_left3A_1599 = arith.shli %add3A_1595, %shift_left3A_1598 : vector<782x128xi32>
    %shift_right_logical3A_1600 = arith.constant 15 : i32
    %shift_right_logical3A_1601 = vector.broadcast %shift_right_logical3A_1600 : i32 to vector<782x128xi32>
    %shift_right_logical3A_1602 = arith.shrui %add3A_1595, %shift_right_logical3A_1601 : vector<782x128xi32>
    %or3A_1603 = arith.ori %shift_left3A_1599, %shift_right_logical3A_1602 : vector<782x128xi32>
    %xor3A_1604 = arith.xori %or3A_1603, %add3A_1596 : vector<782x128xi32>
    %add3A_1605 = arith.addi %add3A_1596, %xor3A_1604 : vector<782x128xi32>
    %shift_left3A_1606 = arith.constant 29 : i32
    %shift_left3A_1607 = vector.broadcast %shift_left3A_1606 : i32 to vector<782x128xi32>
    %shift_left3A_1608 = arith.shli %xor3A_1604, %shift_left3A_1607 : vector<782x128xi32>
    %shift_right_logical3A_1609 = arith.constant 3 : i32
    %shift_right_logical3A_1610 = vector.broadcast %shift_right_logical3A_1609 : i32 to vector<782x128xi32>
    %shift_right_logical3A_1611 = arith.shrui %xor3A_1604, %shift_right_logical3A_1610 : vector<782x128xi32>
    %or3A_1612 = arith.ori %shift_left3A_1608, %shift_right_logical3A_1611 : vector<782x128xi32>
    %xor3A_1613 = arith.xori %or3A_1612, %add3A_1605 : vector<782x128xi32>
    %add3A_1614 = arith.addi %add3A_1605, %xor3A_1613 : vector<782x128xi32>
    %shift_left3A_1615 = arith.constant 16 : i32
    %shift_left3A_1616 = vector.broadcast %shift_left3A_1615 : i32 to vector<782x128xi32>
    %shift_left3A_1617 = arith.shli %xor3A_1613, %shift_left3A_1616 : vector<782x128xi32>
    %shift_right_logical3A_1618 = arith.constant 16 : i32
    %shift_right_logical3A_1619 = vector.broadcast %shift_right_logical3A_1618 : i32 to vector<782x128xi32>
    %shift_right_logical3A_1620 = arith.shrui %xor3A_1613, %shift_right_logical3A_1619 : vector<782x128xi32>
    %or3A_1621 = arith.ori %shift_left3A_1617, %shift_right_logical3A_1620 : vector<782x128xi32>
    %xor3A_1622 = arith.xori %or3A_1621, %add3A_1614 : vector<782x128xi32>
    %add3A_1623 = arith.addi %add3A_1614, %xor3A_1622 : vector<782x128xi32>
    %shift_left3A_1624 = arith.constant 24 : i32
    %shift_left3A_1625 = vector.broadcast %shift_left3A_1624 : i32 to vector<782x128xi32>
    %shift_left3A_1626 = arith.shli %xor3A_1622, %shift_left3A_1625 : vector<782x128xi32>
    %shift_right_logical3A_1627 = arith.constant 8 : i32
    %shift_right_logical3A_1628 = vector.broadcast %shift_right_logical3A_1627 : i32 to vector<782x128xi32>
    %shift_right_logical3A_1629 = arith.shrui %xor3A_1622, %shift_right_logical3A_1628 : vector<782x128xi32>
    %or3A_1630 = arith.ori %shift_left3A_1626, %shift_right_logical3A_1629 : vector<782x128xi32>
    %xor3A_1631 = arith.xori %or3A_1630, %add3A_1623 : vector<782x128xi32>
    %add3A_1632 = vector.broadcast %get3A_1457 : i32 to vector<782x128xi32>
    %add3A_1633 = arith.addi %add3A_1623, %add3A_1632 : vector<782x128xi32>
    %add3A_1634 = vector.broadcast %xor3A_1462 : i32 to vector<782x128xi32>
    %add3A_1635 = arith.addi %xor3A_1631, %add3A_1634 : vector<782x128xi32>
    %add3A_1636 = arith.constant 4 : i32
    %add3A_1637 = vector.broadcast %add3A_1636 : i32 to vector<782x128xi32>
    %add3A_1638 = arith.addi %add3A_1635, %add3A_1637 : vector<782x128xi32>
    %add3A_1639 = arith.addi %add3A_1633, %add3A_1638 : vector<782x128xi32>
    %shift_left3A_1640 = arith.constant 13 : i32
    %shift_left3A_1641 = vector.broadcast %shift_left3A_1640 : i32 to vector<782x128xi32>
    %shift_left3A_1642 = arith.shli %add3A_1638, %shift_left3A_1641 : vector<782x128xi32>
    %shift_right_logical3A_1643 = arith.constant 19 : i32
    %shift_right_logical3A_1644 = vector.broadcast %shift_right_logical3A_1643 : i32 to vector<782x128xi32>
    %shift_right_logical3A_1645 = arith.shrui %add3A_1638, %shift_right_logical3A_1644 : vector<782x128xi32>
    %or3A_1646 = arith.ori %shift_left3A_1642, %shift_right_logical3A_1645 : vector<782x128xi32>
    %xor3A_1647 = arith.xori %or3A_1646, %add3A_1639 : vector<782x128xi32>
    %add3A_1648 = arith.addi %add3A_1639, %xor3A_1647 : vector<782x128xi32>
    %shift_left3A_1649 = arith.constant 15 : i32
    %shift_left3A_1650 = vector.broadcast %shift_left3A_1649 : i32 to vector<782x128xi32>
    %shift_left3A_1651 = arith.shli %xor3A_1647, %shift_left3A_1650 : vector<782x128xi32>
    %shift_right_logical3A_1652 = arith.constant 17 : i32
    %shift_right_logical3A_1653 = vector.broadcast %shift_right_logical3A_1652 : i32 to vector<782x128xi32>
    %shift_right_logical3A_1654 = arith.shrui %xor3A_1647, %shift_right_logical3A_1653 : vector<782x128xi32>
    %or3A_1655 = arith.ori %shift_left3A_1651, %shift_right_logical3A_1654 : vector<782x128xi32>
    %xor3A_1656 = arith.xori %or3A_1655, %add3A_1648 : vector<782x128xi32>
    %add3A_1657 = arith.addi %add3A_1648, %xor3A_1656 : vector<782x128xi32>
    %shift_left3A_1658 = arith.constant 26 : i32
    %shift_left3A_1659 = vector.broadcast %shift_left3A_1658 : i32 to vector<782x128xi32>
    %shift_left3A_1660 = arith.shli %xor3A_1656, %shift_left3A_1659 : vector<782x128xi32>
    %shift_right_logical3A_1661 = arith.constant 6 : i32
    %shift_right_logical3A_1662 = vector.broadcast %shift_right_logical3A_1661 : i32 to vector<782x128xi32>
    %shift_right_logical3A_1663 = arith.shrui %xor3A_1656, %shift_right_logical3A_1662 : vector<782x128xi32>
    %or3A_1664 = arith.ori %shift_left3A_1660, %shift_right_logical3A_1663 : vector<782x128xi32>
    %xor3A_1665 = arith.xori %or3A_1664, %add3A_1657 : vector<782x128xi32>
    %add3A_1666 = arith.addi %add3A_1657, %xor3A_1665 : vector<782x128xi32>
    %shift_left3A_1667 = arith.constant 6 : i32
    %shift_left3A_1668 = vector.broadcast %shift_left3A_1667 : i32 to vector<782x128xi32>
    %shift_left3A_1669 = arith.shli %xor3A_1665, %shift_left3A_1668 : vector<782x128xi32>
    %shift_right_logical3A_1670 = arith.constant 26 : i32
    %shift_right_logical3A_1671 = vector.broadcast %shift_right_logical3A_1670 : i32 to vector<782x128xi32>
    %shift_right_logical3A_1672 = arith.shrui %xor3A_1665, %shift_right_logical3A_1671 : vector<782x128xi32>
    %or3A_1673 = arith.ori %shift_left3A_1669, %shift_right_logical3A_1672 : vector<782x128xi32>
    %xor3A_1674 = arith.xori %or3A_1673, %add3A_1666 : vector<782x128xi32>
    %add3A_1675 = vector.broadcast %xor3A_1462 : i32 to vector<782x128xi32>
    %add3A_1676 = arith.addi %add3A_1666, %add3A_1675 : vector<782x128xi32>
    %add3A_1677 = vector.broadcast %get3A_1454 : i32 to vector<782x128xi32>
    %add3A_1678 = arith.addi %xor3A_1674, %add3A_1677 : vector<782x128xi32>
    %add3A_1679 = arith.constant 5 : i32
    %add3A_1680 = vector.broadcast %add3A_1679 : i32 to vector<782x128xi32>
    %add3A_1681 = arith.addi %add3A_1678, %add3A_1680 : vector<782x128xi32>
    %xor3A_1682 = arith.xori %add3A_1676, %add3A_1681 : vector<782x128xi32>
    %shift_right_logical3A_1683 = arith.constant 9 : i32
    %shift_right_logical3A_1684 = vector.broadcast %shift_right_logical3A_1683 : i32 to vector<782x128xi32>
    %shift_right_logical3A_1685 = arith.shrui %xor3A_1682, %shift_right_logical3A_1684 : vector<782x128xi32>
    %or3A_1686 = arith.constant 1065353216 : i32
    %or3A_1687 = vector.broadcast %or3A_1686 : i32 to vector<782x128xi32>
    %or3A_1688 = arith.ori %shift_right_logical3A_1685, %or3A_1687 : vector<782x128xi32>
    %bitcast_convert_type3A_1689 = tpu.bitcast %or3A_1688 : vector<782x128xi32> -> vector<782x128xf32>
    %sub3A_1690 = arith.constant 1.000000e+00 : f32
    %sub3A_1691 = vector.broadcast %sub3A_1690 : f32 to vector<782x128xf32>
    %sub3A_1692 = arith.subf %bitcast_convert_type3A_1689, %sub3A_1691 : vector<782x128xf32>
    %sub3A_1693 = arith.constant 1.000000e+00 : f32
    %sub3A_1694 = arith.constant 1.17549435E-38 : f32
    %sub3A_1695 = arith.subf %sub3A_1693, %sub3A_1694 : f32
    %mul3A_1696 = vector.broadcast %sub3A_1695 : f32 to vector<782x128xf32>
    %mul3A_1697 = arith.mulf %sub3A_1692, %mul3A_1696 : vector<782x128xf32>
    %add3A_1698 = arith.constant 1.17549435E-38 : f32
    %add3A_1699 = vector.broadcast %add3A_1698 : f32 to vector<782x128xf32>
    %add3A_1700 = arith.addf %mul3A_1697, %add3A_1699 : vector<782x128xf32>
    %max3A_1701 = arith.constant 1.17549435E-38 : f32
    %max3A_1702 = vector.broadcast %max3A_1701 : f32 to vector<782x128xf32>
    %max3A_1703 = arith.maximumf %max3A_1702, %add3A_1700 : vector<782x128xf32>
    %log3A_1704 = math.log %max3A_1703 : vector<782x128xf32>
    %neg3A_1705 = arith.constant 0.000000e+00 : f32
    %neg3A_1706 = vector.broadcast %neg3A_1705 : f32 to vector<782x128xf32>
    %neg3A_1707 = arith.subf %neg3A_1706, %log3A_1704 : vector<782x128xf32>
    %log3A_1708 = math.log %neg3A_1707 : vector<782x128xf32>
    %neg3A_1709 = arith.constant 0.000000e+00 : f32
    %neg3A_1710 = vector.broadcast %neg3A_1709 : f32 to vector<782x128xf32>
    %neg3A_1711 = arith.subf %neg3A_1710, %log3A_1708 : vector<782x128xf32>
    %jit3A_1712 = arith.constant -1.000000e+30 : f32
    %broadcast_in_dim3A_1713 = vector.broadcast %jit3A_1712 : f32 to vector<782x128xf32>
    %select_n3A_1714 = arith.select %ge3A_9, %broadcast_in_dim3A_1713, %neg3A_1711 : vector<782x128xi1>, vector<782x128xf32>
    %get3A_1715 = arith.constant 0 : index
    %get3A_1716 = arith.constant 0 : index
    %get3A_1717 = vector.load %arg2[%get3A_1715, %get3A_1716] : memref<782x128xi32, #tpu.memory_space<vmem>>, vector<782x128xi32>
    %le3A_1718 = vector.broadcast %add3A_1451 : i32 to vector<782x128xi32>
    %le3A_1719 = arith.cmpi sle, %get3A_1717, %le3A_1718 : vector<782x128xi32>
    %broadcast_in_dim3A_1720 = vector.broadcast %log3A_4 : f32 to vector<782x128xf32>
    %select_n3A_1721 = arith.select %le3A_1719, %broadcast_in_dim3A_1720, %log3A : vector<782x128xi1>, vector<782x128xf32>
    %add3A_1722 = arith.addf %select_n3A_1721, %select_n3A_1714 : vector<782x128xf32>
    %bitcast_convert_type3A_1723 = tpu.bitcast %add3A_1722 : vector<782x128xf32> -> vector<782x128xi32>
    %lt3A_1724 = arith.constant 0 : i32
    %lt3A_1725 = vector.broadcast %lt3A_1724 : i32 to vector<782x128xi32>
    %lt3A_1726 = arith.cmpi slt, %bitcast_convert_type3A_1723, %lt3A_1725 : vector<782x128xi32>
    %xor3A_1727 = arith.constant 2147483647 : i32
    %xor3A_1728 = vector.broadcast %xor3A_1727 : i32 to vector<782x128xi32>
    %xor3A_1729 = arith.xori %bitcast_convert_type3A_1723, %xor3A_1728 : vector<782x128xi32>
    %select_n3A_1730 = arith.select %lt3A_1726, %xor3A_1729, %bitcast_convert_type3A_1723 : vector<782x128xi1>, vector<782x128xi32>
    %swap3A_1731 = arith.constant 0 : index
    %swap3A_1732 = arith.constant 5 : index
    %swap3A_1733 = arith.constant 0 : index
    %swap3A_1734 = arith.constant 0 : index
    %swap3A_1735 = vector.load %arg4[%swap3A_1731, %swap3A_1732, %swap3A_1733, %swap3A_1734] : memref<1x16x782x128xi32, #tpu.memory_space<vmem>>, vector<1x1x782x128xi32>
    %swap3A_1736 = vector.shape_cast %swap3A_1735 : vector<1x1x782x128xi32> to vector<782x128xi32>
    %swap3A_1737 = vector.shape_cast %select_n3A_1730 : vector<782x128xi32> to vector<1x1x782x128xi32>
    tpu.vector_store %arg4[%swap3A_1731, %swap3A_1732, %swap3A_1733, %swap3A_1734], %swap3A_1737 {strides = array<i32>} : memref<1x16x782x128xi32, #tpu.memory_space<vmem>>, vector<1x1x782x128xi32>,
    %mul3A_1738 = arith.constant 16 : i32
    %mul3A_1739 = arith.muli %arg0, %mul3A_1738 : i32
    %add3A_1740 = arith.constant 6 : i32
    %add3A_1741 = arith.addi %mul3A_1739, %add3A_1740 : i32
    %get3A_1742 = arith.index_cast %add3A_1741 : i32 to index
    %get3A_1743 = arith.constant 0 : index
    %get3A_1744 = memref.load %arg1[%get3A_1742, %get3A_1743] : memref<64x2xi32, #tpu.memory_space<smem>>
    %get3A_1745 = arith.index_cast %add3A_1741 : i32 to index
    %get3A_1746 = arith.constant 1 : index
    %get3A_1747 = memref.load %arg1[%get3A_1745, %get3A_1746] : memref<64x2xi32, #tpu.memory_space<smem>>
    %broadcast_in_dim3A_1748 = arith.constant 0 : i32
    %broadcast_in_dim3A_1749 = vector.broadcast %broadcast_in_dim3A_1748 : i32 to vector<782x128xi32>
    %xor3A_1750 = arith.xori %get3A_1744, %get3A_1747 : i32
    %xor3A_1751 = arith.constant 466688986 : i32
    %xor3A_1752 = arith.xori %xor3A_1750, %xor3A_1751 : i32
    %add3A_1753 = vector.broadcast %get3A_1744 : i32 to vector<782x128xi32>
    %add3A_1754 = arith.addi %broadcast_in_dim3A_1749, %add3A_1753 : vector<782x128xi32>
    %add3A_1755 = vector.broadcast %get3A_1747 : i32 to vector<782x128xi32>
    %add3A_1756 = arith.addi %add3A, %add3A_1755 : vector<782x128xi32>
    %add3A_1757 = arith.addi %add3A_1754, %add3A_1756 : vector<782x128xi32>
    %shift_left3A_1758 = arith.constant 13 : i32
    %shift_left3A_1759 = vector.broadcast %shift_left3A_1758 : i32 to vector<782x128xi32>
    %shift_left3A_1760 = arith.shli %add3A_1756, %shift_left3A_1759 : vector<782x128xi32>
    %shift_right_logical3A_1761 = arith.constant 19 : i32
    %shift_right_logical3A_1762 = vector.broadcast %shift_right_logical3A_1761 : i32 to vector<782x128xi32>
    %shift_right_logical3A_1763 = arith.shrui %add3A_1756, %shift_right_logical3A_1762 : vector<782x128xi32>
    %or3A_1764 = arith.ori %shift_left3A_1760, %shift_right_logical3A_1763 : vector<782x128xi32>
    %xor3A_1765 = arith.xori %or3A_1764, %add3A_1757 : vector<782x128xi32>
    %add3A_1766 = arith.addi %add3A_1757, %xor3A_1765 : vector<782x128xi32>
    %shift_left3A_1767 = arith.constant 15 : i32
    %shift_left3A_1768 = vector.broadcast %shift_left3A_1767 : i32 to vector<782x128xi32>
    %shift_left3A_1769 = arith.shli %xor3A_1765, %shift_left3A_1768 : vector<782x128xi32>
    %shift_right_logical3A_1770 = arith.constant 17 : i32
    %shift_right_logical3A_1771 = vector.broadcast %shift_right_logical3A_1770 : i32 to vector<782x128xi32>
    %shift_right_logical3A_1772 = arith.shrui %xor3A_1765, %shift_right_logical3A_1771 : vector<782x128xi32>
    %or3A_1773 = arith.ori %shift_left3A_1769, %shift_right_logical3A_1772 : vector<782x128xi32>
    %xor3A_1774 = arith.xori %or3A_1773, %add3A_1766 : vector<782x128xi32>
    %add3A_1775 = arith.addi %add3A_1766, %xor3A_1774 : vector<782x128xi32>
    %shift_left3A_1776 = arith.constant 26 : i32
    %shift_left3A_1777 = vector.broadcast %shift_left3A_1776 : i32 to vector<782x128xi32>
    %shift_left3A_1778 = arith.shli %xor3A_1774, %shift_left3A_1777 : vector<782x128xi32>
    %shift_right_logical3A_1779 = arith.constant 6 : i32
    %shift_right_logical3A_1780 = vector.broadcast %shift_right_logical3A_1779 : i32 to vector<782x128xi32>
    %shift_right_logical3A_1781 = arith.shrui %xor3A_1774, %shift_right_logical3A_1780 : vector<782x128xi32>
    %or3A_1782 = arith.ori %shift_left3A_1778, %shift_right_logical3A_1781 : vector<782x128xi32>
    %xor3A_1783 = arith.xori %or3A_1782, %add3A_1775 : vector<782x128xi32>
    %add3A_1784 = arith.addi %add3A_1775, %xor3A_1783 : vector<782x128xi32>
    %shift_left3A_1785 = arith.constant 6 : i32
    %shift_left3A_1786 = vector.broadcast %shift_left3A_1785 : i32 to vector<782x128xi32>
    %shift_left3A_1787 = arith.shli %xor3A_1783, %shift_left3A_1786 : vector<782x128xi32>
    %shift_right_logical3A_1788 = arith.constant 26 : i32
    %shift_right_logical3A_1789 = vector.broadcast %shift_right_logical3A_1788 : i32 to vector<782x128xi32>
    %shift_right_logical3A_1790 = arith.shrui %xor3A_1783, %shift_right_logical3A_1789 : vector<782x128xi32>
    %or3A_1791 = arith.ori %shift_left3A_1787, %shift_right_logical3A_1790 : vector<782x128xi32>
    %xor3A_1792 = arith.xori %or3A_1791, %add3A_1784 : vector<782x128xi32>
    %add3A_1793 = vector.broadcast %get3A_1747 : i32 to vector<782x128xi32>
    %add3A_1794 = arith.addi %add3A_1784, %add3A_1793 : vector<782x128xi32>
    %add3A_1795 = vector.broadcast %xor3A_1752 : i32 to vector<782x128xi32>
    %add3A_1796 = arith.addi %xor3A_1792, %add3A_1795 : vector<782x128xi32>
    %add3A_1797 = arith.constant 1 : i32
    %add3A_1798 = vector.broadcast %add3A_1797 : i32 to vector<782x128xi32>
    %add3A_1799 = arith.addi %add3A_1796, %add3A_1798 : vector<782x128xi32>
    %add3A_1800 = arith.addi %add3A_1794, %add3A_1799 : vector<782x128xi32>
    %shift_left3A_1801 = arith.constant 17 : i32
    %shift_left3A_1802 = vector.broadcast %shift_left3A_1801 : i32 to vector<782x128xi32>
    %shift_left3A_1803 = arith.shli %add3A_1799, %shift_left3A_1802 : vector<782x128xi32>
    %shift_right_logical3A_1804 = arith.constant 15 : i32
    %shift_right_logical3A_1805 = vector.broadcast %shift_right_logical3A_1804 : i32 to vector<782x128xi32>
    %shift_right_logical3A_1806 = arith.shrui %add3A_1799, %shift_right_logical3A_1805 : vector<782x128xi32>
    %or3A_1807 = arith.ori %shift_left3A_1803, %shift_right_logical3A_1806 : vector<782x128xi32>
    %xor3A_1808 = arith.xori %or3A_1807, %add3A_1800 : vector<782x128xi32>
    %add3A_1809 = arith.addi %add3A_1800, %xor3A_1808 : vector<782x128xi32>
    %shift_left3A_1810 = arith.constant 29 : i32
    %shift_left3A_1811 = vector.broadcast %shift_left3A_1810 : i32 to vector<782x128xi32>
    %shift_left3A_1812 = arith.shli %xor3A_1808, %shift_left3A_1811 : vector<782x128xi32>
    %shift_right_logical3A_1813 = arith.constant 3 : i32
    %shift_right_logical3A_1814 = vector.broadcast %shift_right_logical3A_1813 : i32 to vector<782x128xi32>
    %shift_right_logical3A_1815 = arith.shrui %xor3A_1808, %shift_right_logical3A_1814 : vector<782x128xi32>
    %or3A_1816 = arith.ori %shift_left3A_1812, %shift_right_logical3A_1815 : vector<782x128xi32>
    %xor3A_1817 = arith.xori %or3A_1816, %add3A_1809 : vector<782x128xi32>
    %add3A_1818 = arith.addi %add3A_1809, %xor3A_1817 : vector<782x128xi32>
    %shift_left3A_1819 = arith.constant 16 : i32
    %shift_left3A_1820 = vector.broadcast %shift_left3A_1819 : i32 to vector<782x128xi32>
    %shift_left3A_1821 = arith.shli %xor3A_1817, %shift_left3A_1820 : vector<782x128xi32>
    %shift_right_logical3A_1822 = arith.constant 16 : i32
    %shift_right_logical3A_1823 = vector.broadcast %shift_right_logical3A_1822 : i32 to vector<782x128xi32>
    %shift_right_logical3A_1824 = arith.shrui %xor3A_1817, %shift_right_logical3A_1823 : vector<782x128xi32>
    %or3A_1825 = arith.ori %shift_left3A_1821, %shift_right_logical3A_1824 : vector<782x128xi32>
    %xor3A_1826 = arith.xori %or3A_1825, %add3A_1818 : vector<782x128xi32>
    %add3A_1827 = arith.addi %add3A_1818, %xor3A_1826 : vector<782x128xi32>
    %shift_left3A_1828 = arith.constant 24 : i32
    %shift_left3A_1829 = vector.broadcast %shift_left3A_1828 : i32 to vector<782x128xi32>
    %shift_left3A_1830 = arith.shli %xor3A_1826, %shift_left3A_1829 : vector<782x128xi32>
    %shift_right_logical3A_1831 = arith.constant 8 : i32
    %shift_right_logical3A_1832 = vector.broadcast %shift_right_logical3A_1831 : i32 to vector<782x128xi32>
    %shift_right_logical3A_1833 = arith.shrui %xor3A_1826, %shift_right_logical3A_1832 : vector<782x128xi32>
    %or3A_1834 = arith.ori %shift_left3A_1830, %shift_right_logical3A_1833 : vector<782x128xi32>
    %xor3A_1835 = arith.xori %or3A_1834, %add3A_1827 : vector<782x128xi32>
    %add3A_1836 = vector.broadcast %xor3A_1752 : i32 to vector<782x128xi32>
    %add3A_1837 = arith.addi %add3A_1827, %add3A_1836 : vector<782x128xi32>
    %add3A_1838 = vector.broadcast %get3A_1744 : i32 to vector<782x128xi32>
    %add3A_1839 = arith.addi %xor3A_1835, %add3A_1838 : vector<782x128xi32>
    %add3A_1840 = arith.constant 2 : i32
    %add3A_1841 = vector.broadcast %add3A_1840 : i32 to vector<782x128xi32>
    %add3A_1842 = arith.addi %add3A_1839, %add3A_1841 : vector<782x128xi32>
    %add3A_1843 = arith.addi %add3A_1837, %add3A_1842 : vector<782x128xi32>
    %shift_left3A_1844 = arith.constant 13 : i32
    %shift_left3A_1845 = vector.broadcast %shift_left3A_1844 : i32 to vector<782x128xi32>
    %shift_left3A_1846 = arith.shli %add3A_1842, %shift_left3A_1845 : vector<782x128xi32>
    %shift_right_logical3A_1847 = arith.constant 19 : i32
    %shift_right_logical3A_1848 = vector.broadcast %shift_right_logical3A_1847 : i32 to vector<782x128xi32>
    %shift_right_logical3A_1849 = arith.shrui %add3A_1842, %shift_right_logical3A_1848 : vector<782x128xi32>
    %or3A_1850 = arith.ori %shift_left3A_1846, %shift_right_logical3A_1849 : vector<782x128xi32>
    %xor3A_1851 = arith.xori %or3A_1850, %add3A_1843 : vector<782x128xi32>
    %add3A_1852 = arith.addi %add3A_1843, %xor3A_1851 : vector<782x128xi32>
    %shift_left3A_1853 = arith.constant 15 : i32
    %shift_left3A_1854 = vector.broadcast %shift_left3A_1853 : i32 to vector<782x128xi32>
    %shift_left3A_1855 = arith.shli %xor3A_1851, %shift_left3A_1854 : vector<782x128xi32>
    %shift_right_logical3A_1856 = arith.constant 17 : i32
    %shift_right_logical3A_1857 = vector.broadcast %shift_right_logical3A_1856 : i32 to vector<782x128xi32>
    %shift_right_logical3A_1858 = arith.shrui %xor3A_1851, %shift_right_logical3A_1857 : vector<782x128xi32>
    %or3A_1859 = arith.ori %shift_left3A_1855, %shift_right_logical3A_1858 : vector<782x128xi32>
    %xor3A_1860 = arith.xori %or3A_1859, %add3A_1852 : vector<782x128xi32>
    %add3A_1861 = arith.addi %add3A_1852, %xor3A_1860 : vector<782x128xi32>
    %shift_left3A_1862 = arith.constant 26 : i32
    %shift_left3A_1863 = vector.broadcast %shift_left3A_1862 : i32 to vector<782x128xi32>
    %shift_left3A_1864 = arith.shli %xor3A_1860, %shift_left3A_1863 : vector<782x128xi32>
    %shift_right_logical3A_1865 = arith.constant 6 : i32
    %shift_right_logical3A_1866 = vector.broadcast %shift_right_logical3A_1865 : i32 to vector<782x128xi32>
    %shift_right_logical3A_1867 = arith.shrui %xor3A_1860, %shift_right_logical3A_1866 : vector<782x128xi32>
    %or3A_1868 = arith.ori %shift_left3A_1864, %shift_right_logical3A_1867 : vector<782x128xi32>
    %xor3A_1869 = arith.xori %or3A_1868, %add3A_1861 : vector<782x128xi32>
    %add3A_1870 = arith.addi %add3A_1861, %xor3A_1869 : vector<782x128xi32>
    %shift_left3A_1871 = arith.constant 6 : i32
    %shift_left3A_1872 = vector.broadcast %shift_left3A_1871 : i32 to vector<782x128xi32>
    %shift_left3A_1873 = arith.shli %xor3A_1869, %shift_left3A_1872 : vector<782x128xi32>
    %shift_right_logical3A_1874 = arith.constant 26 : i32
    %shift_right_logical3A_1875 = vector.broadcast %shift_right_logical3A_1874 : i32 to vector<782x128xi32>
    %shift_right_logical3A_1876 = arith.shrui %xor3A_1869, %shift_right_logical3A_1875 : vector<782x128xi32>
    %or3A_1877 = arith.ori %shift_left3A_1873, %shift_right_logical3A_1876 : vector<782x128xi32>
    %xor3A_1878 = arith.xori %or3A_1877, %add3A_1870 : vector<782x128xi32>
    %add3A_1879 = vector.broadcast %get3A_1744 : i32 to vector<782x128xi32>
    %add3A_1880 = arith.addi %add3A_1870, %add3A_1879 : vector<782x128xi32>
    %add3A_1881 = vector.broadcast %get3A_1747 : i32 to vector<782x128xi32>
    %add3A_1882 = arith.addi %xor3A_1878, %add3A_1881 : vector<782x128xi32>
    %add3A_1883 = arith.constant 3 : i32
    %add3A_1884 = vector.broadcast %add3A_1883 : i32 to vector<782x128xi32>
    %add3A_1885 = arith.addi %add3A_1882, %add3A_1884 : vector<782x128xi32>
    %add3A_1886 = arith.addi %add3A_1880, %add3A_1885 : vector<782x128xi32>
    %shift_left3A_1887 = arith.constant 17 : i32
    %shift_left3A_1888 = vector.broadcast %shift_left3A_1887 : i32 to vector<782x128xi32>
    %shift_left3A_1889 = arith.shli %add3A_1885, %shift_left3A_1888 : vector<782x128xi32>
    %shift_right_logical3A_1890 = arith.constant 15 : i32
    %shift_right_logical3A_1891 = vector.broadcast %shift_right_logical3A_1890 : i32 to vector<782x128xi32>
    %shift_right_logical3A_1892 = arith.shrui %add3A_1885, %shift_right_logical3A_1891 : vector<782x128xi32>
    %or3A_1893 = arith.ori %shift_left3A_1889, %shift_right_logical3A_1892 : vector<782x128xi32>
    %xor3A_1894 = arith.xori %or3A_1893, %add3A_1886 : vector<782x128xi32>
    %add3A_1895 = arith.addi %add3A_1886, %xor3A_1894 : vector<782x128xi32>
    %shift_left3A_1896 = arith.constant 29 : i32
    %shift_left3A_1897 = vector.broadcast %shift_left3A_1896 : i32 to vector<782x128xi32>
    %shift_left3A_1898 = arith.shli %xor3A_1894, %shift_left3A_1897 : vector<782x128xi32>
    %shift_right_logical3A_1899 = arith.constant 3 : i32
    %shift_right_logical3A_1900 = vector.broadcast %shift_right_logical3A_1899 : i32 to vector<782x128xi32>
    %shift_right_logical3A_1901 = arith.shrui %xor3A_1894, %shift_right_logical3A_1900 : vector<782x128xi32>
    %or3A_1902 = arith.ori %shift_left3A_1898, %shift_right_logical3A_1901 : vector<782x128xi32>
    %xor3A_1903 = arith.xori %or3A_1902, %add3A_1895 : vector<782x128xi32>
    %add3A_1904 = arith.addi %add3A_1895, %xor3A_1903 : vector<782x128xi32>
    %shift_left3A_1905 = arith.constant 16 : i32
    %shift_left3A_1906 = vector.broadcast %shift_left3A_1905 : i32 to vector<782x128xi32>
    %shift_left3A_1907 = arith.shli %xor3A_1903, %shift_left3A_1906 : vector<782x128xi32>
    %shift_right_logical3A_1908 = arith.constant 16 : i32
    %shift_right_logical3A_1909 = vector.broadcast %shift_right_logical3A_1908 : i32 to vector<782x128xi32>
    %shift_right_logical3A_1910 = arith.shrui %xor3A_1903, %shift_right_logical3A_1909 : vector<782x128xi32>
    %or3A_1911 = arith.ori %shift_left3A_1907, %shift_right_logical3A_1910 : vector<782x128xi32>
    %xor3A_1912 = arith.xori %or3A_1911, %add3A_1904 : vector<782x128xi32>
    %add3A_1913 = arith.addi %add3A_1904, %xor3A_1912 : vector<782x128xi32>
    %shift_left3A_1914 = arith.constant 24 : i32
    %shift_left3A_1915 = vector.broadcast %shift_left3A_1914 : i32 to vector<782x128xi32>
    %shift_left3A_1916 = arith.shli %xor3A_1912, %shift_left3A_1915 : vector<782x128xi32>
    %shift_right_logical3A_1917 = arith.constant 8 : i32
    %shift_right_logical3A_1918 = vector.broadcast %shift_right_logical3A_1917 : i32 to vector<782x128xi32>
    %shift_right_logical3A_1919 = arith.shrui %xor3A_1912, %shift_right_logical3A_1918 : vector<782x128xi32>
    %or3A_1920 = arith.ori %shift_left3A_1916, %shift_right_logical3A_1919 : vector<782x128xi32>
    %xor3A_1921 = arith.xori %or3A_1920, %add3A_1913 : vector<782x128xi32>
    %add3A_1922 = vector.broadcast %get3A_1747 : i32 to vector<782x128xi32>
    %add3A_1923 = arith.addi %add3A_1913, %add3A_1922 : vector<782x128xi32>
    %add3A_1924 = vector.broadcast %xor3A_1752 : i32 to vector<782x128xi32>
    %add3A_1925 = arith.addi %xor3A_1921, %add3A_1924 : vector<782x128xi32>
    %add3A_1926 = arith.constant 4 : i32
    %add3A_1927 = vector.broadcast %add3A_1926 : i32 to vector<782x128xi32>
    %add3A_1928 = arith.addi %add3A_1925, %add3A_1927 : vector<782x128xi32>
    %add3A_1929 = arith.addi %add3A_1923, %add3A_1928 : vector<782x128xi32>
    %shift_left3A_1930 = arith.constant 13 : i32
    %shift_left3A_1931 = vector.broadcast %shift_left3A_1930 : i32 to vector<782x128xi32>
    %shift_left3A_1932 = arith.shli %add3A_1928, %shift_left3A_1931 : vector<782x128xi32>
    %shift_right_logical3A_1933 = arith.constant 19 : i32
    %shift_right_logical3A_1934 = vector.broadcast %shift_right_logical3A_1933 : i32 to vector<782x128xi32>
    %shift_right_logical3A_1935 = arith.shrui %add3A_1928, %shift_right_logical3A_1934 : vector<782x128xi32>
    %or3A_1936 = arith.ori %shift_left3A_1932, %shift_right_logical3A_1935 : vector<782x128xi32>
    %xor3A_1937 = arith.xori %or3A_1936, %add3A_1929 : vector<782x128xi32>
    %add3A_1938 = arith.addi %add3A_1929, %xor3A_1937 : vector<782x128xi32>
    %shift_left3A_1939 = arith.constant 15 : i32
    %shift_left3A_1940 = vector.broadcast %shift_left3A_1939 : i32 to vector<782x128xi32>
    %shift_left3A_1941 = arith.shli %xor3A_1937, %shift_left3A_1940 : vector<782x128xi32>
    %shift_right_logical3A_1942 = arith.constant 17 : i32
    %shift_right_logical3A_1943 = vector.broadcast %shift_right_logical3A_1942 : i32 to vector<782x128xi32>
    %shift_right_logical3A_1944 = arith.shrui %xor3A_1937, %shift_right_logical3A_1943 : vector<782x128xi32>
    %or3A_1945 = arith.ori %shift_left3A_1941, %shift_right_logical3A_1944 : vector<782x128xi32>
    %xor3A_1946 = arith.xori %or3A_1945, %add3A_1938 : vector<782x128xi32>
    %add3A_1947 = arith.addi %add3A_1938, %xor3A_1946 : vector<782x128xi32>
    %shift_left3A_1948 = arith.constant 26 : i32
    %shift_left3A_1949 = vector.broadcast %shift_left3A_1948 : i32 to vector<782x128xi32>
    %shift_left3A_1950 = arith.shli %xor3A_1946, %shift_left3A_1949 : vector<782x128xi32>
    %shift_right_logical3A_1951 = arith.constant 6 : i32
    %shift_right_logical3A_1952 = vector.broadcast %shift_right_logical3A_1951 : i32 to vector<782x128xi32>
    %shift_right_logical3A_1953 = arith.shrui %xor3A_1946, %shift_right_logical3A_1952 : vector<782x128xi32>
    %or3A_1954 = arith.ori %shift_left3A_1950, %shift_right_logical3A_1953 : vector<782x128xi32>
    %xor3A_1955 = arith.xori %or3A_1954, %add3A_1947 : vector<782x128xi32>
    %add3A_1956 = arith.addi %add3A_1947, %xor3A_1955 : vector<782x128xi32>
    %shift_left3A_1957 = arith.constant 6 : i32
    %shift_left3A_1958 = vector.broadcast %shift_left3A_1957 : i32 to vector<782x128xi32>
    %shift_left3A_1959 = arith.shli %xor3A_1955, %shift_left3A_1958 : vector<782x128xi32>
    %shift_right_logical3A_1960 = arith.constant 26 : i32
    %shift_right_logical3A_1961 = vector.broadcast %shift_right_logical3A_1960 : i32 to vector<782x128xi32>
    %shift_right_logical3A_1962 = arith.shrui %xor3A_1955, %shift_right_logical3A_1961 : vector<782x128xi32>
    %or3A_1963 = arith.ori %shift_left3A_1959, %shift_right_logical3A_1962 : vector<782x128xi32>
    %xor3A_1964 = arith.xori %or3A_1963, %add3A_1956 : vector<782x128xi32>
    %add3A_1965 = vector.broadcast %xor3A_1752 : i32 to vector<782x128xi32>
    %add3A_1966 = arith.addi %add3A_1956, %add3A_1965 : vector<782x128xi32>
    %add3A_1967 = vector.broadcast %get3A_1744 : i32 to vector<782x128xi32>
    %add3A_1968 = arith.addi %xor3A_1964, %add3A_1967 : vector<782x128xi32>
    %add3A_1969 = arith.constant 5 : i32
    %add3A_1970 = vector.broadcast %add3A_1969 : i32 to vector<782x128xi32>
    %add3A_1971 = arith.addi %add3A_1968, %add3A_1970 : vector<782x128xi32>
    %xor3A_1972 = arith.xori %add3A_1966, %add3A_1971 : vector<782x128xi32>
    %shift_right_logical3A_1973 = arith.constant 9 : i32
    %shift_right_logical3A_1974 = vector.broadcast %shift_right_logical3A_1973 : i32 to vector<782x128xi32>
    %shift_right_logical3A_1975 = arith.shrui %xor3A_1972, %shift_right_logical3A_1974 : vector<782x128xi32>
    %or3A_1976 = arith.constant 1065353216 : i32
    %or3A_1977 = vector.broadcast %or3A_1976 : i32 to vector<782x128xi32>
    %or3A_1978 = arith.ori %shift_right_logical3A_1975, %or3A_1977 : vector<782x128xi32>
    %bitcast_convert_type3A_1979 = tpu.bitcast %or3A_1978 : vector<782x128xi32> -> vector<782x128xf32>
    %sub3A_1980 = arith.constant 1.000000e+00 : f32
    %sub3A_1981 = vector.broadcast %sub3A_1980 : f32 to vector<782x128xf32>
    %sub3A_1982 = arith.subf %bitcast_convert_type3A_1979, %sub3A_1981 : vector<782x128xf32>
    %sub3A_1983 = arith.constant 1.000000e+00 : f32
    %sub3A_1984 = arith.constant 1.17549435E-38 : f32
    %sub3A_1985 = arith.subf %sub3A_1983, %sub3A_1984 : f32
    %mul3A_1986 = vector.broadcast %sub3A_1985 : f32 to vector<782x128xf32>
    %mul3A_1987 = arith.mulf %sub3A_1982, %mul3A_1986 : vector<782x128xf32>
    %add3A_1988 = arith.constant 1.17549435E-38 : f32
    %add3A_1989 = vector.broadcast %add3A_1988 : f32 to vector<782x128xf32>
    %add3A_1990 = arith.addf %mul3A_1987, %add3A_1989 : vector<782x128xf32>
    %max3A_1991 = arith.constant 1.17549435E-38 : f32
    %max3A_1992 = vector.broadcast %max3A_1991 : f32 to vector<782x128xf32>
    %max3A_1993 = arith.maximumf %max3A_1992, %add3A_1990 : vector<782x128xf32>
    %log3A_1994 = math.log %max3A_1993 : vector<782x128xf32>
    %neg3A_1995 = arith.constant 0.000000e+00 : f32
    %neg3A_1996 = vector.broadcast %neg3A_1995 : f32 to vector<782x128xf32>
    %neg3A_1997 = arith.subf %neg3A_1996, %log3A_1994 : vector<782x128xf32>
    %log3A_1998 = math.log %neg3A_1997 : vector<782x128xf32>
    %neg3A_1999 = arith.constant 0.000000e+00 : f32
    %neg3A_2000 = vector.broadcast %neg3A_1999 : f32 to vector<782x128xf32>
    %neg3A_2001 = arith.subf %neg3A_2000, %log3A_1998 : vector<782x128xf32>
    %jit3A_2002 = arith.constant -1.000000e+30 : f32
    %broadcast_in_dim3A_2003 = vector.broadcast %jit3A_2002 : f32 to vector<782x128xf32>
    %select_n3A_2004 = arith.select %ge3A_9, %broadcast_in_dim3A_2003, %neg3A_2001 : vector<782x128xi1>, vector<782x128xf32>
    %get3A_2005 = arith.constant 0 : index
    %get3A_2006 = arith.constant 0 : index
    %get3A_2007 = vector.load %arg2[%get3A_2005, %get3A_2006] : memref<782x128xi32, #tpu.memory_space<vmem>>, vector<782x128xi32>
    %le3A_2008 = vector.broadcast %add3A_1741 : i32 to vector<782x128xi32>
    %le3A_2009 = arith.cmpi sle, %get3A_2007, %le3A_2008 : vector<782x128xi32>
    %broadcast_in_dim3A_2010 = vector.broadcast %log3A_4 : f32 to vector<782x128xf32>
    %select_n3A_2011 = arith.select %le3A_2009, %broadcast_in_dim3A_2010, %log3A : vector<782x128xi1>, vector<782x128xf32>
    %add3A_2012 = arith.addf %select_n3A_2011, %select_n3A_2004 : vector<782x128xf32>
    %bitcast_convert_type3A_2013 = tpu.bitcast %add3A_2012 : vector<782x128xf32> -> vector<782x128xi32>
    %lt3A_2014 = arith.constant 0 : i32
    %lt3A_2015 = vector.broadcast %lt3A_2014 : i32 to vector<782x128xi32>
    %lt3A_2016 = arith.cmpi slt, %bitcast_convert_type3A_2013, %lt3A_2015 : vector<782x128xi32>
    %xor3A_2017 = arith.constant 2147483647 : i32
    %xor3A_2018 = vector.broadcast %xor3A_2017 : i32 to vector<782x128xi32>
    %xor3A_2019 = arith.xori %bitcast_convert_type3A_2013, %xor3A_2018 : vector<782x128xi32>
    %select_n3A_2020 = arith.select %lt3A_2016, %xor3A_2019, %bitcast_convert_type3A_2013 : vector<782x128xi1>, vector<782x128xi32>
    %swap3A_2021 = arith.constant 0 : index
    %swap3A_2022 = arith.constant 6 : index
    %swap3A_2023 = arith.constant 0 : index
    %swap3A_2024 = arith.constant 0 : index
    %swap3A_2025 = vector.load %arg4[%swap3A_2021, %swap3A_2022, %swap3A_2023, %swap3A_2024] : memref<1x16x782x128xi32, #tpu.memory_space<vmem>>, vector<1x1x782x128xi32>
    %swap3A_2026 = vector.shape_cast %swap3A_2025 : vector<1x1x782x128xi32> to vector<782x128xi32>
    %swap3A_2027 = vector.shape_cast %select_n3A_2020 : vector<782x128xi32> to vector<1x1x782x128xi32>
    tpu.vector_store %arg4[%swap3A_2021, %swap3A_2022, %swap3A_2023, %swap3A_2024], %swap3A_2027 {strides = array<i32>} : memref<1x16x782x128xi32, #tpu.memory_space<vmem>>, vector<1x1x782x128xi32>,
    %mul3A_2028 = arith.constant 16 : i32
    %mul3A_2029 = arith.muli %arg0, %mul3A_2028 : i32
    %add3A_2030 = arith.constant 7 : i32
    %add3A_2031 = arith.addi %mul3A_2029, %add3A_2030 : i32
    %get3A_2032 = arith.index_cast %add3A_2031 : i32 to index
    %get3A_2033 = arith.constant 0 : index
    %get3A_2034 = memref.load %arg1[%get3A_2032, %get3A_2033] : memref<64x2xi32, #tpu.memory_space<smem>>
    %get3A_2035 = arith.index_cast %add3A_2031 : i32 to index
    %get3A_2036 = arith.constant 1 : index
    %get3A_2037 = memref.load %arg1[%get3A_2035, %get3A_2036] : memref<64x2xi32, #tpu.memory_space<smem>>
    %broadcast_in_dim3A_2038 = arith.constant 0 : i32
    %broadcast_in_dim3A_2039 = vector.broadcast %broadcast_in_dim3A_2038 : i32 to vector<782x128xi32>
    %xor3A_2040 = arith.xori %get3A_2034, %get3A_2037 : i32
    %xor3A_2041 = arith.constant 466688986 : i32
    %xor3A_2042 = arith.xori %xor3A_2040, %xor3A_2041 : i32
    %add3A_2043 = vector.broadcast %get3A_2034 : i32 to vector<782x128xi32>
    %add3A_2044 = arith.addi %broadcast_in_dim3A_2039, %add3A_2043 : vector<782x128xi32>
    %add3A_2045 = vector.broadcast %get3A_2037 : i32 to vector<782x128xi32>
    %add3A_2046 = arith.addi %add3A, %add3A_2045 : vector<782x128xi32>
    %add3A_2047 = arith.addi %add3A_2044, %add3A_2046 : vector<782x128xi32>
    %shift_left3A_2048 = arith.constant 13 : i32
    %shift_left3A_2049 = vector.broadcast %shift_left3A_2048 : i32 to vector<782x128xi32>
    %shift_left3A_2050 = arith.shli %add3A_2046, %shift_left3A_2049 : vector<782x128xi32>
    %shift_right_logical3A_2051 = arith.constant 19 : i32
    %shift_right_logical3A_2052 = vector.broadcast %shift_right_logical3A_2051 : i32 to vector<782x128xi32>
    %shift_right_logical3A_2053 = arith.shrui %add3A_2046, %shift_right_logical3A_2052 : vector<782x128xi32>
    %or3A_2054 = arith.ori %shift_left3A_2050, %shift_right_logical3A_2053 : vector<782x128xi32>
    %xor3A_2055 = arith.xori %or3A_2054, %add3A_2047 : vector<782x128xi32>
    %add3A_2056 = arith.addi %add3A_2047, %xor3A_2055 : vector<782x128xi32>
    %shift_left3A_2057 = arith.constant 15 : i32
    %shift_left3A_2058 = vector.broadcast %shift_left3A_2057 : i32 to vector<782x128xi32>
    %shift_left3A_2059 = arith.shli %xor3A_2055, %shift_left3A_2058 : vector<782x128xi32>
    %shift_right_logical3A_2060 = arith.constant 17 : i32
    %shift_right_logical3A_2061 = vector.broadcast %shift_right_logical3A_2060 : i32 to vector<782x128xi32>
    %shift_right_logical3A_2062 = arith.shrui %xor3A_2055, %shift_right_logical3A_2061 : vector<782x128xi32>
    %or3A_2063 = arith.ori %shift_left3A_2059, %shift_right_logical3A_2062 : vector<782x128xi32>
    %xor3A_2064 = arith.xori %or3A_2063, %add3A_2056 : vector<782x128xi32>
    %add3A_2065 = arith.addi %add3A_2056, %xor3A_2064 : vector<782x128xi32>
    %shift_left3A_2066 = arith.constant 26 : i32
    %shift_left3A_2067 = vector.broadcast %shift_left3A_2066 : i32 to vector<782x128xi32>
    %shift_left3A_2068 = arith.shli %xor3A_2064, %shift_left3A_2067 : vector<782x128xi32>
    %shift_right_logical3A_2069 = arith.constant 6 : i32
    %shift_right_logical3A_2070 = vector.broadcast %shift_right_logical3A_2069 : i32 to vector<782x128xi32>
    %shift_right_logical3A_2071 = arith.shrui %xor3A_2064, %shift_right_logical3A_2070 : vector<782x128xi32>
    %or3A_2072 = arith.ori %shift_left3A_2068, %shift_right_logical3A_2071 : vector<782x128xi32>
    %xor3A_2073 = arith.xori %or3A_2072, %add3A_2065 : vector<782x128xi32>
    %add3A_2074 = arith.addi %add3A_2065, %xor3A_2073 : vector<782x128xi32>
    %shift_left3A_2075 = arith.constant 6 : i32
    %shift_left3A_2076 = vector.broadcast %shift_left3A_2075 : i32 to vector<782x128xi32>
    %shift_left3A_2077 = arith.shli %xor3A_2073, %shift_left3A_2076 : vector<782x128xi32>
    %shift_right_logical3A_2078 = arith.constant 26 : i32
    %shift_right_logical3A_2079 = vector.broadcast %shift_right_logical3A_2078 : i32 to vector<782x128xi32>
    %shift_right_logical3A_2080 = arith.shrui %xor3A_2073, %shift_right_logical3A_2079 : vector<782x128xi32>
    %or3A_2081 = arith.ori %shift_left3A_2077, %shift_right_logical3A_2080 : vector<782x128xi32>
    %xor3A_2082 = arith.xori %or3A_2081, %add3A_2074 : vector<782x128xi32>
    %add3A_2083 = vector.broadcast %get3A_2037 : i32 to vector<782x128xi32>
    %add3A_2084 = arith.addi %add3A_2074, %add3A_2083 : vector<782x128xi32>
    %add3A_2085 = vector.broadcast %xor3A_2042 : i32 to vector<782x128xi32>
    %add3A_2086 = arith.addi %xor3A_2082, %add3A_2085 : vector<782x128xi32>
    %add3A_2087 = arith.constant 1 : i32
    %add3A_2088 = vector.broadcast %add3A_2087 : i32 to vector<782x128xi32>
    %add3A_2089 = arith.addi %add3A_2086, %add3A_2088 : vector<782x128xi32>
    %add3A_2090 = arith.addi %add3A_2084, %add3A_2089 : vector<782x128xi32>
    %shift_left3A_2091 = arith.constant 17 : i32
    %shift_left3A_2092 = vector.broadcast %shift_left3A_2091 : i32 to vector<782x128xi32>
    %shift_left3A_2093 = arith.shli %add3A_2089, %shift_left3A_2092 : vector<782x128xi32>
    %shift_right_logical3A_2094 = arith.constant 15 : i32
    %shift_right_logical3A_2095 = vector.broadcast %shift_right_logical3A_2094 : i32 to vector<782x128xi32>
    %shift_right_logical3A_2096 = arith.shrui %add3A_2089, %shift_right_logical3A_2095 : vector<782x128xi32>
    %or3A_2097 = arith.ori %shift_left3A_2093, %shift_right_logical3A_2096 : vector<782x128xi32>
    %xor3A_2098 = arith.xori %or3A_2097, %add3A_2090 : vector<782x128xi32>
    %add3A_2099 = arith.addi %add3A_2090, %xor3A_2098 : vector<782x128xi32>
    %shift_left3A_2100 = arith.constant 29 : i32
    %shift_left3A_2101 = vector.broadcast %shift_left3A_2100 : i32 to vector<782x128xi32>
    %shift_left3A_2102 = arith.shli %xor3A_2098, %shift_left3A_2101 : vector<782x128xi32>
    %shift_right_logical3A_2103 = arith.constant 3 : i32
    %shift_right_logical3A_2104 = vector.broadcast %shift_right_logical3A_2103 : i32 to vector<782x128xi32>
    %shift_right_logical3A_2105 = arith.shrui %xor3A_2098, %shift_right_logical3A_2104 : vector<782x128xi32>
    %or3A_2106 = arith.ori %shift_left3A_2102, %shift_right_logical3A_2105 : vector<782x128xi32>
    %xor3A_2107 = arith.xori %or3A_2106, %add3A_2099 : vector<782x128xi32>
    %add3A_2108 = arith.addi %add3A_2099, %xor3A_2107 : vector<782x128xi32>
    %shift_left3A_2109 = arith.constant 16 : i32
    %shift_left3A_2110 = vector.broadcast %shift_left3A_2109 : i32 to vector<782x128xi32>
    %shift_left3A_2111 = arith.shli %xor3A_2107, %shift_left3A_2110 : vector<782x128xi32>
    %shift_right_logical3A_2112 = arith.constant 16 : i32
    %shift_right_logical3A_2113 = vector.broadcast %shift_right_logical3A_2112 : i32 to vector<782x128xi32>
    %shift_right_logical3A_2114 = arith.shrui %xor3A_2107, %shift_right_logical3A_2113 : vector<782x128xi32>
    %or3A_2115 = arith.ori %shift_left3A_2111, %shift_right_logical3A_2114 : vector<782x128xi32>
    %xor3A_2116 = arith.xori %or3A_2115, %add3A_2108 : vector<782x128xi32>
    %add3A_2117 = arith.addi %add3A_2108, %xor3A_2116 : vector<782x128xi32>
    %shift_left3A_2118 = arith.constant 24 : i32
    %shift_left3A_2119 = vector.broadcast %shift_left3A_2118 : i32 to vector<782x128xi32>
    %shift_left3A_2120 = arith.shli %xor3A_2116, %shift_left3A_2119 : vector<782x128xi32>
    %shift_right_logical3A_2121 = arith.constant 8 : i32
    %shift_right_logical3A_2122 = vector.broadcast %shift_right_logical3A_2121 : i32 to vector<782x128xi32>
    %shift_right_logical3A_2123 = arith.shrui %xor3A_2116, %shift_right_logical3A_2122 : vector<782x128xi32>
    %or3A_2124 = arith.ori %shift_left3A_2120, %shift_right_logical3A_2123 : vector<782x128xi32>
    %xor3A_2125 = arith.xori %or3A_2124, %add3A_2117 : vector<782x128xi32>
    %add3A_2126 = vector.broadcast %xor3A_2042 : i32 to vector<782x128xi32>
    %add3A_2127 = arith.addi %add3A_2117, %add3A_2126 : vector<782x128xi32>
    %add3A_2128 = vector.broadcast %get3A_2034 : i32 to vector<782x128xi32>
    %add3A_2129 = arith.addi %xor3A_2125, %add3A_2128 : vector<782x128xi32>
    %add3A_2130 = arith.constant 2 : i32
    %add3A_2131 = vector.broadcast %add3A_2130 : i32 to vector<782x128xi32>
    %add3A_2132 = arith.addi %add3A_2129, %add3A_2131 : vector<782x128xi32>
    %add3A_2133 = arith.addi %add3A_2127, %add3A_2132 : vector<782x128xi32>
    %shift_left3A_2134 = arith.constant 13 : i32
    %shift_left3A_2135 = vector.broadcast %shift_left3A_2134 : i32 to vector<782x128xi32>
    %shift_left3A_2136 = arith.shli %add3A_2132, %shift_left3A_2135 : vector<782x128xi32>
    %shift_right_logical3A_2137 = arith.constant 19 : i32
    %shift_right_logical3A_2138 = vector.broadcast %shift_right_logical3A_2137 : i32 to vector<782x128xi32>
    %shift_right_logical3A_2139 = arith.shrui %add3A_2132, %shift_right_logical3A_2138 : vector<782x128xi32>
    %or3A_2140 = arith.ori %shift_left3A_2136, %shift_right_logical3A_2139 : vector<782x128xi32>
    %xor3A_2141 = arith.xori %or3A_2140, %add3A_2133 : vector<782x128xi32>
    %add3A_2142 = arith.addi %add3A_2133, %xor3A_2141 : vector<782x128xi32>
    %shift_left3A_2143 = arith.constant 15 : i32
    %shift_left3A_2144 = vector.broadcast %shift_left3A_2143 : i32 to vector<782x128xi32>
    %shift_left3A_2145 = arith.shli %xor3A_2141, %shift_left3A_2144 : vector<782x128xi32>
    %shift_right_logical3A_2146 = arith.constant 17 : i32
    %shift_right_logical3A_2147 = vector.broadcast %shift_right_logical3A_2146 : i32 to vector<782x128xi32>
    %shift_right_logical3A_2148 = arith.shrui %xor3A_2141, %shift_right_logical3A_2147 : vector<782x128xi32>
    %or3A_2149 = arith.ori %shift_left3A_2145, %shift_right_logical3A_2148 : vector<782x128xi32>
    %xor3A_2150 = arith.xori %or3A_2149, %add3A_2142 : vector<782x128xi32>
    %add3A_2151 = arith.addi %add3A_2142, %xor3A_2150 : vector<782x128xi32>
    %shift_left3A_2152 = arith.constant 26 : i32
    %shift_left3A_2153 = vector.broadcast %shift_left3A_2152 : i32 to vector<782x128xi32>
    %shift_left3A_2154 = arith.shli %xor3A_2150, %shift_left3A_2153 : vector<782x128xi32>
    %shift_right_logical3A_2155 = arith.constant 6 : i32
    %shift_right_logical3A_2156 = vector.broadcast %shift_right_logical3A_2155 : i32 to vector<782x128xi32>
    %shift_right_logical3A_2157 = arith.shrui %xor3A_2150, %shift_right_logical3A_2156 : vector<782x128xi32>
    %or3A_2158 = arith.ori %shift_left3A_2154, %shift_right_logical3A_2157 : vector<782x128xi32>
    %xor3A_2159 = arith.xori %or3A_2158, %add3A_2151 : vector<782x128xi32>
    %add3A_2160 = arith.addi %add3A_2151, %xor3A_2159 : vector<782x128xi32>
    %shift_left3A_2161 = arith.constant 6 : i32
    %shift_left3A_2162 = vector.broadcast %shift_left3A_2161 : i32 to vector<782x128xi32>
    %shift_left3A_2163 = arith.shli %xor3A_2159, %shift_left3A_2162 : vector<782x128xi32>
    %shift_right_logical3A_2164 = arith.constant 26 : i32
    %shift_right_logical3A_2165 = vector.broadcast %shift_right_logical3A_2164 : i32 to vector<782x128xi32>
    %shift_right_logical3A_2166 = arith.shrui %xor3A_2159, %shift_right_logical3A_2165 : vector<782x128xi32>
    %or3A_2167 = arith.ori %shift_left3A_2163, %shift_right_logical3A_2166 : vector<782x128xi32>
    %xor3A_2168 = arith.xori %or3A_2167, %add3A_2160 : vector<782x128xi32>
    %add3A_2169 = vector.broadcast %get3A_2034 : i32 to vector<782x128xi32>
    %add3A_2170 = arith.addi %add3A_2160, %add3A_2169 : vector<782x128xi32>
    %add3A_2171 = vector.broadcast %get3A_2037 : i32 to vector<782x128xi32>
    %add3A_2172 = arith.addi %xor3A_2168, %add3A_2171 : vector<782x128xi32>
    %add3A_2173 = arith.constant 3 : i32
    %add3A_2174 = vector.broadcast %add3A_2173 : i32 to vector<782x128xi32>
    %add3A_2175 = arith.addi %add3A_2172, %add3A_2174 : vector<782x128xi32>
    %add3A_2176 = arith.addi %add3A_2170, %add3A_2175 : vector<782x128xi32>
    %shift_left3A_2177 = arith.constant 17 : i32
    %shift_left3A_2178 = vector.broadcast %shift_left3A_2177 : i32 to vector<782x128xi32>
    %shift_left3A_2179 = arith.shli %add3A_2175, %shift_left3A_2178 : vector<782x128xi32>
    %shift_right_logical3A_2180 = arith.constant 15 : i32
    %shift_right_logical3A_2181 = vector.broadcast %shift_right_logical3A_2180 : i32 to vector<782x128xi32>
    %shift_right_logical3A_2182 = arith.shrui %add3A_2175, %shift_right_logical3A_2181 : vector<782x128xi32>
    %or3A_2183 = arith.ori %shift_left3A_2179, %shift_right_logical3A_2182 : vector<782x128xi32>
    %xor3A_2184 = arith.xori %or3A_2183, %add3A_2176 : vector<782x128xi32>
    %add3A_2185 = arith.addi %add3A_2176, %xor3A_2184 : vector<782x128xi32>
    %shift_left3A_2186 = arith.constant 29 : i32
    %shift_left3A_2187 = vector.broadcast %shift_left3A_2186 : i32 to vector<782x128xi32>
    %shift_left3A_2188 = arith.shli %xor3A_2184, %shift_left3A_2187 : vector<782x128xi32>
    %shift_right_logical3A_2189 = arith.constant 3 : i32
    %shift_right_logical3A_2190 = vector.broadcast %shift_right_logical3A_2189 : i32 to vector<782x128xi32>
    %shift_right_logical3A_2191 = arith.shrui %xor3A_2184, %shift_right_logical3A_2190 : vector<782x128xi32>
    %or3A_2192 = arith.ori %shift_left3A_2188, %shift_right_logical3A_2191 : vector<782x128xi32>
    %xor3A_2193 = arith.xori %or3A_2192, %add3A_2185 : vector<782x128xi32>
    %add3A_2194 = arith.addi %add3A_2185, %xor3A_2193 : vector<782x128xi32>
    %shift_left3A_2195 = arith.constant 16 : i32
    %shift_left3A_2196 = vector.broadcast %shift_left3A_2195 : i32 to vector<782x128xi32>
    %shift_left3A_2197 = arith.shli %xor3A_2193, %shift_left3A_2196 : vector<782x128xi32>
    %shift_right_logical3A_2198 = arith.constant 16 : i32
    %shift_right_logical3A_2199 = vector.broadcast %shift_right_logical3A_2198 : i32 to vector<782x128xi32>
    %shift_right_logical3A_2200 = arith.shrui %xor3A_2193, %shift_right_logical3A_2199 : vector<782x128xi32>
    %or3A_2201 = arith.ori %shift_left3A_2197, %shift_right_logical3A_2200 : vector<782x128xi32>
    %xor3A_2202 = arith.xori %or3A_2201, %add3A_2194 : vector<782x128xi32>
    %add3A_2203 = arith.addi %add3A_2194, %xor3A_2202 : vector<782x128xi32>
    %shift_left3A_2204 = arith.constant 24 : i32
    %shift_left3A_2205 = vector.broadcast %shift_left3A_2204 : i32 to vector<782x128xi32>
    %shift_left3A_2206 = arith.shli %xor3A_2202, %shift_left3A_2205 : vector<782x128xi32>
    %shift_right_logical3A_2207 = arith.constant 8 : i32
    %shift_right_logical3A_2208 = vector.broadcast %shift_right_logical3A_2207 : i32 to vector<782x128xi32>
    %shift_right_logical3A_2209 = arith.shrui %xor3A_2202, %shift_right_logical3A_2208 : vector<782x128xi32>
    %or3A_2210 = arith.ori %shift_left3A_2206, %shift_right_logical3A_2209 : vector<782x128xi32>
    %xor3A_2211 = arith.xori %or3A_2210, %add3A_2203 : vector<782x128xi32>
    %add3A_2212 = vector.broadcast %get3A_2037 : i32 to vector<782x128xi32>
    %add3A_2213 = arith.addi %add3A_2203, %add3A_2212 : vector<782x128xi32>
    %add3A_2214 = vector.broadcast %xor3A_2042 : i32 to vector<782x128xi32>
    %add3A_2215 = arith.addi %xor3A_2211, %add3A_2214 : vector<782x128xi32>
    %add3A_2216 = arith.constant 4 : i32
    %add3A_2217 = vector.broadcast %add3A_2216 : i32 to vector<782x128xi32>
    %add3A_2218 = arith.addi %add3A_2215, %add3A_2217 : vector<782x128xi32>
    %add3A_2219 = arith.addi %add3A_2213, %add3A_2218 : vector<782x128xi32>
    %shift_left3A_2220 = arith.constant 13 : i32
    %shift_left3A_2221 = vector.broadcast %shift_left3A_2220 : i32 to vector<782x128xi32>
    %shift_left3A_2222 = arith.shli %add3A_2218, %shift_left3A_2221 : vector<782x128xi32>
    %shift_right_logical3A_2223 = arith.constant 19 : i32
    %shift_right_logical3A_2224 = vector.broadcast %shift_right_logical3A_2223 : i32 to vector<782x128xi32>
    %shift_right_logical3A_2225 = arith.shrui %add3A_2218, %shift_right_logical3A_2224 : vector<782x128xi32>
    %or3A_2226 = arith.ori %shift_left3A_2222, %shift_right_logical3A_2225 : vector<782x128xi32>
    %xor3A_2227 = arith.xori %or3A_2226, %add3A_2219 : vector<782x128xi32>
    %add3A_2228 = arith.addi %add3A_2219, %xor3A_2227 : vector<782x128xi32>
    %shift_left3A_2229 = arith.constant 15 : i32
    %shift_left3A_2230 = vector.broadcast %shift_left3A_2229 : i32 to vector<782x128xi32>
    %shift_left3A_2231 = arith.shli %xor3A_2227, %shift_left3A_2230 : vector<782x128xi32>
    %shift_right_logical3A_2232 = arith.constant 17 : i32
    %shift_right_logical3A_2233 = vector.broadcast %shift_right_logical3A_2232 : i32 to vector<782x128xi32>
    %shift_right_logical3A_2234 = arith.shrui %xor3A_2227, %shift_right_logical3A_2233 : vector<782x128xi32>
    %or3A_2235 = arith.ori %shift_left3A_2231, %shift_right_logical3A_2234 : vector<782x128xi32>
    %xor3A_2236 = arith.xori %or3A_2235, %add3A_2228 : vector<782x128xi32>
    %add3A_2237 = arith.addi %add3A_2228, %xor3A_2236 : vector<782x128xi32>
    %shift_left3A_2238 = arith.constant 26 : i32
    %shift_left3A_2239 = vector.broadcast %shift_left3A_2238 : i32 to vector<782x128xi32>
    %shift_left3A_2240 = arith.shli %xor3A_2236, %shift_left3A_2239 : vector<782x128xi32>
    %shift_right_logical3A_2241 = arith.constant 6 : i32
    %shift_right_logical3A_2242 = vector.broadcast %shift_right_logical3A_2241 : i32 to vector<782x128xi32>
    %shift_right_logical3A_2243 = arith.shrui %xor3A_2236, %shift_right_logical3A_2242 : vector<782x128xi32>
    %or3A_2244 = arith.ori %shift_left3A_2240, %shift_right_logical3A_2243 : vector<782x128xi32>
    %xor3A_2245 = arith.xori %or3A_2244, %add3A_2237 : vector<782x128xi32>
    %add3A_2246 = arith.addi %add3A_2237, %xor3A_2245 : vector<782x128xi32>
    %shift_left3A_2247 = arith.constant 6 : i32
    %shift_left3A_2248 = vector.broadcast %shift_left3A_2247 : i32 to vector<782x128xi32>
    %shift_left3A_2249 = arith.shli %xor3A_2245, %shift_left3A_2248 : vector<782x128xi32>
    %shift_right_logical3A_2250 = arith.constant 26 : i32
    %shift_right_logical3A_2251 = vector.broadcast %shift_right_logical3A_2250 : i32 to vector<782x128xi32>
    %shift_right_logical3A_2252 = arith.shrui %xor3A_2245, %shift_right_logical3A_2251 : vector<782x128xi32>
    %or3A_2253 = arith.ori %shift_left3A_2249, %shift_right_logical3A_2252 : vector<782x128xi32>
    %xor3A_2254 = arith.xori %or3A_2253, %add3A_2246 : vector<782x128xi32>
    %add3A_2255 = vector.broadcast %xor3A_2042 : i32 to vector<782x128xi32>
    %add3A_2256 = arith.addi %add3A_2246, %add3A_2255 : vector<782x128xi32>
    %add3A_2257 = vector.broadcast %get3A_2034 : i32 to vector<782x128xi32>
    %add3A_2258 = arith.addi %xor3A_2254, %add3A_2257 : vector<782x128xi32>
    %add3A_2259 = arith.constant 5 : i32
    %add3A_2260 = vector.broadcast %add3A_2259 : i32 to vector<782x128xi32>
    %add3A_2261 = arith.addi %add3A_2258, %add3A_2260 : vector<782x128xi32>
    %xor3A_2262 = arith.xori %add3A_2256, %add3A_2261 : vector<782x128xi32>
    %shift_right_logical3A_2263 = arith.constant 9 : i32
    %shift_right_logical3A_2264 = vector.broadcast %shift_right_logical3A_2263 : i32 to vector<782x128xi32>
    %shift_right_logical3A_2265 = arith.shrui %xor3A_2262, %shift_right_logical3A_2264 : vector<782x128xi32>
    %or3A_2266 = arith.constant 1065353216 : i32
    %or3A_2267 = vector.broadcast %or3A_2266 : i32 to vector<782x128xi32>
    %or3A_2268 = arith.ori %shift_right_logical3A_2265, %or3A_2267 : vector<782x128xi32>
    %bitcast_convert_type3A_2269 = tpu.bitcast %or3A_2268 : vector<782x128xi32> -> vector<782x128xf32>
    %sub3A_2270 = arith.constant 1.000000e+00 : f32
    %sub3A_2271 = vector.broadcast %sub3A_2270 : f32 to vector<782x128xf32>
    %sub3A_2272 = arith.subf %bitcast_convert_type3A_2269, %sub3A_2271 : vector<782x128xf32>
    %sub3A_2273 = arith.constant 1.000000e+00 : f32
    %sub3A_2274 = arith.constant 1.17549435E-38 : f32
    %sub3A_2275 = arith.subf %sub3A_2273, %sub3A_2274 : f32
    %mul3A_2276 = vector.broadcast %sub3A_2275 : f32 to vector<782x128xf32>
    %mul3A_2277 = arith.mulf %sub3A_2272, %mul3A_2276 : vector<782x128xf32>
    %add3A_2278 = arith.constant 1.17549435E-38 : f32
    %add3A_2279 = vector.broadcast %add3A_2278 : f32 to vector<782x128xf32>
    %add3A_2280 = arith.addf %mul3A_2277, %add3A_2279 : vector<782x128xf32>
    %max3A_2281 = arith.constant 1.17549435E-38 : f32
    %max3A_2282 = vector.broadcast %max3A_2281 : f32 to vector<782x128xf32>
    %max3A_2283 = arith.maximumf %max3A_2282, %add3A_2280 : vector<782x128xf32>
    %log3A_2284 = math.log %max3A_2283 : vector<782x128xf32>
    %neg3A_2285 = arith.constant 0.000000e+00 : f32
    %neg3A_2286 = vector.broadcast %neg3A_2285 : f32 to vector<782x128xf32>
    %neg3A_2287 = arith.subf %neg3A_2286, %log3A_2284 : vector<782x128xf32>
    %log3A_2288 = math.log %neg3A_2287 : vector<782x128xf32>
    %neg3A_2289 = arith.constant 0.000000e+00 : f32
    %neg3A_2290 = vector.broadcast %neg3A_2289 : f32 to vector<782x128xf32>
    %neg3A_2291 = arith.subf %neg3A_2290, %log3A_2288 : vector<782x128xf32>
    %jit3A_2292 = arith.constant -1.000000e+30 : f32
    %broadcast_in_dim3A_2293 = vector.broadcast %jit3A_2292 : f32 to vector<782x128xf32>
    %select_n3A_2294 = arith.select %ge3A_9, %broadcast_in_dim3A_2293, %neg3A_2291 : vector<782x128xi1>, vector<782x128xf32>
    %get3A_2295 = arith.constant 0 : index
    %get3A_2296 = arith.constant 0 : index
    %get3A_2297 = vector.load %arg2[%get3A_2295, %get3A_2296] : memref<782x128xi32, #tpu.memory_space<vmem>>, vector<782x128xi32>
    %le3A_2298 = vector.broadcast %add3A_2031 : i32 to vector<782x128xi32>
    %le3A_2299 = arith.cmpi sle, %get3A_2297, %le3A_2298 : vector<782x128xi32>
    %broadcast_in_dim3A_2300 = vector.broadcast %log3A_4 : f32 to vector<782x128xf32>
    %select_n3A_2301 = arith.select %le3A_2299, %broadcast_in_dim3A_2300, %log3A : vector<782x128xi1>, vector<782x128xf32>
    %add3A_2302 = arith.addf %select_n3A_2301, %select_n3A_2294 : vector<782x128xf32>
    %bitcast_convert_type3A_2303 = tpu.bitcast %add3A_2302 : vector<782x128xf32> -> vector<782x128xi32>
    %lt3A_2304 = arith.constant 0 : i32
    %lt3A_2305 = vector.broadcast %lt3A_2304 : i32 to vector<782x128xi32>
    %lt3A_2306 = arith.cmpi slt, %bitcast_convert_type3A_2303, %lt3A_2305 : vector<782x128xi32>
    %xor3A_2307 = arith.constant 2147483647 : i32
    %xor3A_2308 = vector.broadcast %xor3A_2307 : i32 to vector<782x128xi32>
    %xor3A_2309 = arith.xori %bitcast_convert_type3A_2303, %xor3A_2308 : vector<782x128xi32>
    %select_n3A_2310 = arith.select %lt3A_2306, %xor3A_2309, %bitcast_convert_type3A_2303 : vector<782x128xi1>, vector<782x128xi32>
    %swap3A_2311 = arith.constant 0 : index
    %swap3A_2312 = arith.constant 7 : index
    %swap3A_2313 = arith.constant 0 : index
    %swap3A_2314 = arith.constant 0 : index
    %swap3A_2315 = vector.load %arg4[%swap3A_2311, %swap3A_2312, %swap3A_2313, %swap3A_2314] : memref<1x16x782x128xi32, #tpu.memory_space<vmem>>, vector<1x1x782x128xi32>
    %swap3A_2316 = vector.shape_cast %swap3A_2315 : vector<1x1x782x128xi32> to vector<782x128xi32>
    %swap3A_2317 = vector.shape_cast %select_n3A_2310 : vector<782x128xi32> to vector<1x1x782x128xi32>
    tpu.vector_store %arg4[%swap3A_2311, %swap3A_2312, %swap3A_2313, %swap3A_2314], %swap3A_2317 {strides = array<i32>} : memref<1x16x782x128xi32, #tpu.memory_space<vmem>>, vector<1x1x782x128xi32>,
    %mul3A_2318 = arith.constant 16 : i32
    %mul3A_2319 = arith.muli %arg0, %mul3A_2318 : i32
    %add3A_2320 = arith.constant 8 : i32
    %add3A_2321 = arith.addi %mul3A_2319, %add3A_2320 : i32
    %get3A_2322 = arith.index_cast %add3A_2321 : i32 to index
    %get3A_2323 = arith.constant 0 : index
    %get3A_2324 = memref.load %arg1[%get3A_2322, %get3A_2323] : memref<64x2xi32, #tpu.memory_space<smem>>
    %get3A_2325 = arith.index_cast %add3A_2321 : i32 to index
    %get3A_2326 = arith.constant 1 : index
    %get3A_2327 = memref.load %arg1[%get3A_2325, %get3A_2326] : memref<64x2xi32, #tpu.memory_space<smem>>
    %broadcast_in_dim3A_2328 = arith.constant 0 : i32
    %broadcast_in_dim3A_2329 = vector.broadcast %broadcast_in_dim3A_2328 : i32 to vector<782x128xi32>
    %xor3A_2330 = arith.xori %get3A_2324, %get3A_2327 : i32
    %xor3A_2331 = arith.constant 466688986 : i32
    %xor3A_2332 = arith.xori %xor3A_2330, %xor3A_2331 : i32
    %add3A_2333 = vector.broadcast %get3A_2324 : i32 to vector<782x128xi32>
    %add3A_2334 = arith.addi %broadcast_in_dim3A_2329, %add3A_2333 : vector<782x128xi32>
    %add3A_2335 = vector.broadcast %get3A_2327 : i32 to vector<782x128xi32>
    %add3A_2336 = arith.addi %add3A, %add3A_2335 : vector<782x128xi32>
    %add3A_2337 = arith.addi %add3A_2334, %add3A_2336 : vector<782x128xi32>
    %shift_left3A_2338 = arith.constant 13 : i32
    %shift_left3A_2339 = vector.broadcast %shift_left3A_2338 : i32 to vector<782x128xi32>
    %shift_left3A_2340 = arith.shli %add3A_2336, %shift_left3A_2339 : vector<782x128xi32>
    %shift_right_logical3A_2341 = arith.constant 19 : i32
    %shift_right_logical3A_2342 = vector.broadcast %shift_right_logical3A_2341 : i32 to vector<782x128xi32>
    %shift_right_logical3A_2343 = arith.shrui %add3A_2336, %shift_right_logical3A_2342 : vector<782x128xi32>
    %or3A_2344 = arith.ori %shift_left3A_2340, %shift_right_logical3A_2343 : vector<782x128xi32>
    %xor3A_2345 = arith.xori %or3A_2344, %add3A_2337 : vector<782x128xi32>
    %add3A_2346 = arith.addi %add3A_2337, %xor3A_2345 : vector<782x128xi32>
    %shift_left3A_2347 = arith.constant 15 : i32
    %shift_left3A_2348 = vector.broadcast %shift_left3A_2347 : i32 to vector<782x128xi32>
    %shift_left3A_2349 = arith.shli %xor3A_2345, %shift_left3A_2348 : vector<782x128xi32>
    %shift_right_logical3A_2350 = arith.constant 17 : i32
    %shift_right_logical3A_2351 = vector.broadcast %shift_right_logical3A_2350 : i32 to vector<782x128xi32>
    %shift_right_logical3A_2352 = arith.shrui %xor3A_2345, %shift_right_logical3A_2351 : vector<782x128xi32>
    %or3A_2353 = arith.ori %shift_left3A_2349, %shift_right_logical3A_2352 : vector<782x128xi32>
    %xor3A_2354 = arith.xori %or3A_2353, %add3A_2346 : vector<782x128xi32>
    %add3A_2355 = arith.addi %add3A_2346, %xor3A_2354 : vector<782x128xi32>
    %shift_left3A_2356 = arith.constant 26 : i32
    %shift_left3A_2357 = vector.broadcast %shift_left3A_2356 : i32 to vector<782x128xi32>
    %shift_left3A_2358 = arith.shli %xor3A_2354, %shift_left3A_2357 : vector<782x128xi32>
    %shift_right_logical3A_2359 = arith.constant 6 : i32
    %shift_right_logical3A_2360 = vector.broadcast %shift_right_logical3A_2359 : i32 to vector<782x128xi32>
    %shift_right_logical3A_2361 = arith.shrui %xor3A_2354, %shift_right_logical3A_2360 : vector<782x128xi32>
    %or3A_2362 = arith.ori %shift_left3A_2358, %shift_right_logical3A_2361 : vector<782x128xi32>
    %xor3A_2363 = arith.xori %or3A_2362, %add3A_2355 : vector<782x128xi32>
    %add3A_2364 = arith.addi %add3A_2355, %xor3A_2363 : vector<782x128xi32>
    %shift_left3A_2365 = arith.constant 6 : i32
    %shift_left3A_2366 = vector.broadcast %shift_left3A_2365 : i32 to vector<782x128xi32>
    %shift_left3A_2367 = arith.shli %xor3A_2363, %shift_left3A_2366 : vector<782x128xi32>
    %shift_right_logical3A_2368 = arith.constant 26 : i32
    %shift_right_logical3A_2369 = vector.broadcast %shift_right_logical3A_2368 : i32 to vector<782x128xi32>
    %shift_right_logical3A_2370 = arith.shrui %xor3A_2363, %shift_right_logical3A_2369 : vector<782x128xi32>
    %or3A_2371 = arith.ori %shift_left3A_2367, %shift_right_logical3A_2370 : vector<782x128xi32>
    %xor3A_2372 = arith.xori %or3A_2371, %add3A_2364 : vector<782x128xi32>
    %add3A_2373 = vector.broadcast %get3A_2327 : i32 to vector<782x128xi32>
    %add3A_2374 = arith.addi %add3A_2364, %add3A_2373 : vector<782x128xi32>
    %add3A_2375 = vector.broadcast %xor3A_2332 : i32 to vector<782x128xi32>
    %add3A_2376 = arith.addi %xor3A_2372, %add3A_2375 : vector<782x128xi32>
    %add3A_2377 = arith.constant 1 : i32
    %add3A_2378 = vector.broadcast %add3A_2377 : i32 to vector<782x128xi32>
    %add3A_2379 = arith.addi %add3A_2376, %add3A_2378 : vector<782x128xi32>
    %add3A_2380 = arith.addi %add3A_2374, %add3A_2379 : vector<782x128xi32>
    %shift_left3A_2381 = arith.constant 17 : i32
    %shift_left3A_2382 = vector.broadcast %shift_left3A_2381 : i32 to vector<782x128xi32>
    %shift_left3A_2383 = arith.shli %add3A_2379, %shift_left3A_2382 : vector<782x128xi32>
    %shift_right_logical3A_2384 = arith.constant 15 : i32
    %shift_right_logical3A_2385 = vector.broadcast %shift_right_logical3A_2384 : i32 to vector<782x128xi32>
    %shift_right_logical3A_2386 = arith.shrui %add3A_2379, %shift_right_logical3A_2385 : vector<782x128xi32>
    %or3A_2387 = arith.ori %shift_left3A_2383, %shift_right_logical3A_2386 : vector<782x128xi32>
    %xor3A_2388 = arith.xori %or3A_2387, %add3A_2380 : vector<782x128xi32>
    %add3A_2389 = arith.addi %add3A_2380, %xor3A_2388 : vector<782x128xi32>
    %shift_left3A_2390 = arith.constant 29 : i32
    %shift_left3A_2391 = vector.broadcast %shift_left3A_2390 : i32 to vector<782x128xi32>
    %shift_left3A_2392 = arith.shli %xor3A_2388, %shift_left3A_2391 : vector<782x128xi32>
    %shift_right_logical3A_2393 = arith.constant 3 : i32
    %shift_right_logical3A_2394 = vector.broadcast %shift_right_logical3A_2393 : i32 to vector<782x128xi32>
    %shift_right_logical3A_2395 = arith.shrui %xor3A_2388, %shift_right_logical3A_2394 : vector<782x128xi32>
    %or3A_2396 = arith.ori %shift_left3A_2392, %shift_right_logical3A_2395 : vector<782x128xi32>
    %xor3A_2397 = arith.xori %or3A_2396, %add3A_2389 : vector<782x128xi32>
    %add3A_2398 = arith.addi %add3A_2389, %xor3A_2397 : vector<782x128xi32>
    %shift_left3A_2399 = arith.constant 16 : i32
    %shift_left3A_2400 = vector.broadcast %shift_left3A_2399 : i32 to vector<782x128xi32>
    %shift_left3A_2401 = arith.shli %xor3A_2397, %shift_left3A_2400 : vector<782x128xi32>
    %shift_right_logical3A_2402 = arith.constant 16 : i32
    %shift_right_logical3A_2403 = vector.broadcast %shift_right_logical3A_2402 : i32 to vector<782x128xi32>
    %shift_right_logical3A_2404 = arith.shrui %xor3A_2397, %shift_right_logical3A_2403 : vector<782x128xi32>
    %or3A_2405 = arith.ori %shift_left3A_2401, %shift_right_logical3A_2404 : vector<782x128xi32>
    %xor3A_2406 = arith.xori %or3A_2405, %add3A_2398 : vector<782x128xi32>
    %add3A_2407 = arith.addi %add3A_2398, %xor3A_2406 : vector<782x128xi32>
    %shift_left3A_2408 = arith.constant 24 : i32
    %shift_left3A_2409 = vector.broadcast %shift_left3A_2408 : i32 to vector<782x128xi32>
    %shift_left3A_2410 = arith.shli %xor3A_2406, %shift_left3A_2409 : vector<782x128xi32>
    %shift_right_logical3A_2411 = arith.constant 8 : i32
    %shift_right_logical3A_2412 = vector.broadcast %shift_right_logical3A_2411 : i32 to vector<782x128xi32>
    %shift_right_logical3A_2413 = arith.shrui %xor3A_2406, %shift_right_logical3A_2412 : vector<782x128xi32>
    %or3A_2414 = arith.ori %shift_left3A_2410, %shift_right_logical3A_2413 : vector<782x128xi32>
    %xor3A_2415 = arith.xori %or3A_2414, %add3A_2407 : vector<782x128xi32>
    %add3A_2416 = vector.broadcast %xor3A_2332 : i32 to vector<782x128xi32>
    %add3A_2417 = arith.addi %add3A_2407, %add3A_2416 : vector<782x128xi32>
    %add3A_2418 = vector.broadcast %get3A_2324 : i32 to vector<782x128xi32>
    %add3A_2419 = arith.addi %xor3A_2415, %add3A_2418 : vector<782x128xi32>
    %add3A_2420 = arith.constant 2 : i32
    %add3A_2421 = vector.broadcast %add3A_2420 : i32 to vector<782x128xi32>
    %add3A_2422 = arith.addi %add3A_2419, %add3A_2421 : vector<782x128xi32>
    %add3A_2423 = arith.addi %add3A_2417, %add3A_2422 : vector<782x128xi32>
    %shift_left3A_2424 = arith.constant 13 : i32
    %shift_left3A_2425 = vector.broadcast %shift_left3A_2424 : i32 to vector<782x128xi32>
    %shift_left3A_2426 = arith.shli %add3A_2422, %shift_left3A_2425 : vector<782x128xi32>
    %shift_right_logical3A_2427 = arith.constant 19 : i32
    %shift_right_logical3A_2428 = vector.broadcast %shift_right_logical3A_2427 : i32 to vector<782x128xi32>
    %shift_right_logical3A_2429 = arith.shrui %add3A_2422, %shift_right_logical3A_2428 : vector<782x128xi32>
    %or3A_2430 = arith.ori %shift_left3A_2426, %shift_right_logical3A_2429 : vector<782x128xi32>
    %xor3A_2431 = arith.xori %or3A_2430, %add3A_2423 : vector<782x128xi32>
    %add3A_2432 = arith.addi %add3A_2423, %xor3A_2431 : vector<782x128xi32>
    %shift_left3A_2433 = arith.constant 15 : i32
    %shift_left3A_2434 = vector.broadcast %shift_left3A_2433 : i32 to vector<782x128xi32>
    %shift_left3A_2435 = arith.shli %xor3A_2431, %shift_left3A_2434 : vector<782x128xi32>
    %shift_right_logical3A_2436 = arith.constant 17 : i32
    %shift_right_logical3A_2437 = vector.broadcast %shift_right_logical3A_2436 : i32 to vector<782x128xi32>
    %shift_right_logical3A_2438 = arith.shrui %xor3A_2431, %shift_right_logical3A_2437 : vector<782x128xi32>
    %or3A_2439 = arith.ori %shift_left3A_2435, %shift_right_logical3A_2438 : vector<782x128xi32>
    %xor3A_2440 = arith.xori %or3A_2439, %add3A_2432 : vector<782x128xi32>
    %add3A_2441 = arith.addi %add3A_2432, %xor3A_2440 : vector<782x128xi32>
    %shift_left3A_2442 = arith.constant 26 : i32
    %shift_left3A_2443 = vector.broadcast %shift_left3A_2442 : i32 to vector<782x128xi32>
    %shift_left3A_2444 = arith.shli %xor3A_2440, %shift_left3A_2443 : vector<782x128xi32>
    %shift_right_logical3A_2445 = arith.constant 6 : i32
    %shift_right_logical3A_2446 = vector.broadcast %shift_right_logical3A_2445 : i32 to vector<782x128xi32>
    %shift_right_logical3A_2447 = arith.shrui %xor3A_2440, %shift_right_logical3A_2446 : vector<782x128xi32>
    %or3A_2448 = arith.ori %shift_left3A_2444, %shift_right_logical3A_2447 : vector<782x128xi32>
    %xor3A_2449 = arith.xori %or3A_2448, %add3A_2441 : vector<782x128xi32>
    %add3A_2450 = arith.addi %add3A_2441, %xor3A_2449 : vector<782x128xi32>
    %shift_left3A_2451 = arith.constant 6 : i32
    %shift_left3A_2452 = vector.broadcast %shift_left3A_2451 : i32 to vector<782x128xi32>
    %shift_left3A_2453 = arith.shli %xor3A_2449, %shift_left3A_2452 : vector<782x128xi32>
    %shift_right_logical3A_2454 = arith.constant 26 : i32
    %shift_right_logical3A_2455 = vector.broadcast %shift_right_logical3A_2454 : i32 to vector<782x128xi32>
    %shift_right_logical3A_2456 = arith.shrui %xor3A_2449, %shift_right_logical3A_2455 : vector<782x128xi32>
    %or3A_2457 = arith.ori %shift_left3A_2453, %shift_right_logical3A_2456 : vector<782x128xi32>
    %xor3A_2458 = arith.xori %or3A_2457, %add3A_2450 : vector<782x128xi32>
    %add3A_2459 = vector.broadcast %get3A_2324 : i32 to vector<782x128xi32>
    %add3A_2460 = arith.addi %add3A_2450, %add3A_2459 : vector<782x128xi32>
    %add3A_2461 = vector.broadcast %get3A_2327 : i32 to vector<782x128xi32>
    %add3A_2462 = arith.addi %xor3A_2458, %add3A_2461 : vector<782x128xi32>
    %add3A_2463 = arith.constant 3 : i32
    %add3A_2464 = vector.broadcast %add3A_2463 : i32 to vector<782x128xi32>
    %add3A_2465 = arith.addi %add3A_2462, %add3A_2464 : vector<782x128xi32>
    %add3A_2466 = arith.addi %add3A_2460, %add3A_2465 : vector<782x128xi32>
    %shift_left3A_2467 = arith.constant 17 : i32
    %shift_left3A_2468 = vector.broadcast %shift_left3A_2467 : i32 to vector<782x128xi32>
    %shift_left3A_2469 = arith.shli %add3A_2465, %shift_left3A_2468 : vector<782x128xi32>
    %shift_right_logical3A_2470 = arith.constant 15 : i32
    %shift_right_logical3A_2471 = vector.broadcast %shift_right_logical3A_2470 : i32 to vector<782x128xi32>
    %shift_right_logical3A_2472 = arith.shrui %add3A_2465, %shift_right_logical3A_2471 : vector<782x128xi32>
    %or3A_2473 = arith.ori %shift_left3A_2469, %shift_right_logical3A_2472 : vector<782x128xi32>
    %xor3A_2474 = arith.xori %or3A_2473, %add3A_2466 : vector<782x128xi32>
    %add3A_2475 = arith.addi %add3A_2466, %xor3A_2474 : vector<782x128xi32>
    %shift_left3A_2476 = arith.constant 29 : i32
    %shift_left3A_2477 = vector.broadcast %shift_left3A_2476 : i32 to vector<782x128xi32>
    %shift_left3A_2478 = arith.shli %xor3A_2474, %shift_left3A_2477 : vector<782x128xi32>
    %shift_right_logical3A_2479 = arith.constant 3 : i32
    %shift_right_logical3A_2480 = vector.broadcast %shift_right_logical3A_2479 : i32 to vector<782x128xi32>
    %shift_right_logical3A_2481 = arith.shrui %xor3A_2474, %shift_right_logical3A_2480 : vector<782x128xi32>
    %or3A_2482 = arith.ori %shift_left3A_2478, %shift_right_logical3A_2481 : vector<782x128xi32>
    %xor3A_2483 = arith.xori %or3A_2482, %add3A_2475 : vector<782x128xi32>
    %add3A_2484 = arith.addi %add3A_2475, %xor3A_2483 : vector<782x128xi32>
    %shift_left3A_2485 = arith.constant 16 : i32
    %shift_left3A_2486 = vector.broadcast %shift_left3A_2485 : i32 to vector<782x128xi32>
    %shift_left3A_2487 = arith.shli %xor3A_2483, %shift_left3A_2486 : vector<782x128xi32>
    %shift_right_logical3A_2488 = arith.constant 16 : i32
    %shift_right_logical3A_2489 = vector.broadcast %shift_right_logical3A_2488 : i32 to vector<782x128xi32>
    %shift_right_logical3A_2490 = arith.shrui %xor3A_2483, %shift_right_logical3A_2489 : vector<782x128xi32>
    %or3A_2491 = arith.ori %shift_left3A_2487, %shift_right_logical3A_2490 : vector<782x128xi32>
    %xor3A_2492 = arith.xori %or3A_2491, %add3A_2484 : vector<782x128xi32>
    %add3A_2493 = arith.addi %add3A_2484, %xor3A_2492 : vector<782x128xi32>
    %shift_left3A_2494 = arith.constant 24 : i32
    %shift_left3A_2495 = vector.broadcast %shift_left3A_2494 : i32 to vector<782x128xi32>
    %shift_left3A_2496 = arith.shli %xor3A_2492, %shift_left3A_2495 : vector<782x128xi32>
    %shift_right_logical3A_2497 = arith.constant 8 : i32
    %shift_right_logical3A_2498 = vector.broadcast %shift_right_logical3A_2497 : i32 to vector<782x128xi32>
    %shift_right_logical3A_2499 = arith.shrui %xor3A_2492, %shift_right_logical3A_2498 : vector<782x128xi32>
    %or3A_2500 = arith.ori %shift_left3A_2496, %shift_right_logical3A_2499 : vector<782x128xi32>
    %xor3A_2501 = arith.xori %or3A_2500, %add3A_2493 : vector<782x128xi32>
    %add3A_2502 = vector.broadcast %get3A_2327 : i32 to vector<782x128xi32>
    %add3A_2503 = arith.addi %add3A_2493, %add3A_2502 : vector<782x128xi32>
    %add3A_2504 = vector.broadcast %xor3A_2332 : i32 to vector<782x128xi32>
    %add3A_2505 = arith.addi %xor3A_2501, %add3A_2504 : vector<782x128xi32>
    %add3A_2506 = arith.constant 4 : i32
    %add3A_2507 = vector.broadcast %add3A_2506 : i32 to vector<782x128xi32>
    %add3A_2508 = arith.addi %add3A_2505, %add3A_2507 : vector<782x128xi32>
    %add3A_2509 = arith.addi %add3A_2503, %add3A_2508 : vector<782x128xi32>
    %shift_left3A_2510 = arith.constant 13 : i32
    %shift_left3A_2511 = vector.broadcast %shift_left3A_2510 : i32 to vector<782x128xi32>
    %shift_left3A_2512 = arith.shli %add3A_2508, %shift_left3A_2511 : vector<782x128xi32>
    %shift_right_logical3A_2513 = arith.constant 19 : i32
    %shift_right_logical3A_2514 = vector.broadcast %shift_right_logical3A_2513 : i32 to vector<782x128xi32>
    %shift_right_logical3A_2515 = arith.shrui %add3A_2508, %shift_right_logical3A_2514 : vector<782x128xi32>
    %or3A_2516 = arith.ori %shift_left3A_2512, %shift_right_logical3A_2515 : vector<782x128xi32>
    %xor3A_2517 = arith.xori %or3A_2516, %add3A_2509 : vector<782x128xi32>
    %add3A_2518 = arith.addi %add3A_2509, %xor3A_2517 : vector<782x128xi32>
    %shift_left3A_2519 = arith.constant 15 : i32
    %shift_left3A_2520 = vector.broadcast %shift_left3A_2519 : i32 to vector<782x128xi32>
    %shift_left3A_2521 = arith.shli %xor3A_2517, %shift_left3A_2520 : vector<782x128xi32>
    %shift_right_logical3A_2522 = arith.constant 17 : i32
    %shift_right_logical3A_2523 = vector.broadcast %shift_right_logical3A_2522 : i32 to vector<782x128xi32>
    %shift_right_logical3A_2524 = arith.shrui %xor3A_2517, %shift_right_logical3A_2523 : vector<782x128xi32>
    %or3A_2525 = arith.ori %shift_left3A_2521, %shift_right_logical3A_2524 : vector<782x128xi32>
    %xor3A_2526 = arith.xori %or3A_2525, %add3A_2518 : vector<782x128xi32>
    %add3A_2527 = arith.addi %add3A_2518, %xor3A_2526 : vector<782x128xi32>
    %shift_left3A_2528 = arith.constant 26 : i32
    %shift_left3A_2529 = vector.broadcast %shift_left3A_2528 : i32 to vector<782x128xi32>
    %shift_left3A_2530 = arith.shli %xor3A_2526, %shift_left3A_2529 : vector<782x128xi32>
    %shift_right_logical3A_2531 = arith.constant 6 : i32
    %shift_right_logical3A_2532 = vector.broadcast %shift_right_logical3A_2531 : i32 to vector<782x128xi32>
    %shift_right_logical3A_2533 = arith.shrui %xor3A_2526, %shift_right_logical3A_2532 : vector<782x128xi32>
    %or3A_2534 = arith.ori %shift_left3A_2530, %shift_right_logical3A_2533 : vector<782x128xi32>
    %xor3A_2535 = arith.xori %or3A_2534, %add3A_2527 : vector<782x128xi32>
    %add3A_2536 = arith.addi %add3A_2527, %xor3A_2535 : vector<782x128xi32>
    %shift_left3A_2537 = arith.constant 6 : i32
    %shift_left3A_2538 = vector.broadcast %shift_left3A_2537 : i32 to vector<782x128xi32>
    %shift_left3A_2539 = arith.shli %xor3A_2535, %shift_left3A_2538 : vector<782x128xi32>
    %shift_right_logical3A_2540 = arith.constant 26 : i32
    %shift_right_logical3A_2541 = vector.broadcast %shift_right_logical3A_2540 : i32 to vector<782x128xi32>
    %shift_right_logical3A_2542 = arith.shrui %xor3A_2535, %shift_right_logical3A_2541 : vector<782x128xi32>
    %or3A_2543 = arith.ori %shift_left3A_2539, %shift_right_logical3A_2542 : vector<782x128xi32>
    %xor3A_2544 = arith.xori %or3A_2543, %add3A_2536 : vector<782x128xi32>
    %add3A_2545 = vector.broadcast %xor3A_2332 : i32 to vector<782x128xi32>
    %add3A_2546 = arith.addi %add3A_2536, %add3A_2545 : vector<782x128xi32>
    %add3A_2547 = vector.broadcast %get3A_2324 : i32 to vector<782x128xi32>
    %add3A_2548 = arith.addi %xor3A_2544, %add3A_2547 : vector<782x128xi32>
    %add3A_2549 = arith.constant 5 : i32
    %add3A_2550 = vector.broadcast %add3A_2549 : i32 to vector<782x128xi32>
    %add3A_2551 = arith.addi %add3A_2548, %add3A_2550 : vector<782x128xi32>
    %xor3A_2552 = arith.xori %add3A_2546, %add3A_2551 : vector<782x128xi32>
    %shift_right_logical3A_2553 = arith.constant 9 : i32
    %shift_right_logical3A_2554 = vector.broadcast %shift_right_logical3A_2553 : i32 to vector<782x128xi32>
    %shift_right_logical3A_2555 = arith.shrui %xor3A_2552, %shift_right_logical3A_2554 : vector<782x128xi32>
    %or3A_2556 = arith.constant 1065353216 : i32
    %or3A_2557 = vector.broadcast %or3A_2556 : i32 to vector<782x128xi32>
    %or3A_2558 = arith.ori %shift_right_logical3A_2555, %or3A_2557 : vector<782x128xi32>
    %bitcast_convert_type3A_2559 = tpu.bitcast %or3A_2558 : vector<782x128xi32> -> vector<782x128xf32>
    %sub3A_2560 = arith.constant 1.000000e+00 : f32
    %sub3A_2561 = vector.broadcast %sub3A_2560 : f32 to vector<782x128xf32>
    %sub3A_2562 = arith.subf %bitcast_convert_type3A_2559, %sub3A_2561 : vector<782x128xf32>
    %sub3A_2563 = arith.constant 1.000000e+00 : f32
    %sub3A_2564 = arith.constant 1.17549435E-38 : f32
    %sub3A_2565 = arith.subf %sub3A_2563, %sub3A_2564 : f32
    %mul3A_2566 = vector.broadcast %sub3A_2565 : f32 to vector<782x128xf32>
    %mul3A_2567 = arith.mulf %sub3A_2562, %mul3A_2566 : vector<782x128xf32>
    %add3A_2568 = arith.constant 1.17549435E-38 : f32
    %add3A_2569 = vector.broadcast %add3A_2568 : f32 to vector<782x128xf32>
    %add3A_2570 = arith.addf %mul3A_2567, %add3A_2569 : vector<782x128xf32>
    %max3A_2571 = arith.constant 1.17549435E-38 : f32
    %max3A_2572 = vector.broadcast %max3A_2571 : f32 to vector<782x128xf32>
    %max3A_2573 = arith.maximumf %max3A_2572, %add3A_2570 : vector<782x128xf32>
    %log3A_2574 = math.log %max3A_2573 : vector<782x128xf32>
    %neg3A_2575 = arith.constant 0.000000e+00 : f32
    %neg3A_2576 = vector.broadcast %neg3A_2575 : f32 to vector<782x128xf32>
    %neg3A_2577 = arith.subf %neg3A_2576, %log3A_2574 : vector<782x128xf32>
    %log3A_2578 = math.log %neg3A_2577 : vector<782x128xf32>
    %neg3A_2579 = arith.constant 0.000000e+00 : f32
    %neg3A_2580 = vector.broadcast %neg3A_2579 : f32 to vector<782x128xf32>
    %neg3A_2581 = arith.subf %neg3A_2580, %log3A_2578 : vector<782x128xf32>
    %jit3A_2582 = arith.constant -1.000000e+30 : f32
    %broadcast_in_dim3A_2583 = vector.broadcast %jit3A_2582 : f32 to vector<782x128xf32>
    %select_n3A_2584 = arith.select %ge3A_9, %broadcast_in_dim3A_2583, %neg3A_2581 : vector<782x128xi1>, vector<782x128xf32>
    %get3A_2585 = arith.constant 0 : index
    %get3A_2586 = arith.constant 0 : index
    %get3A_2587 = vector.load %arg2[%get3A_2585, %get3A_2586] : memref<782x128xi32, #tpu.memory_space<vmem>>, vector<782x128xi32>
    %le3A_2588 = vector.broadcast %add3A_2321 : i32 to vector<782x128xi32>
    %le3A_2589 = arith.cmpi sle, %get3A_2587, %le3A_2588 : vector<782x128xi32>
    %broadcast_in_dim3A_2590 = vector.broadcast %log3A_4 : f32 to vector<782x128xf32>
    %select_n3A_2591 = arith.select %le3A_2589, %broadcast_in_dim3A_2590, %log3A : vector<782x128xi1>, vector<782x128xf32>
    %add3A_2592 = arith.addf %select_n3A_2591, %select_n3A_2584 : vector<782x128xf32>
    %bitcast_convert_type3A_2593 = tpu.bitcast %add3A_2592 : vector<782x128xf32> -> vector<782x128xi32>
    %lt3A_2594 = arith.constant 0 : i32
    %lt3A_2595 = vector.broadcast %lt3A_2594 : i32 to vector<782x128xi32>
    %lt3A_2596 = arith.cmpi slt, %bitcast_convert_type3A_2593, %lt3A_2595 : vector<782x128xi32>
    %xor3A_2597 = arith.constant 2147483647 : i32
    %xor3A_2598 = vector.broadcast %xor3A_2597 : i32 to vector<782x128xi32>
    %xor3A_2599 = arith.xori %bitcast_convert_type3A_2593, %xor3A_2598 : vector<782x128xi32>
    %select_n3A_2600 = arith.select %lt3A_2596, %xor3A_2599, %bitcast_convert_type3A_2593 : vector<782x128xi1>, vector<782x128xi32>
    %swap3A_2601 = arith.constant 0 : index
    %swap3A_2602 = arith.constant 8 : index
    %swap3A_2603 = arith.constant 0 : index
    %swap3A_2604 = arith.constant 0 : index
    %swap3A_2605 = vector.load %arg4[%swap3A_2601, %swap3A_2602, %swap3A_2603, %swap3A_2604] : memref<1x16x782x128xi32, #tpu.memory_space<vmem>>, vector<1x1x782x128xi32>
    %swap3A_2606 = vector.shape_cast %swap3A_2605 : vector<1x1x782x128xi32> to vector<782x128xi32>
    %swap3A_2607 = vector.shape_cast %select_n3A_2600 : vector<782x128xi32> to vector<1x1x782x128xi32>
    tpu.vector_store %arg4[%swap3A_2601, %swap3A_2602, %swap3A_2603, %swap3A_2604], %swap3A_2607 {strides = array<i32>} : memref<1x16x782x128xi32, #tpu.memory_space<vmem>>, vector<1x1x782x128xi32>,
    %mul3A_2608 = arith.constant 16 : i32
    %mul3A_2609 = arith.muli %arg0, %mul3A_2608 : i32
    %add3A_2610 = arith.constant 9 : i32
    %add3A_2611 = arith.addi %mul3A_2609, %add3A_2610 : i32
    %get3A_2612 = arith.index_cast %add3A_2611 : i32 to index
    %get3A_2613 = arith.constant 0 : index
    %get3A_2614 = memref.load %arg1[%get3A_2612, %get3A_2613] : memref<64x2xi32, #tpu.memory_space<smem>>
    %get3A_2615 = arith.index_cast %add3A_2611 : i32 to index
    %get3A_2616 = arith.constant 1 : index
    %get3A_2617 = memref.load %arg1[%get3A_2615, %get3A_2616] : memref<64x2xi32, #tpu.memory_space<smem>>
    %broadcast_in_dim3A_2618 = arith.constant 0 : i32
    %broadcast_in_dim3A_2619 = vector.broadcast %broadcast_in_dim3A_2618 : i32 to vector<782x128xi32>
    %xor3A_2620 = arith.xori %get3A_2614, %get3A_2617 : i32
    %xor3A_2621 = arith.constant 466688986 : i32
    %xor3A_2622 = arith.xori %xor3A_2620, %xor3A_2621 : i32
    %add3A_2623 = vector.broadcast %get3A_2614 : i32 to vector<782x128xi32>
    %add3A_2624 = arith.addi %broadcast_in_dim3A_2619, %add3A_2623 : vector<782x128xi32>
    %add3A_2625 = vector.broadcast %get3A_2617 : i32 to vector<782x128xi32>
    %add3A_2626 = arith.addi %add3A, %add3A_2625 : vector<782x128xi32>
    %add3A_2627 = arith.addi %add3A_2624, %add3A_2626 : vector<782x128xi32>
    %shift_left3A_2628 = arith.constant 13 : i32
    %shift_left3A_2629 = vector.broadcast %shift_left3A_2628 : i32 to vector<782x128xi32>
    %shift_left3A_2630 = arith.shli %add3A_2626, %shift_left3A_2629 : vector<782x128xi32>
    %shift_right_logical3A_2631 = arith.constant 19 : i32
    %shift_right_logical3A_2632 = vector.broadcast %shift_right_logical3A_2631 : i32 to vector<782x128xi32>
    %shift_right_logical3A_2633 = arith.shrui %add3A_2626, %shift_right_logical3A_2632 : vector<782x128xi32>
    %or3A_2634 = arith.ori %shift_left3A_2630, %shift_right_logical3A_2633 : vector<782x128xi32>
    %xor3A_2635 = arith.xori %or3A_2634, %add3A_2627 : vector<782x128xi32>
    %add3A_2636 = arith.addi %add3A_2627, %xor3A_2635 : vector<782x128xi32>
    %shift_left3A_2637 = arith.constant 15 : i32
    %shift_left3A_2638 = vector.broadcast %shift_left3A_2637 : i32 to vector<782x128xi32>
    %shift_left3A_2639 = arith.shli %xor3A_2635, %shift_left3A_2638 : vector<782x128xi32>
    %shift_right_logical3A_2640 = arith.constant 17 : i32
    %shift_right_logical3A_2641 = vector.broadcast %shift_right_logical3A_2640 : i32 to vector<782x128xi32>
    %shift_right_logical3A_2642 = arith.shrui %xor3A_2635, %shift_right_logical3A_2641 : vector<782x128xi32>
    %or3A_2643 = arith.ori %shift_left3A_2639, %shift_right_logical3A_2642 : vector<782x128xi32>
    %xor3A_2644 = arith.xori %or3A_2643, %add3A_2636 : vector<782x128xi32>
    %add3A_2645 = arith.addi %add3A_2636, %xor3A_2644 : vector<782x128xi32>
    %shift_left3A_2646 = arith.constant 26 : i32
    %shift_left3A_2647 = vector.broadcast %shift_left3A_2646 : i32 to vector<782x128xi32>
    %shift_left3A_2648 = arith.shli %xor3A_2644, %shift_left3A_2647 : vector<782x128xi32>
    %shift_right_logical3A_2649 = arith.constant 6 : i32
    %shift_right_logical3A_2650 = vector.broadcast %shift_right_logical3A_2649 : i32 to vector<782x128xi32>
    %shift_right_logical3A_2651 = arith.shrui %xor3A_2644, %shift_right_logical3A_2650 : vector<782x128xi32>
    %or3A_2652 = arith.ori %shift_left3A_2648, %shift_right_logical3A_2651 : vector<782x128xi32>
    %xor3A_2653 = arith.xori %or3A_2652, %add3A_2645 : vector<782x128xi32>
    %add3A_2654 = arith.addi %add3A_2645, %xor3A_2653 : vector<782x128xi32>
    %shift_left3A_2655 = arith.constant 6 : i32
    %shift_left3A_2656 = vector.broadcast %shift_left3A_2655 : i32 to vector<782x128xi32>
    %shift_left3A_2657 = arith.shli %xor3A_2653, %shift_left3A_2656 : vector<782x128xi32>
    %shift_right_logical3A_2658 = arith.constant 26 : i32
    %shift_right_logical3A_2659 = vector.broadcast %shift_right_logical3A_2658 : i32 to vector<782x128xi32>
    %shift_right_logical3A_2660 = arith.shrui %xor3A_2653, %shift_right_logical3A_2659 : vector<782x128xi32>
    %or3A_2661 = arith.ori %shift_left3A_2657, %shift_right_logical3A_2660 : vector<782x128xi32>
    %xor3A_2662 = arith.xori %or3A_2661, %add3A_2654 : vector<782x128xi32>
    %add3A_2663 = vector.broadcast %get3A_2617 : i32 to vector<782x128xi32>
    %add3A_2664 = arith.addi %add3A_2654, %add3A_2663 : vector<782x128xi32>
    %add3A_2665 = vector.broadcast %xor3A_2622 : i32 to vector<782x128xi32>
    %add3A_2666 = arith.addi %xor3A_2662, %add3A_2665 : vector<782x128xi32>
    %add3A_2667 = arith.constant 1 : i32
    %add3A_2668 = vector.broadcast %add3A_2667 : i32 to vector<782x128xi32>
    %add3A_2669 = arith.addi %add3A_2666, %add3A_2668 : vector<782x128xi32>
    %add3A_2670 = arith.addi %add3A_2664, %add3A_2669 : vector<782x128xi32>
    %shift_left3A_2671 = arith.constant 17 : i32
    %shift_left3A_2672 = vector.broadcast %shift_left3A_2671 : i32 to vector<782x128xi32>
    %shift_left3A_2673 = arith.shli %add3A_2669, %shift_left3A_2672 : vector<782x128xi32>
    %shift_right_logical3A_2674 = arith.constant 15 : i32
    %shift_right_logical3A_2675 = vector.broadcast %shift_right_logical3A_2674 : i32 to vector<782x128xi32>
    %shift_right_logical3A_2676 = arith.shrui %add3A_2669, %shift_right_logical3A_2675 : vector<782x128xi32>
    %or3A_2677 = arith.ori %shift_left3A_2673, %shift_right_logical3A_2676 : vector<782x128xi32>
    %xor3A_2678 = arith.xori %or3A_2677, %add3A_2670 : vector<782x128xi32>
    %add3A_2679 = arith.addi %add3A_2670, %xor3A_2678 : vector<782x128xi32>
    %shift_left3A_2680 = arith.constant 29 : i32
    %shift_left3A_2681 = vector.broadcast %shift_left3A_2680 : i32 to vector<782x128xi32>
    %shift_left3A_2682 = arith.shli %xor3A_2678, %shift_left3A_2681 : vector<782x128xi32>
    %shift_right_logical3A_2683 = arith.constant 3 : i32
    %shift_right_logical3A_2684 = vector.broadcast %shift_right_logical3A_2683 : i32 to vector<782x128xi32>
    %shift_right_logical3A_2685 = arith.shrui %xor3A_2678, %shift_right_logical3A_2684 : vector<782x128xi32>
    %or3A_2686 = arith.ori %shift_left3A_2682, %shift_right_logical3A_2685 : vector<782x128xi32>
    %xor3A_2687 = arith.xori %or3A_2686, %add3A_2679 : vector<782x128xi32>
    %add3A_2688 = arith.addi %add3A_2679, %xor3A_2687 : vector<782x128xi32>
    %shift_left3A_2689 = arith.constant 16 : i32
    %shift_left3A_2690 = vector.broadcast %shift_left3A_2689 : i32 to vector<782x128xi32>
    %shift_left3A_2691 = arith.shli %xor3A_2687, %shift_left3A_2690 : vector<782x128xi32>
    %shift_right_logical3A_2692 = arith.constant 16 : i32
    %shift_right_logical3A_2693 = vector.broadcast %shift_right_logical3A_2692 : i32 to vector<782x128xi32>
    %shift_right_logical3A_2694 = arith.shrui %xor3A_2687, %shift_right_logical3A_2693 : vector<782x128xi32>
    %or3A_2695 = arith.ori %shift_left3A_2691, %shift_right_logical3A_2694 : vector<782x128xi32>
    %xor3A_2696 = arith.xori %or3A_2695, %add3A_2688 : vector<782x128xi32>
    %add3A_2697 = arith.addi %add3A_2688, %xor3A_2696 : vector<782x128xi32>
    %shift_left3A_2698 = arith.constant 24 : i32
    %shift_left3A_2699 = vector.broadcast %shift_left3A_2698 : i32 to vector<782x128xi32>
    %shift_left3A_2700 = arith.shli %xor3A_2696, %shift_left3A_2699 : vector<782x128xi32>
    %shift_right_logical3A_2701 = arith.constant 8 : i32
    %shift_right_logical3A_2702 = vector.broadcast %shift_right_logical3A_2701 : i32 to vector<782x128xi32>
    %shift_right_logical3A_2703 = arith.shrui %xor3A_2696, %shift_right_logical3A_2702 : vector<782x128xi32>
    %or3A_2704 = arith.ori %shift_left3A_2700, %shift_right_logical3A_2703 : vector<782x128xi32>
    %xor3A_2705 = arith.xori %or3A_2704, %add3A_2697 : vector<782x128xi32>
    %add3A_2706 = vector.broadcast %xor3A_2622 : i32 to vector<782x128xi32>
    %add3A_2707 = arith.addi %add3A_2697, %add3A_2706 : vector<782x128xi32>
    %add3A_2708 = vector.broadcast %get3A_2614 : i32 to vector<782x128xi32>
    %add3A_2709 = arith.addi %xor3A_2705, %add3A_2708 : vector<782x128xi32>
    %add3A_2710 = arith.constant 2 : i32
    %add3A_2711 = vector.broadcast %add3A_2710 : i32 to vector<782x128xi32>
    %add3A_2712 = arith.addi %add3A_2709, %add3A_2711 : vector<782x128xi32>
    %add3A_2713 = arith.addi %add3A_2707, %add3A_2712 : vector<782x128xi32>
    %shift_left3A_2714 = arith.constant 13 : i32
    %shift_left3A_2715 = vector.broadcast %shift_left3A_2714 : i32 to vector<782x128xi32>
    %shift_left3A_2716 = arith.shli %add3A_2712, %shift_left3A_2715 : vector<782x128xi32>
    %shift_right_logical3A_2717 = arith.constant 19 : i32
    %shift_right_logical3A_2718 = vector.broadcast %shift_right_logical3A_2717 : i32 to vector<782x128xi32>
    %shift_right_logical3A_2719 = arith.shrui %add3A_2712, %shift_right_logical3A_2718 : vector<782x128xi32>
    %or3A_2720 = arith.ori %shift_left3A_2716, %shift_right_logical3A_2719 : vector<782x128xi32>
    %xor3A_2721 = arith.xori %or3A_2720, %add3A_2713 : vector<782x128xi32>
    %add3A_2722 = arith.addi %add3A_2713, %xor3A_2721 : vector<782x128xi32>
    %shift_left3A_2723 = arith.constant 15 : i32
    %shift_left3A_2724 = vector.broadcast %shift_left3A_2723 : i32 to vector<782x128xi32>
    %shift_left3A_2725 = arith.shli %xor3A_2721, %shift_left3A_2724 : vector<782x128xi32>
    %shift_right_logical3A_2726 = arith.constant 17 : i32
    %shift_right_logical3A_2727 = vector.broadcast %shift_right_logical3A_2726 : i32 to vector<782x128xi32>
    %shift_right_logical3A_2728 = arith.shrui %xor3A_2721, %shift_right_logical3A_2727 : vector<782x128xi32>
    %or3A_2729 = arith.ori %shift_left3A_2725, %shift_right_logical3A_2728 : vector<782x128xi32>
    %xor3A_2730 = arith.xori %or3A_2729, %add3A_2722 : vector<782x128xi32>
    %add3A_2731 = arith.addi %add3A_2722, %xor3A_2730 : vector<782x128xi32>
    %shift_left3A_2732 = arith.constant 26 : i32
    %shift_left3A_2733 = vector.broadcast %shift_left3A_2732 : i32 to vector<782x128xi32>
    %shift_left3A_2734 = arith.shli %xor3A_2730, %shift_left3A_2733 : vector<782x128xi32>
    %shift_right_logical3A_2735 = arith.constant 6 : i32
    %shift_right_logical3A_2736 = vector.broadcast %shift_right_logical3A_2735 : i32 to vector<782x128xi32>
    %shift_right_logical3A_2737 = arith.shrui %xor3A_2730, %shift_right_logical3A_2736 : vector<782x128xi32>
    %or3A_2738 = arith.ori %shift_left3A_2734, %shift_right_logical3A_2737 : vector<782x128xi32>
    %xor3A_2739 = arith.xori %or3A_2738, %add3A_2731 : vector<782x128xi32>
    %add3A_2740 = arith.addi %add3A_2731, %xor3A_2739 : vector<782x128xi32>
    %shift_left3A_2741 = arith.constant 6 : i32
    %shift_left3A_2742 = vector.broadcast %shift_left3A_2741 : i32 to vector<782x128xi32>
    %shift_left3A_2743 = arith.shli %xor3A_2739, %shift_left3A_2742 : vector<782x128xi32>
    %shift_right_logical3A_2744 = arith.constant 26 : i32
    %shift_right_logical3A_2745 = vector.broadcast %shift_right_logical3A_2744 : i32 to vector<782x128xi32>
    %shift_right_logical3A_2746 = arith.shrui %xor3A_2739, %shift_right_logical3A_2745 : vector<782x128xi32>
    %or3A_2747 = arith.ori %shift_left3A_2743, %shift_right_logical3A_2746 : vector<782x128xi32>
    %xor3A_2748 = arith.xori %or3A_2747, %add3A_2740 : vector<782x128xi32>
    %add3A_2749 = vector.broadcast %get3A_2614 : i32 to vector<782x128xi32>
    %add3A_2750 = arith.addi %add3A_2740, %add3A_2749 : vector<782x128xi32>
    %add3A_2751 = vector.broadcast %get3A_2617 : i32 to vector<782x128xi32>
    %add3A_2752 = arith.addi %xor3A_2748, %add3A_2751 : vector<782x128xi32>
    %add3A_2753 = arith.constant 3 : i32
    %add3A_2754 = vector.broadcast %add3A_2753 : i32 to vector<782x128xi32>
    %add3A_2755 = arith.addi %add3A_2752, %add3A_2754 : vector<782x128xi32>
    %add3A_2756 = arith.addi %add3A_2750, %add3A_2755 : vector<782x128xi32>
    %shift_left3A_2757 = arith.constant 17 : i32
    %shift_left3A_2758 = vector.broadcast %shift_left3A_2757 : i32 to vector<782x128xi32>
    %shift_left3A_2759 = arith.shli %add3A_2755, %shift_left3A_2758 : vector<782x128xi32>
    %shift_right_logical3A_2760 = arith.constant 15 : i32
    %shift_right_logical3A_2761 = vector.broadcast %shift_right_logical3A_2760 : i32 to vector<782x128xi32>
    %shift_right_logical3A_2762 = arith.shrui %add3A_2755, %shift_right_logical3A_2761 : vector<782x128xi32>
    %or3A_2763 = arith.ori %shift_left3A_2759, %shift_right_logical3A_2762 : vector<782x128xi32>
    %xor3A_2764 = arith.xori %or3A_2763, %add3A_2756 : vector<782x128xi32>
    %add3A_2765 = arith.addi %add3A_2756, %xor3A_2764 : vector<782x128xi32>
    %shift_left3A_2766 = arith.constant 29 : i32
    %shift_left3A_2767 = vector.broadcast %shift_left3A_2766 : i32 to vector<782x128xi32>
    %shift_left3A_2768 = arith.shli %xor3A_2764, %shift_left3A_2767 : vector<782x128xi32>
    %shift_right_logical3A_2769 = arith.constant 3 : i32
    %shift_right_logical3A_2770 = vector.broadcast %shift_right_logical3A_2769 : i32 to vector<782x128xi32>
    %shift_right_logical3A_2771 = arith.shrui %xor3A_2764, %shift_right_logical3A_2770 : vector<782x128xi32>
    %or3A_2772 = arith.ori %shift_left3A_2768, %shift_right_logical3A_2771 : vector<782x128xi32>
    %xor3A_2773 = arith.xori %or3A_2772, %add3A_2765 : vector<782x128xi32>
    %add3A_2774 = arith.addi %add3A_2765, %xor3A_2773 : vector<782x128xi32>
    %shift_left3A_2775 = arith.constant 16 : i32
    %shift_left3A_2776 = vector.broadcast %shift_left3A_2775 : i32 to vector<782x128xi32>
    %shift_left3A_2777 = arith.shli %xor3A_2773, %shift_left3A_2776 : vector<782x128xi32>
    %shift_right_logical3A_2778 = arith.constant 16 : i32
    %shift_right_logical3A_2779 = vector.broadcast %shift_right_logical3A_2778 : i32 to vector<782x128xi32>
    %shift_right_logical3A_2780 = arith.shrui %xor3A_2773, %shift_right_logical3A_2779 : vector<782x128xi32>
    %or3A_2781 = arith.ori %shift_left3A_2777, %shift_right_logical3A_2780 : vector<782x128xi32>
    %xor3A_2782 = arith.xori %or3A_2781, %add3A_2774 : vector<782x128xi32>
    %add3A_2783 = arith.addi %add3A_2774, %xor3A_2782 : vector<782x128xi32>
    %shift_left3A_2784 = arith.constant 24 : i32
    %shift_left3A_2785 = vector.broadcast %shift_left3A_2784 : i32 to vector<782x128xi32>
    %shift_left3A_2786 = arith.shli %xor3A_2782, %shift_left3A_2785 : vector<782x128xi32>
    %shift_right_logical3A_2787 = arith.constant 8 : i32
    %shift_right_logical3A_2788 = vector.broadcast %shift_right_logical3A_2787 : i32 to vector<782x128xi32>
    %shift_right_logical3A_2789 = arith.shrui %xor3A_2782, %shift_right_logical3A_2788 : vector<782x128xi32>
    %or3A_2790 = arith.ori %shift_left3A_2786, %shift_right_logical3A_2789 : vector<782x128xi32>
    %xor3A_2791 = arith.xori %or3A_2790, %add3A_2783 : vector<782x128xi32>
    %add3A_2792 = vector.broadcast %get3A_2617 : i32 to vector<782x128xi32>
    %add3A_2793 = arith.addi %add3A_2783, %add3A_2792 : vector<782x128xi32>
    %add3A_2794 = vector.broadcast %xor3A_2622 : i32 to vector<782x128xi32>
    %add3A_2795 = arith.addi %xor3A_2791, %add3A_2794 : vector<782x128xi32>
    %add3A_2796 = arith.constant 4 : i32
    %add3A_2797 = vector.broadcast %add3A_2796 : i32 to vector<782x128xi32>
    %add3A_2798 = arith.addi %add3A_2795, %add3A_2797 : vector<782x128xi32>
    %add3A_2799 = arith.addi %add3A_2793, %add3A_2798 : vector<782x128xi32>
    %shift_left3A_2800 = arith.constant 13 : i32
    %shift_left3A_2801 = vector.broadcast %shift_left3A_2800 : i32 to vector<782x128xi32>
    %shift_left3A_2802 = arith.shli %add3A_2798, %shift_left3A_2801 : vector<782x128xi32>
    %shift_right_logical3A_2803 = arith.constant 19 : i32
    %shift_right_logical3A_2804 = vector.broadcast %shift_right_logical3A_2803 : i32 to vector<782x128xi32>
    %shift_right_logical3A_2805 = arith.shrui %add3A_2798, %shift_right_logical3A_2804 : vector<782x128xi32>
    %or3A_2806 = arith.ori %shift_left3A_2802, %shift_right_logical3A_2805 : vector<782x128xi32>
    %xor3A_2807 = arith.xori %or3A_2806, %add3A_2799 : vector<782x128xi32>
    %add3A_2808 = arith.addi %add3A_2799, %xor3A_2807 : vector<782x128xi32>
    %shift_left3A_2809 = arith.constant 15 : i32
    %shift_left3A_2810 = vector.broadcast %shift_left3A_2809 : i32 to vector<782x128xi32>
    %shift_left3A_2811 = arith.shli %xor3A_2807, %shift_left3A_2810 : vector<782x128xi32>
    %shift_right_logical3A_2812 = arith.constant 17 : i32
    %shift_right_logical3A_2813 = vector.broadcast %shift_right_logical3A_2812 : i32 to vector<782x128xi32>
    %shift_right_logical3A_2814 = arith.shrui %xor3A_2807, %shift_right_logical3A_2813 : vector<782x128xi32>
    %or3A_2815 = arith.ori %shift_left3A_2811, %shift_right_logical3A_2814 : vector<782x128xi32>
    %xor3A_2816 = arith.xori %or3A_2815, %add3A_2808 : vector<782x128xi32>
    %add3A_2817 = arith.addi %add3A_2808, %xor3A_2816 : vector<782x128xi32>
    %shift_left3A_2818 = arith.constant 26 : i32
    %shift_left3A_2819 = vector.broadcast %shift_left3A_2818 : i32 to vector<782x128xi32>
    %shift_left3A_2820 = arith.shli %xor3A_2816, %shift_left3A_2819 : vector<782x128xi32>
    %shift_right_logical3A_2821 = arith.constant 6 : i32
    %shift_right_logical3A_2822 = vector.broadcast %shift_right_logical3A_2821 : i32 to vector<782x128xi32>
    %shift_right_logical3A_2823 = arith.shrui %xor3A_2816, %shift_right_logical3A_2822 : vector<782x128xi32>
    %or3A_2824 = arith.ori %shift_left3A_2820, %shift_right_logical3A_2823 : vector<782x128xi32>
    %xor3A_2825 = arith.xori %or3A_2824, %add3A_2817 : vector<782x128xi32>
    %add3A_2826 = arith.addi %add3A_2817, %xor3A_2825 : vector<782x128xi32>
    %shift_left3A_2827 = arith.constant 6 : i32
    %shift_left3A_2828 = vector.broadcast %shift_left3A_2827 : i32 to vector<782x128xi32>
    %shift_left3A_2829 = arith.shli %xor3A_2825, %shift_left3A_2828 : vector<782x128xi32>
    %shift_right_logical3A_2830 = arith.constant 26 : i32
    %shift_right_logical3A_2831 = vector.broadcast %shift_right_logical3A_2830 : i32 to vector<782x128xi32>
    %shift_right_logical3A_2832 = arith.shrui %xor3A_2825, %shift_right_logical3A_2831 : vector<782x128xi32>
    %or3A_2833 = arith.ori %shift_left3A_2829, %shift_right_logical3A_2832 : vector<782x128xi32>
    %xor3A_2834 = arith.xori %or3A_2833, %add3A_2826 : vector<782x128xi32>
    %add3A_2835 = vector.broadcast %xor3A_2622 : i32 to vector<782x128xi32>
    %add3A_2836 = arith.addi %add3A_2826, %add3A_2835 : vector<782x128xi32>
    %add3A_2837 = vector.broadcast %get3A_2614 : i32 to vector<782x128xi32>
    %add3A_2838 = arith.addi %xor3A_2834, %add3A_2837 : vector<782x128xi32>
    %add3A_2839 = arith.constant 5 : i32
    %add3A_2840 = vector.broadcast %add3A_2839 : i32 to vector<782x128xi32>
    %add3A_2841 = arith.addi %add3A_2838, %add3A_2840 : vector<782x128xi32>
    %xor3A_2842 = arith.xori %add3A_2836, %add3A_2841 : vector<782x128xi32>
    %shift_right_logical3A_2843 = arith.constant 9 : i32
    %shift_right_logical3A_2844 = vector.broadcast %shift_right_logical3A_2843 : i32 to vector<782x128xi32>
    %shift_right_logical3A_2845 = arith.shrui %xor3A_2842, %shift_right_logical3A_2844 : vector<782x128xi32>
    %or3A_2846 = arith.constant 1065353216 : i32
    %or3A_2847 = vector.broadcast %or3A_2846 : i32 to vector<782x128xi32>
    %or3A_2848 = arith.ori %shift_right_logical3A_2845, %or3A_2847 : vector<782x128xi32>
    %bitcast_convert_type3A_2849 = tpu.bitcast %or3A_2848 : vector<782x128xi32> -> vector<782x128xf32>
    %sub3A_2850 = arith.constant 1.000000e+00 : f32
    %sub3A_2851 = vector.broadcast %sub3A_2850 : f32 to vector<782x128xf32>
    %sub3A_2852 = arith.subf %bitcast_convert_type3A_2849, %sub3A_2851 : vector<782x128xf32>
    %sub3A_2853 = arith.constant 1.000000e+00 : f32
    %sub3A_2854 = arith.constant 1.17549435E-38 : f32
    %sub3A_2855 = arith.subf %sub3A_2853, %sub3A_2854 : f32
    %mul3A_2856 = vector.broadcast %sub3A_2855 : f32 to vector<782x128xf32>
    %mul3A_2857 = arith.mulf %sub3A_2852, %mul3A_2856 : vector<782x128xf32>
    %add3A_2858 = arith.constant 1.17549435E-38 : f32
    %add3A_2859 = vector.broadcast %add3A_2858 : f32 to vector<782x128xf32>
    %add3A_2860 = arith.addf %mul3A_2857, %add3A_2859 : vector<782x128xf32>
    %max3A_2861 = arith.constant 1.17549435E-38 : f32
    %max3A_2862 = vector.broadcast %max3A_2861 : f32 to vector<782x128xf32>
    %max3A_2863 = arith.maximumf %max3A_2862, %add3A_2860 : vector<782x128xf32>
    %log3A_2864 = math.log %max3A_2863 : vector<782x128xf32>
    %neg3A_2865 = arith.constant 0.000000e+00 : f32
    %neg3A_2866 = vector.broadcast %neg3A_2865 : f32 to vector<782x128xf32>
    %neg3A_2867 = arith.subf %neg3A_2866, %log3A_2864 : vector<782x128xf32>
    %log3A_2868 = math.log %neg3A_2867 : vector<782x128xf32>
    %neg3A_2869 = arith.constant 0.000000e+00 : f32
    %neg3A_2870 = vector.broadcast %neg3A_2869 : f32 to vector<782x128xf32>
    %neg3A_2871 = arith.subf %neg3A_2870, %log3A_2868 : vector<782x128xf32>
    %jit3A_2872 = arith.constant -1.000000e+30 : f32
    %broadcast_in_dim3A_2873 = vector.broadcast %jit3A_2872 : f32 to vector<782x128xf32>
    %select_n3A_2874 = arith.select %ge3A_9, %broadcast_in_dim3A_2873, %neg3A_2871 : vector<782x128xi1>, vector<782x128xf32>
    %get3A_2875 = arith.constant 0 : index
    %get3A_2876 = arith.constant 0 : index
    %get3A_2877 = vector.load %arg2[%get3A_2875, %get3A_2876] : memref<782x128xi32, #tpu.memory_space<vmem>>, vector<782x128xi32>
    %le3A_2878 = vector.broadcast %add3A_2611 : i32 to vector<782x128xi32>
    %le3A_2879 = arith.cmpi sle, %get3A_2877, %le3A_2878 : vector<782x128xi32>
    %broadcast_in_dim3A_2880 = vector.broadcast %log3A_4 : f32 to vector<782x128xf32>
    %select_n3A_2881 = arith.select %le3A_2879, %broadcast_in_dim3A_2880, %log3A : vector<782x128xi1>, vector<782x128xf32>
    %add3A_2882 = arith.addf %select_n3A_2881, %select_n3A_2874 : vector<782x128xf32>
    %bitcast_convert_type3A_2883 = tpu.bitcast %add3A_2882 : vector<782x128xf32> -> vector<782x128xi32>
    %lt3A_2884 = arith.constant 0 : i32
    %lt3A_2885 = vector.broadcast %lt3A_2884 : i32 to vector<782x128xi32>
    %lt3A_2886 = arith.cmpi slt, %bitcast_convert_type3A_2883, %lt3A_2885 : vector<782x128xi32>
    %xor3A_2887 = arith.constant 2147483647 : i32
    %xor3A_2888 = vector.broadcast %xor3A_2887 : i32 to vector<782x128xi32>
    %xor3A_2889 = arith.xori %bitcast_convert_type3A_2883, %xor3A_2888 : vector<782x128xi32>
    %select_n3A_2890 = arith.select %lt3A_2886, %xor3A_2889, %bitcast_convert_type3A_2883 : vector<782x128xi1>, vector<782x128xi32>
    %swap3A_2891 = arith.constant 0 : index
    %swap3A_2892 = arith.constant 9 : index
    %swap3A_2893 = arith.constant 0 : index
    %swap3A_2894 = arith.constant 0 : index
    %swap3A_2895 = vector.load %arg4[%swap3A_2891, %swap3A_2892, %swap3A_2893, %swap3A_2894] : memref<1x16x782x128xi32, #tpu.memory_space<vmem>>, vector<1x1x782x128xi32>
    %swap3A_2896 = vector.shape_cast %swap3A_2895 : vector<1x1x782x128xi32> to vector<782x128xi32>
    %swap3A_2897 = vector.shape_cast %select_n3A_2890 : vector<782x128xi32> to vector<1x1x782x128xi32>
    tpu.vector_store %arg4[%swap3A_2891, %swap3A_2892, %swap3A_2893, %swap3A_2894], %swap3A_2897 {strides = array<i32>} : memref<1x16x782x128xi32, #tpu.memory_space<vmem>>, vector<1x1x782x128xi32>,
    %mul3A_2898 = arith.constant 16 : i32
    %mul3A_2899 = arith.muli %arg0, %mul3A_2898 : i32
    %add3A_2900 = arith.constant 10 : i32
    %add3A_2901 = arith.addi %mul3A_2899, %add3A_2900 : i32
    %get3A_2902 = arith.index_cast %add3A_2901 : i32 to index
    %get3A_2903 = arith.constant 0 : index
    %get3A_2904 = memref.load %arg1[%get3A_2902, %get3A_2903] : memref<64x2xi32, #tpu.memory_space<smem>>
    %get3A_2905 = arith.index_cast %add3A_2901 : i32 to index
    %get3A_2906 = arith.constant 1 : index
    %get3A_2907 = memref.load %arg1[%get3A_2905, %get3A_2906] : memref<64x2xi32, #tpu.memory_space<smem>>
    %broadcast_in_dim3A_2908 = arith.constant 0 : i32
    %broadcast_in_dim3A_2909 = vector.broadcast %broadcast_in_dim3A_2908 : i32 to vector<782x128xi32>
    %xor3A_2910 = arith.xori %get3A_2904, %get3A_2907 : i32
    %xor3A_2911 = arith.constant 466688986 : i32
    %xor3A_2912 = arith.xori %xor3A_2910, %xor3A_2911 : i32
    %add3A_2913 = vector.broadcast %get3A_2904 : i32 to vector<782x128xi32>
    %add3A_2914 = arith.addi %broadcast_in_dim3A_2909, %add3A_2913 : vector<782x128xi32>
    %add3A_2915 = vector.broadcast %get3A_2907 : i32 to vector<782x128xi32>
    %add3A_2916 = arith.addi %add3A, %add3A_2915 : vector<782x128xi32>
    %add3A_2917 = arith.addi %add3A_2914, %add3A_2916 : vector<782x128xi32>
    %shift_left3A_2918 = arith.constant 13 : i32
    %shift_left3A_2919 = vector.broadcast %shift_left3A_2918 : i32 to vector<782x128xi32>
    %shift_left3A_2920 = arith.shli %add3A_2916, %shift_left3A_2919 : vector<782x128xi32>
    %shift_right_logical3A_2921 = arith.constant 19 : i32
    %shift_right_logical3A_2922 = vector.broadcast %shift_right_logical3A_2921 : i32 to vector<782x128xi32>
    %shift_right_logical3A_2923 = arith.shrui %add3A_2916, %shift_right_logical3A_2922 : vector<782x128xi32>
    %or3A_2924 = arith.ori %shift_left3A_2920, %shift_right_logical3A_2923 : vector<782x128xi32>
    %xor3A_2925 = arith.xori %or3A_2924, %add3A_2917 : vector<782x128xi32>
    %add3A_2926 = arith.addi %add3A_2917, %xor3A_2925 : vector<782x128xi32>
    %shift_left3A_2927 = arith.constant 15 : i32
    %shift_left3A_2928 = vector.broadcast %shift_left3A_2927 : i32 to vector<782x128xi32>
    %shift_left3A_2929 = arith.shli %xor3A_2925, %shift_left3A_2928 : vector<782x128xi32>
    %shift_right_logical3A_2930 = arith.constant 17 : i32
    %shift_right_logical3A_2931 = vector.broadcast %shift_right_logical3A_2930 : i32 to vector<782x128xi32>
    %shift_right_logical3A_2932 = arith.shrui %xor3A_2925, %shift_right_logical3A_2931 : vector<782x128xi32>
    %or3A_2933 = arith.ori %shift_left3A_2929, %shift_right_logical3A_2932 : vector<782x128xi32>
    %xor3A_2934 = arith.xori %or3A_2933, %add3A_2926 : vector<782x128xi32>
    %add3A_2935 = arith.addi %add3A_2926, %xor3A_2934 : vector<782x128xi32>
    %shift_left3A_2936 = arith.constant 26 : i32
    %shift_left3A_2937 = vector.broadcast %shift_left3A_2936 : i32 to vector<782x128xi32>
    %shift_left3A_2938 = arith.shli %xor3A_2934, %shift_left3A_2937 : vector<782x128xi32>
    %shift_right_logical3A_2939 = arith.constant 6 : i32
    %shift_right_logical3A_2940 = vector.broadcast %shift_right_logical3A_2939 : i32 to vector<782x128xi32>
    %shift_right_logical3A_2941 = arith.shrui %xor3A_2934, %shift_right_logical3A_2940 : vector<782x128xi32>
    %or3A_2942 = arith.ori %shift_left3A_2938, %shift_right_logical3A_2941 : vector<782x128xi32>
    %xor3A_2943 = arith.xori %or3A_2942, %add3A_2935 : vector<782x128xi32>
    %add3A_2944 = arith.addi %add3A_2935, %xor3A_2943 : vector<782x128xi32>
    %shift_left3A_2945 = arith.constant 6 : i32
    %shift_left3A_2946 = vector.broadcast %shift_left3A_2945 : i32 to vector<782x128xi32>
    %shift_left3A_2947 = arith.shli %xor3A_2943, %shift_left3A_2946 : vector<782x128xi32>
    %shift_right_logical3A_2948 = arith.constant 26 : i32
    %shift_right_logical3A_2949 = vector.broadcast %shift_right_logical3A_2948 : i32 to vector<782x128xi32>
    %shift_right_logical3A_2950 = arith.shrui %xor3A_2943, %shift_right_logical3A_2949 : vector<782x128xi32>
    %or3A_2951 = arith.ori %shift_left3A_2947, %shift_right_logical3A_2950 : vector<782x128xi32>
    %xor3A_2952 = arith.xori %or3A_2951, %add3A_2944 : vector<782x128xi32>
    %add3A_2953 = vector.broadcast %get3A_2907 : i32 to vector<782x128xi32>
    %add3A_2954 = arith.addi %add3A_2944, %add3A_2953 : vector<782x128xi32>
    %add3A_2955 = vector.broadcast %xor3A_2912 : i32 to vector<782x128xi32>
    %add3A_2956 = arith.addi %xor3A_2952, %add3A_2955 : vector<782x128xi32>
    %add3A_2957 = arith.constant 1 : i32
    %add3A_2958 = vector.broadcast %add3A_2957 : i32 to vector<782x128xi32>
    %add3A_2959 = arith.addi %add3A_2956, %add3A_2958 : vector<782x128xi32>
    %add3A_2960 = arith.addi %add3A_2954, %add3A_2959 : vector<782x128xi32>
    %shift_left3A_2961 = arith.constant 17 : i32
    %shift_left3A_2962 = vector.broadcast %shift_left3A_2961 : i32 to vector<782x128xi32>
    %shift_left3A_2963 = arith.shli %add3A_2959, %shift_left3A_2962 : vector<782x128xi32>
    %shift_right_logical3A_2964 = arith.constant 15 : i32
    %shift_right_logical3A_2965 = vector.broadcast %shift_right_logical3A_2964 : i32 to vector<782x128xi32>
    %shift_right_logical3A_2966 = arith.shrui %add3A_2959, %shift_right_logical3A_2965 : vector<782x128xi32>
    %or3A_2967 = arith.ori %shift_left3A_2963, %shift_right_logical3A_2966 : vector<782x128xi32>
    %xor3A_2968 = arith.xori %or3A_2967, %add3A_2960 : vector<782x128xi32>
    %add3A_2969 = arith.addi %add3A_2960, %xor3A_2968 : vector<782x128xi32>
    %shift_left3A_2970 = arith.constant 29 : i32
    %shift_left3A_2971 = vector.broadcast %shift_left3A_2970 : i32 to vector<782x128xi32>
    %shift_left3A_2972 = arith.shli %xor3A_2968, %shift_left3A_2971 : vector<782x128xi32>
    %shift_right_logical3A_2973 = arith.constant 3 : i32
    %shift_right_logical3A_2974 = vector.broadcast %shift_right_logical3A_2973 : i32 to vector<782x128xi32>
    %shift_right_logical3A_2975 = arith.shrui %xor3A_2968, %shift_right_logical3A_2974 : vector<782x128xi32>
    %or3A_2976 = arith.ori %shift_left3A_2972, %shift_right_logical3A_2975 : vector<782x128xi32>
    %xor3A_2977 = arith.xori %or3A_2976, %add3A_2969 : vector<782x128xi32>
    %add3A_2978 = arith.addi %add3A_2969, %xor3A_2977 : vector<782x128xi32>
    %shift_left3A_2979 = arith.constant 16 : i32
    %shift_left3A_2980 = vector.broadcast %shift_left3A_2979 : i32 to vector<782x128xi32>
    %shift_left3A_2981 = arith.shli %xor3A_2977, %shift_left3A_2980 : vector<782x128xi32>
    %shift_right_logical3A_2982 = arith.constant 16 : i32
    %shift_right_logical3A_2983 = vector.broadcast %shift_right_logical3A_2982 : i32 to vector<782x128xi32>
    %shift_right_logical3A_2984 = arith.shrui %xor3A_2977, %shift_right_logical3A_2983 : vector<782x128xi32>
    %or3A_2985 = arith.ori %shift_left3A_2981, %shift_right_logical3A_2984 : vector<782x128xi32>
    %xor3A_2986 = arith.xori %or3A_2985, %add3A_2978 : vector<782x128xi32>
    %add3A_2987 = arith.addi %add3A_2978, %xor3A_2986 : vector<782x128xi32>
    %shift_left3A_2988 = arith.constant 24 : i32
    %shift_left3A_2989 = vector.broadcast %shift_left3A_2988 : i32 to vector<782x128xi32>
    %shift_left3A_2990 = arith.shli %xor3A_2986, %shift_left3A_2989 : vector<782x128xi32>
    %shift_right_logical3A_2991 = arith.constant 8 : i32
    %shift_right_logical3A_2992 = vector.broadcast %shift_right_logical3A_2991 : i32 to vector<782x128xi32>
    %shift_right_logical3A_2993 = arith.shrui %xor3A_2986, %shift_right_logical3A_2992 : vector<782x128xi32>
    %or3A_2994 = arith.ori %shift_left3A_2990, %shift_right_logical3A_2993 : vector<782x128xi32>
    %xor3A_2995 = arith.xori %or3A_2994, %add3A_2987 : vector<782x128xi32>
    %add3A_2996 = vector.broadcast %xor3A_2912 : i32 to vector<782x128xi32>
    %add3A_2997 = arith.addi %add3A_2987, %add3A_2996 : vector<782x128xi32>
    %add3A_2998 = vector.broadcast %get3A_2904 : i32 to vector<782x128xi32>
    %add3A_2999 = arith.addi %xor3A_2995, %add3A_2998 : vector<782x128xi32>
    %add3A_3000 = arith.constant 2 : i32
    %add3A_3001 = vector.broadcast %add3A_3000 : i32 to vector<782x128xi32>
    %add3A_3002 = arith.addi %add3A_2999, %add3A_3001 : vector<782x128xi32>
    %add3A_3003 = arith.addi %add3A_2997, %add3A_3002 : vector<782x128xi32>
    %shift_left3A_3004 = arith.constant 13 : i32
    %shift_left3A_3005 = vector.broadcast %shift_left3A_3004 : i32 to vector<782x128xi32>
    %shift_left3A_3006 = arith.shli %add3A_3002, %shift_left3A_3005 : vector<782x128xi32>
    %shift_right_logical3A_3007 = arith.constant 19 : i32
    %shift_right_logical3A_3008 = vector.broadcast %shift_right_logical3A_3007 : i32 to vector<782x128xi32>
    %shift_right_logical3A_3009 = arith.shrui %add3A_3002, %shift_right_logical3A_3008 : vector<782x128xi32>
    %or3A_3010 = arith.ori %shift_left3A_3006, %shift_right_logical3A_3009 : vector<782x128xi32>
    %xor3A_3011 = arith.xori %or3A_3010, %add3A_3003 : vector<782x128xi32>
    %add3A_3012 = arith.addi %add3A_3003, %xor3A_3011 : vector<782x128xi32>
    %shift_left3A_3013 = arith.constant 15 : i32
    %shift_left3A_3014 = vector.broadcast %shift_left3A_3013 : i32 to vector<782x128xi32>
    %shift_left3A_3015 = arith.shli %xor3A_3011, %shift_left3A_3014 : vector<782x128xi32>
    %shift_right_logical3A_3016 = arith.constant 17 : i32
    %shift_right_logical3A_3017 = vector.broadcast %shift_right_logical3A_3016 : i32 to vector<782x128xi32>
    %shift_right_logical3A_3018 = arith.shrui %xor3A_3011, %shift_right_logical3A_3017 : vector<782x128xi32>
    %or3A_3019 = arith.ori %shift_left3A_3015, %shift_right_logical3A_3018 : vector<782x128xi32>
    %xor3A_3020 = arith.xori %or3A_3019, %add3A_3012 : vector<782x128xi32>
    %add3A_3021 = arith.addi %add3A_3012, %xor3A_3020 : vector<782x128xi32>
    %shift_left3A_3022 = arith.constant 26 : i32
    %shift_left3A_3023 = vector.broadcast %shift_left3A_3022 : i32 to vector<782x128xi32>
    %shift_left3A_3024 = arith.shli %xor3A_3020, %shift_left3A_3023 : vector<782x128xi32>
    %shift_right_logical3A_3025 = arith.constant 6 : i32
    %shift_right_logical3A_3026 = vector.broadcast %shift_right_logical3A_3025 : i32 to vector<782x128xi32>
    %shift_right_logical3A_3027 = arith.shrui %xor3A_3020, %shift_right_logical3A_3026 : vector<782x128xi32>
    %or3A_3028 = arith.ori %shift_left3A_3024, %shift_right_logical3A_3027 : vector<782x128xi32>
    %xor3A_3029 = arith.xori %or3A_3028, %add3A_3021 : vector<782x128xi32>
    %add3A_3030 = arith.addi %add3A_3021, %xor3A_3029 : vector<782x128xi32>
    %shift_left3A_3031 = arith.constant 6 : i32
    %shift_left3A_3032 = vector.broadcast %shift_left3A_3031 : i32 to vector<782x128xi32>
    %shift_left3A_3033 = arith.shli %xor3A_3029, %shift_left3A_3032 : vector<782x128xi32>
    %shift_right_logical3A_3034 = arith.constant 26 : i32
    %shift_right_logical3A_3035 = vector.broadcast %shift_right_logical3A_3034 : i32 to vector<782x128xi32>
    %shift_right_logical3A_3036 = arith.shrui %xor3A_3029, %shift_right_logical3A_3035 : vector<782x128xi32>
    %or3A_3037 = arith.ori %shift_left3A_3033, %shift_right_logical3A_3036 : vector<782x128xi32>
    %xor3A_3038 = arith.xori %or3A_3037, %add3A_3030 : vector<782x128xi32>
    %add3A_3039 = vector.broadcast %get3A_2904 : i32 to vector<782x128xi32>
    %add3A_3040 = arith.addi %add3A_3030, %add3A_3039 : vector<782x128xi32>
    %add3A_3041 = vector.broadcast %get3A_2907 : i32 to vector<782x128xi32>
    %add3A_3042 = arith.addi %xor3A_3038, %add3A_3041 : vector<782x128xi32>
    %add3A_3043 = arith.constant 3 : i32
    %add3A_3044 = vector.broadcast %add3A_3043 : i32 to vector<782x128xi32>
    %add3A_3045 = arith.addi %add3A_3042, %add3A_3044 : vector<782x128xi32>
    %add3A_3046 = arith.addi %add3A_3040, %add3A_3045 : vector<782x128xi32>
    %shift_left3A_3047 = arith.constant 17 : i32
    %shift_left3A_3048 = vector.broadcast %shift_left3A_3047 : i32 to vector<782x128xi32>
    %shift_left3A_3049 = arith.shli %add3A_3045, %shift_left3A_3048 : vector<782x128xi32>
    %shift_right_logical3A_3050 = arith.constant 15 : i32
    %shift_right_logical3A_3051 = vector.broadcast %shift_right_logical3A_3050 : i32 to vector<782x128xi32>
    %shift_right_logical3A_3052 = arith.shrui %add3A_3045, %shift_right_logical3A_3051 : vector<782x128xi32>
    %or3A_3053 = arith.ori %shift_left3A_3049, %shift_right_logical3A_3052 : vector<782x128xi32>
    %xor3A_3054 = arith.xori %or3A_3053, %add3A_3046 : vector<782x128xi32>
    %add3A_3055 = arith.addi %add3A_3046, %xor3A_3054 : vector<782x128xi32>
    %shift_left3A_3056 = arith.constant 29 : i32
    %shift_left3A_3057 = vector.broadcast %shift_left3A_3056 : i32 to vector<782x128xi32>
    %shift_left3A_3058 = arith.shli %xor3A_3054, %shift_left3A_3057 : vector<782x128xi32>
    %shift_right_logical3A_3059 = arith.constant 3 : i32
    %shift_right_logical3A_3060 = vector.broadcast %shift_right_logical3A_3059 : i32 to vector<782x128xi32>
    %shift_right_logical3A_3061 = arith.shrui %xor3A_3054, %shift_right_logical3A_3060 : vector<782x128xi32>
    %or3A_3062 = arith.ori %shift_left3A_3058, %shift_right_logical3A_3061 : vector<782x128xi32>
    %xor3A_3063 = arith.xori %or3A_3062, %add3A_3055 : vector<782x128xi32>
    %add3A_3064 = arith.addi %add3A_3055, %xor3A_3063 : vector<782x128xi32>
    %shift_left3A_3065 = arith.constant 16 : i32
    %shift_left3A_3066 = vector.broadcast %shift_left3A_3065 : i32 to vector<782x128xi32>
    %shift_left3A_3067 = arith.shli %xor3A_3063, %shift_left3A_3066 : vector<782x128xi32>
    %shift_right_logical3A_3068 = arith.constant 16 : i32
    %shift_right_logical3A_3069 = vector.broadcast %shift_right_logical3A_3068 : i32 to vector<782x128xi32>
    %shift_right_logical3A_3070 = arith.shrui %xor3A_3063, %shift_right_logical3A_3069 : vector<782x128xi32>
    %or3A_3071 = arith.ori %shift_left3A_3067, %shift_right_logical3A_3070 : vector<782x128xi32>
    %xor3A_3072 = arith.xori %or3A_3071, %add3A_3064 : vector<782x128xi32>
    %add3A_3073 = arith.addi %add3A_3064, %xor3A_3072 : vector<782x128xi32>
    %shift_left3A_3074 = arith.constant 24 : i32
    %shift_left3A_3075 = vector.broadcast %shift_left3A_3074 : i32 to vector<782x128xi32>
    %shift_left3A_3076 = arith.shli %xor3A_3072, %shift_left3A_3075 : vector<782x128xi32>
    %shift_right_logical3A_3077 = arith.constant 8 : i32
    %shift_right_logical3A_3078 = vector.broadcast %shift_right_logical3A_3077 : i32 to vector<782x128xi32>
    %shift_right_logical3A_3079 = arith.shrui %xor3A_3072, %shift_right_logical3A_3078 : vector<782x128xi32>
    %or3A_3080 = arith.ori %shift_left3A_3076, %shift_right_logical3A_3079 : vector<782x128xi32>
    %xor3A_3081 = arith.xori %or3A_3080, %add3A_3073 : vector<782x128xi32>
    %add3A_3082 = vector.broadcast %get3A_2907 : i32 to vector<782x128xi32>
    %add3A_3083 = arith.addi %add3A_3073, %add3A_3082 : vector<782x128xi32>
    %add3A_3084 = vector.broadcast %xor3A_2912 : i32 to vector<782x128xi32>
    %add3A_3085 = arith.addi %xor3A_3081, %add3A_3084 : vector<782x128xi32>
    %add3A_3086 = arith.constant 4 : i32
    %add3A_3087 = vector.broadcast %add3A_3086 : i32 to vector<782x128xi32>
    %add3A_3088 = arith.addi %add3A_3085, %add3A_3087 : vector<782x128xi32>
    %add3A_3089 = arith.addi %add3A_3083, %add3A_3088 : vector<782x128xi32>
    %shift_left3A_3090 = arith.constant 13 : i32
    %shift_left3A_3091 = vector.broadcast %shift_left3A_3090 : i32 to vector<782x128xi32>
    %shift_left3A_3092 = arith.shli %add3A_3088, %shift_left3A_3091 : vector<782x128xi32>
    %shift_right_logical3A_3093 = arith.constant 19 : i32
    %shift_right_logical3A_3094 = vector.broadcast %shift_right_logical3A_3093 : i32 to vector<782x128xi32>
    %shift_right_logical3A_3095 = arith.shrui %add3A_3088, %shift_right_logical3A_3094 : vector<782x128xi32>
    %or3A_3096 = arith.ori %shift_left3A_3092, %shift_right_logical3A_3095 : vector<782x128xi32>
    %xor3A_3097 = arith.xori %or3A_3096, %add3A_3089 : vector<782x128xi32>
    %add3A_3098 = arith.addi %add3A_3089, %xor3A_3097 : vector<782x128xi32>
    %shift_left3A_3099 = arith.constant 15 : i32
    %shift_left3A_3100 = vector.broadcast %shift_left3A_3099 : i32 to vector<782x128xi32>
    %shift_left3A_3101 = arith.shli %xor3A_3097, %shift_left3A_3100 : vector<782x128xi32>
    %shift_right_logical3A_3102 = arith.constant 17 : i32
    %shift_right_logical3A_3103 = vector.broadcast %shift_right_logical3A_3102 : i32 to vector<782x128xi32>
    %shift_right_logical3A_3104 = arith.shrui %xor3A_3097, %shift_right_logical3A_3103 : vector<782x128xi32>
    %or3A_3105 = arith.ori %shift_left3A_3101, %shift_right_logical3A_3104 : vector<782x128xi32>
    %xor3A_3106 = arith.xori %or3A_3105, %add3A_3098 : vector<782x128xi32>
    %add3A_3107 = arith.addi %add3A_3098, %xor3A_3106 : vector<782x128xi32>
    %shift_left3A_3108 = arith.constant 26 : i32
    %shift_left3A_3109 = vector.broadcast %shift_left3A_3108 : i32 to vector<782x128xi32>
    %shift_left3A_3110 = arith.shli %xor3A_3106, %shift_left3A_3109 : vector<782x128xi32>
    %shift_right_logical3A_3111 = arith.constant 6 : i32
    %shift_right_logical3A_3112 = vector.broadcast %shift_right_logical3A_3111 : i32 to vector<782x128xi32>
    %shift_right_logical3A_3113 = arith.shrui %xor3A_3106, %shift_right_logical3A_3112 : vector<782x128xi32>
    %or3A_3114 = arith.ori %shift_left3A_3110, %shift_right_logical3A_3113 : vector<782x128xi32>
    %xor3A_3115 = arith.xori %or3A_3114, %add3A_3107 : vector<782x128xi32>
    %add3A_3116 = arith.addi %add3A_3107, %xor3A_3115 : vector<782x128xi32>
    %shift_left3A_3117 = arith.constant 6 : i32
    %shift_left3A_3118 = vector.broadcast %shift_left3A_3117 : i32 to vector<782x128xi32>
    %shift_left3A_3119 = arith.shli %xor3A_3115, %shift_left3A_3118 : vector<782x128xi32>
    %shift_right_logical3A_3120 = arith.constant 26 : i32
    %shift_right_logical3A_3121 = vector.broadcast %shift_right_logical3A_3120 : i32 to vector<782x128xi32>
    %shift_right_logical3A_3122 = arith.shrui %xor3A_3115, %shift_right_logical3A_3121 : vector<782x128xi32>
    %or3A_3123 = arith.ori %shift_left3A_3119, %shift_right_logical3A_3122 : vector<782x128xi32>
    %xor3A_3124 = arith.xori %or3A_3123, %add3A_3116 : vector<782x128xi32>
    %add3A_3125 = vector.broadcast %xor3A_2912 : i32 to vector<782x128xi32>
    %add3A_3126 = arith.addi %add3A_3116, %add3A_3125 : vector<782x128xi32>
    %add3A_3127 = vector.broadcast %get3A_2904 : i32 to vector<782x128xi32>
    %add3A_3128 = arith.addi %xor3A_3124, %add3A_3127 : vector<782x128xi32>
    %add3A_3129 = arith.constant 5 : i32
    %add3A_3130 = vector.broadcast %add3A_3129 : i32 to vector<782x128xi32>
    %add3A_3131 = arith.addi %add3A_3128, %add3A_3130 : vector<782x128xi32>
    %xor3A_3132 = arith.xori %add3A_3126, %add3A_3131 : vector<782x128xi32>
    %shift_right_logical3A_3133 = arith.constant 9 : i32
    %shift_right_logical3A_3134 = vector.broadcast %shift_right_logical3A_3133 : i32 to vector<782x128xi32>
    %shift_right_logical3A_3135 = arith.shrui %xor3A_3132, %shift_right_logical3A_3134 : vector<782x128xi32>
    %or3A_3136 = arith.constant 1065353216 : i32
    %or3A_3137 = vector.broadcast %or3A_3136 : i32 to vector<782x128xi32>
    %or3A_3138 = arith.ori %shift_right_logical3A_3135, %or3A_3137 : vector<782x128xi32>
    %bitcast_convert_type3A_3139 = tpu.bitcast %or3A_3138 : vector<782x128xi32> -> vector<782x128xf32>
    %sub3A_3140 = arith.constant 1.000000e+00 : f32
    %sub3A_3141 = vector.broadcast %sub3A_3140 : f32 to vector<782x128xf32>
    %sub3A_3142 = arith.subf %bitcast_convert_type3A_3139, %sub3A_3141 : vector<782x128xf32>
    %sub3A_3143 = arith.constant 1.000000e+00 : f32
    %sub3A_3144 = arith.constant 1.17549435E-38 : f32
    %sub3A_3145 = arith.subf %sub3A_3143, %sub3A_3144 : f32
    %mul3A_3146 = vector.broadcast %sub3A_3145 : f32 to vector<782x128xf32>
    %mul3A_3147 = arith.mulf %sub3A_3142, %mul3A_3146 : vector<782x128xf32>
    %add3A_3148 = arith.constant 1.17549435E-38 : f32
    %add3A_3149 = vector.broadcast %add3A_3148 : f32 to vector<782x128xf32>
    %add3A_3150 = arith.addf %mul3A_3147, %add3A_3149 : vector<782x128xf32>
    %max3A_3151 = arith.constant 1.17549435E-38 : f32
    %max3A_3152 = vector.broadcast %max3A_3151 : f32 to vector<782x128xf32>
    %max3A_3153 = arith.maximumf %max3A_3152, %add3A_3150 : vector<782x128xf32>
    %log3A_3154 = math.log %max3A_3153 : vector<782x128xf32>
    %neg3A_3155 = arith.constant 0.000000e+00 : f32
    %neg3A_3156 = vector.broadcast %neg3A_3155 : f32 to vector<782x128xf32>
    %neg3A_3157 = arith.subf %neg3A_3156, %log3A_3154 : vector<782x128xf32>
    %log3A_3158 = math.log %neg3A_3157 : vector<782x128xf32>
    %neg3A_3159 = arith.constant 0.000000e+00 : f32
    %neg3A_3160 = vector.broadcast %neg3A_3159 : f32 to vector<782x128xf32>
    %neg3A_3161 = arith.subf %neg3A_3160, %log3A_3158 : vector<782x128xf32>
    %jit3A_3162 = arith.constant -1.000000e+30 : f32
    %broadcast_in_dim3A_3163 = vector.broadcast %jit3A_3162 : f32 to vector<782x128xf32>
    %select_n3A_3164 = arith.select %ge3A_9, %broadcast_in_dim3A_3163, %neg3A_3161 : vector<782x128xi1>, vector<782x128xf32>
    %get3A_3165 = arith.constant 0 : index
    %get3A_3166 = arith.constant 0 : index
    %get3A_3167 = vector.load %arg2[%get3A_3165, %get3A_3166] : memref<782x128xi32, #tpu.memory_space<vmem>>, vector<782x128xi32>
    %le3A_3168 = vector.broadcast %add3A_2901 : i32 to vector<782x128xi32>
    %le3A_3169 = arith.cmpi sle, %get3A_3167, %le3A_3168 : vector<782x128xi32>
    %broadcast_in_dim3A_3170 = vector.broadcast %log3A_4 : f32 to vector<782x128xf32>
    %select_n3A_3171 = arith.select %le3A_3169, %broadcast_in_dim3A_3170, %log3A : vector<782x128xi1>, vector<782x128xf32>
    %add3A_3172 = arith.addf %select_n3A_3171, %select_n3A_3164 : vector<782x128xf32>
    %bitcast_convert_type3A_3173 = tpu.bitcast %add3A_3172 : vector<782x128xf32> -> vector<782x128xi32>
    %lt3A_3174 = arith.constant 0 : i32
    %lt3A_3175 = vector.broadcast %lt3A_3174 : i32 to vector<782x128xi32>
    %lt3A_3176 = arith.cmpi slt, %bitcast_convert_type3A_3173, %lt3A_3175 : vector<782x128xi32>
    %xor3A_3177 = arith.constant 2147483647 : i32
    %xor3A_3178 = vector.broadcast %xor3A_3177 : i32 to vector<782x128xi32>
    %xor3A_3179 = arith.xori %bitcast_convert_type3A_3173, %xor3A_3178 : vector<782x128xi32>
    %select_n3A_3180 = arith.select %lt3A_3176, %xor3A_3179, %bitcast_convert_type3A_3173 : vector<782x128xi1>, vector<782x128xi32>
    %swap3A_3181 = arith.constant 0 : index
    %swap3A_3182 = arith.constant 10 : index
    %swap3A_3183 = arith.constant 0 : index
    %swap3A_3184 = arith.constant 0 : index
    %swap3A_3185 = vector.load %arg4[%swap3A_3181, %swap3A_3182, %swap3A_3183, %swap3A_3184] : memref<1x16x782x128xi32, #tpu.memory_space<vmem>>, vector<1x1x782x128xi32>
    %swap3A_3186 = vector.shape_cast %swap3A_3185 : vector<1x1x782x128xi32> to vector<782x128xi32>
    %swap3A_3187 = vector.shape_cast %select_n3A_3180 : vector<782x128xi32> to vector<1x1x782x128xi32>
    tpu.vector_store %arg4[%swap3A_3181, %swap3A_3182, %swap3A_3183, %swap3A_3184], %swap3A_3187 {strides = array<i32>} : memref<1x16x782x128xi32, #tpu.memory_space<vmem>>, vector<1x1x782x128xi32>,
    %mul3A_3188 = arith.constant 16 : i32
    %mul3A_3189 = arith.muli %arg0, %mul3A_3188 : i32
    %add3A_3190 = arith.constant 11 : i32
    %add3A_3191 = arith.addi %mul3A_3189, %add3A_3190 : i32
    %get3A_3192 = arith.index_cast %add3A_3191 : i32 to index
    %get3A_3193 = arith.constant 0 : index
    %get3A_3194 = memref.load %arg1[%get3A_3192, %get3A_3193] : memref<64x2xi32, #tpu.memory_space<smem>>
    %get3A_3195 = arith.index_cast %add3A_3191 : i32 to index
    %get3A_3196 = arith.constant 1 : index
    %get3A_3197 = memref.load %arg1[%get3A_3195, %get3A_3196] : memref<64x2xi32, #tpu.memory_space<smem>>
    %broadcast_in_dim3A_3198 = arith.constant 0 : i32
    %broadcast_in_dim3A_3199 = vector.broadcast %broadcast_in_dim3A_3198 : i32 to vector<782x128xi32>
    %xor3A_3200 = arith.xori %get3A_3194, %get3A_3197 : i32
    %xor3A_3201 = arith.constant 466688986 : i32
    %xor3A_3202 = arith.xori %xor3A_3200, %xor3A_3201 : i32
    %add3A_3203 = vector.broadcast %get3A_3194 : i32 to vector<782x128xi32>
    %add3A_3204 = arith.addi %broadcast_in_dim3A_3199, %add3A_3203 : vector<782x128xi32>
    %add3A_3205 = vector.broadcast %get3A_3197 : i32 to vector<782x128xi32>
    %add3A_3206 = arith.addi %add3A, %add3A_3205 : vector<782x128xi32>
    %add3A_3207 = arith.addi %add3A_3204, %add3A_3206 : vector<782x128xi32>
    %shift_left3A_3208 = arith.constant 13 : i32
    %shift_left3A_3209 = vector.broadcast %shift_left3A_3208 : i32 to vector<782x128xi32>
    %shift_left3A_3210 = arith.shli %add3A_3206, %shift_left3A_3209 : vector<782x128xi32>
    %shift_right_logical3A_3211 = arith.constant 19 : i32
    %shift_right_logical3A_3212 = vector.broadcast %shift_right_logical3A_3211 : i32 to vector<782x128xi32>
    %shift_right_logical3A_3213 = arith.shrui %add3A_3206, %shift_right_logical3A_3212 : vector<782x128xi32>
    %or3A_3214 = arith.ori %shift_left3A_3210, %shift_right_logical3A_3213 : vector<782x128xi32>
    %xor3A_3215 = arith.xori %or3A_3214, %add3A_3207 : vector<782x128xi32>
    %add3A_3216 = arith.addi %add3A_3207, %xor3A_3215 : vector<782x128xi32>
    %shift_left3A_3217 = arith.constant 15 : i32
    %shift_left3A_3218 = vector.broadcast %shift_left3A_3217 : i32 to vector<782x128xi32>
    %shift_left3A_3219 = arith.shli %xor3A_3215, %shift_left3A_3218 : vector<782x128xi32>
    %shift_right_logical3A_3220 = arith.constant 17 : i32
    %shift_right_logical3A_3221 = vector.broadcast %shift_right_logical3A_3220 : i32 to vector<782x128xi32>
    %shift_right_logical3A_3222 = arith.shrui %xor3A_3215, %shift_right_logical3A_3221 : vector<782x128xi32>
    %or3A_3223 = arith.ori %shift_left3A_3219, %shift_right_logical3A_3222 : vector<782x128xi32>
    %xor3A_3224 = arith.xori %or3A_3223, %add3A_3216 : vector<782x128xi32>
    %add3A_3225 = arith.addi %add3A_3216, %xor3A_3224 : vector<782x128xi32>
    %shift_left3A_3226 = arith.constant 26 : i32
    %shift_left3A_3227 = vector.broadcast %shift_left3A_3226 : i32 to vector<782x128xi32>
    %shift_left3A_3228 = arith.shli %xor3A_3224, %shift_left3A_3227 : vector<782x128xi32>
    %shift_right_logical3A_3229 = arith.constant 6 : i32
    %shift_right_logical3A_3230 = vector.broadcast %shift_right_logical3A_3229 : i32 to vector<782x128xi32>
    %shift_right_logical3A_3231 = arith.shrui %xor3A_3224, %shift_right_logical3A_3230 : vector<782x128xi32>
    %or3A_3232 = arith.ori %shift_left3A_3228, %shift_right_logical3A_3231 : vector<782x128xi32>
    %xor3A_3233 = arith.xori %or3A_3232, %add3A_3225 : vector<782x128xi32>
    %add3A_3234 = arith.addi %add3A_3225, %xor3A_3233 : vector<782x128xi32>
    %shift_left3A_3235 = arith.constant 6 : i32
    %shift_left3A_3236 = vector.broadcast %shift_left3A_3235 : i32 to vector<782x128xi32>
    %shift_left3A_3237 = arith.shli %xor3A_3233, %shift_left3A_3236 : vector<782x128xi32>
    %shift_right_logical3A_3238 = arith.constant 26 : i32
    %shift_right_logical3A_3239 = vector.broadcast %shift_right_logical3A_3238 : i32 to vector<782x128xi32>
    %shift_right_logical3A_3240 = arith.shrui %xor3A_3233, %shift_right_logical3A_3239 : vector<782x128xi32>
    %or3A_3241 = arith.ori %shift_left3A_3237, %shift_right_logical3A_3240 : vector<782x128xi32>
    %xor3A_3242 = arith.xori %or3A_3241, %add3A_3234 : vector<782x128xi32>
    %add3A_3243 = vector.broadcast %get3A_3197 : i32 to vector<782x128xi32>
    %add3A_3244 = arith.addi %add3A_3234, %add3A_3243 : vector<782x128xi32>
    %add3A_3245 = vector.broadcast %xor3A_3202 : i32 to vector<782x128xi32>
    %add3A_3246 = arith.addi %xor3A_3242, %add3A_3245 : vector<782x128xi32>
    %add3A_3247 = arith.constant 1 : i32
    %add3A_3248 = vector.broadcast %add3A_3247 : i32 to vector<782x128xi32>
    %add3A_3249 = arith.addi %add3A_3246, %add3A_3248 : vector<782x128xi32>
    %add3A_3250 = arith.addi %add3A_3244, %add3A_3249 : vector<782x128xi32>
    %shift_left3A_3251 = arith.constant 17 : i32
    %shift_left3A_3252 = vector.broadcast %shift_left3A_3251 : i32 to vector<782x128xi32>
    %shift_left3A_3253 = arith.shli %add3A_3249, %shift_left3A_3252 : vector<782x128xi32>
    %shift_right_logical3A_3254 = arith.constant 15 : i32
    %shift_right_logical3A_3255 = vector.broadcast %shift_right_logical3A_3254 : i32 to vector<782x128xi32>
    %shift_right_logical3A_3256 = arith.shrui %add3A_3249, %shift_right_logical3A_3255 : vector<782x128xi32>
    %or3A_3257 = arith.ori %shift_left3A_3253, %shift_right_logical3A_3256 : vector<782x128xi32>
    %xor3A_3258 = arith.xori %or3A_3257, %add3A_3250 : vector<782x128xi32>
    %add3A_3259 = arith.addi %add3A_3250, %xor3A_3258 : vector<782x128xi32>
    %shift_left3A_3260 = arith.constant 29 : i32
    %shift_left3A_3261 = vector.broadcast %shift_left3A_3260 : i32 to vector<782x128xi32>
    %shift_left3A_3262 = arith.shli %xor3A_3258, %shift_left3A_3261 : vector<782x128xi32>
    %shift_right_logical3A_3263 = arith.constant 3 : i32
    %shift_right_logical3A_3264 = vector.broadcast %shift_right_logical3A_3263 : i32 to vector<782x128xi32>
    %shift_right_logical3A_3265 = arith.shrui %xor3A_3258, %shift_right_logical3A_3264 : vector<782x128xi32>
    %or3A_3266 = arith.ori %shift_left3A_3262, %shift_right_logical3A_3265 : vector<782x128xi32>
    %xor3A_3267 = arith.xori %or3A_3266, %add3A_3259 : vector<782x128xi32>
    %add3A_3268 = arith.addi %add3A_3259, %xor3A_3267 : vector<782x128xi32>
    %shift_left3A_3269 = arith.constant 16 : i32
    %shift_left3A_3270 = vector.broadcast %shift_left3A_3269 : i32 to vector<782x128xi32>
    %shift_left3A_3271 = arith.shli %xor3A_3267, %shift_left3A_3270 : vector<782x128xi32>
    %shift_right_logical3A_3272 = arith.constant 16 : i32
    %shift_right_logical3A_3273 = vector.broadcast %shift_right_logical3A_3272 : i32 to vector<782x128xi32>
    %shift_right_logical3A_3274 = arith.shrui %xor3A_3267, %shift_right_logical3A_3273 : vector<782x128xi32>
    %or3A_3275 = arith.ori %shift_left3A_3271, %shift_right_logical3A_3274 : vector<782x128xi32>
    %xor3A_3276 = arith.xori %or3A_3275, %add3A_3268 : vector<782x128xi32>
    %add3A_3277 = arith.addi %add3A_3268, %xor3A_3276 : vector<782x128xi32>
    %shift_left3A_3278 = arith.constant 24 : i32
    %shift_left3A_3279 = vector.broadcast %shift_left3A_3278 : i32 to vector<782x128xi32>
    %shift_left3A_3280 = arith.shli %xor3A_3276, %shift_left3A_3279 : vector<782x128xi32>
    %shift_right_logical3A_3281 = arith.constant 8 : i32
    %shift_right_logical3A_3282 = vector.broadcast %shift_right_logical3A_3281 : i32 to vector<782x128xi32>
    %shift_right_logical3A_3283 = arith.shrui %xor3A_3276, %shift_right_logical3A_3282 : vector<782x128xi32>
    %or3A_3284 = arith.ori %shift_left3A_3280, %shift_right_logical3A_3283 : vector<782x128xi32>
    %xor3A_3285 = arith.xori %or3A_3284, %add3A_3277 : vector<782x128xi32>
    %add3A_3286 = vector.broadcast %xor3A_3202 : i32 to vector<782x128xi32>
    %add3A_3287 = arith.addi %add3A_3277, %add3A_3286 : vector<782x128xi32>
    %add3A_3288 = vector.broadcast %get3A_3194 : i32 to vector<782x128xi32>
    %add3A_3289 = arith.addi %xor3A_3285, %add3A_3288 : vector<782x128xi32>
    %add3A_3290 = arith.constant 2 : i32
    %add3A_3291 = vector.broadcast %add3A_3290 : i32 to vector<782x128xi32>
    %add3A_3292 = arith.addi %add3A_3289, %add3A_3291 : vector<782x128xi32>
    %add3A_3293 = arith.addi %add3A_3287, %add3A_3292 : vector<782x128xi32>
    %shift_left3A_3294 = arith.constant 13 : i32
    %shift_left3A_3295 = vector.broadcast %shift_left3A_3294 : i32 to vector<782x128xi32>
    %shift_left3A_3296 = arith.shli %add3A_3292, %shift_left3A_3295 : vector<782x128xi32>
    %shift_right_logical3A_3297 = arith.constant 19 : i32
    %shift_right_logical3A_3298 = vector.broadcast %shift_right_logical3A_3297 : i32 to vector<782x128xi32>
    %shift_right_logical3A_3299 = arith.shrui %add3A_3292, %shift_right_logical3A_3298 : vector<782x128xi32>
    %or3A_3300 = arith.ori %shift_left3A_3296, %shift_right_logical3A_3299 : vector<782x128xi32>
    %xor3A_3301 = arith.xori %or3A_3300, %add3A_3293 : vector<782x128xi32>
    %add3A_3302 = arith.addi %add3A_3293, %xor3A_3301 : vector<782x128xi32>
    %shift_left3A_3303 = arith.constant 15 : i32
    %shift_left3A_3304 = vector.broadcast %shift_left3A_3303 : i32 to vector<782x128xi32>
    %shift_left3A_3305 = arith.shli %xor3A_3301, %shift_left3A_3304 : vector<782x128xi32>
    %shift_right_logical3A_3306 = arith.constant 17 : i32
    %shift_right_logical3A_3307 = vector.broadcast %shift_right_logical3A_3306 : i32 to vector<782x128xi32>
    %shift_right_logical3A_3308 = arith.shrui %xor3A_3301, %shift_right_logical3A_3307 : vector<782x128xi32>
    %or3A_3309 = arith.ori %shift_left3A_3305, %shift_right_logical3A_3308 : vector<782x128xi32>
    %xor3A_3310 = arith.xori %or3A_3309, %add3A_3302 : vector<782x128xi32>
    %add3A_3311 = arith.addi %add3A_3302, %xor3A_3310 : vector<782x128xi32>
    %shift_left3A_3312 = arith.constant 26 : i32
    %shift_left3A_3313 = vector.broadcast %shift_left3A_3312 : i32 to vector<782x128xi32>
    %shift_left3A_3314 = arith.shli %xor3A_3310, %shift_left3A_3313 : vector<782x128xi32>
    %shift_right_logical3A_3315 = arith.constant 6 : i32
    %shift_right_logical3A_3316 = vector.broadcast %shift_right_logical3A_3315 : i32 to vector<782x128xi32>
    %shift_right_logical3A_3317 = arith.shrui %xor3A_3310, %shift_right_logical3A_3316 : vector<782x128xi32>
    %or3A_3318 = arith.ori %shift_left3A_3314, %shift_right_logical3A_3317 : vector<782x128xi32>
    %xor3A_3319 = arith.xori %or3A_3318, %add3A_3311 : vector<782x128xi32>
    %add3A_3320 = arith.addi %add3A_3311, %xor3A_3319 : vector<782x128xi32>
    %shift_left3A_3321 = arith.constant 6 : i32
    %shift_left3A_3322 = vector.broadcast %shift_left3A_3321 : i32 to vector<782x128xi32>
    %shift_left3A_3323 = arith.shli %xor3A_3319, %shift_left3A_3322 : vector<782x128xi32>
    %shift_right_logical3A_3324 = arith.constant 26 : i32
    %shift_right_logical3A_3325 = vector.broadcast %shift_right_logical3A_3324 : i32 to vector<782x128xi32>
    %shift_right_logical3A_3326 = arith.shrui %xor3A_3319, %shift_right_logical3A_3325 : vector<782x128xi32>
    %or3A_3327 = arith.ori %shift_left3A_3323, %shift_right_logical3A_3326 : vector<782x128xi32>
    %xor3A_3328 = arith.xori %or3A_3327, %add3A_3320 : vector<782x128xi32>
    %add3A_3329 = vector.broadcast %get3A_3194 : i32 to vector<782x128xi32>
    %add3A_3330 = arith.addi %add3A_3320, %add3A_3329 : vector<782x128xi32>
    %add3A_3331 = vector.broadcast %get3A_3197 : i32 to vector<782x128xi32>
    %add3A_3332 = arith.addi %xor3A_3328, %add3A_3331 : vector<782x128xi32>
    %add3A_3333 = arith.constant 3 : i32
    %add3A_3334 = vector.broadcast %add3A_3333 : i32 to vector<782x128xi32>
    %add3A_3335 = arith.addi %add3A_3332, %add3A_3334 : vector<782x128xi32>
    %add3A_3336 = arith.addi %add3A_3330, %add3A_3335 : vector<782x128xi32>
    %shift_left3A_3337 = arith.constant 17 : i32
    %shift_left3A_3338 = vector.broadcast %shift_left3A_3337 : i32 to vector<782x128xi32>
    %shift_left3A_3339 = arith.shli %add3A_3335, %shift_left3A_3338 : vector<782x128xi32>
    %shift_right_logical3A_3340 = arith.constant 15 : i32
    %shift_right_logical3A_3341 = vector.broadcast %shift_right_logical3A_3340 : i32 to vector<782x128xi32>
    %shift_right_logical3A_3342 = arith.shrui %add3A_3335, %shift_right_logical3A_3341 : vector<782x128xi32>
    %or3A_3343 = arith.ori %shift_left3A_3339, %shift_right_logical3A_3342 : vector<782x128xi32>
    %xor3A_3344 = arith.xori %or3A_3343, %add3A_3336 : vector<782x128xi32>
    %add3A_3345 = arith.addi %add3A_3336, %xor3A_3344 : vector<782x128xi32>
    %shift_left3A_3346 = arith.constant 29 : i32
    %shift_left3A_3347 = vector.broadcast %shift_left3A_3346 : i32 to vector<782x128xi32>
    %shift_left3A_3348 = arith.shli %xor3A_3344, %shift_left3A_3347 : vector<782x128xi32>
    %shift_right_logical3A_3349 = arith.constant 3 : i32
    %shift_right_logical3A_3350 = vector.broadcast %shift_right_logical3A_3349 : i32 to vector<782x128xi32>
    %shift_right_logical3A_3351 = arith.shrui %xor3A_3344, %shift_right_logical3A_3350 : vector<782x128xi32>
    %or3A_3352 = arith.ori %shift_left3A_3348, %shift_right_logical3A_3351 : vector<782x128xi32>
    %xor3A_3353 = arith.xori %or3A_3352, %add3A_3345 : vector<782x128xi32>
    %add3A_3354 = arith.addi %add3A_3345, %xor3A_3353 : vector<782x128xi32>
    %shift_left3A_3355 = arith.constant 16 : i32
    %shift_left3A_3356 = vector.broadcast %shift_left3A_3355 : i32 to vector<782x128xi32>
    %shift_left3A_3357 = arith.shli %xor3A_3353, %shift_left3A_3356 : vector<782x128xi32>
    %shift_right_logical3A_3358 = arith.constant 16 : i32
    %shift_right_logical3A_3359 = vector.broadcast %shift_right_logical3A_3358 : i32 to vector<782x128xi32>
    %shift_right_logical3A_3360 = arith.shrui %xor3A_3353, %shift_right_logical3A_3359 : vector<782x128xi32>
    %or3A_3361 = arith.ori %shift_left3A_3357, %shift_right_logical3A_3360 : vector<782x128xi32>
    %xor3A_3362 = arith.xori %or3A_3361, %add3A_3354 : vector<782x128xi32>
    %add3A_3363 = arith.addi %add3A_3354, %xor3A_3362 : vector<782x128xi32>
    %shift_left3A_3364 = arith.constant 24 : i32
    %shift_left3A_3365 = vector.broadcast %shift_left3A_3364 : i32 to vector<782x128xi32>
    %shift_left3A_3366 = arith.shli %xor3A_3362, %shift_left3A_3365 : vector<782x128xi32>
    %shift_right_logical3A_3367 = arith.constant 8 : i32
    %shift_right_logical3A_3368 = vector.broadcast %shift_right_logical3A_3367 : i32 to vector<782x128xi32>
    %shift_right_logical3A_3369 = arith.shrui %xor3A_3362, %shift_right_logical3A_3368 : vector<782x128xi32>
    %or3A_3370 = arith.ori %shift_left3A_3366, %shift_right_logical3A_3369 : vector<782x128xi32>
    %xor3A_3371 = arith.xori %or3A_3370, %add3A_3363 : vector<782x128xi32>
    %add3A_3372 = vector.broadcast %get3A_3197 : i32 to vector<782x128xi32>
    %add3A_3373 = arith.addi %add3A_3363, %add3A_3372 : vector<782x128xi32>
    %add3A_3374 = vector.broadcast %xor3A_3202 : i32 to vector<782x128xi32>
    %add3A_3375 = arith.addi %xor3A_3371, %add3A_3374 : vector<782x128xi32>
    %add3A_3376 = arith.constant 4 : i32
    %add3A_3377 = vector.broadcast %add3A_3376 : i32 to vector<782x128xi32>
    %add3A_3378 = arith.addi %add3A_3375, %add3A_3377 : vector<782x128xi32>
    %add3A_3379 = arith.addi %add3A_3373, %add3A_3378 : vector<782x128xi32>
    %shift_left3A_3380 = arith.constant 13 : i32
    %shift_left3A_3381 = vector.broadcast %shift_left3A_3380 : i32 to vector<782x128xi32>
    %shift_left3A_3382 = arith.shli %add3A_3378, %shift_left3A_3381 : vector<782x128xi32>
    %shift_right_logical3A_3383 = arith.constant 19 : i32
    %shift_right_logical3A_3384 = vector.broadcast %shift_right_logical3A_3383 : i32 to vector<782x128xi32>
    %shift_right_logical3A_3385 = arith.shrui %add3A_3378, %shift_right_logical3A_3384 : vector<782x128xi32>
    %or3A_3386 = arith.ori %shift_left3A_3382, %shift_right_logical3A_3385 : vector<782x128xi32>
    %xor3A_3387 = arith.xori %or3A_3386, %add3A_3379 : vector<782x128xi32>
    %add3A_3388 = arith.addi %add3A_3379, %xor3A_3387 : vector<782x128xi32>
    %shift_left3A_3389 = arith.constant 15 : i32
    %shift_left3A_3390 = vector.broadcast %shift_left3A_3389 : i32 to vector<782x128xi32>
    %shift_left3A_3391 = arith.shli %xor3A_3387, %shift_left3A_3390 : vector<782x128xi32>
    %shift_right_logical3A_3392 = arith.constant 17 : i32
    %shift_right_logical3A_3393 = vector.broadcast %shift_right_logical3A_3392 : i32 to vector<782x128xi32>
    %shift_right_logical3A_3394 = arith.shrui %xor3A_3387, %shift_right_logical3A_3393 : vector<782x128xi32>
    %or3A_3395 = arith.ori %shift_left3A_3391, %shift_right_logical3A_3394 : vector<782x128xi32>
    %xor3A_3396 = arith.xori %or3A_3395, %add3A_3388 : vector<782x128xi32>
    %add3A_3397 = arith.addi %add3A_3388, %xor3A_3396 : vector<782x128xi32>
    %shift_left3A_3398 = arith.constant 26 : i32
    %shift_left3A_3399 = vector.broadcast %shift_left3A_3398 : i32 to vector<782x128xi32>
    %shift_left3A_3400 = arith.shli %xor3A_3396, %shift_left3A_3399 : vector<782x128xi32>
    %shift_right_logical3A_3401 = arith.constant 6 : i32
    %shift_right_logical3A_3402 = vector.broadcast %shift_right_logical3A_3401 : i32 to vector<782x128xi32>
    %shift_right_logical3A_3403 = arith.shrui %xor3A_3396, %shift_right_logical3A_3402 : vector<782x128xi32>
    %or3A_3404 = arith.ori %shift_left3A_3400, %shift_right_logical3A_3403 : vector<782x128xi32>
    %xor3A_3405 = arith.xori %or3A_3404, %add3A_3397 : vector<782x128xi32>
    %add3A_3406 = arith.addi %add3A_3397, %xor3A_3405 : vector<782x128xi32>
    %shift_left3A_3407 = arith.constant 6 : i32
    %shift_left3A_3408 = vector.broadcast %shift_left3A_3407 : i32 to vector<782x128xi32>
    %shift_left3A_3409 = arith.shli %xor3A_3405, %shift_left3A_3408 : vector<782x128xi32>
    %shift_right_logical3A_3410 = arith.constant 26 : i32
    %shift_right_logical3A_3411 = vector.broadcast %shift_right_logical3A_3410 : i32 to vector<782x128xi32>
    %shift_right_logical3A_3412 = arith.shrui %xor3A_3405, %shift_right_logical3A_3411 : vector<782x128xi32>
    %or3A_3413 = arith.ori %shift_left3A_3409, %shift_right_logical3A_3412 : vector<782x128xi32>
    %xor3A_3414 = arith.xori %or3A_3413, %add3A_3406 : vector<782x128xi32>
    %add3A_3415 = vector.broadcast %xor3A_3202 : i32 to vector<782x128xi32>
    %add3A_3416 = arith.addi %add3A_3406, %add3A_3415 : vector<782x128xi32>
    %add3A_3417 = vector.broadcast %get3A_3194 : i32 to vector<782x128xi32>
    %add3A_3418 = arith.addi %xor3A_3414, %add3A_3417 : vector<782x128xi32>
    %add3A_3419 = arith.constant 5 : i32
    %add3A_3420 = vector.broadcast %add3A_3419 : i32 to vector<782x128xi32>
    %add3A_3421 = arith.addi %add3A_3418, %add3A_3420 : vector<782x128xi32>
    %xor3A_3422 = arith.xori %add3A_3416, %add3A_3421 : vector<782x128xi32>
    %shift_right_logical3A_3423 = arith.constant 9 : i32
    %shift_right_logical3A_3424 = vector.broadcast %shift_right_logical3A_3423 : i32 to vector<782x128xi32>
    %shift_right_logical3A_3425 = arith.shrui %xor3A_3422, %shift_right_logical3A_3424 : vector<782x128xi32>
    %or3A_3426 = arith.constant 1065353216 : i32
    %or3A_3427 = vector.broadcast %or3A_3426 : i32 to vector<782x128xi32>
    %or3A_3428 = arith.ori %shift_right_logical3A_3425, %or3A_3427 : vector<782x128xi32>
    %bitcast_convert_type3A_3429 = tpu.bitcast %or3A_3428 : vector<782x128xi32> -> vector<782x128xf32>
    %sub3A_3430 = arith.constant 1.000000e+00 : f32
    %sub3A_3431 = vector.broadcast %sub3A_3430 : f32 to vector<782x128xf32>
    %sub3A_3432 = arith.subf %bitcast_convert_type3A_3429, %sub3A_3431 : vector<782x128xf32>
    %sub3A_3433 = arith.constant 1.000000e+00 : f32
    %sub3A_3434 = arith.constant 1.17549435E-38 : f32
    %sub3A_3435 = arith.subf %sub3A_3433, %sub3A_3434 : f32
    %mul3A_3436 = vector.broadcast %sub3A_3435 : f32 to vector<782x128xf32>
    %mul3A_3437 = arith.mulf %sub3A_3432, %mul3A_3436 : vector<782x128xf32>
    %add3A_3438 = arith.constant 1.17549435E-38 : f32
    %add3A_3439 = vector.broadcast %add3A_3438 : f32 to vector<782x128xf32>
    %add3A_3440 = arith.addf %mul3A_3437, %add3A_3439 : vector<782x128xf32>
    %max3A_3441 = arith.constant 1.17549435E-38 : f32
    %max3A_3442 = vector.broadcast %max3A_3441 : f32 to vector<782x128xf32>
    %max3A_3443 = arith.maximumf %max3A_3442, %add3A_3440 : vector<782x128xf32>
    %log3A_3444 = math.log %max3A_3443 : vector<782x128xf32>
    %neg3A_3445 = arith.constant 0.000000e+00 : f32
    %neg3A_3446 = vector.broadcast %neg3A_3445 : f32 to vector<782x128xf32>
    %neg3A_3447 = arith.subf %neg3A_3446, %log3A_3444 : vector<782x128xf32>
    %log3A_3448 = math.log %neg3A_3447 : vector<782x128xf32>
    %neg3A_3449 = arith.constant 0.000000e+00 : f32
    %neg3A_3450 = vector.broadcast %neg3A_3449 : f32 to vector<782x128xf32>
    %neg3A_3451 = arith.subf %neg3A_3450, %log3A_3448 : vector<782x128xf32>
    %jit3A_3452 = arith.constant -1.000000e+30 : f32
    %broadcast_in_dim3A_3453 = vector.broadcast %jit3A_3452 : f32 to vector<782x128xf32>
    %select_n3A_3454 = arith.select %ge3A_9, %broadcast_in_dim3A_3453, %neg3A_3451 : vector<782x128xi1>, vector<782x128xf32>
    %get3A_3455 = arith.constant 0 : index
    %get3A_3456 = arith.constant 0 : index
    %get3A_3457 = vector.load %arg2[%get3A_3455, %get3A_3456] : memref<782x128xi32, #tpu.memory_space<vmem>>, vector<782x128xi32>
    %le3A_3458 = vector.broadcast %add3A_3191 : i32 to vector<782x128xi32>
    %le3A_3459 = arith.cmpi sle, %get3A_3457, %le3A_3458 : vector<782x128xi32>
    %broadcast_in_dim3A_3460 = vector.broadcast %log3A_4 : f32 to vector<782x128xf32>
    %select_n3A_3461 = arith.select %le3A_3459, %broadcast_in_dim3A_3460, %log3A : vector<782x128xi1>, vector<782x128xf32>
    %add3A_3462 = arith.addf %select_n3A_3461, %select_n3A_3454 : vector<782x128xf32>
    %bitcast_convert_type3A_3463 = tpu.bitcast %add3A_3462 : vector<782x128xf32> -> vector<782x128xi32>
    %lt3A_3464 = arith.constant 0 : i32
    %lt3A_3465 = vector.broadcast %lt3A_3464 : i32 to vector<782x128xi32>
    %lt3A_3466 = arith.cmpi slt, %bitcast_convert_type3A_3463, %lt3A_3465 : vector<782x128xi32>
    %xor3A_3467 = arith.constant 2147483647 : i32
    %xor3A_3468 = vector.broadcast %xor3A_3467 : i32 to vector<782x128xi32>
    %xor3A_3469 = arith.xori %bitcast_convert_type3A_3463, %xor3A_3468 : vector<782x128xi32>
    %select_n3A_3470 = arith.select %lt3A_3466, %xor3A_3469, %bitcast_convert_type3A_3463 : vector<782x128xi1>, vector<782x128xi32>
    %swap3A_3471 = arith.constant 0 : index
    %swap3A_3472 = arith.constant 11 : index
    %swap3A_3473 = arith.constant 0 : index
    %swap3A_3474 = arith.constant 0 : index
    %swap3A_3475 = vector.load %arg4[%swap3A_3471, %swap3A_3472, %swap3A_3473, %swap3A_3474] : memref<1x16x782x128xi32, #tpu.memory_space<vmem>>, vector<1x1x782x128xi32>
    %swap3A_3476 = vector.shape_cast %swap3A_3475 : vector<1x1x782x128xi32> to vector<782x128xi32>
    %swap3A_3477 = vector.shape_cast %select_n3A_3470 : vector<782x128xi32> to vector<1x1x782x128xi32>
    tpu.vector_store %arg4[%swap3A_3471, %swap3A_3472, %swap3A_3473, %swap3A_3474], %swap3A_3477 {strides = array<i32>} : memref<1x16x782x128xi32, #tpu.memory_space<vmem>>, vector<1x1x782x128xi32>,
    %mul3A_3478 = arith.constant 16 : i32
    %mul3A_3479 = arith.muli %arg0, %mul3A_3478 : i32
    %add3A_3480 = arith.constant 12 : i32
    %add3A_3481 = arith.addi %mul3A_3479, %add3A_3480 : i32
    %get3A_3482 = arith.index_cast %add3A_3481 : i32 to index
    %get3A_3483 = arith.constant 0 : index
    %get3A_3484 = memref.load %arg1[%get3A_3482, %get3A_3483] : memref<64x2xi32, #tpu.memory_space<smem>>
    %get3A_3485 = arith.index_cast %add3A_3481 : i32 to index
    %get3A_3486 = arith.constant 1 : index
    %get3A_3487 = memref.load %arg1[%get3A_3485, %get3A_3486] : memref<64x2xi32, #tpu.memory_space<smem>>
    %broadcast_in_dim3A_3488 = arith.constant 0 : i32
    %broadcast_in_dim3A_3489 = vector.broadcast %broadcast_in_dim3A_3488 : i32 to vector<782x128xi32>
    %xor3A_3490 = arith.xori %get3A_3484, %get3A_3487 : i32
    %xor3A_3491 = arith.constant 466688986 : i32
    %xor3A_3492 = arith.xori %xor3A_3490, %xor3A_3491 : i32
    %add3A_3493 = vector.broadcast %get3A_3484 : i32 to vector<782x128xi32>
    %add3A_3494 = arith.addi %broadcast_in_dim3A_3489, %add3A_3493 : vector<782x128xi32>
    %add3A_3495 = vector.broadcast %get3A_3487 : i32 to vector<782x128xi32>
    %add3A_3496 = arith.addi %add3A, %add3A_3495 : vector<782x128xi32>
    %add3A_3497 = arith.addi %add3A_3494, %add3A_3496 : vector<782x128xi32>
    %shift_left3A_3498 = arith.constant 13 : i32
    %shift_left3A_3499 = vector.broadcast %shift_left3A_3498 : i32 to vector<782x128xi32>
    %shift_left3A_3500 = arith.shli %add3A_3496, %shift_left3A_3499 : vector<782x128xi32>
    %shift_right_logical3A_3501 = arith.constant 19 : i32
    %shift_right_logical3A_3502 = vector.broadcast %shift_right_logical3A_3501 : i32 to vector<782x128xi32>
    %shift_right_logical3A_3503 = arith.shrui %add3A_3496, %shift_right_logical3A_3502 : vector<782x128xi32>
    %or3A_3504 = arith.ori %shift_left3A_3500, %shift_right_logical3A_3503 : vector<782x128xi32>
    %xor3A_3505 = arith.xori %or3A_3504, %add3A_3497 : vector<782x128xi32>
    %add3A_3506 = arith.addi %add3A_3497, %xor3A_3505 : vector<782x128xi32>
    %shift_left3A_3507 = arith.constant 15 : i32
    %shift_left3A_3508 = vector.broadcast %shift_left3A_3507 : i32 to vector<782x128xi32>
    %shift_left3A_3509 = arith.shli %xor3A_3505, %shift_left3A_3508 : vector<782x128xi32>
    %shift_right_logical3A_3510 = arith.constant 17 : i32
    %shift_right_logical3A_3511 = vector.broadcast %shift_right_logical3A_3510 : i32 to vector<782x128xi32>
    %shift_right_logical3A_3512 = arith.shrui %xor3A_3505, %shift_right_logical3A_3511 : vector<782x128xi32>
    %or3A_3513 = arith.ori %shift_left3A_3509, %shift_right_logical3A_3512 : vector<782x128xi32>
    %xor3A_3514 = arith.xori %or3A_3513, %add3A_3506 : vector<782x128xi32>
    %add3A_3515 = arith.addi %add3A_3506, %xor3A_3514 : vector<782x128xi32>
    %shift_left3A_3516 = arith.constant 26 : i32
    %shift_left3A_3517 = vector.broadcast %shift_left3A_3516 : i32 to vector<782x128xi32>
    %shift_left3A_3518 = arith.shli %xor3A_3514, %shift_left3A_3517 : vector<782x128xi32>
    %shift_right_logical3A_3519 = arith.constant 6 : i32
    %shift_right_logical3A_3520 = vector.broadcast %shift_right_logical3A_3519 : i32 to vector<782x128xi32>
    %shift_right_logical3A_3521 = arith.shrui %xor3A_3514, %shift_right_logical3A_3520 : vector<782x128xi32>
    %or3A_3522 = arith.ori %shift_left3A_3518, %shift_right_logical3A_3521 : vector<782x128xi32>
    %xor3A_3523 = arith.xori %or3A_3522, %add3A_3515 : vector<782x128xi32>
    %add3A_3524 = arith.addi %add3A_3515, %xor3A_3523 : vector<782x128xi32>
    %shift_left3A_3525 = arith.constant 6 : i32
    %shift_left3A_3526 = vector.broadcast %shift_left3A_3525 : i32 to vector<782x128xi32>
    %shift_left3A_3527 = arith.shli %xor3A_3523, %shift_left3A_3526 : vector<782x128xi32>
    %shift_right_logical3A_3528 = arith.constant 26 : i32
    %shift_right_logical3A_3529 = vector.broadcast %shift_right_logical3A_3528 : i32 to vector<782x128xi32>
    %shift_right_logical3A_3530 = arith.shrui %xor3A_3523, %shift_right_logical3A_3529 : vector<782x128xi32>
    %or3A_3531 = arith.ori %shift_left3A_3527, %shift_right_logical3A_3530 : vector<782x128xi32>
    %xor3A_3532 = arith.xori %or3A_3531, %add3A_3524 : vector<782x128xi32>
    %add3A_3533 = vector.broadcast %get3A_3487 : i32 to vector<782x128xi32>
    %add3A_3534 = arith.addi %add3A_3524, %add3A_3533 : vector<782x128xi32>
    %add3A_3535 = vector.broadcast %xor3A_3492 : i32 to vector<782x128xi32>
    %add3A_3536 = arith.addi %xor3A_3532, %add3A_3535 : vector<782x128xi32>
    %add3A_3537 = arith.constant 1 : i32
    %add3A_3538 = vector.broadcast %add3A_3537 : i32 to vector<782x128xi32>
    %add3A_3539 = arith.addi %add3A_3536, %add3A_3538 : vector<782x128xi32>
    %add3A_3540 = arith.addi %add3A_3534, %add3A_3539 : vector<782x128xi32>
    %shift_left3A_3541 = arith.constant 17 : i32
    %shift_left3A_3542 = vector.broadcast %shift_left3A_3541 : i32 to vector<782x128xi32>
    %shift_left3A_3543 = arith.shli %add3A_3539, %shift_left3A_3542 : vector<782x128xi32>
    %shift_right_logical3A_3544 = arith.constant 15 : i32
    %shift_right_logical3A_3545 = vector.broadcast %shift_right_logical3A_3544 : i32 to vector<782x128xi32>
    %shift_right_logical3A_3546 = arith.shrui %add3A_3539, %shift_right_logical3A_3545 : vector<782x128xi32>
    %or3A_3547 = arith.ori %shift_left3A_3543, %shift_right_logical3A_3546 : vector<782x128xi32>
    %xor3A_3548 = arith.xori %or3A_3547, %add3A_3540 : vector<782x128xi32>
    %add3A_3549 = arith.addi %add3A_3540, %xor3A_3548 : vector<782x128xi32>
    %shift_left3A_3550 = arith.constant 29 : i32
    %shift_left3A_3551 = vector.broadcast %shift_left3A_3550 : i32 to vector<782x128xi32>
    %shift_left3A_3552 = arith.shli %xor3A_3548, %shift_left3A_3551 : vector<782x128xi32>
    %shift_right_logical3A_3553 = arith.constant 3 : i32
    %shift_right_logical3A_3554 = vector.broadcast %shift_right_logical3A_3553 : i32 to vector<782x128xi32>
    %shift_right_logical3A_3555 = arith.shrui %xor3A_3548, %shift_right_logical3A_3554 : vector<782x128xi32>
    %or3A_3556 = arith.ori %shift_left3A_3552, %shift_right_logical3A_3555 : vector<782x128xi32>
    %xor3A_3557 = arith.xori %or3A_3556, %add3A_3549 : vector<782x128xi32>
    %add3A_3558 = arith.addi %add3A_3549, %xor3A_3557 : vector<782x128xi32>
    %shift_left3A_3559 = arith.constant 16 : i32
    %shift_left3A_3560 = vector.broadcast %shift_left3A_3559 : i32 to vector<782x128xi32>
    %shift_left3A_3561 = arith.shli %xor3A_3557, %shift_left3A_3560 : vector<782x128xi32>
    %shift_right_logical3A_3562 = arith.constant 16 : i32
    %shift_right_logical3A_3563 = vector.broadcast %shift_right_logical3A_3562 : i32 to vector<782x128xi32>
    %shift_right_logical3A_3564 = arith.shrui %xor3A_3557, %shift_right_logical3A_3563 : vector<782x128xi32>
    %or3A_3565 = arith.ori %shift_left3A_3561, %shift_right_logical3A_3564 : vector<782x128xi32>
    %xor3A_3566 = arith.xori %or3A_3565, %add3A_3558 : vector<782x128xi32>
    %add3A_3567 = arith.addi %add3A_3558, %xor3A_3566 : vector<782x128xi32>
    %shift_left3A_3568 = arith.constant 24 : i32
    %shift_left3A_3569 = vector.broadcast %shift_left3A_3568 : i32 to vector<782x128xi32>
    %shift_left3A_3570 = arith.shli %xor3A_3566, %shift_left3A_3569 : vector<782x128xi32>
    %shift_right_logical3A_3571 = arith.constant 8 : i32
    %shift_right_logical3A_3572 = vector.broadcast %shift_right_logical3A_3571 : i32 to vector<782x128xi32>
    %shift_right_logical3A_3573 = arith.shrui %xor3A_3566, %shift_right_logical3A_3572 : vector<782x128xi32>
    %or3A_3574 = arith.ori %shift_left3A_3570, %shift_right_logical3A_3573 : vector<782x128xi32>
    %xor3A_3575 = arith.xori %or3A_3574, %add3A_3567 : vector<782x128xi32>
    %add3A_3576 = vector.broadcast %xor3A_3492 : i32 to vector<782x128xi32>
    %add3A_3577 = arith.addi %add3A_3567, %add3A_3576 : vector<782x128xi32>
    %add3A_3578 = vector.broadcast %get3A_3484 : i32 to vector<782x128xi32>
    %add3A_3579 = arith.addi %xor3A_3575, %add3A_3578 : vector<782x128xi32>
    %add3A_3580 = arith.constant 2 : i32
    %add3A_3581 = vector.broadcast %add3A_3580 : i32 to vector<782x128xi32>
    %add3A_3582 = arith.addi %add3A_3579, %add3A_3581 : vector<782x128xi32>
    %add3A_3583 = arith.addi %add3A_3577, %add3A_3582 : vector<782x128xi32>
    %shift_left3A_3584 = arith.constant 13 : i32
    %shift_left3A_3585 = vector.broadcast %shift_left3A_3584 : i32 to vector<782x128xi32>
    %shift_left3A_3586 = arith.shli %add3A_3582, %shift_left3A_3585 : vector<782x128xi32>
    %shift_right_logical3A_3587 = arith.constant 19 : i32
    %shift_right_logical3A_3588 = vector.broadcast %shift_right_logical3A_3587 : i32 to vector<782x128xi32>
    %shift_right_logical3A_3589 = arith.shrui %add3A_3582, %shift_right_logical3A_3588 : vector<782x128xi32>
    %or3A_3590 = arith.ori %shift_left3A_3586, %shift_right_logical3A_3589 : vector<782x128xi32>
    %xor3A_3591 = arith.xori %or3A_3590, %add3A_3583 : vector<782x128xi32>
    %add3A_3592 = arith.addi %add3A_3583, %xor3A_3591 : vector<782x128xi32>
    %shift_left3A_3593 = arith.constant 15 : i32
    %shift_left3A_3594 = vector.broadcast %shift_left3A_3593 : i32 to vector<782x128xi32>
    %shift_left3A_3595 = arith.shli %xor3A_3591, %shift_left3A_3594 : vector<782x128xi32>
    %shift_right_logical3A_3596 = arith.constant 17 : i32
    %shift_right_logical3A_3597 = vector.broadcast %shift_right_logical3A_3596 : i32 to vector<782x128xi32>
    %shift_right_logical3A_3598 = arith.shrui %xor3A_3591, %shift_right_logical3A_3597 : vector<782x128xi32>
    %or3A_3599 = arith.ori %shift_left3A_3595, %shift_right_logical3A_3598 : vector<782x128xi32>
    %xor3A_3600 = arith.xori %or3A_3599, %add3A_3592 : vector<782x128xi32>
    %add3A_3601 = arith.addi %add3A_3592, %xor3A_3600 : vector<782x128xi32>
    %shift_left3A_3602 = arith.constant 26 : i32
    %shift_left3A_3603 = vector.broadcast %shift_left3A_3602 : i32 to vector<782x128xi32>
    %shift_left3A_3604 = arith.shli %xor3A_3600, %shift_left3A_3603 : vector<782x128xi32>
    %shift_right_logical3A_3605 = arith.constant 6 : i32
    %shift_right_logical3A_3606 = vector.broadcast %shift_right_logical3A_3605 : i32 to vector<782x128xi32>
    %shift_right_logical3A_3607 = arith.shrui %xor3A_3600, %shift_right_logical3A_3606 : vector<782x128xi32>
    %or3A_3608 = arith.ori %shift_left3A_3604, %shift_right_logical3A_3607 : vector<782x128xi32>
    %xor3A_3609 = arith.xori %or3A_3608, %add3A_3601 : vector<782x128xi32>
    %add3A_3610 = arith.addi %add3A_3601, %xor3A_3609 : vector<782x128xi32>
    %shift_left3A_3611 = arith.constant 6 : i32
    %shift_left3A_3612 = vector.broadcast %shift_left3A_3611 : i32 to vector<782x128xi32>
    %shift_left3A_3613 = arith.shli %xor3A_3609, %shift_left3A_3612 : vector<782x128xi32>
    %shift_right_logical3A_3614 = arith.constant 26 : i32
    %shift_right_logical3A_3615 = vector.broadcast %shift_right_logical3A_3614 : i32 to vector<782x128xi32>
    %shift_right_logical3A_3616 = arith.shrui %xor3A_3609, %shift_right_logical3A_3615 : vector<782x128xi32>
    %or3A_3617 = arith.ori %shift_left3A_3613, %shift_right_logical3A_3616 : vector<782x128xi32>
    %xor3A_3618 = arith.xori %or3A_3617, %add3A_3610 : vector<782x128xi32>
    %add3A_3619 = vector.broadcast %get3A_3484 : i32 to vector<782x128xi32>
    %add3A_3620 = arith.addi %add3A_3610, %add3A_3619 : vector<782x128xi32>
    %add3A_3621 = vector.broadcast %get3A_3487 : i32 to vector<782x128xi32>
    %add3A_3622 = arith.addi %xor3A_3618, %add3A_3621 : vector<782x128xi32>
    %add3A_3623 = arith.constant 3 : i32
    %add3A_3624 = vector.broadcast %add3A_3623 : i32 to vector<782x128xi32>
    %add3A_3625 = arith.addi %add3A_3622, %add3A_3624 : vector<782x128xi32>
    %add3A_3626 = arith.addi %add3A_3620, %add3A_3625 : vector<782x128xi32>
    %shift_left3A_3627 = arith.constant 17 : i32
    %shift_left3A_3628 = vector.broadcast %shift_left3A_3627 : i32 to vector<782x128xi32>
    %shift_left3A_3629 = arith.shli %add3A_3625, %shift_left3A_3628 : vector<782x128xi32>
    %shift_right_logical3A_3630 = arith.constant 15 : i32
    %shift_right_logical3A_3631 = vector.broadcast %shift_right_logical3A_3630 : i32 to vector<782x128xi32>
    %shift_right_logical3A_3632 = arith.shrui %add3A_3625, %shift_right_logical3A_3631 : vector<782x128xi32>
    %or3A_3633 = arith.ori %shift_left3A_3629, %shift_right_logical3A_3632 : vector<782x128xi32>
    %xor3A_3634 = arith.xori %or3A_3633, %add3A_3626 : vector<782x128xi32>
    %add3A_3635 = arith.addi %add3A_3626, %xor3A_3634 : vector<782x128xi32>
    %shift_left3A_3636 = arith.constant 29 : i32
    %shift_left3A_3637 = vector.broadcast %shift_left3A_3636 : i32 to vector<782x128xi32>
    %shift_left3A_3638 = arith.shli %xor3A_3634, %shift_left3A_3637 : vector<782x128xi32>
    %shift_right_logical3A_3639 = arith.constant 3 : i32
    %shift_right_logical3A_3640 = vector.broadcast %shift_right_logical3A_3639 : i32 to vector<782x128xi32>
    %shift_right_logical3A_3641 = arith.shrui %xor3A_3634, %shift_right_logical3A_3640 : vector<782x128xi32>
    %or3A_3642 = arith.ori %shift_left3A_3638, %shift_right_logical3A_3641 : vector<782x128xi32>
    %xor3A_3643 = arith.xori %or3A_3642, %add3A_3635 : vector<782x128xi32>
    %add3A_3644 = arith.addi %add3A_3635, %xor3A_3643 : vector<782x128xi32>
    %shift_left3A_3645 = arith.constant 16 : i32
    %shift_left3A_3646 = vector.broadcast %shift_left3A_3645 : i32 to vector<782x128xi32>
    %shift_left3A_3647 = arith.shli %xor3A_3643, %shift_left3A_3646 : vector<782x128xi32>
    %shift_right_logical3A_3648 = arith.constant 16 : i32
    %shift_right_logical3A_3649 = vector.broadcast %shift_right_logical3A_3648 : i32 to vector<782x128xi32>
    %shift_right_logical3A_3650 = arith.shrui %xor3A_3643, %shift_right_logical3A_3649 : vector<782x128xi32>
    %or3A_3651 = arith.ori %shift_left3A_3647, %shift_right_logical3A_3650 : vector<782x128xi32>
    %xor3A_3652 = arith.xori %or3A_3651, %add3A_3644 : vector<782x128xi32>
    %add3A_3653 = arith.addi %add3A_3644, %xor3A_3652 : vector<782x128xi32>
    %shift_left3A_3654 = arith.constant 24 : i32
    %shift_left3A_3655 = vector.broadcast %shift_left3A_3654 : i32 to vector<782x128xi32>
    %shift_left3A_3656 = arith.shli %xor3A_3652, %shift_left3A_3655 : vector<782x128xi32>
    %shift_right_logical3A_3657 = arith.constant 8 : i32
    %shift_right_logical3A_3658 = vector.broadcast %shift_right_logical3A_3657 : i32 to vector<782x128xi32>
    %shift_right_logical3A_3659 = arith.shrui %xor3A_3652, %shift_right_logical3A_3658 : vector<782x128xi32>
    %or3A_3660 = arith.ori %shift_left3A_3656, %shift_right_logical3A_3659 : vector<782x128xi32>
    %xor3A_3661 = arith.xori %or3A_3660, %add3A_3653 : vector<782x128xi32>
    %add3A_3662 = vector.broadcast %get3A_3487 : i32 to vector<782x128xi32>
    %add3A_3663 = arith.addi %add3A_3653, %add3A_3662 : vector<782x128xi32>
    %add3A_3664 = vector.broadcast %xor3A_3492 : i32 to vector<782x128xi32>
    %add3A_3665 = arith.addi %xor3A_3661, %add3A_3664 : vector<782x128xi32>
    %add3A_3666 = arith.constant 4 : i32
    %add3A_3667 = vector.broadcast %add3A_3666 : i32 to vector<782x128xi32>
    %add3A_3668 = arith.addi %add3A_3665, %add3A_3667 : vector<782x128xi32>
    %add3A_3669 = arith.addi %add3A_3663, %add3A_3668 : vector<782x128xi32>
    %shift_left3A_3670 = arith.constant 13 : i32
    %shift_left3A_3671 = vector.broadcast %shift_left3A_3670 : i32 to vector<782x128xi32>
    %shift_left3A_3672 = arith.shli %add3A_3668, %shift_left3A_3671 : vector<782x128xi32>
    %shift_right_logical3A_3673 = arith.constant 19 : i32
    %shift_right_logical3A_3674 = vector.broadcast %shift_right_logical3A_3673 : i32 to vector<782x128xi32>
    %shift_right_logical3A_3675 = arith.shrui %add3A_3668, %shift_right_logical3A_3674 : vector<782x128xi32>
    %or3A_3676 = arith.ori %shift_left3A_3672, %shift_right_logical3A_3675 : vector<782x128xi32>
    %xor3A_3677 = arith.xori %or3A_3676, %add3A_3669 : vector<782x128xi32>
    %add3A_3678 = arith.addi %add3A_3669, %xor3A_3677 : vector<782x128xi32>
    %shift_left3A_3679 = arith.constant 15 : i32
    %shift_left3A_3680 = vector.broadcast %shift_left3A_3679 : i32 to vector<782x128xi32>
    %shift_left3A_3681 = arith.shli %xor3A_3677, %shift_left3A_3680 : vector<782x128xi32>
    %shift_right_logical3A_3682 = arith.constant 17 : i32
    %shift_right_logical3A_3683 = vector.broadcast %shift_right_logical3A_3682 : i32 to vector<782x128xi32>
    %shift_right_logical3A_3684 = arith.shrui %xor3A_3677, %shift_right_logical3A_3683 : vector<782x128xi32>
    %or3A_3685 = arith.ori %shift_left3A_3681, %shift_right_logical3A_3684 : vector<782x128xi32>
    %xor3A_3686 = arith.xori %or3A_3685, %add3A_3678 : vector<782x128xi32>
    %add3A_3687 = arith.addi %add3A_3678, %xor3A_3686 : vector<782x128xi32>
    %shift_left3A_3688 = arith.constant 26 : i32
    %shift_left3A_3689 = vector.broadcast %shift_left3A_3688 : i32 to vector<782x128xi32>
    %shift_left3A_3690 = arith.shli %xor3A_3686, %shift_left3A_3689 : vector<782x128xi32>
    %shift_right_logical3A_3691 = arith.constant 6 : i32
    %shift_right_logical3A_3692 = vector.broadcast %shift_right_logical3A_3691 : i32 to vector<782x128xi32>
    %shift_right_logical3A_3693 = arith.shrui %xor3A_3686, %shift_right_logical3A_3692 : vector<782x128xi32>
    %or3A_3694 = arith.ori %shift_left3A_3690, %shift_right_logical3A_3693 : vector<782x128xi32>
    %xor3A_3695 = arith.xori %or3A_3694, %add3A_3687 : vector<782x128xi32>
    %add3A_3696 = arith.addi %add3A_3687, %xor3A_3695 : vector<782x128xi32>
    %shift_left3A_3697 = arith.constant 6 : i32
    %shift_left3A_3698 = vector.broadcast %shift_left3A_3697 : i32 to vector<782x128xi32>
    %shift_left3A_3699 = arith.shli %xor3A_3695, %shift_left3A_3698 : vector<782x128xi32>
    %shift_right_logical3A_3700 = arith.constant 26 : i32
    %shift_right_logical3A_3701 = vector.broadcast %shift_right_logical3A_3700 : i32 to vector<782x128xi32>
    %shift_right_logical3A_3702 = arith.shrui %xor3A_3695, %shift_right_logical3A_3701 : vector<782x128xi32>
    %or3A_3703 = arith.ori %shift_left3A_3699, %shift_right_logical3A_3702 : vector<782x128xi32>
    %xor3A_3704 = arith.xori %or3A_3703, %add3A_3696 : vector<782x128xi32>
    %add3A_3705 = vector.broadcast %xor3A_3492 : i32 to vector<782x128xi32>
    %add3A_3706 = arith.addi %add3A_3696, %add3A_3705 : vector<782x128xi32>
    %add3A_3707 = vector.broadcast %get3A_3484 : i32 to vector<782x128xi32>
    %add3A_3708 = arith.addi %xor3A_3704, %add3A_3707 : vector<782x128xi32>
    %add3A_3709 = arith.constant 5 : i32
    %add3A_3710 = vector.broadcast %add3A_3709 : i32 to vector<782x128xi32>
    %add3A_3711 = arith.addi %add3A_3708, %add3A_3710 : vector<782x128xi32>
    %xor3A_3712 = arith.xori %add3A_3706, %add3A_3711 : vector<782x128xi32>
    %shift_right_logical3A_3713 = arith.constant 9 : i32
    %shift_right_logical3A_3714 = vector.broadcast %shift_right_logical3A_3713 : i32 to vector<782x128xi32>
    %shift_right_logical3A_3715 = arith.shrui %xor3A_3712, %shift_right_logical3A_3714 : vector<782x128xi32>
    %or3A_3716 = arith.constant 1065353216 : i32
    %or3A_3717 = vector.broadcast %or3A_3716 : i32 to vector<782x128xi32>
    %or3A_3718 = arith.ori %shift_right_logical3A_3715, %or3A_3717 : vector<782x128xi32>
    %bitcast_convert_type3A_3719 = tpu.bitcast %or3A_3718 : vector<782x128xi32> -> vector<782x128xf32>
    %sub3A_3720 = arith.constant 1.000000e+00 : f32
    %sub3A_3721 = vector.broadcast %sub3A_3720 : f32 to vector<782x128xf32>
    %sub3A_3722 = arith.subf %bitcast_convert_type3A_3719, %sub3A_3721 : vector<782x128xf32>
    %sub3A_3723 = arith.constant 1.000000e+00 : f32
    %sub3A_3724 = arith.constant 1.17549435E-38 : f32
    %sub3A_3725 = arith.subf %sub3A_3723, %sub3A_3724 : f32
    %mul3A_3726 = vector.broadcast %sub3A_3725 : f32 to vector<782x128xf32>
    %mul3A_3727 = arith.mulf %sub3A_3722, %mul3A_3726 : vector<782x128xf32>
    %add3A_3728 = arith.constant 1.17549435E-38 : f32
    %add3A_3729 = vector.broadcast %add3A_3728 : f32 to vector<782x128xf32>
    %add3A_3730 = arith.addf %mul3A_3727, %add3A_3729 : vector<782x128xf32>
    %max3A_3731 = arith.constant 1.17549435E-38 : f32
    %max3A_3732 = vector.broadcast %max3A_3731 : f32 to vector<782x128xf32>
    %max3A_3733 = arith.maximumf %max3A_3732, %add3A_3730 : vector<782x128xf32>
    %log3A_3734 = math.log %max3A_3733 : vector<782x128xf32>
    %neg3A_3735 = arith.constant 0.000000e+00 : f32
    %neg3A_3736 = vector.broadcast %neg3A_3735 : f32 to vector<782x128xf32>
    %neg3A_3737 = arith.subf %neg3A_3736, %log3A_3734 : vector<782x128xf32>
    %log3A_3738 = math.log %neg3A_3737 : vector<782x128xf32>
    %neg3A_3739 = arith.constant 0.000000e+00 : f32
    %neg3A_3740 = vector.broadcast %neg3A_3739 : f32 to vector<782x128xf32>
    %neg3A_3741 = arith.subf %neg3A_3740, %log3A_3738 : vector<782x128xf32>
    %jit3A_3742 = arith.constant -1.000000e+30 : f32
    %broadcast_in_dim3A_3743 = vector.broadcast %jit3A_3742 : f32 to vector<782x128xf32>
    %select_n3A_3744 = arith.select %ge3A_9, %broadcast_in_dim3A_3743, %neg3A_3741 : vector<782x128xi1>, vector<782x128xf32>
    %get3A_3745 = arith.constant 0 : index
    %get3A_3746 = arith.constant 0 : index
    %get3A_3747 = vector.load %arg2[%get3A_3745, %get3A_3746] : memref<782x128xi32, #tpu.memory_space<vmem>>, vector<782x128xi32>
    %le3A_3748 = vector.broadcast %add3A_3481 : i32 to vector<782x128xi32>
    %le3A_3749 = arith.cmpi sle, %get3A_3747, %le3A_3748 : vector<782x128xi32>
    %broadcast_in_dim3A_3750 = vector.broadcast %log3A_4 : f32 to vector<782x128xf32>
    %select_n3A_3751 = arith.select %le3A_3749, %broadcast_in_dim3A_3750, %log3A : vector<782x128xi1>, vector<782x128xf32>
    %add3A_3752 = arith.addf %select_n3A_3751, %select_n3A_3744 : vector<782x128xf32>
    %bitcast_convert_type3A_3753 = tpu.bitcast %add3A_3752 : vector<782x128xf32> -> vector<782x128xi32>
    %lt3A_3754 = arith.constant 0 : i32
    %lt3A_3755 = vector.broadcast %lt3A_3754 : i32 to vector<782x128xi32>
    %lt3A_3756 = arith.cmpi slt, %bitcast_convert_type3A_3753, %lt3A_3755 : vector<782x128xi32>
    %xor3A_3757 = arith.constant 2147483647 : i32
    %xor3A_3758 = vector.broadcast %xor3A_3757 : i32 to vector<782x128xi32>
    %xor3A_3759 = arith.xori %bitcast_convert_type3A_3753, %xor3A_3758 : vector<782x128xi32>
    %select_n3A_3760 = arith.select %lt3A_3756, %xor3A_3759, %bitcast_convert_type3A_3753 : vector<782x128xi1>, vector<782x128xi32>
    %swap3A_3761 = arith.constant 0 : index
    %swap3A_3762 = arith.constant 12 : index
    %swap3A_3763 = arith.constant 0 : index
    %swap3A_3764 = arith.constant 0 : index
    %swap3A_3765 = vector.load %arg4[%swap3A_3761, %swap3A_3762, %swap3A_3763, %swap3A_3764] : memref<1x16x782x128xi32, #tpu.memory_space<vmem>>, vector<1x1x782x128xi32>
    %swap3A_3766 = vector.shape_cast %swap3A_3765 : vector<1x1x782x128xi32> to vector<782x128xi32>
    %swap3A_3767 = vector.shape_cast %select_n3A_3760 : vector<782x128xi32> to vector<1x1x782x128xi32>
    tpu.vector_store %arg4[%swap3A_3761, %swap3A_3762, %swap3A_3763, %swap3A_3764], %swap3A_3767 {strides = array<i32>} : memref<1x16x782x128xi32, #tpu.memory_space<vmem>>, vector<1x1x782x128xi32>,
    %mul3A_3768 = arith.constant 16 : i32
    %mul3A_3769 = arith.muli %arg0, %mul3A_3768 : i32
    %add3A_3770 = arith.constant 13 : i32
    %add3A_3771 = arith.addi %mul3A_3769, %add3A_3770 : i32
    %get3A_3772 = arith.index_cast %add3A_3771 : i32 to index
    %get3A_3773 = arith.constant 0 : index
    %get3A_3774 = memref.load %arg1[%get3A_3772, %get3A_3773] : memref<64x2xi32, #tpu.memory_space<smem>>
    %get3A_3775 = arith.index_cast %add3A_3771 : i32 to index
    %get3A_3776 = arith.constant 1 : index
    %get3A_3777 = memref.load %arg1[%get3A_3775, %get3A_3776] : memref<64x2xi32, #tpu.memory_space<smem>>
    %broadcast_in_dim3A_3778 = arith.constant 0 : i32
    %broadcast_in_dim3A_3779 = vector.broadcast %broadcast_in_dim3A_3778 : i32 to vector<782x128xi32>
    %xor3A_3780 = arith.xori %get3A_3774, %get3A_3777 : i32
    %xor3A_3781 = arith.constant 466688986 : i32
    %xor3A_3782 = arith.xori %xor3A_3780, %xor3A_3781 : i32
    %add3A_3783 = vector.broadcast %get3A_3774 : i32 to vector<782x128xi32>
    %add3A_3784 = arith.addi %broadcast_in_dim3A_3779, %add3A_3783 : vector<782x128xi32>
    %add3A_3785 = vector.broadcast %get3A_3777 : i32 to vector<782x128xi32>
    %add3A_3786 = arith.addi %add3A, %add3A_3785 : vector<782x128xi32>
    %add3A_3787 = arith.addi %add3A_3784, %add3A_3786 : vector<782x128xi32>
    %shift_left3A_3788 = arith.constant 13 : i32
    %shift_left3A_3789 = vector.broadcast %shift_left3A_3788 : i32 to vector<782x128xi32>
    %shift_left3A_3790 = arith.shli %add3A_3786, %shift_left3A_3789 : vector<782x128xi32>
    %shift_right_logical3A_3791 = arith.constant 19 : i32
    %shift_right_logical3A_3792 = vector.broadcast %shift_right_logical3A_3791 : i32 to vector<782x128xi32>
    %shift_right_logical3A_3793 = arith.shrui %add3A_3786, %shift_right_logical3A_3792 : vector<782x128xi32>
    %or3A_3794 = arith.ori %shift_left3A_3790, %shift_right_logical3A_3793 : vector<782x128xi32>
    %xor3A_3795 = arith.xori %or3A_3794, %add3A_3787 : vector<782x128xi32>
    %add3A_3796 = arith.addi %add3A_3787, %xor3A_3795 : vector<782x128xi32>
    %shift_left3A_3797 = arith.constant 15 : i32
    %shift_left3A_3798 = vector.broadcast %shift_left3A_3797 : i32 to vector<782x128xi32>
    %shift_left3A_3799 = arith.shli %xor3A_3795, %shift_left3A_3798 : vector<782x128xi32>
    %shift_right_logical3A_3800 = arith.constant 17 : i32
    %shift_right_logical3A_3801 = vector.broadcast %shift_right_logical3A_3800 : i32 to vector<782x128xi32>
    %shift_right_logical3A_3802 = arith.shrui %xor3A_3795, %shift_right_logical3A_3801 : vector<782x128xi32>
    %or3A_3803 = arith.ori %shift_left3A_3799, %shift_right_logical3A_3802 : vector<782x128xi32>
    %xor3A_3804 = arith.xori %or3A_3803, %add3A_3796 : vector<782x128xi32>
    %add3A_3805 = arith.addi %add3A_3796, %xor3A_3804 : vector<782x128xi32>
    %shift_left3A_3806 = arith.constant 26 : i32
    %shift_left3A_3807 = vector.broadcast %shift_left3A_3806 : i32 to vector<782x128xi32>
    %shift_left3A_3808 = arith.shli %xor3A_3804, %shift_left3A_3807 : vector<782x128xi32>
    %shift_right_logical3A_3809 = arith.constant 6 : i32
    %shift_right_logical3A_3810 = vector.broadcast %shift_right_logical3A_3809 : i32 to vector<782x128xi32>
    %shift_right_logical3A_3811 = arith.shrui %xor3A_3804, %shift_right_logical3A_3810 : vector<782x128xi32>
    %or3A_3812 = arith.ori %shift_left3A_3808, %shift_right_logical3A_3811 : vector<782x128xi32>
    %xor3A_3813 = arith.xori %or3A_3812, %add3A_3805 : vector<782x128xi32>
    %add3A_3814 = arith.addi %add3A_3805, %xor3A_3813 : vector<782x128xi32>
    %shift_left3A_3815 = arith.constant 6 : i32
    %shift_left3A_3816 = vector.broadcast %shift_left3A_3815 : i32 to vector<782x128xi32>
    %shift_left3A_3817 = arith.shli %xor3A_3813, %shift_left3A_3816 : vector<782x128xi32>
    %shift_right_logical3A_3818 = arith.constant 26 : i32
    %shift_right_logical3A_3819 = vector.broadcast %shift_right_logical3A_3818 : i32 to vector<782x128xi32>
    %shift_right_logical3A_3820 = arith.shrui %xor3A_3813, %shift_right_logical3A_3819 : vector<782x128xi32>
    %or3A_3821 = arith.ori %shift_left3A_3817, %shift_right_logical3A_3820 : vector<782x128xi32>
    %xor3A_3822 = arith.xori %or3A_3821, %add3A_3814 : vector<782x128xi32>
    %add3A_3823 = vector.broadcast %get3A_3777 : i32 to vector<782x128xi32>
    %add3A_3824 = arith.addi %add3A_3814, %add3A_3823 : vector<782x128xi32>
    %add3A_3825 = vector.broadcast %xor3A_3782 : i32 to vector<782x128xi32>
    %add3A_3826 = arith.addi %xor3A_3822, %add3A_3825 : vector<782x128xi32>
    %add3A_3827 = arith.constant 1 : i32
    %add3A_3828 = vector.broadcast %add3A_3827 : i32 to vector<782x128xi32>
    %add3A_3829 = arith.addi %add3A_3826, %add3A_3828 : vector<782x128xi32>
    %add3A_3830 = arith.addi %add3A_3824, %add3A_3829 : vector<782x128xi32>
    %shift_left3A_3831 = arith.constant 17 : i32
    %shift_left3A_3832 = vector.broadcast %shift_left3A_3831 : i32 to vector<782x128xi32>
    %shift_left3A_3833 = arith.shli %add3A_3829, %shift_left3A_3832 : vector<782x128xi32>
    %shift_right_logical3A_3834 = arith.constant 15 : i32
    %shift_right_logical3A_3835 = vector.broadcast %shift_right_logical3A_3834 : i32 to vector<782x128xi32>
    %shift_right_logical3A_3836 = arith.shrui %add3A_3829, %shift_right_logical3A_3835 : vector<782x128xi32>
    %or3A_3837 = arith.ori %shift_left3A_3833, %shift_right_logical3A_3836 : vector<782x128xi32>
    %xor3A_3838 = arith.xori %or3A_3837, %add3A_3830 : vector<782x128xi32>
    %add3A_3839 = arith.addi %add3A_3830, %xor3A_3838 : vector<782x128xi32>
    %shift_left3A_3840 = arith.constant 29 : i32
    %shift_left3A_3841 = vector.broadcast %shift_left3A_3840 : i32 to vector<782x128xi32>
    %shift_left3A_3842 = arith.shli %xor3A_3838, %shift_left3A_3841 : vector<782x128xi32>
    %shift_right_logical3A_3843 = arith.constant 3 : i32
    %shift_right_logical3A_3844 = vector.broadcast %shift_right_logical3A_3843 : i32 to vector<782x128xi32>
    %shift_right_logical3A_3845 = arith.shrui %xor3A_3838, %shift_right_logical3A_3844 : vector<782x128xi32>
    %or3A_3846 = arith.ori %shift_left3A_3842, %shift_right_logical3A_3845 : vector<782x128xi32>
    %xor3A_3847 = arith.xori %or3A_3846, %add3A_3839 : vector<782x128xi32>
    %add3A_3848 = arith.addi %add3A_3839, %xor3A_3847 : vector<782x128xi32>
    %shift_left3A_3849 = arith.constant 16 : i32
    %shift_left3A_3850 = vector.broadcast %shift_left3A_3849 : i32 to vector<782x128xi32>
    %shift_left3A_3851 = arith.shli %xor3A_3847, %shift_left3A_3850 : vector<782x128xi32>
    %shift_right_logical3A_3852 = arith.constant 16 : i32
    %shift_right_logical3A_3853 = vector.broadcast %shift_right_logical3A_3852 : i32 to vector<782x128xi32>
    %shift_right_logical3A_3854 = arith.shrui %xor3A_3847, %shift_right_logical3A_3853 : vector<782x128xi32>
    %or3A_3855 = arith.ori %shift_left3A_3851, %shift_right_logical3A_3854 : vector<782x128xi32>
    %xor3A_3856 = arith.xori %or3A_3855, %add3A_3848 : vector<782x128xi32>
    %add3A_3857 = arith.addi %add3A_3848, %xor3A_3856 : vector<782x128xi32>
    %shift_left3A_3858 = arith.constant 24 : i32
    %shift_left3A_3859 = vector.broadcast %shift_left3A_3858 : i32 to vector<782x128xi32>
    %shift_left3A_3860 = arith.shli %xor3A_3856, %shift_left3A_3859 : vector<782x128xi32>
    %shift_right_logical3A_3861 = arith.constant 8 : i32
    %shift_right_logical3A_3862 = vector.broadcast %shift_right_logical3A_3861 : i32 to vector<782x128xi32>
    %shift_right_logical3A_3863 = arith.shrui %xor3A_3856, %shift_right_logical3A_3862 : vector<782x128xi32>
    %or3A_3864 = arith.ori %shift_left3A_3860, %shift_right_logical3A_3863 : vector<782x128xi32>
    %xor3A_3865 = arith.xori %or3A_3864, %add3A_3857 : vector<782x128xi32>
    %add3A_3866 = vector.broadcast %xor3A_3782 : i32 to vector<782x128xi32>
    %add3A_3867 = arith.addi %add3A_3857, %add3A_3866 : vector<782x128xi32>
    %add3A_3868 = vector.broadcast %get3A_3774 : i32 to vector<782x128xi32>
    %add3A_3869 = arith.addi %xor3A_3865, %add3A_3868 : vector<782x128xi32>
    %add3A_3870 = arith.constant 2 : i32
    %add3A_3871 = vector.broadcast %add3A_3870 : i32 to vector<782x128xi32>
    %add3A_3872 = arith.addi %add3A_3869, %add3A_3871 : vector<782x128xi32>
    %add3A_3873 = arith.addi %add3A_3867, %add3A_3872 : vector<782x128xi32>
    %shift_left3A_3874 = arith.constant 13 : i32
    %shift_left3A_3875 = vector.broadcast %shift_left3A_3874 : i32 to vector<782x128xi32>
    %shift_left3A_3876 = arith.shli %add3A_3872, %shift_left3A_3875 : vector<782x128xi32>
    %shift_right_logical3A_3877 = arith.constant 19 : i32
    %shift_right_logical3A_3878 = vector.broadcast %shift_right_logical3A_3877 : i32 to vector<782x128xi32>
    %shift_right_logical3A_3879 = arith.shrui %add3A_3872, %shift_right_logical3A_3878 : vector<782x128xi32>
    %or3A_3880 = arith.ori %shift_left3A_3876, %shift_right_logical3A_3879 : vector<782x128xi32>
    %xor3A_3881 = arith.xori %or3A_3880, %add3A_3873 : vector<782x128xi32>
    %add3A_3882 = arith.addi %add3A_3873, %xor3A_3881 : vector<782x128xi32>
    %shift_left3A_3883 = arith.constant 15 : i32
    %shift_left3A_3884 = vector.broadcast %shift_left3A_3883 : i32 to vector<782x128xi32>
    %shift_left3A_3885 = arith.shli %xor3A_3881, %shift_left3A_3884 : vector<782x128xi32>
    %shift_right_logical3A_3886 = arith.constant 17 : i32
    %shift_right_logical3A_3887 = vector.broadcast %shift_right_logical3A_3886 : i32 to vector<782x128xi32>
    %shift_right_logical3A_3888 = arith.shrui %xor3A_3881, %shift_right_logical3A_3887 : vector<782x128xi32>
    %or3A_3889 = arith.ori %shift_left3A_3885, %shift_right_logical3A_3888 : vector<782x128xi32>
    %xor3A_3890 = arith.xori %or3A_3889, %add3A_3882 : vector<782x128xi32>
    %add3A_3891 = arith.addi %add3A_3882, %xor3A_3890 : vector<782x128xi32>
    %shift_left3A_3892 = arith.constant 26 : i32
    %shift_left3A_3893 = vector.broadcast %shift_left3A_3892 : i32 to vector<782x128xi32>
    %shift_left3A_3894 = arith.shli %xor3A_3890, %shift_left3A_3893 : vector<782x128xi32>
    %shift_right_logical3A_3895 = arith.constant 6 : i32
    %shift_right_logical3A_3896 = vector.broadcast %shift_right_logical3A_3895 : i32 to vector<782x128xi32>
    %shift_right_logical3A_3897 = arith.shrui %xor3A_3890, %shift_right_logical3A_3896 : vector<782x128xi32>
    %or3A_3898 = arith.ori %shift_left3A_3894, %shift_right_logical3A_3897 : vector<782x128xi32>
    %xor3A_3899 = arith.xori %or3A_3898, %add3A_3891 : vector<782x128xi32>
    %add3A_3900 = arith.addi %add3A_3891, %xor3A_3899 : vector<782x128xi32>
    %shift_left3A_3901 = arith.constant 6 : i32
    %shift_left3A_3902 = vector.broadcast %shift_left3A_3901 : i32 to vector<782x128xi32>
    %shift_left3A_3903 = arith.shli %xor3A_3899, %shift_left3A_3902 : vector<782x128xi32>
    %shift_right_logical3A_3904 = arith.constant 26 : i32
    %shift_right_logical3A_3905 = vector.broadcast %shift_right_logical3A_3904 : i32 to vector<782x128xi32>
    %shift_right_logical3A_3906 = arith.shrui %xor3A_3899, %shift_right_logical3A_3905 : vector<782x128xi32>
    %or3A_3907 = arith.ori %shift_left3A_3903, %shift_right_logical3A_3906 : vector<782x128xi32>
    %xor3A_3908 = arith.xori %or3A_3907, %add3A_3900 : vector<782x128xi32>
    %add3A_3909 = vector.broadcast %get3A_3774 : i32 to vector<782x128xi32>
    %add3A_3910 = arith.addi %add3A_3900, %add3A_3909 : vector<782x128xi32>
    %add3A_3911 = vector.broadcast %get3A_3777 : i32 to vector<782x128xi32>
    %add3A_3912 = arith.addi %xor3A_3908, %add3A_3911 : vector<782x128xi32>
    %add3A_3913 = arith.constant 3 : i32
    %add3A_3914 = vector.broadcast %add3A_3913 : i32 to vector<782x128xi32>
    %add3A_3915 = arith.addi %add3A_3912, %add3A_3914 : vector<782x128xi32>
    %add3A_3916 = arith.addi %add3A_3910, %add3A_3915 : vector<782x128xi32>
    %shift_left3A_3917 = arith.constant 17 : i32
    %shift_left3A_3918 = vector.broadcast %shift_left3A_3917 : i32 to vector<782x128xi32>
    %shift_left3A_3919 = arith.shli %add3A_3915, %shift_left3A_3918 : vector<782x128xi32>
    %shift_right_logical3A_3920 = arith.constant 15 : i32
    %shift_right_logical3A_3921 = vector.broadcast %shift_right_logical3A_3920 : i32 to vector<782x128xi32>
    %shift_right_logical3A_3922 = arith.shrui %add3A_3915, %shift_right_logical3A_3921 : vector<782x128xi32>
    %or3A_3923 = arith.ori %shift_left3A_3919, %shift_right_logical3A_3922 : vector<782x128xi32>
    %xor3A_3924 = arith.xori %or3A_3923, %add3A_3916 : vector<782x128xi32>
    %add3A_3925 = arith.addi %add3A_3916, %xor3A_3924 : vector<782x128xi32>
    %shift_left3A_3926 = arith.constant 29 : i32
    %shift_left3A_3927 = vector.broadcast %shift_left3A_3926 : i32 to vector<782x128xi32>
    %shift_left3A_3928 = arith.shli %xor3A_3924, %shift_left3A_3927 : vector<782x128xi32>
    %shift_right_logical3A_3929 = arith.constant 3 : i32
    %shift_right_logical3A_3930 = vector.broadcast %shift_right_logical3A_3929 : i32 to vector<782x128xi32>
    %shift_right_logical3A_3931 = arith.shrui %xor3A_3924, %shift_right_logical3A_3930 : vector<782x128xi32>
    %or3A_3932 = arith.ori %shift_left3A_3928, %shift_right_logical3A_3931 : vector<782x128xi32>
    %xor3A_3933 = arith.xori %or3A_3932, %add3A_3925 : vector<782x128xi32>
    %add3A_3934 = arith.addi %add3A_3925, %xor3A_3933 : vector<782x128xi32>
    %shift_left3A_3935 = arith.constant 16 : i32
    %shift_left3A_3936 = vector.broadcast %shift_left3A_3935 : i32 to vector<782x128xi32>
    %shift_left3A_3937 = arith.shli %xor3A_3933, %shift_left3A_3936 : vector<782x128xi32>
    %shift_right_logical3A_3938 = arith.constant 16 : i32
    %shift_right_logical3A_3939 = vector.broadcast %shift_right_logical3A_3938 : i32 to vector<782x128xi32>
    %shift_right_logical3A_3940 = arith.shrui %xor3A_3933, %shift_right_logical3A_3939 : vector<782x128xi32>
    %or3A_3941 = arith.ori %shift_left3A_3937, %shift_right_logical3A_3940 : vector<782x128xi32>
    %xor3A_3942 = arith.xori %or3A_3941, %add3A_3934 : vector<782x128xi32>
    %add3A_3943 = arith.addi %add3A_3934, %xor3A_3942 : vector<782x128xi32>
    %shift_left3A_3944 = arith.constant 24 : i32
    %shift_left3A_3945 = vector.broadcast %shift_left3A_3944 : i32 to vector<782x128xi32>
    %shift_left3A_3946 = arith.shli %xor3A_3942, %shift_left3A_3945 : vector<782x128xi32>
    %shift_right_logical3A_3947 = arith.constant 8 : i32
    %shift_right_logical3A_3948 = vector.broadcast %shift_right_logical3A_3947 : i32 to vector<782x128xi32>
    %shift_right_logical3A_3949 = arith.shrui %xor3A_3942, %shift_right_logical3A_3948 : vector<782x128xi32>
    %or3A_3950 = arith.ori %shift_left3A_3946, %shift_right_logical3A_3949 : vector<782x128xi32>
    %xor3A_3951 = arith.xori %or3A_3950, %add3A_3943 : vector<782x128xi32>
    %add3A_3952 = vector.broadcast %get3A_3777 : i32 to vector<782x128xi32>
    %add3A_3953 = arith.addi %add3A_3943, %add3A_3952 : vector<782x128xi32>
    %add3A_3954 = vector.broadcast %xor3A_3782 : i32 to vector<782x128xi32>
    %add3A_3955 = arith.addi %xor3A_3951, %add3A_3954 : vector<782x128xi32>
    %add3A_3956 = arith.constant 4 : i32
    %add3A_3957 = vector.broadcast %add3A_3956 : i32 to vector<782x128xi32>
    %add3A_3958 = arith.addi %add3A_3955, %add3A_3957 : vector<782x128xi32>
    %add3A_3959 = arith.addi %add3A_3953, %add3A_3958 : vector<782x128xi32>
    %shift_left3A_3960 = arith.constant 13 : i32
    %shift_left3A_3961 = vector.broadcast %shift_left3A_3960 : i32 to vector<782x128xi32>
    %shift_left3A_3962 = arith.shli %add3A_3958, %shift_left3A_3961 : vector<782x128xi32>
    %shift_right_logical3A_3963 = arith.constant 19 : i32
    %shift_right_logical3A_3964 = vector.broadcast %shift_right_logical3A_3963 : i32 to vector<782x128xi32>
    %shift_right_logical3A_3965 = arith.shrui %add3A_3958, %shift_right_logical3A_3964 : vector<782x128xi32>
    %or3A_3966 = arith.ori %shift_left3A_3962, %shift_right_logical3A_3965 : vector<782x128xi32>
    %xor3A_3967 = arith.xori %or3A_3966, %add3A_3959 : vector<782x128xi32>
    %add3A_3968 = arith.addi %add3A_3959, %xor3A_3967 : vector<782x128xi32>
    %shift_left3A_3969 = arith.constant 15 : i32
    %shift_left3A_3970 = vector.broadcast %shift_left3A_3969 : i32 to vector<782x128xi32>
    %shift_left3A_3971 = arith.shli %xor3A_3967, %shift_left3A_3970 : vector<782x128xi32>
    %shift_right_logical3A_3972 = arith.constant 17 : i32
    %shift_right_logical3A_3973 = vector.broadcast %shift_right_logical3A_3972 : i32 to vector<782x128xi32>
    %shift_right_logical3A_3974 = arith.shrui %xor3A_3967, %shift_right_logical3A_3973 : vector<782x128xi32>
    %or3A_3975 = arith.ori %shift_left3A_3971, %shift_right_logical3A_3974 : vector<782x128xi32>
    %xor3A_3976 = arith.xori %or3A_3975, %add3A_3968 : vector<782x128xi32>
    %add3A_3977 = arith.addi %add3A_3968, %xor3A_3976 : vector<782x128xi32>
    %shift_left3A_3978 = arith.constant 26 : i32
    %shift_left3A_3979 = vector.broadcast %shift_left3A_3978 : i32 to vector<782x128xi32>
    %shift_left3A_3980 = arith.shli %xor3A_3976, %shift_left3A_3979 : vector<782x128xi32>
    %shift_right_logical3A_3981 = arith.constant 6 : i32
    %shift_right_logical3A_3982 = vector.broadcast %shift_right_logical3A_3981 : i32 to vector<782x128xi32>
    %shift_right_logical3A_3983 = arith.shrui %xor3A_3976, %shift_right_logical3A_3982 : vector<782x128xi32>
    %or3A_3984 = arith.ori %shift_left3A_3980, %shift_right_logical3A_3983 : vector<782x128xi32>
    %xor3A_3985 = arith.xori %or3A_3984, %add3A_3977 : vector<782x128xi32>
    %add3A_3986 = arith.addi %add3A_3977, %xor3A_3985 : vector<782x128xi32>
    %shift_left3A_3987 = arith.constant 6 : i32
    %shift_left3A_3988 = vector.broadcast %shift_left3A_3987 : i32 to vector<782x128xi32>
    %shift_left3A_3989 = arith.shli %xor3A_3985, %shift_left3A_3988 : vector<782x128xi32>
    %shift_right_logical3A_3990 = arith.constant 26 : i32
    %shift_right_logical3A_3991 = vector.broadcast %shift_right_logical3A_3990 : i32 to vector<782x128xi32>
    %shift_right_logical3A_3992 = arith.shrui %xor3A_3985, %shift_right_logical3A_3991 : vector<782x128xi32>
    %or3A_3993 = arith.ori %shift_left3A_3989, %shift_right_logical3A_3992 : vector<782x128xi32>
    %xor3A_3994 = arith.xori %or3A_3993, %add3A_3986 : vector<782x128xi32>
    %add3A_3995 = vector.broadcast %xor3A_3782 : i32 to vector<782x128xi32>
    %add3A_3996 = arith.addi %add3A_3986, %add3A_3995 : vector<782x128xi32>
    %add3A_3997 = vector.broadcast %get3A_3774 : i32 to vector<782x128xi32>
    %add3A_3998 = arith.addi %xor3A_3994, %add3A_3997 : vector<782x128xi32>
    %add3A_3999 = arith.constant 5 : i32
    %add3A_4000 = vector.broadcast %add3A_3999 : i32 to vector<782x128xi32>
    %add3A_4001 = arith.addi %add3A_3998, %add3A_4000 : vector<782x128xi32>
    %xor3A_4002 = arith.xori %add3A_3996, %add3A_4001 : vector<782x128xi32>
    %shift_right_logical3A_4003 = arith.constant 9 : i32
    %shift_right_logical3A_4004 = vector.broadcast %shift_right_logical3A_4003 : i32 to vector<782x128xi32>
    %shift_right_logical3A_4005 = arith.shrui %xor3A_4002, %shift_right_logical3A_4004 : vector<782x128xi32>
    %or3A_4006 = arith.constant 1065353216 : i32
    %or3A_4007 = vector.broadcast %or3A_4006 : i32 to vector<782x128xi32>
    %or3A_4008 = arith.ori %shift_right_logical3A_4005, %or3A_4007 : vector<782x128xi32>
    %bitcast_convert_type3A_4009 = tpu.bitcast %or3A_4008 : vector<782x128xi32> -> vector<782x128xf32>
    %sub3A_4010 = arith.constant 1.000000e+00 : f32
    %sub3A_4011 = vector.broadcast %sub3A_4010 : f32 to vector<782x128xf32>
    %sub3A_4012 = arith.subf %bitcast_convert_type3A_4009, %sub3A_4011 : vector<782x128xf32>
    %sub3A_4013 = arith.constant 1.000000e+00 : f32
    %sub3A_4014 = arith.constant 1.17549435E-38 : f32
    %sub3A_4015 = arith.subf %sub3A_4013, %sub3A_4014 : f32
    %mul3A_4016 = vector.broadcast %sub3A_4015 : f32 to vector<782x128xf32>
    %mul3A_4017 = arith.mulf %sub3A_4012, %mul3A_4016 : vector<782x128xf32>
    %add3A_4018 = arith.constant 1.17549435E-38 : f32
    %add3A_4019 = vector.broadcast %add3A_4018 : f32 to vector<782x128xf32>
    %add3A_4020 = arith.addf %mul3A_4017, %add3A_4019 : vector<782x128xf32>
    %max3A_4021 = arith.constant 1.17549435E-38 : f32
    %max3A_4022 = vector.broadcast %max3A_4021 : f32 to vector<782x128xf32>
    %max3A_4023 = arith.maximumf %max3A_4022, %add3A_4020 : vector<782x128xf32>
    %log3A_4024 = math.log %max3A_4023 : vector<782x128xf32>
    %neg3A_4025 = arith.constant 0.000000e+00 : f32
    %neg3A_4026 = vector.broadcast %neg3A_4025 : f32 to vector<782x128xf32>
    %neg3A_4027 = arith.subf %neg3A_4026, %log3A_4024 : vector<782x128xf32>
    %log3A_4028 = math.log %neg3A_4027 : vector<782x128xf32>
    %neg3A_4029 = arith.constant 0.000000e+00 : f32
    %neg3A_4030 = vector.broadcast %neg3A_4029 : f32 to vector<782x128xf32>
    %neg3A_4031 = arith.subf %neg3A_4030, %log3A_4028 : vector<782x128xf32>
    %jit3A_4032 = arith.constant -1.000000e+30 : f32
    %broadcast_in_dim3A_4033 = vector.broadcast %jit3A_4032 : f32 to vector<782x128xf32>
    %select_n3A_4034 = arith.select %ge3A_9, %broadcast_in_dim3A_4033, %neg3A_4031 : vector<782x128xi1>, vector<782x128xf32>
    %get3A_4035 = arith.constant 0 : index
    %get3A_4036 = arith.constant 0 : index
    %get3A_4037 = vector.load %arg2[%get3A_4035, %get3A_4036] : memref<782x128xi32, #tpu.memory_space<vmem>>, vector<782x128xi32>
    %le3A_4038 = vector.broadcast %add3A_3771 : i32 to vector<782x128xi32>
    %le3A_4039 = arith.cmpi sle, %get3A_4037, %le3A_4038 : vector<782x128xi32>
    %broadcast_in_dim3A_4040 = vector.broadcast %log3A_4 : f32 to vector<782x128xf32>
    %select_n3A_4041 = arith.select %le3A_4039, %broadcast_in_dim3A_4040, %log3A : vector<782x128xi1>, vector<782x128xf32>
    %add3A_4042 = arith.addf %select_n3A_4041, %select_n3A_4034 : vector<782x128xf32>
    %bitcast_convert_type3A_4043 = tpu.bitcast %add3A_4042 : vector<782x128xf32> -> vector<782x128xi32>
    %lt3A_4044 = arith.constant 0 : i32
    %lt3A_4045 = vector.broadcast %lt3A_4044 : i32 to vector<782x128xi32>
    %lt3A_4046 = arith.cmpi slt, %bitcast_convert_type3A_4043, %lt3A_4045 : vector<782x128xi32>
    %xor3A_4047 = arith.constant 2147483647 : i32
    %xor3A_4048 = vector.broadcast %xor3A_4047 : i32 to vector<782x128xi32>
    %xor3A_4049 = arith.xori %bitcast_convert_type3A_4043, %xor3A_4048 : vector<782x128xi32>
    %select_n3A_4050 = arith.select %lt3A_4046, %xor3A_4049, %bitcast_convert_type3A_4043 : vector<782x128xi1>, vector<782x128xi32>
    %swap3A_4051 = arith.constant 0 : index
    %swap3A_4052 = arith.constant 13 : index
    %swap3A_4053 = arith.constant 0 : index
    %swap3A_4054 = arith.constant 0 : index
    %swap3A_4055 = vector.load %arg4[%swap3A_4051, %swap3A_4052, %swap3A_4053, %swap3A_4054] : memref<1x16x782x128xi32, #tpu.memory_space<vmem>>, vector<1x1x782x128xi32>
    %swap3A_4056 = vector.shape_cast %swap3A_4055 : vector<1x1x782x128xi32> to vector<782x128xi32>
    %swap3A_4057 = vector.shape_cast %select_n3A_4050 : vector<782x128xi32> to vector<1x1x782x128xi32>
    tpu.vector_store %arg4[%swap3A_4051, %swap3A_4052, %swap3A_4053, %swap3A_4054], %swap3A_4057 {strides = array<i32>} : memref<1x16x782x128xi32, #tpu.memory_space<vmem>>, vector<1x1x782x128xi32>,
    %mul3A_4058 = arith.constant 16 : i32
    %mul3A_4059 = arith.muli %arg0, %mul3A_4058 : i32
    %add3A_4060 = arith.constant 14 : i32
    %add3A_4061 = arith.addi %mul3A_4059, %add3A_4060 : i32
    %get3A_4062 = arith.index_cast %add3A_4061 : i32 to index
    %get3A_4063 = arith.constant 0 : index
    %get3A_4064 = memref.load %arg1[%get3A_4062, %get3A_4063] : memref<64x2xi32, #tpu.memory_space<smem>>
    %get3A_4065 = arith.index_cast %add3A_4061 : i32 to index
    %get3A_4066 = arith.constant 1 : index
    %get3A_4067 = memref.load %arg1[%get3A_4065, %get3A_4066] : memref<64x2xi32, #tpu.memory_space<smem>>
    %broadcast_in_dim3A_4068 = arith.constant 0 : i32
    %broadcast_in_dim3A_4069 = vector.broadcast %broadcast_in_dim3A_4068 : i32 to vector<782x128xi32>
    %xor3A_4070 = arith.xori %get3A_4064, %get3A_4067 : i32
    %xor3A_4071 = arith.constant 466688986 : i32
    %xor3A_4072 = arith.xori %xor3A_4070, %xor3A_4071 : i32
    %add3A_4073 = vector.broadcast %get3A_4064 : i32 to vector<782x128xi32>
    %add3A_4074 = arith.addi %broadcast_in_dim3A_4069, %add3A_4073 : vector<782x128xi32>
    %add3A_4075 = vector.broadcast %get3A_4067 : i32 to vector<782x128xi32>
    %add3A_4076 = arith.addi %add3A, %add3A_4075 : vector<782x128xi32>
    %add3A_4077 = arith.addi %add3A_4074, %add3A_4076 : vector<782x128xi32>
    %shift_left3A_4078 = arith.constant 13 : i32
    %shift_left3A_4079 = vector.broadcast %shift_left3A_4078 : i32 to vector<782x128xi32>
    %shift_left3A_4080 = arith.shli %add3A_4076, %shift_left3A_4079 : vector<782x128xi32>
    %shift_right_logical3A_4081 = arith.constant 19 : i32
    %shift_right_logical3A_4082 = vector.broadcast %shift_right_logical3A_4081 : i32 to vector<782x128xi32>
    %shift_right_logical3A_4083 = arith.shrui %add3A_4076, %shift_right_logical3A_4082 : vector<782x128xi32>
    %or3A_4084 = arith.ori %shift_left3A_4080, %shift_right_logical3A_4083 : vector<782x128xi32>
    %xor3A_4085 = arith.xori %or3A_4084, %add3A_4077 : vector<782x128xi32>
    %add3A_4086 = arith.addi %add3A_4077, %xor3A_4085 : vector<782x128xi32>
    %shift_left3A_4087 = arith.constant 15 : i32
    %shift_left3A_4088 = vector.broadcast %shift_left3A_4087 : i32 to vector<782x128xi32>
    %shift_left3A_4089 = arith.shli %xor3A_4085, %shift_left3A_4088 : vector<782x128xi32>
    %shift_right_logical3A_4090 = arith.constant 17 : i32
    %shift_right_logical3A_4091 = vector.broadcast %shift_right_logical3A_4090 : i32 to vector<782x128xi32>
    %shift_right_logical3A_4092 = arith.shrui %xor3A_4085, %shift_right_logical3A_4091 : vector<782x128xi32>
    %or3A_4093 = arith.ori %shift_left3A_4089, %shift_right_logical3A_4092 : vector<782x128xi32>
    %xor3A_4094 = arith.xori %or3A_4093, %add3A_4086 : vector<782x128xi32>
    %add3A_4095 = arith.addi %add3A_4086, %xor3A_4094 : vector<782x128xi32>
    %shift_left3A_4096 = arith.constant 26 : i32
    %shift_left3A_4097 = vector.broadcast %shift_left3A_4096 : i32 to vector<782x128xi32>
    %shift_left3A_4098 = arith.shli %xor3A_4094, %shift_left3A_4097 : vector<782x128xi32>
    %shift_right_logical3A_4099 = arith.constant 6 : i32
    %shift_right_logical3A_4100 = vector.broadcast %shift_right_logical3A_4099 : i32 to vector<782x128xi32>
    %shift_right_logical3A_4101 = arith.shrui %xor3A_4094, %shift_right_logical3A_4100 : vector<782x128xi32>
    %or3A_4102 = arith.ori %shift_left3A_4098, %shift_right_logical3A_4101 : vector<782x128xi32>
    %xor3A_4103 = arith.xori %or3A_4102, %add3A_4095 : vector<782x128xi32>
    %add3A_4104 = arith.addi %add3A_4095, %xor3A_4103 : vector<782x128xi32>
    %shift_left3A_4105 = arith.constant 6 : i32
    %shift_left3A_4106 = vector.broadcast %shift_left3A_4105 : i32 to vector<782x128xi32>
    %shift_left3A_4107 = arith.shli %xor3A_4103, %shift_left3A_4106 : vector<782x128xi32>
    %shift_right_logical3A_4108 = arith.constant 26 : i32
    %shift_right_logical3A_4109 = vector.broadcast %shift_right_logical3A_4108 : i32 to vector<782x128xi32>
    %shift_right_logical3A_4110 = arith.shrui %xor3A_4103, %shift_right_logical3A_4109 : vector<782x128xi32>
    %or3A_4111 = arith.ori %shift_left3A_4107, %shift_right_logical3A_4110 : vector<782x128xi32>
    %xor3A_4112 = arith.xori %or3A_4111, %add3A_4104 : vector<782x128xi32>
    %add3A_4113 = vector.broadcast %get3A_4067 : i32 to vector<782x128xi32>
    %add3A_4114 = arith.addi %add3A_4104, %add3A_4113 : vector<782x128xi32>
    %add3A_4115 = vector.broadcast %xor3A_4072 : i32 to vector<782x128xi32>
    %add3A_4116 = arith.addi %xor3A_4112, %add3A_4115 : vector<782x128xi32>
    %add3A_4117 = arith.constant 1 : i32
    %add3A_4118 = vector.broadcast %add3A_4117 : i32 to vector<782x128xi32>
    %add3A_4119 = arith.addi %add3A_4116, %add3A_4118 : vector<782x128xi32>
    %add3A_4120 = arith.addi %add3A_4114, %add3A_4119 : vector<782x128xi32>
    %shift_left3A_4121 = arith.constant 17 : i32
    %shift_left3A_4122 = vector.broadcast %shift_left3A_4121 : i32 to vector<782x128xi32>
    %shift_left3A_4123 = arith.shli %add3A_4119, %shift_left3A_4122 : vector<782x128xi32>
    %shift_right_logical3A_4124 = arith.constant 15 : i32
    %shift_right_logical3A_4125 = vector.broadcast %shift_right_logical3A_4124 : i32 to vector<782x128xi32>
    %shift_right_logical3A_4126 = arith.shrui %add3A_4119, %shift_right_logical3A_4125 : vector<782x128xi32>
    %or3A_4127 = arith.ori %shift_left3A_4123, %shift_right_logical3A_4126 : vector<782x128xi32>
    %xor3A_4128 = arith.xori %or3A_4127, %add3A_4120 : vector<782x128xi32>
    %add3A_4129 = arith.addi %add3A_4120, %xor3A_4128 : vector<782x128xi32>
    %shift_left3A_4130 = arith.constant 29 : i32
    %shift_left3A_4131 = vector.broadcast %shift_left3A_4130 : i32 to vector<782x128xi32>
    %shift_left3A_4132 = arith.shli %xor3A_4128, %shift_left3A_4131 : vector<782x128xi32>
    %shift_right_logical3A_4133 = arith.constant 3 : i32
    %shift_right_logical3A_4134 = vector.broadcast %shift_right_logical3A_4133 : i32 to vector<782x128xi32>
    %shift_right_logical3A_4135 = arith.shrui %xor3A_4128, %shift_right_logical3A_4134 : vector<782x128xi32>
    %or3A_4136 = arith.ori %shift_left3A_4132, %shift_right_logical3A_4135 : vector<782x128xi32>
    %xor3A_4137 = arith.xori %or3A_4136, %add3A_4129 : vector<782x128xi32>
    %add3A_4138 = arith.addi %add3A_4129, %xor3A_4137 : vector<782x128xi32>
    %shift_left3A_4139 = arith.constant 16 : i32
    %shift_left3A_4140 = vector.broadcast %shift_left3A_4139 : i32 to vector<782x128xi32>
    %shift_left3A_4141 = arith.shli %xor3A_4137, %shift_left3A_4140 : vector<782x128xi32>
    %shift_right_logical3A_4142 = arith.constant 16 : i32
    %shift_right_logical3A_4143 = vector.broadcast %shift_right_logical3A_4142 : i32 to vector<782x128xi32>
    %shift_right_logical3A_4144 = arith.shrui %xor3A_4137, %shift_right_logical3A_4143 : vector<782x128xi32>
    %or3A_4145 = arith.ori %shift_left3A_4141, %shift_right_logical3A_4144 : vector<782x128xi32>
    %xor3A_4146 = arith.xori %or3A_4145, %add3A_4138 : vector<782x128xi32>
    %add3A_4147 = arith.addi %add3A_4138, %xor3A_4146 : vector<782x128xi32>
    %shift_left3A_4148 = arith.constant 24 : i32
    %shift_left3A_4149 = vector.broadcast %shift_left3A_4148 : i32 to vector<782x128xi32>
    %shift_left3A_4150 = arith.shli %xor3A_4146, %shift_left3A_4149 : vector<782x128xi32>
    %shift_right_logical3A_4151 = arith.constant 8 : i32
    %shift_right_logical3A_4152 = vector.broadcast %shift_right_logical3A_4151 : i32 to vector<782x128xi32>
    %shift_right_logical3A_4153 = arith.shrui %xor3A_4146, %shift_right_logical3A_4152 : vector<782x128xi32>
    %or3A_4154 = arith.ori %shift_left3A_4150, %shift_right_logical3A_4153 : vector<782x128xi32>
    %xor3A_4155 = arith.xori %or3A_4154, %add3A_4147 : vector<782x128xi32>
    %add3A_4156 = vector.broadcast %xor3A_4072 : i32 to vector<782x128xi32>
    %add3A_4157 = arith.addi %add3A_4147, %add3A_4156 : vector<782x128xi32>
    %add3A_4158 = vector.broadcast %get3A_4064 : i32 to vector<782x128xi32>
    %add3A_4159 = arith.addi %xor3A_4155, %add3A_4158 : vector<782x128xi32>
    %add3A_4160 = arith.constant 2 : i32
    %add3A_4161 = vector.broadcast %add3A_4160 : i32 to vector<782x128xi32>
    %add3A_4162 = arith.addi %add3A_4159, %add3A_4161 : vector<782x128xi32>
    %add3A_4163 = arith.addi %add3A_4157, %add3A_4162 : vector<782x128xi32>
    %shift_left3A_4164 = arith.constant 13 : i32
    %shift_left3A_4165 = vector.broadcast %shift_left3A_4164 : i32 to vector<782x128xi32>
    %shift_left3A_4166 = arith.shli %add3A_4162, %shift_left3A_4165 : vector<782x128xi32>
    %shift_right_logical3A_4167 = arith.constant 19 : i32
    %shift_right_logical3A_4168 = vector.broadcast %shift_right_logical3A_4167 : i32 to vector<782x128xi32>
    %shift_right_logical3A_4169 = arith.shrui %add3A_4162, %shift_right_logical3A_4168 : vector<782x128xi32>
    %or3A_4170 = arith.ori %shift_left3A_4166, %shift_right_logical3A_4169 : vector<782x128xi32>
    %xor3A_4171 = arith.xori %or3A_4170, %add3A_4163 : vector<782x128xi32>
    %add3A_4172 = arith.addi %add3A_4163, %xor3A_4171 : vector<782x128xi32>
    %shift_left3A_4173 = arith.constant 15 : i32
    %shift_left3A_4174 = vector.broadcast %shift_left3A_4173 : i32 to vector<782x128xi32>
    %shift_left3A_4175 = arith.shli %xor3A_4171, %shift_left3A_4174 : vector<782x128xi32>
    %shift_right_logical3A_4176 = arith.constant 17 : i32
    %shift_right_logical3A_4177 = vector.broadcast %shift_right_logical3A_4176 : i32 to vector<782x128xi32>
    %shift_right_logical3A_4178 = arith.shrui %xor3A_4171, %shift_right_logical3A_4177 : vector<782x128xi32>
    %or3A_4179 = arith.ori %shift_left3A_4175, %shift_right_logical3A_4178 : vector<782x128xi32>
    %xor3A_4180 = arith.xori %or3A_4179, %add3A_4172 : vector<782x128xi32>
    %add3A_4181 = arith.addi %add3A_4172, %xor3A_4180 : vector<782x128xi32>
    %shift_left3A_4182 = arith.constant 26 : i32
    %shift_left3A_4183 = vector.broadcast %shift_left3A_4182 : i32 to vector<782x128xi32>
    %shift_left3A_4184 = arith.shli %xor3A_4180, %shift_left3A_4183 : vector<782x128xi32>
    %shift_right_logical3A_4185 = arith.constant 6 : i32
    %shift_right_logical3A_4186 = vector.broadcast %shift_right_logical3A_4185 : i32 to vector<782x128xi32>
    %shift_right_logical3A_4187 = arith.shrui %xor3A_4180, %shift_right_logical3A_4186 : vector<782x128xi32>
    %or3A_4188 = arith.ori %shift_left3A_4184, %shift_right_logical3A_4187 : vector<782x128xi32>
    %xor3A_4189 = arith.xori %or3A_4188, %add3A_4181 : vector<782x128xi32>
    %add3A_4190 = arith.addi %add3A_4181, %xor3A_4189 : vector<782x128xi32>
    %shift_left3A_4191 = arith.constant 6 : i32
    %shift_left3A_4192 = vector.broadcast %shift_left3A_4191 : i32 to vector<782x128xi32>
    %shift_left3A_4193 = arith.shli %xor3A_4189, %shift_left3A_4192 : vector<782x128xi32>
    %shift_right_logical3A_4194 = arith.constant 26 : i32
    %shift_right_logical3A_4195 = vector.broadcast %shift_right_logical3A_4194 : i32 to vector<782x128xi32>
    %shift_right_logical3A_4196 = arith.shrui %xor3A_4189, %shift_right_logical3A_4195 : vector<782x128xi32>
    %or3A_4197 = arith.ori %shift_left3A_4193, %shift_right_logical3A_4196 : vector<782x128xi32>
    %xor3A_4198 = arith.xori %or3A_4197, %add3A_4190 : vector<782x128xi32>
    %add3A_4199 = vector.broadcast %get3A_4064 : i32 to vector<782x128xi32>
    %add3A_4200 = arith.addi %add3A_4190, %add3A_4199 : vector<782x128xi32>
    %add3A_4201 = vector.broadcast %get3A_4067 : i32 to vector<782x128xi32>
    %add3A_4202 = arith.addi %xor3A_4198, %add3A_4201 : vector<782x128xi32>
    %add3A_4203 = arith.constant 3 : i32
    %add3A_4204 = vector.broadcast %add3A_4203 : i32 to vector<782x128xi32>
    %add3A_4205 = arith.addi %add3A_4202, %add3A_4204 : vector<782x128xi32>
    %add3A_4206 = arith.addi %add3A_4200, %add3A_4205 : vector<782x128xi32>
    %shift_left3A_4207 = arith.constant 17 : i32
    %shift_left3A_4208 = vector.broadcast %shift_left3A_4207 : i32 to vector<782x128xi32>
    %shift_left3A_4209 = arith.shli %add3A_4205, %shift_left3A_4208 : vector<782x128xi32>
    %shift_right_logical3A_4210 = arith.constant 15 : i32
    %shift_right_logical3A_4211 = vector.broadcast %shift_right_logical3A_4210 : i32 to vector<782x128xi32>
    %shift_right_logical3A_4212 = arith.shrui %add3A_4205, %shift_right_logical3A_4211 : vector<782x128xi32>
    %or3A_4213 = arith.ori %shift_left3A_4209, %shift_right_logical3A_4212 : vector<782x128xi32>
    %xor3A_4214 = arith.xori %or3A_4213, %add3A_4206 : vector<782x128xi32>
    %add3A_4215 = arith.addi %add3A_4206, %xor3A_4214 : vector<782x128xi32>
    %shift_left3A_4216 = arith.constant 29 : i32
    %shift_left3A_4217 = vector.broadcast %shift_left3A_4216 : i32 to vector<782x128xi32>
    %shift_left3A_4218 = arith.shli %xor3A_4214, %shift_left3A_4217 : vector<782x128xi32>
    %shift_right_logical3A_4219 = arith.constant 3 : i32
    %shift_right_logical3A_4220 = vector.broadcast %shift_right_logical3A_4219 : i32 to vector<782x128xi32>
    %shift_right_logical3A_4221 = arith.shrui %xor3A_4214, %shift_right_logical3A_4220 : vector<782x128xi32>
    %or3A_4222 = arith.ori %shift_left3A_4218, %shift_right_logical3A_4221 : vector<782x128xi32>
    %xor3A_4223 = arith.xori %or3A_4222, %add3A_4215 : vector<782x128xi32>
    %add3A_4224 = arith.addi %add3A_4215, %xor3A_4223 : vector<782x128xi32>
    %shift_left3A_4225 = arith.constant 16 : i32
    %shift_left3A_4226 = vector.broadcast %shift_left3A_4225 : i32 to vector<782x128xi32>
    %shift_left3A_4227 = arith.shli %xor3A_4223, %shift_left3A_4226 : vector<782x128xi32>
    %shift_right_logical3A_4228 = arith.constant 16 : i32
    %shift_right_logical3A_4229 = vector.broadcast %shift_right_logical3A_4228 : i32 to vector<782x128xi32>
    %shift_right_logical3A_4230 = arith.shrui %xor3A_4223, %shift_right_logical3A_4229 : vector<782x128xi32>
    %or3A_4231 = arith.ori %shift_left3A_4227, %shift_right_logical3A_4230 : vector<782x128xi32>
    %xor3A_4232 = arith.xori %or3A_4231, %add3A_4224 : vector<782x128xi32>
    %add3A_4233 = arith.addi %add3A_4224, %xor3A_4232 : vector<782x128xi32>
    %shift_left3A_4234 = arith.constant 24 : i32
    %shift_left3A_4235 = vector.broadcast %shift_left3A_4234 : i32 to vector<782x128xi32>
    %shift_left3A_4236 = arith.shli %xor3A_4232, %shift_left3A_4235 : vector<782x128xi32>
    %shift_right_logical3A_4237 = arith.constant 8 : i32
    %shift_right_logical3A_4238 = vector.broadcast %shift_right_logical3A_4237 : i32 to vector<782x128xi32>
    %shift_right_logical3A_4239 = arith.shrui %xor3A_4232, %shift_right_logical3A_4238 : vector<782x128xi32>
    %or3A_4240 = arith.ori %shift_left3A_4236, %shift_right_logical3A_4239 : vector<782x128xi32>
    %xor3A_4241 = arith.xori %or3A_4240, %add3A_4233 : vector<782x128xi32>
    %add3A_4242 = vector.broadcast %get3A_4067 : i32 to vector<782x128xi32>
    %add3A_4243 = arith.addi %add3A_4233, %add3A_4242 : vector<782x128xi32>
    %add3A_4244 = vector.broadcast %xor3A_4072 : i32 to vector<782x128xi32>
    %add3A_4245 = arith.addi %xor3A_4241, %add3A_4244 : vector<782x128xi32>
    %add3A_4246 = arith.constant 4 : i32
    %add3A_4247 = vector.broadcast %add3A_4246 : i32 to vector<782x128xi32>
    %add3A_4248 = arith.addi %add3A_4245, %add3A_4247 : vector<782x128xi32>
    %add3A_4249 = arith.addi %add3A_4243, %add3A_4248 : vector<782x128xi32>
    %shift_left3A_4250 = arith.constant 13 : i32
    %shift_left3A_4251 = vector.broadcast %shift_left3A_4250 : i32 to vector<782x128xi32>
    %shift_left3A_4252 = arith.shli %add3A_4248, %shift_left3A_4251 : vector<782x128xi32>
    %shift_right_logical3A_4253 = arith.constant 19 : i32
    %shift_right_logical3A_4254 = vector.broadcast %shift_right_logical3A_4253 : i32 to vector<782x128xi32>
    %shift_right_logical3A_4255 = arith.shrui %add3A_4248, %shift_right_logical3A_4254 : vector<782x128xi32>
    %or3A_4256 = arith.ori %shift_left3A_4252, %shift_right_logical3A_4255 : vector<782x128xi32>
    %xor3A_4257 = arith.xori %or3A_4256, %add3A_4249 : vector<782x128xi32>
    %add3A_4258 = arith.addi %add3A_4249, %xor3A_4257 : vector<782x128xi32>
    %shift_left3A_4259 = arith.constant 15 : i32
    %shift_left3A_4260 = vector.broadcast %shift_left3A_4259 : i32 to vector<782x128xi32>
    %shift_left3A_4261 = arith.shli %xor3A_4257, %shift_left3A_4260 : vector<782x128xi32>
    %shift_right_logical3A_4262 = arith.constant 17 : i32
    %shift_right_logical3A_4263 = vector.broadcast %shift_right_logical3A_4262 : i32 to vector<782x128xi32>
    %shift_right_logical3A_4264 = arith.shrui %xor3A_4257, %shift_right_logical3A_4263 : vector<782x128xi32>
    %or3A_4265 = arith.ori %shift_left3A_4261, %shift_right_logical3A_4264 : vector<782x128xi32>
    %xor3A_4266 = arith.xori %or3A_4265, %add3A_4258 : vector<782x128xi32>
    %add3A_4267 = arith.addi %add3A_4258, %xor3A_4266 : vector<782x128xi32>
    %shift_left3A_4268 = arith.constant 26 : i32
    %shift_left3A_4269 = vector.broadcast %shift_left3A_4268 : i32 to vector<782x128xi32>
    %shift_left3A_4270 = arith.shli %xor3A_4266, %shift_left3A_4269 : vector<782x128xi32>
    %shift_right_logical3A_4271 = arith.constant 6 : i32
    %shift_right_logical3A_4272 = vector.broadcast %shift_right_logical3A_4271 : i32 to vector<782x128xi32>
    %shift_right_logical3A_4273 = arith.shrui %xor3A_4266, %shift_right_logical3A_4272 : vector<782x128xi32>
    %or3A_4274 = arith.ori %shift_left3A_4270, %shift_right_logical3A_4273 : vector<782x128xi32>
    %xor3A_4275 = arith.xori %or3A_4274, %add3A_4267 : vector<782x128xi32>
    %add3A_4276 = arith.addi %add3A_4267, %xor3A_4275 : vector<782x128xi32>
    %shift_left3A_4277 = arith.constant 6 : i32
    %shift_left3A_4278 = vector.broadcast %shift_left3A_4277 : i32 to vector<782x128xi32>
    %shift_left3A_4279 = arith.shli %xor3A_4275, %shift_left3A_4278 : vector<782x128xi32>
    %shift_right_logical3A_4280 = arith.constant 26 : i32
    %shift_right_logical3A_4281 = vector.broadcast %shift_right_logical3A_4280 : i32 to vector<782x128xi32>
    %shift_right_logical3A_4282 = arith.shrui %xor3A_4275, %shift_right_logical3A_4281 : vector<782x128xi32>
    %or3A_4283 = arith.ori %shift_left3A_4279, %shift_right_logical3A_4282 : vector<782x128xi32>
    %xor3A_4284 = arith.xori %or3A_4283, %add3A_4276 : vector<782x128xi32>
    %add3A_4285 = vector.broadcast %xor3A_4072 : i32 to vector<782x128xi32>
    %add3A_4286 = arith.addi %add3A_4276, %add3A_4285 : vector<782x128xi32>
    %add3A_4287 = vector.broadcast %get3A_4064 : i32 to vector<782x128xi32>
    %add3A_4288 = arith.addi %xor3A_4284, %add3A_4287 : vector<782x128xi32>
    %add3A_4289 = arith.constant 5 : i32
    %add3A_4290 = vector.broadcast %add3A_4289 : i32 to vector<782x128xi32>
    %add3A_4291 = arith.addi %add3A_4288, %add3A_4290 : vector<782x128xi32>
    %xor3A_4292 = arith.xori %add3A_4286, %add3A_4291 : vector<782x128xi32>
    %shift_right_logical3A_4293 = arith.constant 9 : i32
    %shift_right_logical3A_4294 = vector.broadcast %shift_right_logical3A_4293 : i32 to vector<782x128xi32>
    %shift_right_logical3A_4295 = arith.shrui %xor3A_4292, %shift_right_logical3A_4294 : vector<782x128xi32>
    %or3A_4296 = arith.constant 1065353216 : i32
    %or3A_4297 = vector.broadcast %or3A_4296 : i32 to vector<782x128xi32>
    %or3A_4298 = arith.ori %shift_right_logical3A_4295, %or3A_4297 : vector<782x128xi32>
    %bitcast_convert_type3A_4299 = tpu.bitcast %or3A_4298 : vector<782x128xi32> -> vector<782x128xf32>
    %sub3A_4300 = arith.constant 1.000000e+00 : f32
    %sub3A_4301 = vector.broadcast %sub3A_4300 : f32 to vector<782x128xf32>
    %sub3A_4302 = arith.subf %bitcast_convert_type3A_4299, %sub3A_4301 : vector<782x128xf32>
    %sub3A_4303 = arith.constant 1.000000e+00 : f32
    %sub3A_4304 = arith.constant 1.17549435E-38 : f32
    %sub3A_4305 = arith.subf %sub3A_4303, %sub3A_4304 : f32
    %mul3A_4306 = vector.broadcast %sub3A_4305 : f32 to vector<782x128xf32>
    %mul3A_4307 = arith.mulf %sub3A_4302, %mul3A_4306 : vector<782x128xf32>
    %add3A_4308 = arith.constant 1.17549435E-38 : f32
    %add3A_4309 = vector.broadcast %add3A_4308 : f32 to vector<782x128xf32>
    %add3A_4310 = arith.addf %mul3A_4307, %add3A_4309 : vector<782x128xf32>
    %max3A_4311 = arith.constant 1.17549435E-38 : f32
    %max3A_4312 = vector.broadcast %max3A_4311 : f32 to vector<782x128xf32>
    %max3A_4313 = arith.maximumf %max3A_4312, %add3A_4310 : vector<782x128xf32>
    %log3A_4314 = math.log %max3A_4313 : vector<782x128xf32>
    %neg3A_4315 = arith.constant 0.000000e+00 : f32
    %neg3A_4316 = vector.broadcast %neg3A_4315 : f32 to vector<782x128xf32>
    %neg3A_4317 = arith.subf %neg3A_4316, %log3A_4314 : vector<782x128xf32>
    %log3A_4318 = math.log %neg3A_4317 : vector<782x128xf32>
    %neg3A_4319 = arith.constant 0.000000e+00 : f32
    %neg3A_4320 = vector.broadcast %neg3A_4319 : f32 to vector<782x128xf32>
    %neg3A_4321 = arith.subf %neg3A_4320, %log3A_4318 : vector<782x128xf32>
    %jit3A_4322 = arith.constant -1.000000e+30 : f32
    %broadcast_in_dim3A_4323 = vector.broadcast %jit3A_4322 : f32 to vector<782x128xf32>
    %select_n3A_4324 = arith.select %ge3A_9, %broadcast_in_dim3A_4323, %neg3A_4321 : vector<782x128xi1>, vector<782x128xf32>
    %get3A_4325 = arith.constant 0 : index
    %get3A_4326 = arith.constant 0 : index
    %get3A_4327 = vector.load %arg2[%get3A_4325, %get3A_4326] : memref<782x128xi32, #tpu.memory_space<vmem>>, vector<782x128xi32>
    %le3A_4328 = vector.broadcast %add3A_4061 : i32 to vector<782x128xi32>
    %le3A_4329 = arith.cmpi sle, %get3A_4327, %le3A_4328 : vector<782x128xi32>
    %broadcast_in_dim3A_4330 = vector.broadcast %log3A_4 : f32 to vector<782x128xf32>
    %select_n3A_4331 = arith.select %le3A_4329, %broadcast_in_dim3A_4330, %log3A : vector<782x128xi1>, vector<782x128xf32>
    %add3A_4332 = arith.addf %select_n3A_4331, %select_n3A_4324 : vector<782x128xf32>
    %bitcast_convert_type3A_4333 = tpu.bitcast %add3A_4332 : vector<782x128xf32> -> vector<782x128xi32>
    %lt3A_4334 = arith.constant 0 : i32
    %lt3A_4335 = vector.broadcast %lt3A_4334 : i32 to vector<782x128xi32>
    %lt3A_4336 = arith.cmpi slt, %bitcast_convert_type3A_4333, %lt3A_4335 : vector<782x128xi32>
    %xor3A_4337 = arith.constant 2147483647 : i32
    %xor3A_4338 = vector.broadcast %xor3A_4337 : i32 to vector<782x128xi32>
    %xor3A_4339 = arith.xori %bitcast_convert_type3A_4333, %xor3A_4338 : vector<782x128xi32>
    %select_n3A_4340 = arith.select %lt3A_4336, %xor3A_4339, %bitcast_convert_type3A_4333 : vector<782x128xi1>, vector<782x128xi32>
    %swap3A_4341 = arith.constant 0 : index
    %swap3A_4342 = arith.constant 14 : index
    %swap3A_4343 = arith.constant 0 : index
    %swap3A_4344 = arith.constant 0 : index
    %swap3A_4345 = vector.load %arg4[%swap3A_4341, %swap3A_4342, %swap3A_4343, %swap3A_4344] : memref<1x16x782x128xi32, #tpu.memory_space<vmem>>, vector<1x1x782x128xi32>
    %swap3A_4346 = vector.shape_cast %swap3A_4345 : vector<1x1x782x128xi32> to vector<782x128xi32>
    %swap3A_4347 = vector.shape_cast %select_n3A_4340 : vector<782x128xi32> to vector<1x1x782x128xi32>
    tpu.vector_store %arg4[%swap3A_4341, %swap3A_4342, %swap3A_4343, %swap3A_4344], %swap3A_4347 {strides = array<i32>} : memref<1x16x782x128xi32, #tpu.memory_space<vmem>>, vector<1x1x782x128xi32>,
    %mul3A_4348 = arith.constant 16 : i32
    %mul3A_4349 = arith.muli %arg0, %mul3A_4348 : i32
    %add3A_4350 = arith.constant 15 : i32
    %add3A_4351 = arith.addi %mul3A_4349, %add3A_4350 : i32
    %get3A_4352 = arith.index_cast %add3A_4351 : i32 to index
    %get3A_4353 = arith.constant 0 : index
    %get3A_4354 = memref.load %arg1[%get3A_4352, %get3A_4353] : memref<64x2xi32, #tpu.memory_space<smem>>
    %get3A_4355 = arith.index_cast %add3A_4351 : i32 to index
    %get3A_4356 = arith.constant 1 : index
    %get3A_4357 = memref.load %arg1[%get3A_4355, %get3A_4356] : memref<64x2xi32, #tpu.memory_space<smem>>
    %broadcast_in_dim3A_4358 = arith.constant 0 : i32
    %broadcast_in_dim3A_4359 = vector.broadcast %broadcast_in_dim3A_4358 : i32 to vector<782x128xi32>
    %xor3A_4360 = arith.xori %get3A_4354, %get3A_4357 : i32
    %xor3A_4361 = arith.constant 466688986 : i32
    %xor3A_4362 = arith.xori %xor3A_4360, %xor3A_4361 : i32
    %add3A_4363 = vector.broadcast %get3A_4354 : i32 to vector<782x128xi32>
    %add3A_4364 = arith.addi %broadcast_in_dim3A_4359, %add3A_4363 : vector<782x128xi32>
    %add3A_4365 = vector.broadcast %get3A_4357 : i32 to vector<782x128xi32>
    %add3A_4366 = arith.addi %add3A, %add3A_4365 : vector<782x128xi32>
    %add3A_4367 = arith.addi %add3A_4364, %add3A_4366 : vector<782x128xi32>
    %shift_left3A_4368 = arith.constant 13 : i32
    %shift_left3A_4369 = vector.broadcast %shift_left3A_4368 : i32 to vector<782x128xi32>
    %shift_left3A_4370 = arith.shli %add3A_4366, %shift_left3A_4369 : vector<782x128xi32>
    %shift_right_logical3A_4371 = arith.constant 19 : i32
    %shift_right_logical3A_4372 = vector.broadcast %shift_right_logical3A_4371 : i32 to vector<782x128xi32>
    %shift_right_logical3A_4373 = arith.shrui %add3A_4366, %shift_right_logical3A_4372 : vector<782x128xi32>
    %or3A_4374 = arith.ori %shift_left3A_4370, %shift_right_logical3A_4373 : vector<782x128xi32>
    %xor3A_4375 = arith.xori %or3A_4374, %add3A_4367 : vector<782x128xi32>
    %add3A_4376 = arith.addi %add3A_4367, %xor3A_4375 : vector<782x128xi32>
    %shift_left3A_4377 = arith.constant 15 : i32
    %shift_left3A_4378 = vector.broadcast %shift_left3A_4377 : i32 to vector<782x128xi32>
    %shift_left3A_4379 = arith.shli %xor3A_4375, %shift_left3A_4378 : vector<782x128xi32>
    %shift_right_logical3A_4380 = arith.constant 17 : i32
    %shift_right_logical3A_4381 = vector.broadcast %shift_right_logical3A_4380 : i32 to vector<782x128xi32>
    %shift_right_logical3A_4382 = arith.shrui %xor3A_4375, %shift_right_logical3A_4381 : vector<782x128xi32>
    %or3A_4383 = arith.ori %shift_left3A_4379, %shift_right_logical3A_4382 : vector<782x128xi32>
    %xor3A_4384 = arith.xori %or3A_4383, %add3A_4376 : vector<782x128xi32>
    %add3A_4385 = arith.addi %add3A_4376, %xor3A_4384 : vector<782x128xi32>
    %shift_left3A_4386 = arith.constant 26 : i32
    %shift_left3A_4387 = vector.broadcast %shift_left3A_4386 : i32 to vector<782x128xi32>
    %shift_left3A_4388 = arith.shli %xor3A_4384, %shift_left3A_4387 : vector<782x128xi32>
    %shift_right_logical3A_4389 = arith.constant 6 : i32
    %shift_right_logical3A_4390 = vector.broadcast %shift_right_logical3A_4389 : i32 to vector<782x128xi32>
    %shift_right_logical3A_4391 = arith.shrui %xor3A_4384, %shift_right_logical3A_4390 : vector<782x128xi32>
    %or3A_4392 = arith.ori %shift_left3A_4388, %shift_right_logical3A_4391 : vector<782x128xi32>
    %xor3A_4393 = arith.xori %or3A_4392, %add3A_4385 : vector<782x128xi32>
    %add3A_4394 = arith.addi %add3A_4385, %xor3A_4393 : vector<782x128xi32>
    %shift_left3A_4395 = arith.constant 6 : i32
    %shift_left3A_4396 = vector.broadcast %shift_left3A_4395 : i32 to vector<782x128xi32>
    %shift_left3A_4397 = arith.shli %xor3A_4393, %shift_left3A_4396 : vector<782x128xi32>
    %shift_right_logical3A_4398 = arith.constant 26 : i32
    %shift_right_logical3A_4399 = vector.broadcast %shift_right_logical3A_4398 : i32 to vector<782x128xi32>
    %shift_right_logical3A_4400 = arith.shrui %xor3A_4393, %shift_right_logical3A_4399 : vector<782x128xi32>
    %or3A_4401 = arith.ori %shift_left3A_4397, %shift_right_logical3A_4400 : vector<782x128xi32>
    %xor3A_4402 = arith.xori %or3A_4401, %add3A_4394 : vector<782x128xi32>
    %add3A_4403 = vector.broadcast %get3A_4357 : i32 to vector<782x128xi32>
    %add3A_4404 = arith.addi %add3A_4394, %add3A_4403 : vector<782x128xi32>
    %add3A_4405 = vector.broadcast %xor3A_4362 : i32 to vector<782x128xi32>
    %add3A_4406 = arith.addi %xor3A_4402, %add3A_4405 : vector<782x128xi32>
    %add3A_4407 = arith.constant 1 : i32
    %add3A_4408 = vector.broadcast %add3A_4407 : i32 to vector<782x128xi32>
    %add3A_4409 = arith.addi %add3A_4406, %add3A_4408 : vector<782x128xi32>
    %add3A_4410 = arith.addi %add3A_4404, %add3A_4409 : vector<782x128xi32>
    %shift_left3A_4411 = arith.constant 17 : i32
    %shift_left3A_4412 = vector.broadcast %shift_left3A_4411 : i32 to vector<782x128xi32>
    %shift_left3A_4413 = arith.shli %add3A_4409, %shift_left3A_4412 : vector<782x128xi32>
    %shift_right_logical3A_4414 = arith.constant 15 : i32
    %shift_right_logical3A_4415 = vector.broadcast %shift_right_logical3A_4414 : i32 to vector<782x128xi32>
    %shift_right_logical3A_4416 = arith.shrui %add3A_4409, %shift_right_logical3A_4415 : vector<782x128xi32>
    %or3A_4417 = arith.ori %shift_left3A_4413, %shift_right_logical3A_4416 : vector<782x128xi32>
    %xor3A_4418 = arith.xori %or3A_4417, %add3A_4410 : vector<782x128xi32>
    %add3A_4419 = arith.addi %add3A_4410, %xor3A_4418 : vector<782x128xi32>
    %shift_left3A_4420 = arith.constant 29 : i32
    %shift_left3A_4421 = vector.broadcast %shift_left3A_4420 : i32 to vector<782x128xi32>
    %shift_left3A_4422 = arith.shli %xor3A_4418, %shift_left3A_4421 : vector<782x128xi32>
    %shift_right_logical3A_4423 = arith.constant 3 : i32
    %shift_right_logical3A_4424 = vector.broadcast %shift_right_logical3A_4423 : i32 to vector<782x128xi32>
    %shift_right_logical3A_4425 = arith.shrui %xor3A_4418, %shift_right_logical3A_4424 : vector<782x128xi32>
    %or3A_4426 = arith.ori %shift_left3A_4422, %shift_right_logical3A_4425 : vector<782x128xi32>
    %xor3A_4427 = arith.xori %or3A_4426, %add3A_4419 : vector<782x128xi32>
    %add3A_4428 = arith.addi %add3A_4419, %xor3A_4427 : vector<782x128xi32>
    %shift_left3A_4429 = arith.constant 16 : i32
    %shift_left3A_4430 = vector.broadcast %shift_left3A_4429 : i32 to vector<782x128xi32>
    %shift_left3A_4431 = arith.shli %xor3A_4427, %shift_left3A_4430 : vector<782x128xi32>
    %shift_right_logical3A_4432 = arith.constant 16 : i32
    %shift_right_logical3A_4433 = vector.broadcast %shift_right_logical3A_4432 : i32 to vector<782x128xi32>
    %shift_right_logical3A_4434 = arith.shrui %xor3A_4427, %shift_right_logical3A_4433 : vector<782x128xi32>
    %or3A_4435 = arith.ori %shift_left3A_4431, %shift_right_logical3A_4434 : vector<782x128xi32>
    %xor3A_4436 = arith.xori %or3A_4435, %add3A_4428 : vector<782x128xi32>
    %add3A_4437 = arith.addi %add3A_4428, %xor3A_4436 : vector<782x128xi32>
    %shift_left3A_4438 = arith.constant 24 : i32
    %shift_left3A_4439 = vector.broadcast %shift_left3A_4438 : i32 to vector<782x128xi32>
    %shift_left3A_4440 = arith.shli %xor3A_4436, %shift_left3A_4439 : vector<782x128xi32>
    %shift_right_logical3A_4441 = arith.constant 8 : i32
    %shift_right_logical3A_4442 = vector.broadcast %shift_right_logical3A_4441 : i32 to vector<782x128xi32>
    %shift_right_logical3A_4443 = arith.shrui %xor3A_4436, %shift_right_logical3A_4442 : vector<782x128xi32>
    %or3A_4444 = arith.ori %shift_left3A_4440, %shift_right_logical3A_4443 : vector<782x128xi32>
    %xor3A_4445 = arith.xori %or3A_4444, %add3A_4437 : vector<782x128xi32>
    %add3A_4446 = vector.broadcast %xor3A_4362 : i32 to vector<782x128xi32>
    %add3A_4447 = arith.addi %add3A_4437, %add3A_4446 : vector<782x128xi32>
    %add3A_4448 = vector.broadcast %get3A_4354 : i32 to vector<782x128xi32>
    %add3A_4449 = arith.addi %xor3A_4445, %add3A_4448 : vector<782x128xi32>
    %add3A_4450 = arith.constant 2 : i32
    %add3A_4451 = vector.broadcast %add3A_4450 : i32 to vector<782x128xi32>
    %add3A_4452 = arith.addi %add3A_4449, %add3A_4451 : vector<782x128xi32>
    %add3A_4453 = arith.addi %add3A_4447, %add3A_4452 : vector<782x128xi32>
    %shift_left3A_4454 = arith.constant 13 : i32
    %shift_left3A_4455 = vector.broadcast %shift_left3A_4454 : i32 to vector<782x128xi32>
    %shift_left3A_4456 = arith.shli %add3A_4452, %shift_left3A_4455 : vector<782x128xi32>
    %shift_right_logical3A_4457 = arith.constant 19 : i32
    %shift_right_logical3A_4458 = vector.broadcast %shift_right_logical3A_4457 : i32 to vector<782x128xi32>
    %shift_right_logical3A_4459 = arith.shrui %add3A_4452, %shift_right_logical3A_4458 : vector<782x128xi32>
    %or3A_4460 = arith.ori %shift_left3A_4456, %shift_right_logical3A_4459 : vector<782x128xi32>
    %xor3A_4461 = arith.xori %or3A_4460, %add3A_4453 : vector<782x128xi32>
    %add3A_4462 = arith.addi %add3A_4453, %xor3A_4461 : vector<782x128xi32>
    %shift_left3A_4463 = arith.constant 15 : i32
    %shift_left3A_4464 = vector.broadcast %shift_left3A_4463 : i32 to vector<782x128xi32>
    %shift_left3A_4465 = arith.shli %xor3A_4461, %shift_left3A_4464 : vector<782x128xi32>
    %shift_right_logical3A_4466 = arith.constant 17 : i32
    %shift_right_logical3A_4467 = vector.broadcast %shift_right_logical3A_4466 : i32 to vector<782x128xi32>
    %shift_right_logical3A_4468 = arith.shrui %xor3A_4461, %shift_right_logical3A_4467 : vector<782x128xi32>
    %or3A_4469 = arith.ori %shift_left3A_4465, %shift_right_logical3A_4468 : vector<782x128xi32>
    %xor3A_4470 = arith.xori %or3A_4469, %add3A_4462 : vector<782x128xi32>
    %add3A_4471 = arith.addi %add3A_4462, %xor3A_4470 : vector<782x128xi32>
    %shift_left3A_4472 = arith.constant 26 : i32
    %shift_left3A_4473 = vector.broadcast %shift_left3A_4472 : i32 to vector<782x128xi32>
    %shift_left3A_4474 = arith.shli %xor3A_4470, %shift_left3A_4473 : vector<782x128xi32>
    %shift_right_logical3A_4475 = arith.constant 6 : i32
    %shift_right_logical3A_4476 = vector.broadcast %shift_right_logical3A_4475 : i32 to vector<782x128xi32>
    %shift_right_logical3A_4477 = arith.shrui %xor3A_4470, %shift_right_logical3A_4476 : vector<782x128xi32>
    %or3A_4478 = arith.ori %shift_left3A_4474, %shift_right_logical3A_4477 : vector<782x128xi32>
    %xor3A_4479 = arith.xori %or3A_4478, %add3A_4471 : vector<782x128xi32>
    %add3A_4480 = arith.addi %add3A_4471, %xor3A_4479 : vector<782x128xi32>
    %shift_left3A_4481 = arith.constant 6 : i32
    %shift_left3A_4482 = vector.broadcast %shift_left3A_4481 : i32 to vector<782x128xi32>
    %shift_left3A_4483 = arith.shli %xor3A_4479, %shift_left3A_4482 : vector<782x128xi32>
    %shift_right_logical3A_4484 = arith.constant 26 : i32
    %shift_right_logical3A_4485 = vector.broadcast %shift_right_logical3A_4484 : i32 to vector<782x128xi32>
    %shift_right_logical3A_4486 = arith.shrui %xor3A_4479, %shift_right_logical3A_4485 : vector<782x128xi32>
    %or3A_4487 = arith.ori %shift_left3A_4483, %shift_right_logical3A_4486 : vector<782x128xi32>
    %xor3A_4488 = arith.xori %or3A_4487, %add3A_4480 : vector<782x128xi32>
    %add3A_4489 = vector.broadcast %get3A_4354 : i32 to vector<782x128xi32>
    %add3A_4490 = arith.addi %add3A_4480, %add3A_4489 : vector<782x128xi32>
    %add3A_4491 = vector.broadcast %get3A_4357 : i32 to vector<782x128xi32>
    %add3A_4492 = arith.addi %xor3A_4488, %add3A_4491 : vector<782x128xi32>
    %add3A_4493 = arith.constant 3 : i32
    %add3A_4494 = vector.broadcast %add3A_4493 : i32 to vector<782x128xi32>
    %add3A_4495 = arith.addi %add3A_4492, %add3A_4494 : vector<782x128xi32>
    %add3A_4496 = arith.addi %add3A_4490, %add3A_4495 : vector<782x128xi32>
    %shift_left3A_4497 = arith.constant 17 : i32
    %shift_left3A_4498 = vector.broadcast %shift_left3A_4497 : i32 to vector<782x128xi32>
    %shift_left3A_4499 = arith.shli %add3A_4495, %shift_left3A_4498 : vector<782x128xi32>
    %shift_right_logical3A_4500 = arith.constant 15 : i32
    %shift_right_logical3A_4501 = vector.broadcast %shift_right_logical3A_4500 : i32 to vector<782x128xi32>
    %shift_right_logical3A_4502 = arith.shrui %add3A_4495, %shift_right_logical3A_4501 : vector<782x128xi32>
    %or3A_4503 = arith.ori %shift_left3A_4499, %shift_right_logical3A_4502 : vector<782x128xi32>
    %xor3A_4504 = arith.xori %or3A_4503, %add3A_4496 : vector<782x128xi32>
    %add3A_4505 = arith.addi %add3A_4496, %xor3A_4504 : vector<782x128xi32>
    %shift_left3A_4506 = arith.constant 29 : i32
    %shift_left3A_4507 = vector.broadcast %shift_left3A_4506 : i32 to vector<782x128xi32>
    %shift_left3A_4508 = arith.shli %xor3A_4504, %shift_left3A_4507 : vector<782x128xi32>
    %shift_right_logical3A_4509 = arith.constant 3 : i32
    %shift_right_logical3A_4510 = vector.broadcast %shift_right_logical3A_4509 : i32 to vector<782x128xi32>
    %shift_right_logical3A_4511 = arith.shrui %xor3A_4504, %shift_right_logical3A_4510 : vector<782x128xi32>
    %or3A_4512 = arith.ori %shift_left3A_4508, %shift_right_logical3A_4511 : vector<782x128xi32>
    %xor3A_4513 = arith.xori %or3A_4512, %add3A_4505 : vector<782x128xi32>
    %add3A_4514 = arith.addi %add3A_4505, %xor3A_4513 : vector<782x128xi32>
    %shift_left3A_4515 = arith.constant 16 : i32
    %shift_left3A_4516 = vector.broadcast %shift_left3A_4515 : i32 to vector<782x128xi32>
    %shift_left3A_4517 = arith.shli %xor3A_4513, %shift_left3A_4516 : vector<782x128xi32>
    %shift_right_logical3A_4518 = arith.constant 16 : i32
    %shift_right_logical3A_4519 = vector.broadcast %shift_right_logical3A_4518 : i32 to vector<782x128xi32>
    %shift_right_logical3A_4520 = arith.shrui %xor3A_4513, %shift_right_logical3A_4519 : vector<782x128xi32>
    %or3A_4521 = arith.ori %shift_left3A_4517, %shift_right_logical3A_4520 : vector<782x128xi32>
    %xor3A_4522 = arith.xori %or3A_4521, %add3A_4514 : vector<782x128xi32>
    %add3A_4523 = arith.addi %add3A_4514, %xor3A_4522 : vector<782x128xi32>
    %shift_left3A_4524 = arith.constant 24 : i32
    %shift_left3A_4525 = vector.broadcast %shift_left3A_4524 : i32 to vector<782x128xi32>
    %shift_left3A_4526 = arith.shli %xor3A_4522, %shift_left3A_4525 : vector<782x128xi32>
    %shift_right_logical3A_4527 = arith.constant 8 : i32
    %shift_right_logical3A_4528 = vector.broadcast %shift_right_logical3A_4527 : i32 to vector<782x128xi32>
    %shift_right_logical3A_4529 = arith.shrui %xor3A_4522, %shift_right_logical3A_4528 : vector<782x128xi32>
    %or3A_4530 = arith.ori %shift_left3A_4526, %shift_right_logical3A_4529 : vector<782x128xi32>
    %xor3A_4531 = arith.xori %or3A_4530, %add3A_4523 : vector<782x128xi32>
    %add3A_4532 = vector.broadcast %get3A_4357 : i32 to vector<782x128xi32>
    %add3A_4533 = arith.addi %add3A_4523, %add3A_4532 : vector<782x128xi32>
    %add3A_4534 = vector.broadcast %xor3A_4362 : i32 to vector<782x128xi32>
    %add3A_4535 = arith.addi %xor3A_4531, %add3A_4534 : vector<782x128xi32>
    %add3A_4536 = arith.constant 4 : i32
    %add3A_4537 = vector.broadcast %add3A_4536 : i32 to vector<782x128xi32>
    %add3A_4538 = arith.addi %add3A_4535, %add3A_4537 : vector<782x128xi32>
    %add3A_4539 = arith.addi %add3A_4533, %add3A_4538 : vector<782x128xi32>
    %shift_left3A_4540 = arith.constant 13 : i32
    %shift_left3A_4541 = vector.broadcast %shift_left3A_4540 : i32 to vector<782x128xi32>
    %shift_left3A_4542 = arith.shli %add3A_4538, %shift_left3A_4541 : vector<782x128xi32>
    %shift_right_logical3A_4543 = arith.constant 19 : i32
    %shift_right_logical3A_4544 = vector.broadcast %shift_right_logical3A_4543 : i32 to vector<782x128xi32>
    %shift_right_logical3A_4545 = arith.shrui %add3A_4538, %shift_right_logical3A_4544 : vector<782x128xi32>
    %or3A_4546 = arith.ori %shift_left3A_4542, %shift_right_logical3A_4545 : vector<782x128xi32>
    %xor3A_4547 = arith.xori %or3A_4546, %add3A_4539 : vector<782x128xi32>
    %add3A_4548 = arith.addi %add3A_4539, %xor3A_4547 : vector<782x128xi32>
    %shift_left3A_4549 = arith.constant 15 : i32
    %shift_left3A_4550 = vector.broadcast %shift_left3A_4549 : i32 to vector<782x128xi32>
    %shift_left3A_4551 = arith.shli %xor3A_4547, %shift_left3A_4550 : vector<782x128xi32>
    %shift_right_logical3A_4552 = arith.constant 17 : i32
    %shift_right_logical3A_4553 = vector.broadcast %shift_right_logical3A_4552 : i32 to vector<782x128xi32>
    %shift_right_logical3A_4554 = arith.shrui %xor3A_4547, %shift_right_logical3A_4553 : vector<782x128xi32>
    %or3A_4555 = arith.ori %shift_left3A_4551, %shift_right_logical3A_4554 : vector<782x128xi32>
    %xor3A_4556 = arith.xori %or3A_4555, %add3A_4548 : vector<782x128xi32>
    %add3A_4557 = arith.addi %add3A_4548, %xor3A_4556 : vector<782x128xi32>
    %shift_left3A_4558 = arith.constant 26 : i32
    %shift_left3A_4559 = vector.broadcast %shift_left3A_4558 : i32 to vector<782x128xi32>
    %shift_left3A_4560 = arith.shli %xor3A_4556, %shift_left3A_4559 : vector<782x128xi32>
    %shift_right_logical3A_4561 = arith.constant 6 : i32
    %shift_right_logical3A_4562 = vector.broadcast %shift_right_logical3A_4561 : i32 to vector<782x128xi32>
    %shift_right_logical3A_4563 = arith.shrui %xor3A_4556, %shift_right_logical3A_4562 : vector<782x128xi32>
    %or3A_4564 = arith.ori %shift_left3A_4560, %shift_right_logical3A_4563 : vector<782x128xi32>
    %xor3A_4565 = arith.xori %or3A_4564, %add3A_4557 : vector<782x128xi32>
    %add3A_4566 = arith.addi %add3A_4557, %xor3A_4565 : vector<782x128xi32>
    %shift_left3A_4567 = arith.constant 6 : i32
    %shift_left3A_4568 = vector.broadcast %shift_left3A_4567 : i32 to vector<782x128xi32>
    %shift_left3A_4569 = arith.shli %xor3A_4565, %shift_left3A_4568 : vector<782x128xi32>
    %shift_right_logical3A_4570 = arith.constant 26 : i32
    %shift_right_logical3A_4571 = vector.broadcast %shift_right_logical3A_4570 : i32 to vector<782x128xi32>
    %shift_right_logical3A_4572 = arith.shrui %xor3A_4565, %shift_right_logical3A_4571 : vector<782x128xi32>
    %or3A_4573 = arith.ori %shift_left3A_4569, %shift_right_logical3A_4572 : vector<782x128xi32>
    %xor3A_4574 = arith.xori %or3A_4573, %add3A_4566 : vector<782x128xi32>
    %add3A_4575 = vector.broadcast %xor3A_4362 : i32 to vector<782x128xi32>
    %add3A_4576 = arith.addi %add3A_4566, %add3A_4575 : vector<782x128xi32>
    %add3A_4577 = vector.broadcast %get3A_4354 : i32 to vector<782x128xi32>
    %add3A_4578 = arith.addi %xor3A_4574, %add3A_4577 : vector<782x128xi32>
    %add3A_4579 = arith.constant 5 : i32
    %add3A_4580 = vector.broadcast %add3A_4579 : i32 to vector<782x128xi32>
    %add3A_4581 = arith.addi %add3A_4578, %add3A_4580 : vector<782x128xi32>
    %xor3A_4582 = arith.xori %add3A_4576, %add3A_4581 : vector<782x128xi32>
    %shift_right_logical3A_4583 = arith.constant 9 : i32
    %shift_right_logical3A_4584 = vector.broadcast %shift_right_logical3A_4583 : i32 to vector<782x128xi32>
    %shift_right_logical3A_4585 = arith.shrui %xor3A_4582, %shift_right_logical3A_4584 : vector<782x128xi32>
    %or3A_4586 = arith.constant 1065353216 : i32
    %or3A_4587 = vector.broadcast %or3A_4586 : i32 to vector<782x128xi32>
    %or3A_4588 = arith.ori %shift_right_logical3A_4585, %or3A_4587 : vector<782x128xi32>
    %bitcast_convert_type3A_4589 = tpu.bitcast %or3A_4588 : vector<782x128xi32> -> vector<782x128xf32>
    %sub3A_4590 = arith.constant 1.000000e+00 : f32
    %sub3A_4591 = vector.broadcast %sub3A_4590 : f32 to vector<782x128xf32>
    %sub3A_4592 = arith.subf %bitcast_convert_type3A_4589, %sub3A_4591 : vector<782x128xf32>
    %sub3A_4593 = arith.constant 1.000000e+00 : f32
    %sub3A_4594 = arith.constant 1.17549435E-38 : f32
    %sub3A_4595 = arith.subf %sub3A_4593, %sub3A_4594 : f32
    %mul3A_4596 = vector.broadcast %sub3A_4595 : f32 to vector<782x128xf32>
    %mul3A_4597 = arith.mulf %sub3A_4592, %mul3A_4596 : vector<782x128xf32>
    %add3A_4598 = arith.constant 1.17549435E-38 : f32
    %add3A_4599 = vector.broadcast %add3A_4598 : f32 to vector<782x128xf32>
    %add3A_4600 = arith.addf %mul3A_4597, %add3A_4599 : vector<782x128xf32>
    %max3A_4601 = arith.constant 1.17549435E-38 : f32
    %max3A_4602 = vector.broadcast %max3A_4601 : f32 to vector<782x128xf32>
    %max3A_4603 = arith.maximumf %max3A_4602, %add3A_4600 : vector<782x128xf32>
    %log3A_4604 = math.log %max3A_4603 : vector<782x128xf32>
    %neg3A_4605 = arith.constant 0.000000e+00 : f32
    %neg3A_4606 = vector.broadcast %neg3A_4605 : f32 to vector<782x128xf32>
    %neg3A_4607 = arith.subf %neg3A_4606, %log3A_4604 : vector<782x128xf32>
    %log3A_4608 = math.log %neg3A_4607 : vector<782x128xf32>
    %neg3A_4609 = arith.constant 0.000000e+00 : f32
    %neg3A_4610 = vector.broadcast %neg3A_4609 : f32 to vector<782x128xf32>
    %neg3A_4611 = arith.subf %neg3A_4610, %log3A_4608 : vector<782x128xf32>
    %jit3A_4612 = arith.constant -1.000000e+30 : f32
    %broadcast_in_dim3A_4613 = vector.broadcast %jit3A_4612 : f32 to vector<782x128xf32>
    %select_n3A_4614 = arith.select %ge3A_9, %broadcast_in_dim3A_4613, %neg3A_4611 : vector<782x128xi1>, vector<782x128xf32>
    %get3A_4615 = arith.constant 0 : index
    %get3A_4616 = arith.constant 0 : index
    %get3A_4617 = vector.load %arg2[%get3A_4615, %get3A_4616] : memref<782x128xi32, #tpu.memory_space<vmem>>, vector<782x128xi32>
    %le3A_4618 = vector.broadcast %add3A_4351 : i32 to vector<782x128xi32>
    %le3A_4619 = arith.cmpi sle, %get3A_4617, %le3A_4618 : vector<782x128xi32>
    %broadcast_in_dim3A_4620 = vector.broadcast %log3A_4 : f32 to vector<782x128xf32>
    %select_n3A_4621 = arith.select %le3A_4619, %broadcast_in_dim3A_4620, %log3A : vector<782x128xi1>, vector<782x128xf32>
    %add3A_4622 = arith.addf %select_n3A_4621, %select_n3A_4614 : vector<782x128xf32>
    %bitcast_convert_type3A_4623 = tpu.bitcast %add3A_4622 : vector<782x128xf32> -> vector<782x128xi32>
    %lt3A_4624 = arith.constant 0 : i32
    %lt3A_4625 = vector.broadcast %lt3A_4624 : i32 to vector<782x128xi32>
    %lt3A_4626 = arith.cmpi slt, %bitcast_convert_type3A_4623, %lt3A_4625 : vector<782x128xi32>
    %xor3A_4627 = arith.constant 2147483647 : i32
    %xor3A_4628 = vector.broadcast %xor3A_4627 : i32 to vector<782x128xi32>
    %xor3A_4629 = arith.xori %bitcast_convert_type3A_4623, %xor3A_4628 : vector<782x128xi32>
    %select_n3A_4630 = arith.select %lt3A_4626, %xor3A_4629, %bitcast_convert_type3A_4623 : vector<782x128xi1>, vector<782x128xi32>
    %swap3A_4631 = arith.constant 0 : index
    %swap3A_4632 = arith.constant 15 : index
    %swap3A_4633 = arith.constant 0 : index
    %swap3A_4634 = arith.constant 0 : index
    %swap3A_4635 = vector.load %arg4[%swap3A_4631, %swap3A_4632, %swap3A_4633, %swap3A_4634] : memref<1x16x782x128xi32, #tpu.memory_space<vmem>>, vector<1x1x782x128xi32>
    %swap3A_4636 = vector.shape_cast %swap3A_4635 : vector<1x1x782x128xi32> to vector<782x128xi32>
    %swap3A_4637 = vector.shape_cast %select_n3A_4630 : vector<782x128xi32> to vector<1x1x782x128xi32>
    tpu.vector_store %arg4[%swap3A_4631, %swap3A_4632, %swap3A_4633, %swap3A_4634], %swap3A_4637 {strides = array<i32>} : memref<1x16x782x128xi32, #tpu.memory_space<vmem>>, vector<1x1x782x128xi32>,
    %while3A = arith.constant 100 : i32
    %while3A_4638 = arith.constant 0 : i32
    %while3A_4639 = arith.constant -2147483648 : i32
    %while3A_4640 = arith.constant -2147483648 : i32
    %while3A_4641 = arith.constant -2147483648 : i32
    %while3A_4642 = arith.constant -2147483648 : i32
    %while3A_4643 = arith.constant -2147483648 : i32
    %while3A_4644 = arith.constant -2147483648 : i32
    %while3A_4645 = arith.constant -2147483648 : i32
    %while3A_4646 = arith.constant -2147483648 : i32
    %while3A_4647 = arith.constant -2147483648 : i32
    %while3A_4648 = arith.constant -2147483648 : i32
    %while3A_4649 = arith.constant -2147483648 : i32
    %while3A_4650 = arith.constant -2147483648 : i32
    %while3A_4651 = arith.constant -2147483648 : i32
    %while3A_4652 = arith.constant -2147483648 : i32
    %while3A_4653 = arith.constant -2147483648 : i32
    %while3A_4654 = arith.constant -2147483648 : i32
    %while3A_4655 = arith.constant false
    %while3A_4656 = arith.constant false
    %while3A_4657 = arith.constant false
    %while3A_4658 = arith.constant false
    %while3A_4659 = arith.constant false
    %while3A_4660 = arith.constant false
    %while3A_4661 = arith.constant false
    %while3A_4662 = arith.constant false
    %while3A_4663 = arith.constant false
    %while3A_4664 = arith.constant false
    %while3A_4665 = arith.constant false
    %while3A_4666 = arith.constant false
    %while3A_4667 = arith.constant false
    %while3A_4668 = arith.constant false
    %while3A_4669 = arith.constant false
    %while3A_4670 = arith.constant false
    %while3A_4671:33 = scf.while (%while3A_4692 = %while3A_4638, %while3A_4693 = %while3A_4639, %while3A_4694 = %while3A_4640, %while3A_4695 = %while3A_4641, %while3A_4696 = %while3A_4642, %while3A_4697 = %while3A_4643, %while3A_4698 = %while3A_4644, %while3A_4699 = %while3A_4645, %while3A_4700 = %while3A_4646, %while3A_4701 = %while3A_4647, %while3A_4702 = %while3A_4648, %while3A_4703 = %while3A_4649, %while3A_4704 = %while3A_4650, %while3A_4705 = %while3A_4651, %while3A_4706 = %while3A_4652, %while3A_4707 = %while3A_4653, %while3A_4708 = %while3A_4654, %while3A_4709 = %while3A_4655, %while3A_4710 = %while3A_4656, %while3A_4711 = %while3A_4657, %while3A_4712 = %while3A_4658, %while3A_4713 = %while3A_4659, %while3A_4714 = %while3A_4660, %while3A_4715 = %while3A_4661, %while3A_4716 = %while3A_4662, %while3A_4717 = %while3A_4663, %while3A_4718 = %while3A_4664, %while3A_4719 = %while3A_4665, %while3A_4720 = %while3A_4666, %while3A_4721 = %while3A_4667, %while3A_4722 = %while3A_4668, %while3A_4723 = %while3A_4669, %while3A_4724 = %while3A_4670) : (i32, i32, i32, i32, i32, i32, i32, i32, i32, i32, i32, i32, i32, i32, i32, i32, i32, i1, i1, i1, i1, i1, i1, i1, i1, i1, i1, i1, i1, i1, i1, i1, i1) -> (i32, i32, i32, i32, i32, i32, i32, i32, i32, i32, i32, i32, i32, i32, i32, i32, i32, i1, i1, i1, i1, i1, i1, i1, i1, i1, i1, i1, i1, i1, i1, i1, i1) {
      %and3A = arith.andi %while3A_4709, %while3A_4710 : i1
      %and3A_4725 = arith.andi %and3A, %while3A_4711 : i1
      %and3A_4726 = arith.andi %and3A_4725, %while3A_4712 : i1
      %and3A_4727 = arith.andi %and3A_4726, %while3A_4713 : i1
      %and3A_4728 = arith.andi %and3A_4727, %while3A_4714 : i1
      %and3A_4729 = arith.andi %and3A_4728, %while3A_4715 : i1
      %and3A_4730 = arith.andi %and3A_4729, %while3A_4716 : i1
      %and3A_4731 = arith.andi %and3A_4730, %while3A_4717 : i1
      %and3A_4732 = arith.andi %and3A_4731, %while3A_4718 : i1
      %and3A_4733 = arith.andi %and3A_4732, %while3A_4719 : i1
      %and3A_4734 = arith.andi %and3A_4733, %while3A_4720 : i1
      %and3A_4735 = arith.andi %and3A_4734, %while3A_4721 : i1
      %and3A_4736 = arith.andi %and3A_4735, %while3A_4722 : i1
      %and3A_4737 = arith.andi %and3A_4736, %while3A_4723 : i1
      %and3A_4738 = arith.andi %and3A_4737, %while3A_4724 : i1
      %lt3A_4739 = arith.constant 16 : i32
      %lt3A_4740 = arith.cmpi slt, %while3A_4692, %lt3A_4739 : i32
      %not3A = arith.constant true
      %not3A_4741 = arith.xori %and3A_4738, %not3A : i1
      %and3A_4742 = arith.andi %lt3A_4740, %not3A_4741 : i1
      scf.condition(%and3A_4742) %while3A_4692, %while3A_4693, %while3A_4694, %while3A_4695, %while3A_4696, %while3A_4697, %while3A_4698, %while3A_4699, %while3A_4700, %while3A_4701, %while3A_4702, %while3A_4703, %while3A_4704, %while3A_4705, %while3A_4706, %while3A_4707, %while3A_4708, %while3A_4709, %while3A_4710, %while3A_4711, %while3A_4712, %while3A_4713, %while3A_4714, %while3A_4715, %while3A_4716, %while3A_4717, %while3A_4718, %while3A_4719, %while3A_4720, %while3A_4721, %while3A_4722, %while3A_4723, %while3A_4724 : i32, i32, i32, i32, i32, i32, i32, i32, i32, i32, i32, i32, i32, i32, i32, i32, i32, i1, i1, i1, i1, i1, i1, i1, i1, i1, i1, i1, i1, i1, i1, i1, i1
    } do {
    ^bb0(%while3A_4692: i32, %while3A_4693: i32, %while3A_4694: i32, %while3A_4695: i32, %while3A_4696: i32, %while3A_4697: i32, %while3A_4698: i32, %while3A_4699: i32, %while3A_4700: i32, %while3A_4701: i32, %while3A_4702: i32, %while3A_4703: i32, %while3A_4704: i32, %while3A_4705: i32, %while3A_4706: i32, %while3A_4707: i32, %while3A_4708: i32, %while3A_4709: i1, %while3A_4710: i1, %while3A_4711: i1, %while3A_4712: i1, %while3A_4713: i1, %while3A_4714: i1, %while3A_4715: i1, %while3A_4716: i1, %while3A_4717: i1, %while3A_4718: i1, %while3A_4719: i1, %while3A_4720: i1, %while3A_4721: i1, %while3A_4722: i1, %while3A_4723: i1, %while3A_4724: i1):
      %mul3A_4725 = arith.constant 2 : i32
      %mul3A_4726 = arith.muli %mul3A_4725, %while3A_4692 : i32
      %sub3A_4727 = arith.constant 30 : i32
      %sub3A_4728 = arith.subi %sub3A_4727, %mul3A_4726 : i32
      %shift_left3A_4729 = arith.constant 1 : i32
      %shift_left3A_4730 = arith.shli %shift_left3A_4729, %sub3A_4728 : i32
      %lt3A_4731 = arith.constant 15 : i32
      %lt3A_4732 = arith.cmpi slt, %while3A_4692, %lt3A_4731 : i32
      %mul3A_4733 = arith.constant 2 : i32
      %mul3A_4734 = arith.muli %mul3A_4733, %while3A_4692 : i32
      %sub3A_4735 = arith.constant 29 : i32
      %sub3A_4736 = arith.subi %sub3A_4735, %mul3A_4734 : i32
      %max3A_4737 = arith.constant 0 : i32
      %max3A_4738 = arith.maxsi %sub3A_4736, %max3A_4737 : i32
      %shift_left3A_4739 = arith.constant 1 : i32
      %shift_left3A_4740 = arith.shli %shift_left3A_4739, %max3A_4738 : i32
      %jit3A_4741 = arith.constant 0 : i32
      %select_n3A_4742 = arith.select %lt3A_4732, %shift_left3A_4740, %jit3A_4741 : i32
      %get3A_4743 = arith.constant 0 : index
      %get3A_4744 = arith.constant 0 : index
      %get3A_4745 = arith.constant 0 : index
      %get3A_4746 = arith.constant 0 : index
      %get3A_4747 = vector.load %arg4[%get3A_4743, %get3A_4744, %get3A_4745, %get3A_4746] : memref<1x16x782x128xi32, #tpu.memory_space<vmem>>, vector<1x1x782x128xi32>
      %get3A_4748 = vector.shape_cast %get3A_4747 : vector<1x1x782x128xi32> to vector<782x128xi32>
      %add3A_4749 = arith.addi %while3A_4693, %shift_left3A_4730 : i32
      %ge3A_4750 = vector.broadcast %add3A_4749 : i32 to vector<782x128xi32>
      %ge3A_4751 = arith.cmpi sge, %get3A_4748, %ge3A_4750 : vector<782x128xi32>
      %convert_element_type3A = arith.extui %ge3A_4751 : vector<782x128xi1> to vector<782x128xi32>
      %reduce_sum3A = vector.shape_cast %convert_element_type3A : vector<782x128xi32> to vector<1x782x128xi32>
      %reduce_sum3A_4752 = arith.constant dense<0> : vector<1xi32>
      %reduce_sum3A_4753 = vector.multi_reduction <add>, %reduce_sum3A, %reduce_sum3A_4752 [1, 2] : vector<1x782x128xi32> to vector<1xi32>
      %reduce_sum3A_4754 = vector.shape_cast %reduce_sum3A_4753 : vector<1xi32> to vector<1x1x1xi32>
      %reduce_sum3A_4755 = vector.extract %reduce_sum3A_4754[0, 0, 0] : i32 from vector<1x1x1xi32>
      %add3A_4756 = arith.addi %while3A_4693, %select_n3A_4742 : i32
      %ge3A_4757 = vector.broadcast %add3A_4756 : i32 to vector<782x128xi32>
      %ge3A_4758 = arith.cmpi sge, %get3A_4748, %ge3A_4757 : vector<782x128xi32>
      %convert_element_type3A_4759 = arith.extui %ge3A_4758 : vector<782x128xi1> to vector<782x128xi32>
      %reduce_sum3A_4760 = vector.shape_cast %convert_element_type3A_4759 : vector<782x128xi32> to vector<1x782x128xi32>
      %reduce_sum3A_4761 = arith.constant dense<0> : vector<1xi32>
      %reduce_sum3A_4762 = vector.multi_reduction <add>, %reduce_sum3A_4760, %reduce_sum3A_4761 [1, 2] : vector<1x782x128xi32> to vector<1xi32>
      %reduce_sum3A_4763 = vector.shape_cast %reduce_sum3A_4762 : vector<1xi32> to vector<1x1x1xi32>
      %reduce_sum3A_4764 = vector.extract %reduce_sum3A_4763[0, 0, 0] : i32 from vector<1x1x1xi32>
      %add3A_4765 = arith.addi %add3A_4749, %select_n3A_4742 : i32
      %ge3A_4766 = vector.broadcast %add3A_4765 : i32 to vector<782x128xi32>
      %ge3A_4767 = arith.cmpi sge, %get3A_4748, %ge3A_4766 : vector<782x128xi32>
      %convert_element_type3A_4768 = arith.extui %ge3A_4767 : vector<782x128xi1> to vector<782x128xi32>
      %reduce_sum3A_4769 = vector.shape_cast %convert_element_type3A_4768 : vector<782x128xi32> to vector<1x782x128xi32>
      %reduce_sum3A_4770 = arith.constant dense<0> : vector<1xi32>
      %reduce_sum3A_4771 = vector.multi_reduction <add>, %reduce_sum3A_4769, %reduce_sum3A_4770 [1, 2] : vector<1x782x128xi32> to vector<1xi32>
      %reduce_sum3A_4772 = vector.shape_cast %reduce_sum3A_4771 : vector<1xi32> to vector<1x1x1xi32>
      %reduce_sum3A_4773 = vector.extract %reduce_sum3A_4772[0, 0, 0] : i32 from vector<1x1x1xi32>
      %not3A = arith.constant true
      %not3A_4774 = arith.xori %while3A_4709, %not3A : i1
      %ge3A_4775 = arith.cmpi sge, %reduce_sum3A_4755, %while3A : i32
      %and3A = arith.andi %not3A_4774, %ge3A_4775 : i1
      %select_n3A_4776 = arith.select %and3A, %add3A_4749, %while3A_4693 : i32
      %select_n3A_4777 = arith.select %and3A, %reduce_sum3A_4773, %reduce_sum3A_4764 : i32
      %and3A_4778 = arith.andi %not3A_4774, %lt3A_4732 : i1
      %ge3A_4779 = arith.cmpi sge, %select_n3A_4777, %while3A : i32
      %and3A_4780 = arith.andi %and3A_4778, %ge3A_4779 : i1
      %add3A_4781 = arith.addi %select_n3A_4776, %select_n3A_4742 : i32
      %select_n3A_4782 = arith.select %and3A_4780, %add3A_4781, %select_n3A_4776 : i32
      %eq3A = arith.cmpi eq, %reduce_sum3A_4755, %while3A : i32
      %eq3A_4783 = arith.cmpi eq, %select_n3A_4777, %while3A : i32
      %or3A_4784 = arith.ori %eq3A, %eq3A_4783 : i1
      %or3A_4785 = arith.ori %while3A_4709, %or3A_4784 : i1
      %get3A_4786 = arith.constant 0 : index
      %get3A_4787 = arith.constant 1 : index
      %get3A_4788 = arith.constant 0 : index
      %get3A_4789 = arith.constant 0 : index
      %get3A_4790 = vector.load %arg4[%get3A_4786, %get3A_4787, %get3A_4788, %get3A_4789] : memref<1x16x782x128xi32, #tpu.memory_space<vmem>>, vector<1x1x782x128xi32>
      %get3A_4791 = vector.shape_cast %get3A_4790 : vector<1x1x782x128xi32> to vector<782x128xi32>
      %add3A_4792 = arith.addi %while3A_4694, %shift_left3A_4730 : i32
      %ge3A_4793 = vector.broadcast %add3A_4792 : i32 to vector<782x128xi32>
      %ge3A_4794 = arith.cmpi sge, %get3A_4791, %ge3A_4793 : vector<782x128xi32>
      %convert_element_type3A_4795 = arith.extui %ge3A_4794 : vector<782x128xi1> to vector<782x128xi32>
      %reduce_sum3A_4796 = vector.shape_cast %convert_element_type3A_4795 : vector<782x128xi32> to vector<1x782x128xi32>
      %reduce_sum3A_4797 = arith.constant dense<0> : vector<1xi32>
      %reduce_sum3A_4798 = vector.multi_reduction <add>, %reduce_sum3A_4796, %reduce_sum3A_4797 [1, 2] : vector<1x782x128xi32> to vector<1xi32>
      %reduce_sum3A_4799 = vector.shape_cast %reduce_sum3A_4798 : vector<1xi32> to vector<1x1x1xi32>
      %reduce_sum3A_4800 = vector.extract %reduce_sum3A_4799[0, 0, 0] : i32 from vector<1x1x1xi32>
      %add3A_4801 = arith.addi %while3A_4694, %select_n3A_4742 : i32
      %ge3A_4802 = vector.broadcast %add3A_4801 : i32 to vector<782x128xi32>
      %ge3A_4803 = arith.cmpi sge, %get3A_4791, %ge3A_4802 : vector<782x128xi32>
      %convert_element_type3A_4804 = arith.extui %ge3A_4803 : vector<782x128xi1> to vector<782x128xi32>
      %reduce_sum3A_4805 = vector.shape_cast %convert_element_type3A_4804 : vector<782x128xi32> to vector<1x782x128xi32>
      %reduce_sum3A_4806 = arith.constant dense<0> : vector<1xi32>
      %reduce_sum3A_4807 = vector.multi_reduction <add>, %reduce_sum3A_4805, %reduce_sum3A_4806 [1, 2] : vector<1x782x128xi32> to vector<1xi32>
      %reduce_sum3A_4808 = vector.shape_cast %reduce_sum3A_4807 : vector<1xi32> to vector<1x1x1xi32>
      %reduce_sum3A_4809 = vector.extract %reduce_sum3A_4808[0, 0, 0] : i32 from vector<1x1x1xi32>
      %add3A_4810 = arith.addi %add3A_4792, %select_n3A_4742 : i32
      %ge3A_4811 = vector.broadcast %add3A_4810 : i32 to vector<782x128xi32>
      %ge3A_4812 = arith.cmpi sge, %get3A_4791, %ge3A_4811 : vector<782x128xi32>
      %convert_element_type3A_4813 = arith.extui %ge3A_4812 : vector<782x128xi1> to vector<782x128xi32>
      %reduce_sum3A_4814 = vector.shape_cast %convert_element_type3A_4813 : vector<782x128xi32> to vector<1x782x128xi32>
      %reduce_sum3A_4815 = arith.constant dense<0> : vector<1xi32>
      %reduce_sum3A_4816 = vector.multi_reduction <add>, %reduce_sum3A_4814, %reduce_sum3A_4815 [1, 2] : vector<1x782x128xi32> to vector<1xi32>
      %reduce_sum3A_4817 = vector.shape_cast %reduce_sum3A_4816 : vector<1xi32> to vector<1x1x1xi32>
      %reduce_sum3A_4818 = vector.extract %reduce_sum3A_4817[0, 0, 0] : i32 from vector<1x1x1xi32>
      %not3A_4819 = arith.constant true
      %not3A_4820 = arith.xori %while3A_4710, %not3A_4819 : i1
      %ge3A_4821 = arith.cmpi sge, %reduce_sum3A_4800, %while3A : i32
      %and3A_4822 = arith.andi %not3A_4820, %ge3A_4821 : i1
      %select_n3A_4823 = arith.select %and3A_4822, %add3A_4792, %while3A_4694 : i32
      %select_n3A_4824 = arith.select %and3A_4822, %reduce_sum3A_4818, %reduce_sum3A_4809 : i32
      %and3A_4825 = arith.andi %not3A_4820, %lt3A_4732 : i1
      %ge3A_4826 = arith.cmpi sge, %select_n3A_4824, %while3A : i32
      %and3A_4827 = arith.andi %and3A_4825, %ge3A_4826 : i1
      %add3A_4828 = arith.addi %select_n3A_4823, %select_n3A_4742 : i32
      %select_n3A_4829 = arith.select %and3A_4827, %add3A_4828, %select_n3A_4823 : i32
      %eq3A_4830 = arith.cmpi eq, %reduce_sum3A_4800, %while3A : i32
      %eq3A_4831 = arith.cmpi eq, %select_n3A_4824, %while3A : i32
      %or3A_4832 = arith.ori %eq3A_4830, %eq3A_4831 : i1
      %or3A_4833 = arith.ori %while3A_4710, %or3A_4832 : i1
      %get3A_4834 = arith.constant 0 : index
      %get3A_4835 = arith.constant 2 : index
      %get3A_4836 = arith.constant 0 : index
      %get3A_4837 = arith.constant 0 : index
      %get3A_4838 = vector.load %arg4[%get3A_4834, %get3A_4835, %get3A_4836, %get3A_4837] : memref<1x16x782x128xi32, #tpu.memory_space<vmem>>, vector<1x1x782x128xi32>
      %get3A_4839 = vector.shape_cast %get3A_4838 : vector<1x1x782x128xi32> to vector<782x128xi32>
      %add3A_4840 = arith.addi %while3A_4695, %shift_left3A_4730 : i32
      %ge3A_4841 = vector.broadcast %add3A_4840 : i32 to vector<782x128xi32>
      %ge3A_4842 = arith.cmpi sge, %get3A_4839, %ge3A_4841 : vector<782x128xi32>
      %convert_element_type3A_4843 = arith.extui %ge3A_4842 : vector<782x128xi1> to vector<782x128xi32>
      %reduce_sum3A_4844 = vector.shape_cast %convert_element_type3A_4843 : vector<782x128xi32> to vector<1x782x128xi32>
      %reduce_sum3A_4845 = arith.constant dense<0> : vector<1xi32>
      %reduce_sum3A_4846 = vector.multi_reduction <add>, %reduce_sum3A_4844, %reduce_sum3A_4845 [1, 2] : vector<1x782x128xi32> to vector<1xi32>
      %reduce_sum3A_4847 = vector.shape_cast %reduce_sum3A_4846 : vector<1xi32> to vector<1x1x1xi32>
      %reduce_sum3A_4848 = vector.extract %reduce_sum3A_4847[0, 0, 0] : i32 from vector<1x1x1xi32>
      %add3A_4849 = arith.addi %while3A_4695, %select_n3A_4742 : i32
      %ge3A_4850 = vector.broadcast %add3A_4849 : i32 to vector<782x128xi32>
      %ge3A_4851 = arith.cmpi sge, %get3A_4839, %ge3A_4850 : vector<782x128xi32>
      %convert_element_type3A_4852 = arith.extui %ge3A_4851 : vector<782x128xi1> to vector<782x128xi32>
      %reduce_sum3A_4853 = vector.shape_cast %convert_element_type3A_4852 : vector<782x128xi32> to vector<1x782x128xi32>
      %reduce_sum3A_4854 = arith.constant dense<0> : vector<1xi32>
      %reduce_sum3A_4855 = vector.multi_reduction <add>, %reduce_sum3A_4853, %reduce_sum3A_4854 [1, 2] : vector<1x782x128xi32> to vector<1xi32>
      %reduce_sum3A_4856 = vector.shape_cast %reduce_sum3A_4855 : vector<1xi32> to vector<1x1x1xi32>
      %reduce_sum3A_4857 = vector.extract %reduce_sum3A_4856[0, 0, 0] : i32 from vector<1x1x1xi32>
      %add3A_4858 = arith.addi %add3A_4840, %select_n3A_4742 : i32
      %ge3A_4859 = vector.broadcast %add3A_4858 : i32 to vector<782x128xi32>
      %ge3A_4860 = arith.cmpi sge, %get3A_4839, %ge3A_4859 : vector<782x128xi32>
      %convert_element_type3A_4861 = arith.extui %ge3A_4860 : vector<782x128xi1> to vector<782x128xi32>
      %reduce_sum3A_4862 = vector.shape_cast %convert_element_type3A_4861 : vector<782x128xi32> to vector<1x782x128xi32>
      %reduce_sum3A_4863 = arith.constant dense<0> : vector<1xi32>
      %reduce_sum3A_4864 = vector.multi_reduction <add>, %reduce_sum3A_4862, %reduce_sum3A_4863 [1, 2] : vector<1x782x128xi32> to vector<1xi32>
      %reduce_sum3A_4865 = vector.shape_cast %reduce_sum3A_4864 : vector<1xi32> to vector<1x1x1xi32>
      %reduce_sum3A_4866 = vector.extract %reduce_sum3A_4865[0, 0, 0] : i32 from vector<1x1x1xi32>
      %not3A_4867 = arith.constant true
      %not3A_4868 = arith.xori %while3A_4711, %not3A_4867 : i1
      %ge3A_4869 = arith.cmpi sge, %reduce_sum3A_4848, %while3A : i32
      %and3A_4870 = arith.andi %not3A_4868, %ge3A_4869 : i1
      %select_n3A_4871 = arith.select %and3A_4870, %add3A_4840, %while3A_4695 : i32
      %select_n3A_4872 = arith.select %and3A_4870, %reduce_sum3A_4866, %reduce_sum3A_4857 : i32
      %and3A_4873 = arith.andi %not3A_4868, %lt3A_4732 : i1
      %ge3A_4874 = arith.cmpi sge, %select_n3A_4872, %while3A : i32
      %and3A_4875 = arith.andi %and3A_4873, %ge3A_4874 : i1
      %add3A_4876 = arith.addi %select_n3A_4871, %select_n3A_4742 : i32
      %select_n3A_4877 = arith.select %and3A_4875, %add3A_4876, %select_n3A_4871 : i32
      %eq3A_4878 = arith.cmpi eq, %reduce_sum3A_4848, %while3A : i32
      %eq3A_4879 = arith.cmpi eq, %select_n3A_4872, %while3A : i32
      %or3A_4880 = arith.ori %eq3A_4878, %eq3A_4879 : i1
      %or3A_4881 = arith.ori %while3A_4711, %or3A_4880 : i1
      %get3A_4882 = arith.constant 0 : index
      %get3A_4883 = arith.constant 3 : index
      %get3A_4884 = arith.constant 0 : index
      %get3A_4885 = arith.constant 0 : index
      %get3A_4886 = vector.load %arg4[%get3A_4882, %get3A_4883, %get3A_4884, %get3A_4885] : memref<1x16x782x128xi32, #tpu.memory_space<vmem>>, vector<1x1x782x128xi32>
      %get3A_4887 = vector.shape_cast %get3A_4886 : vector<1x1x782x128xi32> to vector<782x128xi32>
      %add3A_4888 = arith.addi %while3A_4696, %shift_left3A_4730 : i32
      %ge3A_4889 = vector.broadcast %add3A_4888 : i32 to vector<782x128xi32>
      %ge3A_4890 = arith.cmpi sge, %get3A_4887, %ge3A_4889 : vector<782x128xi32>
      %convert_element_type3A_4891 = arith.extui %ge3A_4890 : vector<782x128xi1> to vector<782x128xi32>
      %reduce_sum3A_4892 = vector.shape_cast %convert_element_type3A_4891 : vector<782x128xi32> to vector<1x782x128xi32>
      %reduce_sum3A_4893 = arith.constant dense<0> : vector<1xi32>
      %reduce_sum3A_4894 = vector.multi_reduction <add>, %reduce_sum3A_4892, %reduce_sum3A_4893 [1, 2] : vector<1x782x128xi32> to vector<1xi32>
      %reduce_sum3A_4895 = vector.shape_cast %reduce_sum3A_4894 : vector<1xi32> to vector<1x1x1xi32>
      %reduce_sum3A_4896 = vector.extract %reduce_sum3A_4895[0, 0, 0] : i32 from vector<1x1x1xi32>
      %add3A_4897 = arith.addi %while3A_4696, %select_n3A_4742 : i32
      %ge3A_4898 = vector.broadcast %add3A_4897 : i32 to vector<782x128xi32>
      %ge3A_4899 = arith.cmpi sge, %get3A_4887, %ge3A_4898 : vector<782x128xi32>
      %convert_element_type3A_4900 = arith.extui %ge3A_4899 : vector<782x128xi1> to vector<782x128xi32>
      %reduce_sum3A_4901 = vector.shape_cast %convert_element_type3A_4900 : vector<782x128xi32> to vector<1x782x128xi32>
      %reduce_sum3A_4902 = arith.constant dense<0> : vector<1xi32>
      %reduce_sum3A_4903 = vector.multi_reduction <add>, %reduce_sum3A_4901, %reduce_sum3A_4902 [1, 2] : vector<1x782x128xi32> to vector<1xi32>
      %reduce_sum3A_4904 = vector.shape_cast %reduce_sum3A_4903 : vector<1xi32> to vector<1x1x1xi32>
      %reduce_sum3A_4905 = vector.extract %reduce_sum3A_4904[0, 0, 0] : i32 from vector<1x1x1xi32>
      %add3A_4906 = arith.addi %add3A_4888, %select_n3A_4742 : i32
      %ge3A_4907 = vector.broadcast %add3A_4906 : i32 to vector<782x128xi32>
      %ge3A_4908 = arith.cmpi sge, %get3A_4887, %ge3A_4907 : vector<782x128xi32>
      %convert_element_type3A_4909 = arith.extui %ge3A_4908 : vector<782x128xi1> to vector<782x128xi32>
      %reduce_sum3A_4910 = vector.shape_cast %convert_element_type3A_4909 : vector<782x128xi32> to vector<1x782x128xi32>
      %reduce_sum3A_4911 = arith.constant dense<0> : vector<1xi32>
      %reduce_sum3A_4912 = vector.multi_reduction <add>, %reduce_sum3A_4910, %reduce_sum3A_4911 [1, 2] : vector<1x782x128xi32> to vector<1xi32>
      %reduce_sum3A_4913 = vector.shape_cast %reduce_sum3A_4912 : vector<1xi32> to vector<1x1x1xi32>
      %reduce_sum3A_4914 = vector.extract %reduce_sum3A_4913[0, 0, 0] : i32 from vector<1x1x1xi32>
      %not3A_4915 = arith.constant true
      %not3A_4916 = arith.xori %while3A_4712, %not3A_4915 : i1
      %ge3A_4917 = arith.cmpi sge, %reduce_sum3A_4896, %while3A : i32
      %and3A_4918 = arith.andi %not3A_4916, %ge3A_4917 : i1
      %select_n3A_4919 = arith.select %and3A_4918, %add3A_4888, %while3A_4696 : i32
      %select_n3A_4920 = arith.select %and3A_4918, %reduce_sum3A_4914, %reduce_sum3A_4905 : i32
      %and3A_4921 = arith.andi %not3A_4916, %lt3A_4732 : i1
      %ge3A_4922 = arith.cmpi sge, %select_n3A_4920, %while3A : i32
      %and3A_4923 = arith.andi %and3A_4921, %ge3A_4922 : i1
      %add3A_4924 = arith.addi %select_n3A_4919, %select_n3A_4742 : i32
      %select_n3A_4925 = arith.select %and3A_4923, %add3A_4924, %select_n3A_4919 : i32
      %eq3A_4926 = arith.cmpi eq, %reduce_sum3A_4896, %while3A : i32
      %eq3A_4927 = arith.cmpi eq, %select_n3A_4920, %while3A : i32
      %or3A_4928 = arith.ori %eq3A_4926, %eq3A_4927 : i1
      %or3A_4929 = arith.ori %while3A_4712, %or3A_4928 : i1
      %get3A_4930 = arith.constant 0 : index
      %get3A_4931 = arith.constant 4 : index
      %get3A_4932 = arith.constant 0 : index
      %get3A_4933 = arith.constant 0 : index
      %get3A_4934 = vector.load %arg4[%get3A_4930, %get3A_4931, %get3A_4932, %get3A_4933] : memref<1x16x782x128xi32, #tpu.memory_space<vmem>>, vector<1x1x782x128xi32>
      %get3A_4935 = vector.shape_cast %get3A_4934 : vector<1x1x782x128xi32> to vector<782x128xi32>
      %add3A_4936 = arith.addi %while3A_4697, %shift_left3A_4730 : i32
      %ge3A_4937 = vector.broadcast %add3A_4936 : i32 to vector<782x128xi32>
      %ge3A_4938 = arith.cmpi sge, %get3A_4935, %ge3A_4937 : vector<782x128xi32>
      %convert_element_type3A_4939 = arith.extui %ge3A_4938 : vector<782x128xi1> to vector<782x128xi32>
      %reduce_sum3A_4940 = vector.shape_cast %convert_element_type3A_4939 : vector<782x128xi32> to vector<1x782x128xi32>
      %reduce_sum3A_4941 = arith.constant dense<0> : vector<1xi32>
      %reduce_sum3A_4942 = vector.multi_reduction <add>, %reduce_sum3A_4940, %reduce_sum3A_4941 [1, 2] : vector<1x782x128xi32> to vector<1xi32>
      %reduce_sum3A_4943 = vector.shape_cast %reduce_sum3A_4942 : vector<1xi32> to vector<1x1x1xi32>
      %reduce_sum3A_4944 = vector.extract %reduce_sum3A_4943[0, 0, 0] : i32 from vector<1x1x1xi32>
      %add3A_4945 = arith.addi %while3A_4697, %select_n3A_4742 : i32
      %ge3A_4946 = vector.broadcast %add3A_4945 : i32 to vector<782x128xi32>
      %ge3A_4947 = arith.cmpi sge, %get3A_4935, %ge3A_4946 : vector<782x128xi32>
      %convert_element_type3A_4948 = arith.extui %ge3A_4947 : vector<782x128xi1> to vector<782x128xi32>
      %reduce_sum3A_4949 = vector.shape_cast %convert_element_type3A_4948 : vector<782x128xi32> to vector<1x782x128xi32>
      %reduce_sum3A_4950 = arith.constant dense<0> : vector<1xi32>
      %reduce_sum3A_4951 = vector.multi_reduction <add>, %reduce_sum3A_4949, %reduce_sum3A_4950 [1, 2] : vector<1x782x128xi32> to vector<1xi32>
      %reduce_sum3A_4952 = vector.shape_cast %reduce_sum3A_4951 : vector<1xi32> to vector<1x1x1xi32>
      %reduce_sum3A_4953 = vector.extract %reduce_sum3A_4952[0, 0, 0] : i32 from vector<1x1x1xi32>
      %add3A_4954 = arith.addi %add3A_4936, %select_n3A_4742 : i32
      %ge3A_4955 = vector.broadcast %add3A_4954 : i32 to vector<782x128xi32>
      %ge3A_4956 = arith.cmpi sge, %get3A_4935, %ge3A_4955 : vector<782x128xi32>
      %convert_element_type3A_4957 = arith.extui %ge3A_4956 : vector<782x128xi1> to vector<782x128xi32>
      %reduce_sum3A_4958 = vector.shape_cast %convert_element_type3A_4957 : vector<782x128xi32> to vector<1x782x128xi32>
      %reduce_sum3A_4959 = arith.constant dense<0> : vector<1xi32>
      %reduce_sum3A_4960 = vector.multi_reduction <add>, %reduce_sum3A_4958, %reduce_sum3A_4959 [1, 2] : vector<1x782x128xi32> to vector<1xi32>
      %reduce_sum3A_4961 = vector.shape_cast %reduce_sum3A_4960 : vector<1xi32> to vector<1x1x1xi32>
      %reduce_sum3A_4962 = vector.extract %reduce_sum3A_4961[0, 0, 0] : i32 from vector<1x1x1xi32>
      %not3A_4963 = arith.constant true
      %not3A_4964 = arith.xori %while3A_4713, %not3A_4963 : i1
      %ge3A_4965 = arith.cmpi sge, %reduce_sum3A_4944, %while3A : i32
      %and3A_4966 = arith.andi %not3A_4964, %ge3A_4965 : i1
      %select_n3A_4967 = arith.select %and3A_4966, %add3A_4936, %while3A_4697 : i32
      %select_n3A_4968 = arith.select %and3A_4966, %reduce_sum3A_4962, %reduce_sum3A_4953 : i32
      %and3A_4969 = arith.andi %not3A_4964, %lt3A_4732 : i1
      %ge3A_4970 = arith.cmpi sge, %select_n3A_4968, %while3A : i32
      %and3A_4971 = arith.andi %and3A_4969, %ge3A_4970 : i1
      %add3A_4972 = arith.addi %select_n3A_4967, %select_n3A_4742 : i32
      %select_n3A_4973 = arith.select %and3A_4971, %add3A_4972, %select_n3A_4967 : i32
      %eq3A_4974 = arith.cmpi eq, %reduce_sum3A_4944, %while3A : i32
      %eq3A_4975 = arith.cmpi eq, %select_n3A_4968, %while3A : i32
      %or3A_4976 = arith.ori %eq3A_4974, %eq3A_4975 : i1
      %or3A_4977 = arith.ori %while3A_4713, %or3A_4976 : i1
      %get3A_4978 = arith.constant 0 : index
      %get3A_4979 = arith.constant 5 : index
      %get3A_4980 = arith.constant 0 : index
      %get3A_4981 = arith.constant 0 : index
      %get3A_4982 = vector.load %arg4[%get3A_4978, %get3A_4979, %get3A_4980, %get3A_4981] : memref<1x16x782x128xi32, #tpu.memory_space<vmem>>, vector<1x1x782x128xi32>
      %get3A_4983 = vector.shape_cast %get3A_4982 : vector<1x1x782x128xi32> to vector<782x128xi32>
      %add3A_4984 = arith.addi %while3A_4698, %shift_left3A_4730 : i32
      %ge3A_4985 = vector.broadcast %add3A_4984 : i32 to vector<782x128xi32>
      %ge3A_4986 = arith.cmpi sge, %get3A_4983, %ge3A_4985 : vector<782x128xi32>
      %convert_element_type3A_4987 = arith.extui %ge3A_4986 : vector<782x128xi1> to vector<782x128xi32>
      %reduce_sum3A_4988 = vector.shape_cast %convert_element_type3A_4987 : vector<782x128xi32> to vector<1x782x128xi32>
      %reduce_sum3A_4989 = arith.constant dense<0> : vector<1xi32>
      %reduce_sum3A_4990 = vector.multi_reduction <add>, %reduce_sum3A_4988, %reduce_sum3A_4989 [1, 2] : vector<1x782x128xi32> to vector<1xi32>
      %reduce_sum3A_4991 = vector.shape_cast %reduce_sum3A_4990 : vector<1xi32> to vector<1x1x1xi32>
      %reduce_sum3A_4992 = vector.extract %reduce_sum3A_4991[0, 0, 0] : i32 from vector<1x1x1xi32>
      %add3A_4993 = arith.addi %while3A_4698, %select_n3A_4742 : i32
      %ge3A_4994 = vector.broadcast %add3A_4993 : i32 to vector<782x128xi32>
      %ge3A_4995 = arith.cmpi sge, %get3A_4983, %ge3A_4994 : vector<782x128xi32>
      %convert_element_type3A_4996 = arith.extui %ge3A_4995 : vector<782x128xi1> to vector<782x128xi32>
      %reduce_sum3A_4997 = vector.shape_cast %convert_element_type3A_4996 : vector<782x128xi32> to vector<1x782x128xi32>
      %reduce_sum3A_4998 = arith.constant dense<0> : vector<1xi32>
      %reduce_sum3A_4999 = vector.multi_reduction <add>, %reduce_sum3A_4997, %reduce_sum3A_4998 [1, 2] : vector<1x782x128xi32> to vector<1xi32>
      %reduce_sum3A_5000 = vector.shape_cast %reduce_sum3A_4999 : vector<1xi32> to vector<1x1x1xi32>
      %reduce_sum3A_5001 = vector.extract %reduce_sum3A_5000[0, 0, 0] : i32 from vector<1x1x1xi32>
      %add3A_5002 = arith.addi %add3A_4984, %select_n3A_4742 : i32
      %ge3A_5003 = vector.broadcast %add3A_5002 : i32 to vector<782x128xi32>
      %ge3A_5004 = arith.cmpi sge, %get3A_4983, %ge3A_5003 : vector<782x128xi32>
      %convert_element_type3A_5005 = arith.extui %ge3A_5004 : vector<782x128xi1> to vector<782x128xi32>
      %reduce_sum3A_5006 = vector.shape_cast %convert_element_type3A_5005 : vector<782x128xi32> to vector<1x782x128xi32>
      %reduce_sum3A_5007 = arith.constant dense<0> : vector<1xi32>
      %reduce_sum3A_5008 = vector.multi_reduction <add>, %reduce_sum3A_5006, %reduce_sum3A_5007 [1, 2] : vector<1x782x128xi32> to vector<1xi32>
      %reduce_sum3A_5009 = vector.shape_cast %reduce_sum3A_5008 : vector<1xi32> to vector<1x1x1xi32>
      %reduce_sum3A_5010 = vector.extract %reduce_sum3A_5009[0, 0, 0] : i32 from vector<1x1x1xi32>
      %not3A_5011 = arith.constant true
      %not3A_5012 = arith.xori %while3A_4714, %not3A_5011 : i1
      %ge3A_5013 = arith.cmpi sge, %reduce_sum3A_4992, %while3A : i32
      %and3A_5014 = arith.andi %not3A_5012, %ge3A_5013 : i1
      %select_n3A_5015 = arith.select %and3A_5014, %add3A_4984, %while3A_4698 : i32
      %select_n3A_5016 = arith.select %and3A_5014, %reduce_sum3A_5010, %reduce_sum3A_5001 : i32
      %and3A_5017 = arith.andi %not3A_5012, %lt3A_4732 : i1
      %ge3A_5018 = arith.cmpi sge, %select_n3A_5016, %while3A : i32
      %and3A_5019 = arith.andi %and3A_5017, %ge3A_5018 : i1
      %add3A_5020 = arith.addi %select_n3A_5015, %select_n3A_4742 : i32
      %select_n3A_5021 = arith.select %and3A_5019, %add3A_5020, %select_n3A_5015 : i32
      %eq3A_5022 = arith.cmpi eq, %reduce_sum3A_4992, %while3A : i32
      %eq3A_5023 = arith.cmpi eq, %select_n3A_5016, %while3A : i32
      %or3A_5024 = arith.ori %eq3A_5022, %eq3A_5023 : i1
      %or3A_5025 = arith.ori %while3A_4714, %or3A_5024 : i1
      %get3A_5026 = arith.constant 0 : index
      %get3A_5027 = arith.constant 6 : index
      %get3A_5028 = arith.constant 0 : index
      %get3A_5029 = arith.constant 0 : index
      %get3A_5030 = vector.load %arg4[%get3A_5026, %get3A_5027, %get3A_5028, %get3A_5029] : memref<1x16x782x128xi32, #tpu.memory_space<vmem>>, vector<1x1x782x128xi32>
      %get3A_5031 = vector.shape_cast %get3A_5030 : vector<1x1x782x128xi32> to vector<782x128xi32>
      %add3A_5032 = arith.addi %while3A_4699, %shift_left3A_4730 : i32
      %ge3A_5033 = vector.broadcast %add3A_5032 : i32 to vector<782x128xi32>
      %ge3A_5034 = arith.cmpi sge, %get3A_5031, %ge3A_5033 : vector<782x128xi32>
      %convert_element_type3A_5035 = arith.extui %ge3A_5034 : vector<782x128xi1> to vector<782x128xi32>
      %reduce_sum3A_5036 = vector.shape_cast %convert_element_type3A_5035 : vector<782x128xi32> to vector<1x782x128xi32>
      %reduce_sum3A_5037 = arith.constant dense<0> : vector<1xi32>
      %reduce_sum3A_5038 = vector.multi_reduction <add>, %reduce_sum3A_5036, %reduce_sum3A_5037 [1, 2] : vector<1x782x128xi32> to vector<1xi32>
      %reduce_sum3A_5039 = vector.shape_cast %reduce_sum3A_5038 : vector<1xi32> to vector<1x1x1xi32>
      %reduce_sum3A_5040 = vector.extract %reduce_sum3A_5039[0, 0, 0] : i32 from vector<1x1x1xi32>
      %add3A_5041 = arith.addi %while3A_4699, %select_n3A_4742 : i32
      %ge3A_5042 = vector.broadcast %add3A_5041 : i32 to vector<782x128xi32>
      %ge3A_5043 = arith.cmpi sge, %get3A_5031, %ge3A_5042 : vector<782x128xi32>
      %convert_element_type3A_5044 = arith.extui %ge3A_5043 : vector<782x128xi1> to vector<782x128xi32>
      %reduce_sum3A_5045 = vector.shape_cast %convert_element_type3A_5044 : vector<782x128xi32> to vector<1x782x128xi32>
      %reduce_sum3A_5046 = arith.constant dense<0> : vector<1xi32>
      %reduce_sum3A_5047 = vector.multi_reduction <add>, %reduce_sum3A_5045, %reduce_sum3A_5046 [1, 2] : vector<1x782x128xi32> to vector<1xi32>
      %reduce_sum3A_5048 = vector.shape_cast %reduce_sum3A_5047 : vector<1xi32> to vector<1x1x1xi32>
      %reduce_sum3A_5049 = vector.extract %reduce_sum3A_5048[0, 0, 0] : i32 from vector<1x1x1xi32>
      %add3A_5050 = arith.addi %add3A_5032, %select_n3A_4742 : i32
      %ge3A_5051 = vector.broadcast %add3A_5050 : i32 to vector<782x128xi32>
      %ge3A_5052 = arith.cmpi sge, %get3A_5031, %ge3A_5051 : vector<782x128xi32>
      %convert_element_type3A_5053 = arith.extui %ge3A_5052 : vector<782x128xi1> to vector<782x128xi32>
      %reduce_sum3A_5054 = vector.shape_cast %convert_element_type3A_5053 : vector<782x128xi32> to vector<1x782x128xi32>
      %reduce_sum3A_5055 = arith.constant dense<0> : vector<1xi32>
      %reduce_sum3A_5056 = vector.multi_reduction <add>, %reduce_sum3A_5054, %reduce_sum3A_5055 [1, 2] : vector<1x782x128xi32> to vector<1xi32>
      %reduce_sum3A_5057 = vector.shape_cast %reduce_sum3A_5056 : vector<1xi32> to vector<1x1x1xi32>
      %reduce_sum3A_5058 = vector.extract %reduce_sum3A_5057[0, 0, 0] : i32 from vector<1x1x1xi32>
      %not3A_5059 = arith.constant true
      %not3A_5060 = arith.xori %while3A_4715, %not3A_5059 : i1
      %ge3A_5061 = arith.cmpi sge, %reduce_sum3A_5040, %while3A : i32
      %and3A_5062 = arith.andi %not3A_5060, %ge3A_5061 : i1
      %select_n3A_5063 = arith.select %and3A_5062, %add3A_5032, %while3A_4699 : i32
      %select_n3A_5064 = arith.select %and3A_5062, %reduce_sum3A_5058, %reduce_sum3A_5049 : i32
      %and3A_5065 = arith.andi %not3A_5060, %lt3A_4732 : i1
      %ge3A_5066 = arith.cmpi sge, %select_n3A_5064, %while3A : i32
      %and3A_5067 = arith.andi %and3A_5065, %ge3A_5066 : i1
      %add3A_5068 = arith.addi %select_n3A_5063, %select_n3A_4742 : i32
      %select_n3A_5069 = arith.select %and3A_5067, %add3A_5068, %select_n3A_5063 : i32
      %eq3A_5070 = arith.cmpi eq, %reduce_sum3A_5040, %while3A : i32
      %eq3A_5071 = arith.cmpi eq, %select_n3A_5064, %while3A : i32
      %or3A_5072 = arith.ori %eq3A_5070, %eq3A_5071 : i1
      %or3A_5073 = arith.ori %while3A_4715, %or3A_5072 : i1
      %get3A_5074 = arith.constant 0 : index
      %get3A_5075 = arith.constant 7 : index
      %get3A_5076 = arith.constant 0 : index
      %get3A_5077 = arith.constant 0 : index
      %get3A_5078 = vector.load %arg4[%get3A_5074, %get3A_5075, %get3A_5076, %get3A_5077] : memref<1x16x782x128xi32, #tpu.memory_space<vmem>>, vector<1x1x782x128xi32>
      %get3A_5079 = vector.shape_cast %get3A_5078 : vector<1x1x782x128xi32> to vector<782x128xi32>
      %add3A_5080 = arith.addi %while3A_4700, %shift_left3A_4730 : i32
      %ge3A_5081 = vector.broadcast %add3A_5080 : i32 to vector<782x128xi32>
      %ge3A_5082 = arith.cmpi sge, %get3A_5079, %ge3A_5081 : vector<782x128xi32>
      %convert_element_type3A_5083 = arith.extui %ge3A_5082 : vector<782x128xi1> to vector<782x128xi32>
      %reduce_sum3A_5084 = vector.shape_cast %convert_element_type3A_5083 : vector<782x128xi32> to vector<1x782x128xi32>
      %reduce_sum3A_5085 = arith.constant dense<0> : vector<1xi32>
      %reduce_sum3A_5086 = vector.multi_reduction <add>, %reduce_sum3A_5084, %reduce_sum3A_5085 [1, 2] : vector<1x782x128xi32> to vector<1xi32>
      %reduce_sum3A_5087 = vector.shape_cast %reduce_sum3A_5086 : vector<1xi32> to vector<1x1x1xi32>
      %reduce_sum3A_5088 = vector.extract %reduce_sum3A_5087[0, 0, 0] : i32 from vector<1x1x1xi32>
      %add3A_5089 = arith.addi %while3A_4700, %select_n3A_4742 : i32
      %ge3A_5090 = vector.broadcast %add3A_5089 : i32 to vector<782x128xi32>
      %ge3A_5091 = arith.cmpi sge, %get3A_5079, %ge3A_5090 : vector<782x128xi32>
      %convert_element_type3A_5092 = arith.extui %ge3A_5091 : vector<782x128xi1> to vector<782x128xi32>
      %reduce_sum3A_5093 = vector.shape_cast %convert_element_type3A_5092 : vector<782x128xi32> to vector<1x782x128xi32>
      %reduce_sum3A_5094 = arith.constant dense<0> : vector<1xi32>
      %reduce_sum3A_5095 = vector.multi_reduction <add>, %reduce_sum3A_5093, %reduce_sum3A_5094 [1, 2] : vector<1x782x128xi32> to vector<1xi32>
      %reduce_sum3A_5096 = vector.shape_cast %reduce_sum3A_5095 : vector<1xi32> to vector<1x1x1xi32>
      %reduce_sum3A_5097 = vector.extract %reduce_sum3A_5096[0, 0, 0] : i32 from vector<1x1x1xi32>
      %add3A_5098 = arith.addi %add3A_5080, %select_n3A_4742 : i32
      %ge3A_5099 = vector.broadcast %add3A_5098 : i32 to vector<782x128xi32>
      %ge3A_5100 = arith.cmpi sge, %get3A_5079, %ge3A_5099 : vector<782x128xi32>
      %convert_element_type3A_5101 = arith.extui %ge3A_5100 : vector<782x128xi1> to vector<782x128xi32>
      %reduce_sum3A_5102 = vector.shape_cast %convert_element_type3A_5101 : vector<782x128xi32> to vector<1x782x128xi32>
      %reduce_sum3A_5103 = arith.constant dense<0> : vector<1xi32>
      %reduce_sum3A_5104 = vector.multi_reduction <add>, %reduce_sum3A_5102, %reduce_sum3A_5103 [1, 2] : vector<1x782x128xi32> to vector<1xi32>
      %reduce_sum3A_5105 = vector.shape_cast %reduce_sum3A_5104 : vector<1xi32> to vector<1x1x1xi32>
      %reduce_sum3A_5106 = vector.extract %reduce_sum3A_5105[0, 0, 0] : i32 from vector<1x1x1xi32>
      %not3A_5107 = arith.constant true
      %not3A_5108 = arith.xori %while3A_4716, %not3A_5107 : i1
      %ge3A_5109 = arith.cmpi sge, %reduce_sum3A_5088, %while3A : i32
      %and3A_5110 = arith.andi %not3A_5108, %ge3A_5109 : i1
      %select_n3A_5111 = arith.select %and3A_5110, %add3A_5080, %while3A_4700 : i32
      %select_n3A_5112 = arith.select %and3A_5110, %reduce_sum3A_5106, %reduce_sum3A_5097 : i32
      %and3A_5113 = arith.andi %not3A_5108, %lt3A_4732 : i1
      %ge3A_5114 = arith.cmpi sge, %select_n3A_5112, %while3A : i32
      %and3A_5115 = arith.andi %and3A_5113, %ge3A_5114 : i1
      %add3A_5116 = arith.addi %select_n3A_5111, %select_n3A_4742 : i32
      %select_n3A_5117 = arith.select %and3A_5115, %add3A_5116, %select_n3A_5111 : i32
      %eq3A_5118 = arith.cmpi eq, %reduce_sum3A_5088, %while3A : i32
      %eq3A_5119 = arith.cmpi eq, %select_n3A_5112, %while3A : i32
      %or3A_5120 = arith.ori %eq3A_5118, %eq3A_5119 : i1
      %or3A_5121 = arith.ori %while3A_4716, %or3A_5120 : i1
      %get3A_5122 = arith.constant 0 : index
      %get3A_5123 = arith.constant 8 : index
      %get3A_5124 = arith.constant 0 : index
      %get3A_5125 = arith.constant 0 : index
      %get3A_5126 = vector.load %arg4[%get3A_5122, %get3A_5123, %get3A_5124, %get3A_5125] : memref<1x16x782x128xi32, #tpu.memory_space<vmem>>, vector<1x1x782x128xi32>
      %get3A_5127 = vector.shape_cast %get3A_5126 : vector<1x1x782x128xi32> to vector<782x128xi32>
      %add3A_5128 = arith.addi %while3A_4701, %shift_left3A_4730 : i32
      %ge3A_5129 = vector.broadcast %add3A_5128 : i32 to vector<782x128xi32>
      %ge3A_5130 = arith.cmpi sge, %get3A_5127, %ge3A_5129 : vector<782x128xi32>
      %convert_element_type3A_5131 = arith.extui %ge3A_5130 : vector<782x128xi1> to vector<782x128xi32>
      %reduce_sum3A_5132 = vector.shape_cast %convert_element_type3A_5131 : vector<782x128xi32> to vector<1x782x128xi32>
      %reduce_sum3A_5133 = arith.constant dense<0> : vector<1xi32>
      %reduce_sum3A_5134 = vector.multi_reduction <add>, %reduce_sum3A_5132, %reduce_sum3A_5133 [1, 2] : vector<1x782x128xi32> to vector<1xi32>
      %reduce_sum3A_5135 = vector.shape_cast %reduce_sum3A_5134 : vector<1xi32> to vector<1x1x1xi32>
      %reduce_sum3A_5136 = vector.extract %reduce_sum3A_5135[0, 0, 0] : i32 from vector<1x1x1xi32>
      %add3A_5137 = arith.addi %while3A_4701, %select_n3A_4742 : i32
      %ge3A_5138 = vector.broadcast %add3A_5137 : i32 to vector<782x128xi32>
      %ge3A_5139 = arith.cmpi sge, %get3A_5127, %ge3A_5138 : vector<782x128xi32>
      %convert_element_type3A_5140 = arith.extui %ge3A_5139 : vector<782x128xi1> to vector<782x128xi32>
      %reduce_sum3A_5141 = vector.shape_cast %convert_element_type3A_5140 : vector<782x128xi32> to vector<1x782x128xi32>
      %reduce_sum3A_5142 = arith.constant dense<0> : vector<1xi32>
      %reduce_sum3A_5143 = vector.multi_reduction <add>, %reduce_sum3A_5141, %reduce_sum3A_5142 [1, 2] : vector<1x782x128xi32> to vector<1xi32>
      %reduce_sum3A_5144 = vector.shape_cast %reduce_sum3A_5143 : vector<1xi32> to vector<1x1x1xi32>
      %reduce_sum3A_5145 = vector.extract %reduce_sum3A_5144[0, 0, 0] : i32 from vector<1x1x1xi32>
      %add3A_5146 = arith.addi %add3A_5128, %select_n3A_4742 : i32
      %ge3A_5147 = vector.broadcast %add3A_5146 : i32 to vector<782x128xi32>
      %ge3A_5148 = arith.cmpi sge, %get3A_5127, %ge3A_5147 : vector<782x128xi32>
      %convert_element_type3A_5149 = arith.extui %ge3A_5148 : vector<782x128xi1> to vector<782x128xi32>
      %reduce_sum3A_5150 = vector.shape_cast %convert_element_type3A_5149 : vector<782x128xi32> to vector<1x782x128xi32>
      %reduce_sum3A_5151 = arith.constant dense<0> : vector<1xi32>
      %reduce_sum3A_5152 = vector.multi_reduction <add>, %reduce_sum3A_5150, %reduce_sum3A_5151 [1, 2] : vector<1x782x128xi32> to vector<1xi32>
      %reduce_sum3A_5153 = vector.shape_cast %reduce_sum3A_5152 : vector<1xi32> to vector<1x1x1xi32>
      %reduce_sum3A_5154 = vector.extract %reduce_sum3A_5153[0, 0, 0] : i32 from vector<1x1x1xi32>
      %not3A_5155 = arith.constant true
      %not3A_5156 = arith.xori %while3A_4717, %not3A_5155 : i1
      %ge3A_5157 = arith.cmpi sge, %reduce_sum3A_5136, %while3A : i32
      %and3A_5158 = arith.andi %not3A_5156, %ge3A_5157 : i1
      %select_n3A_5159 = arith.select %and3A_5158, %add3A_5128, %while3A_4701 : i32
      %select_n3A_5160 = arith.select %and3A_5158, %reduce_sum3A_5154, %reduce_sum3A_5145 : i32
      %and3A_5161 = arith.andi %not3A_5156, %lt3A_4732 : i1
      %ge3A_5162 = arith.cmpi sge, %select_n3A_5160, %while3A : i32
      %and3A_5163 = arith.andi %and3A_5161, %ge3A_5162 : i1
      %add3A_5164 = arith.addi %select_n3A_5159, %select_n3A_4742 : i32
      %select_n3A_5165 = arith.select %and3A_5163, %add3A_5164, %select_n3A_5159 : i32
      %eq3A_5166 = arith.cmpi eq, %reduce_sum3A_5136, %while3A : i32
      %eq3A_5167 = arith.cmpi eq, %select_n3A_5160, %while3A : i32
      %or3A_5168 = arith.ori %eq3A_5166, %eq3A_5167 : i1
      %or3A_5169 = arith.ori %while3A_4717, %or3A_5168 : i1
      %get3A_5170 = arith.constant 0 : index
      %get3A_5171 = arith.constant 9 : index
      %get3A_5172 = arith.constant 0 : index
      %get3A_5173 = arith.constant 0 : index
      %get3A_5174 = vector.load %arg4[%get3A_5170, %get3A_5171, %get3A_5172, %get3A_5173] : memref<1x16x782x128xi32, #tpu.memory_space<vmem>>, vector<1x1x782x128xi32>
      %get3A_5175 = vector.shape_cast %get3A_5174 : vector<1x1x782x128xi32> to vector<782x128xi32>
      %add3A_5176 = arith.addi %while3A_4702, %shift_left3A_4730 : i32
      %ge3A_5177 = vector.broadcast %add3A_5176 : i32 to vector<782x128xi32>
      %ge3A_5178 = arith.cmpi sge, %get3A_5175, %ge3A_5177 : vector<782x128xi32>
      %convert_element_type3A_5179 = arith.extui %ge3A_5178 : vector<782x128xi1> to vector<782x128xi32>
      %reduce_sum3A_5180 = vector.shape_cast %convert_element_type3A_5179 : vector<782x128xi32> to vector<1x782x128xi32>
      %reduce_sum3A_5181 = arith.constant dense<0> : vector<1xi32>
      %reduce_sum3A_5182 = vector.multi_reduction <add>, %reduce_sum3A_5180, %reduce_sum3A_5181 [1, 2] : vector<1x782x128xi32> to vector<1xi32>
      %reduce_sum3A_5183 = vector.shape_cast %reduce_sum3A_5182 : vector<1xi32> to vector<1x1x1xi32>
      %reduce_sum3A_5184 = vector.extract %reduce_sum3A_5183[0, 0, 0] : i32 from vector<1x1x1xi32>
      %add3A_5185 = arith.addi %while3A_4702, %select_n3A_4742 : i32
      %ge3A_5186 = vector.broadcast %add3A_5185 : i32 to vector<782x128xi32>
      %ge3A_5187 = arith.cmpi sge, %get3A_5175, %ge3A_5186 : vector<782x128xi32>
      %convert_element_type3A_5188 = arith.extui %ge3A_5187 : vector<782x128xi1> to vector<782x128xi32>
      %reduce_sum3A_5189 = vector.shape_cast %convert_element_type3A_5188 : vector<782x128xi32> to vector<1x782x128xi32>
      %reduce_sum3A_5190 = arith.constant dense<0> : vector<1xi32>
      %reduce_sum3A_5191 = vector.multi_reduction <add>, %reduce_sum3A_5189, %reduce_sum3A_5190 [1, 2] : vector<1x782x128xi32> to vector<1xi32>
      %reduce_sum3A_5192 = vector.shape_cast %reduce_sum3A_5191 : vector<1xi32> to vector<1x1x1xi32>
      %reduce_sum3A_5193 = vector.extract %reduce_sum3A_5192[0, 0, 0] : i32 from vector<1x1x1xi32>
      %add3A_5194 = arith.addi %add3A_5176, %select_n3A_4742 : i32
      %ge3A_5195 = vector.broadcast %add3A_5194 : i32 to vector<782x128xi32>
      %ge3A_5196 = arith.cmpi sge, %get3A_5175, %ge3A_5195 : vector<782x128xi32>
      %convert_element_type3A_5197 = arith.extui %ge3A_5196 : vector<782x128xi1> to vector<782x128xi32>
      %reduce_sum3A_5198 = vector.shape_cast %convert_element_type3A_5197 : vector<782x128xi32> to vector<1x782x128xi32>
      %reduce_sum3A_5199 = arith.constant dense<0> : vector<1xi32>
      %reduce_sum3A_5200 = vector.multi_reduction <add>, %reduce_sum3A_5198, %reduce_sum3A_5199 [1, 2] : vector<1x782x128xi32> to vector<1xi32>
      %reduce_sum3A_5201 = vector.shape_cast %reduce_sum3A_5200 : vector<1xi32> to vector<1x1x1xi32>
      %reduce_sum3A_5202 = vector.extract %reduce_sum3A_5201[0, 0, 0] : i32 from vector<1x1x1xi32>
      %not3A_5203 = arith.constant true
      %not3A_5204 = arith.xori %while3A_4718, %not3A_5203 : i1
      %ge3A_5205 = arith.cmpi sge, %reduce_sum3A_5184, %while3A : i32
      %and3A_5206 = arith.andi %not3A_5204, %ge3A_5205 : i1
      %select_n3A_5207 = arith.select %and3A_5206, %add3A_5176, %while3A_4702 : i32
      %select_n3A_5208 = arith.select %and3A_5206, %reduce_sum3A_5202, %reduce_sum3A_5193 : i32
      %and3A_5209 = arith.andi %not3A_5204, %lt3A_4732 : i1
      %ge3A_5210 = arith.cmpi sge, %select_n3A_5208, %while3A : i32
      %and3A_5211 = arith.andi %and3A_5209, %ge3A_5210 : i1
      %add3A_5212 = arith.addi %select_n3A_5207, %select_n3A_4742 : i32
      %select_n3A_5213 = arith.select %and3A_5211, %add3A_5212, %select_n3A_5207 : i32
      %eq3A_5214 = arith.cmpi eq, %reduce_sum3A_5184, %while3A : i32
      %eq3A_5215 = arith.cmpi eq, %select_n3A_5208, %while3A : i32
      %or3A_5216 = arith.ori %eq3A_5214, %eq3A_5215 : i1
      %or3A_5217 = arith.ori %while3A_4718, %or3A_5216 : i1
      %get3A_5218 = arith.constant 0 : index
      %get3A_5219 = arith.constant 10 : index
      %get3A_5220 = arith.constant 0 : index
      %get3A_5221 = arith.constant 0 : index
      %get3A_5222 = vector.load %arg4[%get3A_5218, %get3A_5219, %get3A_5220, %get3A_5221] : memref<1x16x782x128xi32, #tpu.memory_space<vmem>>, vector<1x1x782x128xi32>
      %get3A_5223 = vector.shape_cast %get3A_5222 : vector<1x1x782x128xi32> to vector<782x128xi32>
      %add3A_5224 = arith.addi %while3A_4703, %shift_left3A_4730 : i32
      %ge3A_5225 = vector.broadcast %add3A_5224 : i32 to vector<782x128xi32>
      %ge3A_5226 = arith.cmpi sge, %get3A_5223, %ge3A_5225 : vector<782x128xi32>
      %convert_element_type3A_5227 = arith.extui %ge3A_5226 : vector<782x128xi1> to vector<782x128xi32>
      %reduce_sum3A_5228 = vector.shape_cast %convert_element_type3A_5227 : vector<782x128xi32> to vector<1x782x128xi32>
      %reduce_sum3A_5229 = arith.constant dense<0> : vector<1xi32>
      %reduce_sum3A_5230 = vector.multi_reduction <add>, %reduce_sum3A_5228, %reduce_sum3A_5229 [1, 2] : vector<1x782x128xi32> to vector<1xi32>
      %reduce_sum3A_5231 = vector.shape_cast %reduce_sum3A_5230 : vector<1xi32> to vector<1x1x1xi32>
      %reduce_sum3A_5232 = vector.extract %reduce_sum3A_5231[0, 0, 0] : i32 from vector<1x1x1xi32>
      %add3A_5233 = arith.addi %while3A_4703, %select_n3A_4742 : i32
      %ge3A_5234 = vector.broadcast %add3A_5233 : i32 to vector<782x128xi32>
      %ge3A_5235 = arith.cmpi sge, %get3A_5223, %ge3A_5234 : vector<782x128xi32>
      %convert_element_type3A_5236 = arith.extui %ge3A_5235 : vector<782x128xi1> to vector<782x128xi32>
      %reduce_sum3A_5237 = vector.shape_cast %convert_element_type3A_5236 : vector<782x128xi32> to vector<1x782x128xi32>
      %reduce_sum3A_5238 = arith.constant dense<0> : vector<1xi32>
      %reduce_sum3A_5239 = vector.multi_reduction <add>, %reduce_sum3A_5237, %reduce_sum3A_5238 [1, 2] : vector<1x782x128xi32> to vector<1xi32>
      %reduce_sum3A_5240 = vector.shape_cast %reduce_sum3A_5239 : vector<1xi32> to vector<1x1x1xi32>
      %reduce_sum3A_5241 = vector.extract %reduce_sum3A_5240[0, 0, 0] : i32 from vector<1x1x1xi32>
      %add3A_5242 = arith.addi %add3A_5224, %select_n3A_4742 : i32
      %ge3A_5243 = vector.broadcast %add3A_5242 : i32 to vector<782x128xi32>
      %ge3A_5244 = arith.cmpi sge, %get3A_5223, %ge3A_5243 : vector<782x128xi32>
      %convert_element_type3A_5245 = arith.extui %ge3A_5244 : vector<782x128xi1> to vector<782x128xi32>
      %reduce_sum3A_5246 = vector.shape_cast %convert_element_type3A_5245 : vector<782x128xi32> to vector<1x782x128xi32>
      %reduce_sum3A_5247 = arith.constant dense<0> : vector<1xi32>
      %reduce_sum3A_5248 = vector.multi_reduction <add>, %reduce_sum3A_5246, %reduce_sum3A_5247 [1, 2] : vector<1x782x128xi32> to vector<1xi32>
      %reduce_sum3A_5249 = vector.shape_cast %reduce_sum3A_5248 : vector<1xi32> to vector<1x1x1xi32>
      %reduce_sum3A_5250 = vector.extract %reduce_sum3A_5249[0, 0, 0] : i32 from vector<1x1x1xi32>
      %not3A_5251 = arith.constant true
      %not3A_5252 = arith.xori %while3A_4719, %not3A_5251 : i1
      %ge3A_5253 = arith.cmpi sge, %reduce_sum3A_5232, %while3A : i32
      %and3A_5254 = arith.andi %not3A_5252, %ge3A_5253 : i1
      %select_n3A_5255 = arith.select %and3A_5254, %add3A_5224, %while3A_4703 : i32
      %select_n3A_5256 = arith.select %and3A_5254, %reduce_sum3A_5250, %reduce_sum3A_5241 : i32
      %and3A_5257 = arith.andi %not3A_5252, %lt3A_4732 : i1
      %ge3A_5258 = arith.cmpi sge, %select_n3A_5256, %while3A : i32
      %and3A_5259 = arith.andi %and3A_5257, %ge3A_5258 : i1
      %add3A_5260 = arith.addi %select_n3A_5255, %select_n3A_4742 : i32
      %select_n3A_5261 = arith.select %and3A_5259, %add3A_5260, %select_n3A_5255 : i32
      %eq3A_5262 = arith.cmpi eq, %reduce_sum3A_5232, %while3A : i32
      %eq3A_5263 = arith.cmpi eq, %select_n3A_5256, %while3A : i32
      %or3A_5264 = arith.ori %eq3A_5262, %eq3A_5263 : i1
      %or3A_5265 = arith.ori %while3A_4719, %or3A_5264 : i1
      %get3A_5266 = arith.constant 0 : index
      %get3A_5267 = arith.constant 11 : index
      %get3A_5268 = arith.constant 0 : index
      %get3A_5269 = arith.constant 0 : index
      %get3A_5270 = vector.load %arg4[%get3A_5266, %get3A_5267, %get3A_5268, %get3A_5269] : memref<1x16x782x128xi32, #tpu.memory_space<vmem>>, vector<1x1x782x128xi32>
      %get3A_5271 = vector.shape_cast %get3A_5270 : vector<1x1x782x128xi32> to vector<782x128xi32>
      %add3A_5272 = arith.addi %while3A_4704, %shift_left3A_4730 : i32
      %ge3A_5273 = vector.broadcast %add3A_5272 : i32 to vector<782x128xi32>
      %ge3A_5274 = arith.cmpi sge, %get3A_5271, %ge3A_5273 : vector<782x128xi32>
      %convert_element_type3A_5275 = arith.extui %ge3A_5274 : vector<782x128xi1> to vector<782x128xi32>
      %reduce_sum3A_5276 = vector.shape_cast %convert_element_type3A_5275 : vector<782x128xi32> to vector<1x782x128xi32>
      %reduce_sum3A_5277 = arith.constant dense<0> : vector<1xi32>
      %reduce_sum3A_5278 = vector.multi_reduction <add>, %reduce_sum3A_5276, %reduce_sum3A_5277 [1, 2] : vector<1x782x128xi32> to vector<1xi32>
      %reduce_sum3A_5279 = vector.shape_cast %reduce_sum3A_5278 : vector<1xi32> to vector<1x1x1xi32>
      %reduce_sum3A_5280 = vector.extract %reduce_sum3A_5279[0, 0, 0] : i32 from vector<1x1x1xi32>
      %add3A_5281 = arith.addi %while3A_4704, %select_n3A_4742 : i32
      %ge3A_5282 = vector.broadcast %add3A_5281 : i32 to vector<782x128xi32>
      %ge3A_5283 = arith.cmpi sge, %get3A_5271, %ge3A_5282 : vector<782x128xi32>
      %convert_element_type3A_5284 = arith.extui %ge3A_5283 : vector<782x128xi1> to vector<782x128xi32>
      %reduce_sum3A_5285 = vector.shape_cast %convert_element_type3A_5284 : vector<782x128xi32> to vector<1x782x128xi32>
      %reduce_sum3A_5286 = arith.constant dense<0> : vector<1xi32>
      %reduce_sum3A_5287 = vector.multi_reduction <add>, %reduce_sum3A_5285, %reduce_sum3A_5286 [1, 2] : vector<1x782x128xi32> to vector<1xi32>
      %reduce_sum3A_5288 = vector.shape_cast %reduce_sum3A_5287 : vector<1xi32> to vector<1x1x1xi32>
      %reduce_sum3A_5289 = vector.extract %reduce_sum3A_5288[0, 0, 0] : i32 from vector<1x1x1xi32>
      %add3A_5290 = arith.addi %add3A_5272, %select_n3A_4742 : i32
      %ge3A_5291 = vector.broadcast %add3A_5290 : i32 to vector<782x128xi32>
      %ge3A_5292 = arith.cmpi sge, %get3A_5271, %ge3A_5291 : vector<782x128xi32>
      %convert_element_type3A_5293 = arith.extui %ge3A_5292 : vector<782x128xi1> to vector<782x128xi32>
      %reduce_sum3A_5294 = vector.shape_cast %convert_element_type3A_5293 : vector<782x128xi32> to vector<1x782x128xi32>
      %reduce_sum3A_5295 = arith.constant dense<0> : vector<1xi32>
      %reduce_sum3A_5296 = vector.multi_reduction <add>, %reduce_sum3A_5294, %reduce_sum3A_5295 [1, 2] : vector<1x782x128xi32> to vector<1xi32>
      %reduce_sum3A_5297 = vector.shape_cast %reduce_sum3A_5296 : vector<1xi32> to vector<1x1x1xi32>
      %reduce_sum3A_5298 = vector.extract %reduce_sum3A_5297[0, 0, 0] : i32 from vector<1x1x1xi32>
      %not3A_5299 = arith.constant true
      %not3A_5300 = arith.xori %while3A_4720, %not3A_5299 : i1
      %ge3A_5301 = arith.cmpi sge, %reduce_sum3A_5280, %while3A : i32
      %and3A_5302 = arith.andi %not3A_5300, %ge3A_5301 : i1
      %select_n3A_5303 = arith.select %and3A_5302, %add3A_5272, %while3A_4704 : i32
      %select_n3A_5304 = arith.select %and3A_5302, %reduce_sum3A_5298, %reduce_sum3A_5289 : i32
      %and3A_5305 = arith.andi %not3A_5300, %lt3A_4732 : i1
      %ge3A_5306 = arith.cmpi sge, %select_n3A_5304, %while3A : i32
      %and3A_5307 = arith.andi %and3A_5305, %ge3A_5306 : i1
      %add3A_5308 = arith.addi %select_n3A_5303, %select_n3A_4742 : i32
      %select_n3A_5309 = arith.select %and3A_5307, %add3A_5308, %select_n3A_5303 : i32
      %eq3A_5310 = arith.cmpi eq, %reduce_sum3A_5280, %while3A : i32
      %eq3A_5311 = arith.cmpi eq, %select_n3A_5304, %while3A : i32
      %or3A_5312 = arith.ori %eq3A_5310, %eq3A_5311 : i1
      %or3A_5313 = arith.ori %while3A_4720, %or3A_5312 : i1
      %get3A_5314 = arith.constant 0 : index
      %get3A_5315 = arith.constant 12 : index
      %get3A_5316 = arith.constant 0 : index
      %get3A_5317 = arith.constant 0 : index
      %get3A_5318 = vector.load %arg4[%get3A_5314, %get3A_5315, %get3A_5316, %get3A_5317] : memref<1x16x782x128xi32, #tpu.memory_space<vmem>>, vector<1x1x782x128xi32>
      %get3A_5319 = vector.shape_cast %get3A_5318 : vector<1x1x782x128xi32> to vector<782x128xi32>
      %add3A_5320 = arith.addi %while3A_4705, %shift_left3A_4730 : i32
      %ge3A_5321 = vector.broadcast %add3A_5320 : i32 to vector<782x128xi32>
      %ge3A_5322 = arith.cmpi sge, %get3A_5319, %ge3A_5321 : vector<782x128xi32>
      %convert_element_type3A_5323 = arith.extui %ge3A_5322 : vector<782x128xi1> to vector<782x128xi32>
      %reduce_sum3A_5324 = vector.shape_cast %convert_element_type3A_5323 : vector<782x128xi32> to vector<1x782x128xi32>
      %reduce_sum3A_5325 = arith.constant dense<0> : vector<1xi32>
      %reduce_sum3A_5326 = vector.multi_reduction <add>, %reduce_sum3A_5324, %reduce_sum3A_5325 [1, 2] : vector<1x782x128xi32> to vector<1xi32>
      %reduce_sum3A_5327 = vector.shape_cast %reduce_sum3A_5326 : vector<1xi32> to vector<1x1x1xi32>
      %reduce_sum3A_5328 = vector.extract %reduce_sum3A_5327[0, 0, 0] : i32 from vector<1x1x1xi32>
      %add3A_5329 = arith.addi %while3A_4705, %select_n3A_4742 : i32
      %ge3A_5330 = vector.broadcast %add3A_5329 : i32 to vector<782x128xi32>
      %ge3A_5331 = arith.cmpi sge, %get3A_5319, %ge3A_5330 : vector<782x128xi32>
      %convert_element_type3A_5332 = arith.extui %ge3A_5331 : vector<782x128xi1> to vector<782x128xi32>
      %reduce_sum3A_5333 = vector.shape_cast %convert_element_type3A_5332 : vector<782x128xi32> to vector<1x782x128xi32>
      %reduce_sum3A_5334 = arith.constant dense<0> : vector<1xi32>
      %reduce_sum3A_5335 = vector.multi_reduction <add>, %reduce_sum3A_5333, %reduce_sum3A_5334 [1, 2] : vector<1x782x128xi32> to vector<1xi32>
      %reduce_sum3A_5336 = vector.shape_cast %reduce_sum3A_5335 : vector<1xi32> to vector<1x1x1xi32>
      %reduce_sum3A_5337 = vector.extract %reduce_sum3A_5336[0, 0, 0] : i32 from vector<1x1x1xi32>
      %add3A_5338 = arith.addi %add3A_5320, %select_n3A_4742 : i32
      %ge3A_5339 = vector.broadcast %add3A_5338 : i32 to vector<782x128xi32>
      %ge3A_5340 = arith.cmpi sge, %get3A_5319, %ge3A_5339 : vector<782x128xi32>
      %convert_element_type3A_5341 = arith.extui %ge3A_5340 : vector<782x128xi1> to vector<782x128xi32>
      %reduce_sum3A_5342 = vector.shape_cast %convert_element_type3A_5341 : vector<782x128xi32> to vector<1x782x128xi32>
      %reduce_sum3A_5343 = arith.constant dense<0> : vector<1xi32>
      %reduce_sum3A_5344 = vector.multi_reduction <add>, %reduce_sum3A_5342, %reduce_sum3A_5343 [1, 2] : vector<1x782x128xi32> to vector<1xi32>
      %reduce_sum3A_5345 = vector.shape_cast %reduce_sum3A_5344 : vector<1xi32> to vector<1x1x1xi32>
      %reduce_sum3A_5346 = vector.extract %reduce_sum3A_5345[0, 0, 0] : i32 from vector<1x1x1xi32>
      %not3A_5347 = arith.constant true
      %not3A_5348 = arith.xori %while3A_4721, %not3A_5347 : i1
      %ge3A_5349 = arith.cmpi sge, %reduce_sum3A_5328, %while3A : i32
      %and3A_5350 = arith.andi %not3A_5348, %ge3A_5349 : i1
      %select_n3A_5351 = arith.select %and3A_5350, %add3A_5320, %while3A_4705 : i32
      %select_n3A_5352 = arith.select %and3A_5350, %reduce_sum3A_5346, %reduce_sum3A_5337 : i32
      %and3A_5353 = arith.andi %not3A_5348, %lt3A_4732 : i1
      %ge3A_5354 = arith.cmpi sge, %select_n3A_5352, %while3A : i32
      %and3A_5355 = arith.andi %and3A_5353, %ge3A_5354 : i1
      %add3A_5356 = arith.addi %select_n3A_5351, %select_n3A_4742 : i32
      %select_n3A_5357 = arith.select %and3A_5355, %add3A_5356, %select_n3A_5351 : i32
      %eq3A_5358 = arith.cmpi eq, %reduce_sum3A_5328, %while3A : i32
      %eq3A_5359 = arith.cmpi eq, %select_n3A_5352, %while3A : i32
      %or3A_5360 = arith.ori %eq3A_5358, %eq3A_5359 : i1
      %or3A_5361 = arith.ori %while3A_4721, %or3A_5360 : i1
      %get3A_5362 = arith.constant 0 : index
      %get3A_5363 = arith.constant 13 : index
      %get3A_5364 = arith.constant 0 : index
      %get3A_5365 = arith.constant 0 : index
      %get3A_5366 = vector.load %arg4[%get3A_5362, %get3A_5363, %get3A_5364, %get3A_5365] : memref<1x16x782x128xi32, #tpu.memory_space<vmem>>, vector<1x1x782x128xi32>
      %get3A_5367 = vector.shape_cast %get3A_5366 : vector<1x1x782x128xi32> to vector<782x128xi32>
      %add3A_5368 = arith.addi %while3A_4706, %shift_left3A_4730 : i32
      %ge3A_5369 = vector.broadcast %add3A_5368 : i32 to vector<782x128xi32>
      %ge3A_5370 = arith.cmpi sge, %get3A_5367, %ge3A_5369 : vector<782x128xi32>
      %convert_element_type3A_5371 = arith.extui %ge3A_5370 : vector<782x128xi1> to vector<782x128xi32>
      %reduce_sum3A_5372 = vector.shape_cast %convert_element_type3A_5371 : vector<782x128xi32> to vector<1x782x128xi32>
      %reduce_sum3A_5373 = arith.constant dense<0> : vector<1xi32>
      %reduce_sum3A_5374 = vector.multi_reduction <add>, %reduce_sum3A_5372, %reduce_sum3A_5373 [1, 2] : vector<1x782x128xi32> to vector<1xi32>
      %reduce_sum3A_5375 = vector.shape_cast %reduce_sum3A_5374 : vector<1xi32> to vector<1x1x1xi32>
      %reduce_sum3A_5376 = vector.extract %reduce_sum3A_5375[0, 0, 0] : i32 from vector<1x1x1xi32>
      %add3A_5377 = arith.addi %while3A_4706, %select_n3A_4742 : i32
      %ge3A_5378 = vector.broadcast %add3A_5377 : i32 to vector<782x128xi32>
      %ge3A_5379 = arith.cmpi sge, %get3A_5367, %ge3A_5378 : vector<782x128xi32>
      %convert_element_type3A_5380 = arith.extui %ge3A_5379 : vector<782x128xi1> to vector<782x128xi32>
      %reduce_sum3A_5381 = vector.shape_cast %convert_element_type3A_5380 : vector<782x128xi32> to vector<1x782x128xi32>
      %reduce_sum3A_5382 = arith.constant dense<0> : vector<1xi32>
      %reduce_sum3A_5383 = vector.multi_reduction <add>, %reduce_sum3A_5381, %reduce_sum3A_5382 [1, 2] : vector<1x782x128xi32> to vector<1xi32>
      %reduce_sum3A_5384 = vector.shape_cast %reduce_sum3A_5383 : vector<1xi32> to vector<1x1x1xi32>
      %reduce_sum3A_5385 = vector.extract %reduce_sum3A_5384[0, 0, 0] : i32 from vector<1x1x1xi32>
      %add3A_5386 = arith.addi %add3A_5368, %select_n3A_4742 : i32
      %ge3A_5387 = vector.broadcast %add3A_5386 : i32 to vector<782x128xi32>
      %ge3A_5388 = arith.cmpi sge, %get3A_5367, %ge3A_5387 : vector<782x128xi32>
      %convert_element_type3A_5389 = arith.extui %ge3A_5388 : vector<782x128xi1> to vector<782x128xi32>
      %reduce_sum3A_5390 = vector.shape_cast %convert_element_type3A_5389 : vector<782x128xi32> to vector<1x782x128xi32>
      %reduce_sum3A_5391 = arith.constant dense<0> : vector<1xi32>
      %reduce_sum3A_5392 = vector.multi_reduction <add>, %reduce_sum3A_5390, %reduce_sum3A_5391 [1, 2] : vector<1x782x128xi32> to vector<1xi32>
      %reduce_sum3A_5393 = vector.shape_cast %reduce_sum3A_5392 : vector<1xi32> to vector<1x1x1xi32>
      %reduce_sum3A_5394 = vector.extract %reduce_sum3A_5393[0, 0, 0] : i32 from vector<1x1x1xi32>
      %not3A_5395 = arith.constant true
      %not3A_5396 = arith.xori %while3A_4722, %not3A_5395 : i1
      %ge3A_5397 = arith.cmpi sge, %reduce_sum3A_5376, %while3A : i32
      %and3A_5398 = arith.andi %not3A_5396, %ge3A_5397 : i1
      %select_n3A_5399 = arith.select %and3A_5398, %add3A_5368, %while3A_4706 : i32
      %select_n3A_5400 = arith.select %and3A_5398, %reduce_sum3A_5394, %reduce_sum3A_5385 : i32
      %and3A_5401 = arith.andi %not3A_5396, %lt3A_4732 : i1
      %ge3A_5402 = arith.cmpi sge, %select_n3A_5400, %while3A : i32
      %and3A_5403 = arith.andi %and3A_5401, %ge3A_5402 : i1
      %add3A_5404 = arith.addi %select_n3A_5399, %select_n3A_4742 : i32
      %select_n3A_5405 = arith.select %and3A_5403, %add3A_5404, %select_n3A_5399 : i32
      %eq3A_5406 = arith.cmpi eq, %reduce_sum3A_5376, %while3A : i32
      %eq3A_5407 = arith.cmpi eq, %select_n3A_5400, %while3A : i32
      %or3A_5408 = arith.ori %eq3A_5406, %eq3A_5407 : i1
      %or3A_5409 = arith.ori %while3A_4722, %or3A_5408 : i1
      %get3A_5410 = arith.constant 0 : index
      %get3A_5411 = arith.constant 14 : index
      %get3A_5412 = arith.constant 0 : index
      %get3A_5413 = arith.constant 0 : index
      %get3A_5414 = vector.load %arg4[%get3A_5410, %get3A_5411, %get3A_5412, %get3A_5413] : memref<1x16x782x128xi32, #tpu.memory_space<vmem>>, vector<1x1x782x128xi32>
      %get3A_5415 = vector.shape_cast %get3A_5414 : vector<1x1x782x128xi32> to vector<782x128xi32>
      %add3A_5416 = arith.addi %while3A_4707, %shift_left3A_4730 : i32
      %ge3A_5417 = vector.broadcast %add3A_5416 : i32 to vector<782x128xi32>
      %ge3A_5418 = arith.cmpi sge, %get3A_5415, %ge3A_5417 : vector<782x128xi32>
      %convert_element_type3A_5419 = arith.extui %ge3A_5418 : vector<782x128xi1> to vector<782x128xi32>
      %reduce_sum3A_5420 = vector.shape_cast %convert_element_type3A_5419 : vector<782x128xi32> to vector<1x782x128xi32>
      %reduce_sum3A_5421 = arith.constant dense<0> : vector<1xi32>
      %reduce_sum3A_5422 = vector.multi_reduction <add>, %reduce_sum3A_5420, %reduce_sum3A_5421 [1, 2] : vector<1x782x128xi32> to vector<1xi32>
      %reduce_sum3A_5423 = vector.shape_cast %reduce_sum3A_5422 : vector<1xi32> to vector<1x1x1xi32>
      %reduce_sum3A_5424 = vector.extract %reduce_sum3A_5423[0, 0, 0] : i32 from vector<1x1x1xi32>
      %add3A_5425 = arith.addi %while3A_4707, %select_n3A_4742 : i32
      %ge3A_5426 = vector.broadcast %add3A_5425 : i32 to vector<782x128xi32>
      %ge3A_5427 = arith.cmpi sge, %get3A_5415, %ge3A_5426 : vector<782x128xi32>
      %convert_element_type3A_5428 = arith.extui %ge3A_5427 : vector<782x128xi1> to vector<782x128xi32>
      %reduce_sum3A_5429 = vector.shape_cast %convert_element_type3A_5428 : vector<782x128xi32> to vector<1x782x128xi32>
      %reduce_sum3A_5430 = arith.constant dense<0> : vector<1xi32>
      %reduce_sum3A_5431 = vector.multi_reduction <add>, %reduce_sum3A_5429, %reduce_sum3A_5430 [1, 2] : vector<1x782x128xi32> to vector<1xi32>
      %reduce_sum3A_5432 = vector.shape_cast %reduce_sum3A_5431 : vector<1xi32> to vector<1x1x1xi32>
      %reduce_sum3A_5433 = vector.extract %reduce_sum3A_5432[0, 0, 0] : i32 from vector<1x1x1xi32>
      %add3A_5434 = arith.addi %add3A_5416, %select_n3A_4742 : i32
      %ge3A_5435 = vector.broadcast %add3A_5434 : i32 to vector<782x128xi32>
      %ge3A_5436 = arith.cmpi sge, %get3A_5415, %ge3A_5435 : vector<782x128xi32>
      %convert_element_type3A_5437 = arith.extui %ge3A_5436 : vector<782x128xi1> to vector<782x128xi32>
      %reduce_sum3A_5438 = vector.shape_cast %convert_element_type3A_5437 : vector<782x128xi32> to vector<1x782x128xi32>
      %reduce_sum3A_5439 = arith.constant dense<0> : vector<1xi32>
      %reduce_sum3A_5440 = vector.multi_reduction <add>, %reduce_sum3A_5438, %reduce_sum3A_5439 [1, 2] : vector<1x782x128xi32> to vector<1xi32>
      %reduce_sum3A_5441 = vector.shape_cast %reduce_sum3A_5440 : vector<1xi32> to vector<1x1x1xi32>
      %reduce_sum3A_5442 = vector.extract %reduce_sum3A_5441[0, 0, 0] : i32 from vector<1x1x1xi32>
      %not3A_5443 = arith.constant true
      %not3A_5444 = arith.xori %while3A_4723, %not3A_5443 : i1
      %ge3A_5445 = arith.cmpi sge, %reduce_sum3A_5424, %while3A : i32
      %and3A_5446 = arith.andi %not3A_5444, %ge3A_5445 : i1
      %select_n3A_5447 = arith.select %and3A_5446, %add3A_5416, %while3A_4707 : i32
      %select_n3A_5448 = arith.select %and3A_5446, %reduce_sum3A_5442, %reduce_sum3A_5433 : i32
      %and3A_5449 = arith.andi %not3A_5444, %lt3A_4732 : i1
      %ge3A_5450 = arith.cmpi sge, %select_n3A_5448, %while3A : i32
      %and3A_5451 = arith.andi %and3A_5449, %ge3A_5450 : i1
      %add3A_5452 = arith.addi %select_n3A_5447, %select_n3A_4742 : i32
      %select_n3A_5453 = arith.select %and3A_5451, %add3A_5452, %select_n3A_5447 : i32
      %eq3A_5454 = arith.cmpi eq, %reduce_sum3A_5424, %while3A : i32
      %eq3A_5455 = arith.cmpi eq, %select_n3A_5448, %while3A : i32
      %or3A_5456 = arith.ori %eq3A_5454, %eq3A_5455 : i1
      %or3A_5457 = arith.ori %while3A_4723, %or3A_5456 : i1
      %get3A_5458 = arith.constant 0 : index
      %get3A_5459 = arith.constant 15 : index
      %get3A_5460 = arith.constant 0 : index
      %get3A_5461 = arith.constant 0 : index
      %get3A_5462 = vector.load %arg4[%get3A_5458, %get3A_5459, %get3A_5460, %get3A_5461] : memref<1x16x782x128xi32, #tpu.memory_space<vmem>>, vector<1x1x782x128xi32>
      %get3A_5463 = vector.shape_cast %get3A_5462 : vector<1x1x782x128xi32> to vector<782x128xi32>
      %add3A_5464 = arith.addi %while3A_4708, %shift_left3A_4730 : i32
      %ge3A_5465 = vector.broadcast %add3A_5464 : i32 to vector<782x128xi32>
      %ge3A_5466 = arith.cmpi sge, %get3A_5463, %ge3A_5465 : vector<782x128xi32>
      %convert_element_type3A_5467 = arith.extui %ge3A_5466 : vector<782x128xi1> to vector<782x128xi32>
      %reduce_sum3A_5468 = vector.shape_cast %convert_element_type3A_5467 : vector<782x128xi32> to vector<1x782x128xi32>
      %reduce_sum3A_5469 = arith.constant dense<0> : vector<1xi32>
      %reduce_sum3A_5470 = vector.multi_reduction <add>, %reduce_sum3A_5468, %reduce_sum3A_5469 [1, 2] : vector<1x782x128xi32> to vector<1xi32>
      %reduce_sum3A_5471 = vector.shape_cast %reduce_sum3A_5470 : vector<1xi32> to vector<1x1x1xi32>
      %reduce_sum3A_5472 = vector.extract %reduce_sum3A_5471[0, 0, 0] : i32 from vector<1x1x1xi32>
      %add3A_5473 = arith.addi %while3A_4708, %select_n3A_4742 : i32
      %ge3A_5474 = vector.broadcast %add3A_5473 : i32 to vector<782x128xi32>
      %ge3A_5475 = arith.cmpi sge, %get3A_5463, %ge3A_5474 : vector<782x128xi32>
      %convert_element_type3A_5476 = arith.extui %ge3A_5475 : vector<782x128xi1> to vector<782x128xi32>
      %reduce_sum3A_5477 = vector.shape_cast %convert_element_type3A_5476 : vector<782x128xi32> to vector<1x782x128xi32>
      %reduce_sum3A_5478 = arith.constant dense<0> : vector<1xi32>
      %reduce_sum3A_5479 = vector.multi_reduction <add>, %reduce_sum3A_5477, %reduce_sum3A_5478 [1, 2] : vector<1x782x128xi32> to vector<1xi32>
      %reduce_sum3A_5480 = vector.shape_cast %reduce_sum3A_5479 : vector<1xi32> to vector<1x1x1xi32>
      %reduce_sum3A_5481 = vector.extract %reduce_sum3A_5480[0, 0, 0] : i32 from vector<1x1x1xi32>
      %add3A_5482 = arith.addi %add3A_5464, %select_n3A_4742 : i32
      %ge3A_5483 = vector.broadcast %add3A_5482 : i32 to vector<782x128xi32>
      %ge3A_5484 = arith.cmpi sge, %get3A_5463, %ge3A_5483 : vector<782x128xi32>
      %convert_element_type3A_5485 = arith.extui %ge3A_5484 : vector<782x128xi1> to vector<782x128xi32>
      %reduce_sum3A_5486 = vector.shape_cast %convert_element_type3A_5485 : vector<782x128xi32> to vector<1x782x128xi32>
      %reduce_sum3A_5487 = arith.constant dense<0> : vector<1xi32>
      %reduce_sum3A_5488 = vector.multi_reduction <add>, %reduce_sum3A_5486, %reduce_sum3A_5487 [1, 2] : vector<1x782x128xi32> to vector<1xi32>
      %reduce_sum3A_5489 = vector.shape_cast %reduce_sum3A_5488 : vector<1xi32> to vector<1x1x1xi32>
      %reduce_sum3A_5490 = vector.extract %reduce_sum3A_5489[0, 0, 0] : i32 from vector<1x1x1xi32>
      %not3A_5491 = arith.constant true
      %not3A_5492 = arith.xori %while3A_4724, %not3A_5491 : i1
      %ge3A_5493 = arith.cmpi sge, %reduce_sum3A_5472, %while3A : i32
      %and3A_5494 = arith.andi %not3A_5492, %ge3A_5493 : i1
      %select_n3A_5495 = arith.select %and3A_5494, %add3A_5464, %while3A_4708 : i32
      %select_n3A_5496 = arith.select %and3A_5494, %reduce_sum3A_5490, %reduce_sum3A_5481 : i32
      %and3A_5497 = arith.andi %not3A_5492, %lt3A_4732 : i1
      %ge3A_5498 = arith.cmpi sge, %select_n3A_5496, %while3A : i32
      %and3A_5499 = arith.andi %and3A_5497, %ge3A_5498 : i1
      %add3A_5500 = arith.addi %select_n3A_5495, %select_n3A_4742 : i32
      %select_n3A_5501 = arith.select %and3A_5499, %add3A_5500, %select_n3A_5495 : i32
      %eq3A_5502 = arith.cmpi eq, %reduce_sum3A_5472, %while3A : i32
      %eq3A_5503 = arith.cmpi eq, %select_n3A_5496, %while3A : i32
      %or3A_5504 = arith.ori %eq3A_5502, %eq3A_5503 : i1
      %or3A_5505 = arith.ori %while3A_4724, %or3A_5504 : i1
      %add3A_5506 = arith.constant 1 : i32
      %add3A_5507 = arith.addi %while3A_4692, %add3A_5506 : i32
      scf.yield %add3A_5507, %select_n3A_4782, %select_n3A_4829, %select_n3A_4877, %select_n3A_4925, %select_n3A_4973, %select_n3A_5021, %select_n3A_5069, %select_n3A_5117, %select_n3A_5165, %select_n3A_5213, %select_n3A_5261, %select_n3A_5309, %select_n3A_5357, %select_n3A_5405, %select_n3A_5453, %select_n3A_5501, %or3A_4785, %or3A_4833, %or3A_4881, %or3A_4929, %or3A_4977, %or3A_5025, %or3A_5073, %or3A_5121, %or3A_5169, %or3A_5217, %or3A_5265, %or3A_5313, %or3A_5361, %or3A_5409, %or3A_5457, %or3A_5505 : i32, i32, i32, i32, i32, i32, i32, i32, i32, i32, i32, i32, i32, i32, i32, i32, i32, i1, i1, i1, i1, i1, i1, i1, i1, i1, i1, i1, i1, i1, i1, i1, i1
    }
    %broadcast_in_dim3A_4672 = vector.broadcast %while3A_4671#1 : i32 to vector<1x1x128xi32>
    %broadcast_in_dim3A_4673 = vector.broadcast %while3A_4671#2 : i32 to vector<1x1x128xi32>
    %broadcast_in_dim3A_4674 = vector.broadcast %while3A_4671#3 : i32 to vector<1x1x128xi32>
    %broadcast_in_dim3A_4675 = vector.broadcast %while3A_4671#4 : i32 to vector<1x1x128xi32>
    %broadcast_in_dim3A_4676 = vector.broadcast %while3A_4671#5 : i32 to vector<1x1x128xi32>
    %broadcast_in_dim3A_4677 = vector.broadcast %while3A_4671#6 : i32 to vector<1x1x128xi32>
    %broadcast_in_dim3A_4678 = vector.broadcast %while3A_4671#7 : i32 to vector<1x1x128xi32>
    %broadcast_in_dim3A_4679 = vector.broadcast %while3A_4671#8 : i32 to vector<1x1x128xi32>
    %broadcast_in_dim3A_4680 = vector.broadcast %while3A_4671#9 : i32 to vector<1x1x128xi32>
    %broadcast_in_dim3A_4681 = vector.broadcast %while3A_4671#10 : i32 to vector<1x1x128xi32>
    %broadcast_in_dim3A_4682 = vector.broadcast %while3A_4671#11 : i32 to vector<1x1x128xi32>
    %broadcast_in_dim3A_4683 = vector.broadcast %while3A_4671#12 : i32 to vector<1x1x128xi32>
    %broadcast_in_dim3A_4684 = vector.broadcast %while3A_4671#13 : i32 to vector<1x1x128xi32>
    %broadcast_in_dim3A_4685 = vector.broadcast %while3A_4671#14 : i32 to vector<1x1x128xi32>
    %broadcast_in_dim3A_4686 = vector.broadcast %while3A_4671#15 : i32 to vector<1x1x128xi32>
    %broadcast_in_dim3A_4687 = vector.broadcast %while3A_4671#16 : i32 to vector<1x1x128xi32>
    %concatenate3A = tpu.concatenate %broadcast_in_dim3A_4672, %broadcast_in_dim3A_4673, %broadcast_in_dim3A_4674, %broadcast_in_dim3A_4675, %broadcast_in_dim3A_4676, %broadcast_in_dim3A_4677, %broadcast_in_dim3A_4678, %broadcast_in_dim3A_4679, %broadcast_in_dim3A_4680, %broadcast_in_dim3A_4681, %broadcast_in_dim3A_4682, %broadcast_in_dim3A_4683, %broadcast_in_dim3A_4684, %broadcast_in_dim3A_4685, %broadcast_in_dim3A_4686, %broadcast_in_dim3A_4687 in 1 : vector<1x1x128xi32>, vector<1x1x128xi32>, vector<1x1x128xi32>, vector<1x1x128xi32>, vector<1x1x128xi32>, vector<1x1x128xi32>, vector<1x1x128xi32>, vector<1x1x128xi32>, vector<1x1x128xi32>, vector<1x1x128xi32>, vector<1x1x128xi32>, vector<1x1x128xi32>, vector<1x1x128xi32>, vector<1x1x128xi32>, vector<1x1x128xi32>, vector<1x1x128xi32> -> vector<1x16x128xi32>
    %swap3A_4688 = arith.constant 0 : index
    %swap3A_4689 = arith.constant 0 : index
    %swap3A_4690 = arith.constant 0 : index
    %swap3A_4691 = vector.load %arg5[%swap3A_4688, %swap3A_4689, %swap3A_4690] : memref<1x16x128xi32, #tpu.memory_space<vmem>>, vector<1x16x128xi32>
    tpu.vector_store %arg5[%swap3A_4688, %swap3A_4689, %swap3A_4690], %concatenate3A {strides = array<i32>} : memref<1x16x128xi32, #tpu.memory_space<vmem>>, vector<1x16x128xi32>,
    return
  }
  func.func @transform_0(%arg0: i32) -> (i32, i32) {
    %c0_i32 = arith.constant 0 : i32
    %c0_i32_0 = arith.constant 0 : i32
    %c0_i32_1 = arith.constant 0 : i32
    return %c0_i32, %c0_i32_0 : i32, i32
  }
  func.func @transform_1(%arg0: i32) -> (i32, i32) {
    %c0_i32 = arith.constant 0 : i32
    %c0_i32_0 = arith.constant 0 : i32
    %c0_i32_1 = arith.constant 0 : i32
    return %c0_i32, %c0_i32_0 : i32, i32
  }
  func.func @transform_2(%arg0: i32) -> (i32, i32) {
    %c0_i32 = arith.constant 0 : i32
    %c0_i32_0 = arith.constant 0 : i32
    %c0_i32_1 = arith.constant 0 : i32
    return %c0_i32, %c0_i32_0 : i32, i32
  }
  func.func @transform_3(%arg0: i32) -> (i32, i32, i32, i32) {
    %c0_i32 = arith.constant 0 : i32
    %c0_i32_0 = arith.constant 0 : i32
    %c0_i32_1 = arith.constant 0 : i32
    %c0_i32_2 = arith.constant 0 : i32
    return %arg0, %c0_i32, %c0_i32_0, %c0_i32_1 : i32, i32, i32, i32
  }
  func.func @transform_4(%arg0: i32) -> (i32, i32, i32) {
    %c0_i32 = arith.constant 0 : i32
    %c0_i32_0 = arith.constant 0 : i32
    %c0_i32_1 = arith.constant 0 : i32
    return %arg0, %c0_i32, %c0_i32_0 : i32, i32, i32
  }
}

module attributes {stable_mosaic.version = 14 : i64} {
  func.func @_final_body(%arg0: memref<4096x128xf32, #tpu.memory_space<vmem>>, %arg1: memref<4096x128xf32, #tpu.memory_space<vmem>>, %arg2: memref<1x1xf32, #tpu.memory_space<vmem>>, %arg3: memref<1x1xf32, #tpu.memory_space<vmem>>, %arg4: memref<1x1xf32, #tpu.memory_space<vmem>>) attributes {dimension_semantics = [], scalar_prefetch = 0 : i64, scratch_operands = 0 : i64, tpu.core_type = #tpu.core_type<tc>} {
    %get3A = arith.constant 0 : index
    %get3A_0 = arith.constant 0 : index
    %get3A_1 = vector.load %arg0[%get3A, %get3A_0] : memref<4096x128xf32, #tpu.memory_space<vmem>>, vector<4096x128xf32>
    %get3A_2 = arith.constant 0 : index
    %get3A_3 = arith.constant 0 : index
    %get3A_4 = vector.load %arg1[%get3A_2, %get3A_3] : memref<4096x128xf32, #tpu.memory_space<vmem>>, vector<4096x128xf32>
    %mul3A = arith.mulf %get3A_1, %get3A_4 : vector<4096x128xf32>
    %reduce_sum3A = arith.constant dense<0.000000e+00> : vector<4096xf32>
    %reduce_sum3A_5 = vector.multi_reduction <add>, %mul3A, %reduce_sum3A [1] : vector<4096x128xf32> to vector<4096xf32>
    %broadcast_in_dim3A = vector.shape_cast %reduce_sum3A_5 : vector<4096xf32> to vector<4096x1xf32>
    %iota3A = tpu.iota {dimensions = array<i32: 0>} : vector<4096x1xi32>
    %jit3A = arith.constant 64 : i32
    %eq3A = arith.constant 0 : i32
    %eq3A_6 = arith.cmpi eq, %jit3A, %eq3A : i32
    %jit3A_7 = arith.constant 1 : i32
    %select_n3A = arith.select %eq3A_6, %jit3A_7, %jit3A : i32
    %rem3A = vector.broadcast %select_n3A : i32 to vector<4096x1xi32>
    %rem3A_8 = arith.remsi %iota3A, %rem3A : vector<4096x1xi32>
    %ne3A = arith.constant 0 : i32
    %ne3A_9 = vector.broadcast %ne3A : i32 to vector<4096x1xi32>
    %ne3A_10 = arith.cmpi ne, %rem3A_8, %ne3A_9 : vector<4096x1xi32>
    %lt3A = arith.constant 0 : i32
    %lt3A_11 = vector.broadcast %lt3A : i32 to vector<4096x1xi32>
    %lt3A_12 = arith.cmpi slt, %rem3A_8, %lt3A_11 : vector<4096x1xi32>
    %lt3A_13 = arith.constant 0 : i32
    %lt3A_14 = arith.cmpi slt, %select_n3A, %lt3A_13 : i32
    %ne3A_15 = vector.broadcast %lt3A_14 : i1 to vector<4096x1xi1>
    %ne3A_16 = vector.broadcast %ne3A_15 : vector<4096x1xi1> to vector<4096x1xi1>
    %ne3A_17 = arith.xori %lt3A_12, %ne3A_16 : vector<4096x1xi1>
    %and3A = arith.andi %ne3A_17, %ne3A_10 : vector<4096x1xi1>
    %add3A = vector.broadcast %select_n3A : i32 to vector<4096x1xi32>
    %add3A_18 = arith.addi %rem3A_8, %add3A : vector<4096x1xi32>
    %select_n3A_19 = arith.select %and3A, %add3A_18, %rem3A_8 : vector<4096x1xi1>, vector<4096x1xi32>
    %lt3A_20 = arith.constant 50 : i32
    %lt3A_21 = vector.broadcast %lt3A_20 : i32 to vector<4096x1xi32>
    %lt3A_22 = arith.cmpi slt, %select_n3A_19, %lt3A_21 : vector<4096x1xi32>
    %min3A = arith.constant 0.000000e+00 : f32
    %min3A_23 = vector.broadcast %min3A : f32 to vector<4096x1xf32>
    %min3A_24 = arith.minimumf %broadcast_in_dim3A, %min3A_23 : vector<4096x1xf32>
    %abs3A = math.absf %broadcast_in_dim3A : vector<4096x1xf32>
    %neg3A = arith.constant 0.000000e+00 : f32
    %neg3A_25 = vector.broadcast %neg3A : f32 to vector<4096x1xf32>
    %neg3A_26 = arith.subf %neg3A_25, %abs3A : vector<4096x1xf32>
    %exp3A = math.exp %neg3A_26 : vector<4096x1xf32>
    %log1p3A = math.log1p %exp3A : vector<4096x1xf32>
    %sub3A = arith.subf %min3A_24, %log1p3A : vector<4096x1xf32>
    %jit3A_27 = arith.constant 0.000000e+00 : f32
    %broadcast_in_dim3A_28 = vector.broadcast %jit3A_27 : f32 to vector<4096x1xf32>
    %select_n3A_29 = arith.select %lt3A_22, %sub3A, %broadcast_in_dim3A_28 : vector<4096x1xi1>, vector<4096x1xf32>
    %reduce_sum3A_30 = vector.shape_cast %select_n3A_29 : vector<4096x1xf32> to vector<1x4096x1xf32>
    %reduce_sum3A_31 = arith.constant dense<0.000000e+00> : vector<1xf32>
    %reduce_sum3A_32 = vector.multi_reduction <add>, %reduce_sum3A_30, %reduce_sum3A_31 [1, 2] : vector<1x4096x1xf32> to vector<1xf32>
    %reduce_sum3A_33 = vector.shape_cast %reduce_sum3A_32 : vector<1xf32> to vector<1x1x1xf32>
    %reduce_sum3A_34 = vector.extract %reduce_sum3A_33[0, 0, 0] : f32 from vector<1x1x1xf32>
    %get3A_35 = arith.constant 0 : index
    %get3A_36 = arith.constant 0 : index
    %get3A_37 = vector.load %arg2[%get3A_35, %get3A_36] : memref<1x1xf32, #tpu.memory_space<vmem>>, vector<1x1xf32>
    %get3A_38 = vector.extract %get3A_37[0, 0] : f32 from vector<1x1xf32>
    %add3A_39 = arith.addf %reduce_sum3A_34, %get3A_38 : f32
    %get3A_40 = arith.constant 0 : index
    %get3A_41 = arith.constant 0 : index
    %get3A_42 = vector.load %arg3[%get3A_40, %get3A_41] : memref<1x1xf32, #tpu.memory_space<vmem>>, vector<1x1xf32>
    %get3A_43 = vector.extract %get3A_42[0, 0] : f32 from vector<1x1xf32>
    %add3A_44 = arith.addf %add3A_39, %get3A_43 : f32
    %neg3A_45 = arith.constant 0.000000e+00 : f32
    %neg3A_46 = arith.subf %neg3A_45, %add3A_44 : f32
    %div3A = arith.constant 1.500000e+02 : f32
    %div3A_47 = arith.divf %neg3A_46, %div3A : f32
    %broadcast_in_dim3A_48 = vector.broadcast %div3A_47 : f32 to vector<1x1xf32>
    %swap3A = arith.constant 0 : index
    %swap3A_49 = arith.constant 0 : index
    %swap3A_50 = vector.load %arg4[%swap3A, %swap3A_49] : memref<1x1xf32, #tpu.memory_space<vmem>>, vector<1x1xf32>
    tpu.vector_store %arg4[%swap3A, %swap3A_49], %broadcast_in_dim3A_48 {strides = array<i32>} : memref<1x1xf32, #tpu.memory_space<vmem>>, vector<1x1xf32>,
    return
  }
}

</mosaic_0001>

<sc_bundles>
// kernel: kernel.10.cloned.1.call-start
scs
__scs_entry_jumppad:
0x0: {  	(pc) =	sbr.rel $0x88, $3  }
0x1: {  	(tag) =	ssettag $0x0;
	lr =	simm.s32 $0x1  }
0x2: {  	[smem:$0x3F9D] =	sst lr;
	_ =	strace $0xD0000000  }
0x3: {  	_ = 	snop  }
0x4: {  	_ = 	snop  }
0x5: {  	_ = 	snop  }
0x6: {  	_ = 	snop  }
0x7: {  	_ = 	snop  }
__scs_overlays_trampoline_lowered:
0x8: {  	[smem:$0x3FAC] =	sst s0  }
0x9: {  	[smem:$0x3FAD] =	sst s1  }
0xa: {  	[smem:$0x3FAE] =	sst s2  }
0xb: {  	[smem:$0x3FAF] =	sst s3  }
0xc: {  	[smem:$0x3FB0] =	sst s4  }
0xd: {  	[smem:$0x3FB1] =	sst s5  }
0xe: {  	[smem:$0x3FB2] =	sst s6  }
0xf: {  	[smem:$0x3FB3] =	sst s7  }
0x10: {  	[smem:$0x3FB4] =	sst s8  }
0x11: {  	[smem:$0x3FB5] =	sst s9;
	s0 =	simm.s32 @!p0 $0x0  }
0x12: {  	s1 =	sld [smem:$0x3F9B];
	s0 =	simm.s32 @p0 $0x1  }
0x13: {  	[smem:$0x3FB6] =	sst s0;
	s0 =	simm.s32 @!p1 $0x0  }
0x14: {  	s2 =	sld [smem:$0x3F9A];
	s0 =	simm.s32 @p1 $0x1  }
0x15: {  	[smem:$0x3FB7] =	sst s0;
	s0 =	simm.s32 @!p2 $0x0  }
0x16: {  	s3 =	sld [smem:$0x3FDB];
	s0 =	simm.s32 @p2 $0x1  }
0x17: {  	s4 =	simm.s32 $0x1BF5;
	[smem:$0x3FB9] =	sst s0  }
0x18: {  	s0 =	sld [smem:$0x3F9C];
	_ =	swait.ge [sflag:s4], $0x0  }
0x19: {  	s7 =	sld [smem:$0x3F9D]  }
0x1a: {  	s8 =	sadd.s32 $0xFFFFE003, lr  }
0x1b: {  	s9 =	sadd.s32 $0xFFFFFEF7, lr;
	s5 =	simm.s32 $0xFFFFFFFF;
	p2 =	slt.u32 s8, $0xFFFFF086  }
0x1c: {  	p1 =	slt.u32 s9, $0xF7A;
	s5 =	simm.s32 @!p2 $0x0  }
0x1d: {  	s5 =	simm.s32 @p1 $0x1;
	p0 =	seq.s32 s7, s2  }
0x1e: {  	s7 =	smul.u32 @!p0 $0xF7A, s2;
	p2 =	seq.s32 @!p0 s5, $0x0  }
0x1f: {  	s9 =	smul.u32 $0xF7A, s1;
	s8 =	simm.s32 @!p0 $0x1BF5;
	p2 =	por !p2, p0  }
0x20: {  	[sflag:s8] =	ssyncset.s32 @!p0 $0xFFFFF086;
	s6 =	sadd.s32 @!p0 s3, s7;
	s7 =	simm.s32 @!p0 $0x108  }
0x21: {  	s3 =	sadd.s32 s3, s9;
	s6 =	sadd.s32 @!p0 $0x88, s6;
	s7 =	simm.s32 @p2 $0x1082  }
0x22: {  	[simem:s7], [sflag:s8] =	dma.local @!p0 [hbm:s6], $0xF7A  }
0x23: {  	s9 =	sor.u32 $0xD0000000, s2;
	s6 =	simm.s32 $0x108;
	_ =	swait.ge @!p0 [sflag:s8], $0x0  }
0x24: {  	s3 =	sadd.s32 $0x88, s3;
	s6 =	simm.s32 @!p1 $0x1082;
	[sflag:s4] =	ssyncset.s32 $0xFFFFF086  }
0x25: {  	[simem:s6], [sflag:s4] =	dma.local [hbm:s3], $0xF7A  }
0x26: {  	[smem:$0x3F9D] =	sst s1;
	(tag) =	ssettag s2;
	_ =	strace s9  }
0x27: {  	s1 =	sld [smem:$0x3FAD]  }
0x28: {  	s2 =	sld [smem:$0x3FAE]  }
0x29: {  	s4 =	sld [smem:$0x3FB0]  }
0x2a: {  	p0 =	seq.s32 s5, $0x0;
	s5 =	sld [smem:$0x3FB1]  }
0x2b: {  	s6 =	sld [smem:$0x3FB2]  }
0x2c: {  	s7 =	sld [smem:$0x3FB3]  }
0x2d: {  	s3 =	simm.s32 $0x108;
	s8 =	sld [smem:$0x3FB4]  }
0x2e: {  	s3 =	simm.s32 @!p0 $0x1082;
	s9 =	sld [smem:$0x3FB5]  }
0x2f: {  	lr =	sadd.s32 s0, s3;
	s0 =	sld [smem:$0x3FAC]  }
0x30: {  	s3 =	sld [smem:$0x3FAF]  }
0x31: {  	[smem:$0x3FB8] =	sst s10  }
0x32: {  	s10 =	sld [smem:$0x3FB6];
	_ =	sdelay $0x3  }
0x33: {  	p0 =	seq.s32 s10, $0x1;
	s10 =	sld [smem:$0x3FB8];
	_ =	sdelay $0x3  }
0x34: {  	[smem:$0x3FB8] =	sst s10  }
0x35: {  	s10 =	sld [smem:$0x3FB7];
	_ =	sdelay $0x3  }
0x36: {  	p1 =	seq.s32 s10, $0x1;
	s10 =	sld [smem:$0x3FB8];
	_ =	sdelay $0x3  }
0x37: {  	[smem:$0x3FB8] =	sst s10  }
0x38: {  	s10 =	sld [smem:$0x3FB9]  }
0x39: {  	_ = 	snop;
	(pc) =	sbr.ind lr, $3  }
0x3a: {  	_ = 	snop  }
0x3b: {  	_ = 	snop  }
0x3c: {  	p2 =	seq.s32 s10, $0x1;
	s10 =	sld [smem:$0x3FB8]  }
0x3d: {  	_ =	shalt  }
0x3e: {  	_ =	shalt  }
0x3f: {  	_ =	shalt  }
0x40: {  	_ =	shalt  }
0x41: {  	_ =	shalt  }
0x42: {  	_ =	shalt  }
0x43: {  	_ =	shalt  }
0x44: {  	_ =	shalt  }
0x45: {  	_ =	shalt  }
0x46: {  	_ =	shalt  }
0x47: {  	_ =	shalt  }
0x48: {  	_ =	shalt  }
0x49: {  	_ =	shalt  }
0x4a: {  	_ =	shalt  }
0x4b: {  	_ =	shalt  }
0x4c: {  	_ =	shalt  }
0x4d: {  	_ =	shalt  }
0x4e: {  	_ =	shalt  }
0x4f: {  	_ =	shalt  }
0x50: {  	_ =	shalt  }
0x51: {  	_ =	shalt  }
0x52: {  	_ =	shalt  }
0x53: {  	_ =	shalt  }
0x54: {  	_ =	shalt  }
0x55: {  	_ =	shalt  }
0x56: {  	_ =	shalt  }
0x57: {  	_ =	shalt  }
0x58: {  	_ =	shalt  }
0x59: {  	_ =	shalt  }
0x5a: {  	_ =	shalt  }
0x5b: {  	_ =	shalt  }
0x5c: {  	_ =	shalt  }
0x5d: {  	_ =	shalt  }
0x5e: {  	_ =	shalt  }
0x5f: {  	_ =	shalt  }
0x60: {  	_ =	shalt  }
0x61: {  	_ =	shalt  }
0x62: {  	_ =	shalt  }
0x63: {  	_ =	shalt  }
0x64: {  	_ =	shalt  }
0x65: {  	_ =	shalt  }
0x66: {  	_ =	shalt  }
0x67: {  	_ =	shalt  }
0x68: {  	_ =	shalt  }
0x69: {  	_ =	shalt  }
0x6a: {  	_ =	shalt  }
0x6b: {  	_ =	shalt  }
0x6c: {  	_ =	shalt  }
0x6d: {  	_ =	shalt  }
0x6e: {  	_ =	shalt  }
0x6f: {  	_ =	shalt  }
0x70: {  	_ =	shalt  }
0x71: {  	_ =	shalt  }
0x72: {  	_ =	shalt  }
0x73: {  	_ =	shalt  }
0x74: {  	_ =	shalt  }
0x75: {  	_ =	shalt  }
0x76: {  	_ =	shalt  }
0x77: {  	_ =	shalt  }
0x78: {  	_ =	shalt  }
0x79: {  	_ =	shalt  }
0x7a: {  	_ =	shalt  }
0x7b: {  	_ =	shalt  }
0x7c: {  	_ =	shalt  }
0x7d: {  	_ =	shalt  }
0x7e: {  	_ =	shalt  }
0x7f: {  	_ =	shalt  }
0x80: {  	_ =	shalt  }
0x81: {  	_ =	shalt  }
0x82: {  	_ =	shalt  }
0x83: {  	_ =	shalt  }
0x84: {  	_ =	shalt  }
0x85: {  	_ =	shalt  }
0x86: {  	_ =	shalt  }
0x87: {  	_ =	shalt  }
.Lfunc_end0:
.L_simem_size_0:
called_computation_lowered:
.L_overlay_start_0:
0x88: {  	s2 =	sld [smem:$0x3FD9]  }
0x89: {  	s3 =	sld [smem:$0x3FFE];
	_ =	sdelay $0x1  }
0x8a: {  	s1 =	srdreg.scid  }
0x8b: {  	s0 =	sand.u32 $0x1, s1  }
0x8c: {  	s17 =	sshll.u32 s0, $0xA;
	s2 =	sadd.s32 s3, s2  }
0x8d: {  	s2 =	sadd.s32 s2, s17  }
0x8e: {  	[smem:$0x3FC4] =	sst s2  }
0x8f: {  	_ = 	snop  }
0x90: {  	s18 =	sld [smem:$0x3FC7];
	(tm) =	ssettm $0x1  }
0x91: {  	s19 =	sld [smem:$0x3FFB];
	_ =	sdelay $0x3  }
0x92: {  	_ =	strace s19  }
0x93: {  	s2 =	sld [smem:$0x3FFC];
	_ =	sdelay $0x3  }
0x94: {  	_ =	strace s2  }
0x95: {  	s2 =	sld [smem:$0x3FFD];
	_ =	sdelay $0x3  }
0x96: {  	_ =	strace s2  }
0x97: {  	_ =	strace $0x8FFFFFFF  }
0x98: {  	s20 =	sld [smem:$0x3FDB];
	_ =	sdelay $0x1  }
0x99: {  	s4 =	simm.s32 $_scs_section_size  }
0x9a: {  	s5 =	simm.s32 $_size__tile_overlayer_lowered;
	s6 =	simm.s32 $_tile_overlayer_lowered  }
0x9b: {  	s7 =	simm.s32 $0x1BFF;
	s21 =	sshll.u32 s6, $0x1;
	s4 =	sadd.s32 s4, s20  }
0x9c: {  	s22 =	simm.s32 $0x0;
	s5 =	sshll.u32 s5, $0x1;
	s6 =	sadd.s32 s21, s4  }
0x9d: {  	[timem:s22], [sflag:s7] =	dma.local [hbm:s6], s5  }
0x9e: {  	_ =	swait.ge [sflag:s7], s5  }
0x9f: {  	s5 =	ssub.s32 $0x0, s5;
	[sflag:s7] =	ssyncset.done $0x0  }
0xa0: {  	[sflag:s7] =	ssyncadd.s32 s5;
	_ =	sdelay $0x1  }
0xa1: {  	s23 =	simm.s32 $0x1B8B  }
0xa2: {  	_ =	swait.ge [sflag:s23], $0x1  }
0xa3: {  	[sflag:s23] =	ssyncset.done $0x0  }
0xa4: {  	[sflag:s23] =	ssyncadd.s32 $0xFFFFFFFF  }
0xa5: {  	s5 =	sld [smem:$0x0]  }
0xa6: {  	s6 =	sand.u32 $0xFFFFFFFE, s1  }
0xa7: {  	p0 =	sne.s32 s1, s6  }
0xa8: {  	s6 =	sshll.u32 @p0 s6, $0xE  }
0xa9: {  	s6 =	sadd.s32 @p0 $0x11B8D, s6;
	s7 =	sshll.u32 @p0 s5, $0x11  }
0xaa: {  	s6 =	sor.u32 @p0 s7, s6  }
0xab: {  	[sflag:s6] =	ssyncadd.remote.s32 @p0 $0x1;
	_ =	sdelay $0x1  }
0xac: {  	s6 =	simm.s32 @p0 $0x1B8D  }
0xad: {  	_ =	swait.eq @p0 [sflag:s6], $0x1  }
0xae: {  	[sflag:s6] =	ssyncadd.s32 @p0 $0xFFFFFFFF  }
0xaf: {  	s7 =	sshll.u32 @!p0 s1, $0xE  }
0xb0: {  	s7 =	sor.u32 @!p0 $0x4000, s7;
	s6 =	simm.s32 @!p0 $0x1B8D  }
0xb1: {  	s5 =	sshll.u32 @!p0 s5, $0x11;
	s7 =	sadd.s32 @!p0 $0x11B8D, s7;
	_ =	swait.eq @!p0 [sflag:s6], $0x1  }
0xb2: {  	s5 =	sor.u32 @!p0 s5, s7;
	[sflag:s6] =	ssyncadd.s32 @!p0 $0xFFFFFFFF  }
0xb3: {  	s25 =	simm.s32 $0x1B8E;
	s24 =	sld [smem:$0x3FFE];
	[sflag:s5] =	ssyncadd.remote.s32 @!p0 $0x1  }
0xb4: {  	s26 =	simm.s32 $execute0_lowered;
	[smem:$0x3FD2] =	sst s25  }
0xb5: {  	s6 =	sshll.u32 s26, $0x1;
	_ =	strace $0x80000049;
	[dreg:$0x1] =	wrdreg $0xFFFFFFFF  }
0xb6: {  	s28 =	simm.s32 $_size_execute0_lowered;
	s4 =	sadd.s32 s4, s6;
	[dreg:$0x0] =	wrdreg $0x0  }
0xb7: {  	s6 =	sshll.u32 s28, $0x1;
	[dreg:$0x2] =	wrdreg s4  }
0xb8: {  	[dreg:$0x3] =	wrdreg s6  }
0xb9: {  	[dreg:$0x4] =	wrdreg $0xC0  }
0xba: {  	_ =	task [dreg:s22], $0x5FFFF  }
0xbb: {  	[dreg:$0x1] =	wrdreg $0xFFFFFFFF  }
0xbc: {  	[dreg:$0x0] =	wrdreg $0x60  }
0xbd: {  	[dreg:$0x2] =	wrdreg s24  }
0xbe: {  	[dreg:$0x3] =	wrdreg s18  }
0xbf: {  	[dreg:$0x4] =	wrdreg $0x9  }
0xc0: {  	_ =	task.clear_ibuf [dreg:s22], $0x5FFFF;
	_ =	strace $0x90000049  }
0xc1: {  	s29 =	simm.s32 $0x9;
	_ =	strace $0x8000004B  }
0xc2: {  	_ =	swait.ge [sflag:s29], $0x1  }
0xc3: {  	[sflag:s29] =	ssyncadd.s32 $0xFFFFFFFF  }
0xc4: {  	_ =	strace $0x9000004B  }
0xc5: {  	_ =	sfence  }
0xc6: {  	s30 =	sld [smem:$0x0];
	_ =	sdelay $0x2  }
0xc7: {  	s31 =	sshll.u32 s1, $0xD;
	s1 =	sshrl.u32 s1, $0x2  }
0xc8: {  	s4 =	sand.u32 $0x4000, s31;
	s1 =	sadd.s32 s1, s30  }
0xc9: {  	s0 =	sor.u32 s4, s0;
	s1 =	sshll.u32 s1, $0x11  }
0xca: {  	s0 =	sor.u32 s1, s0  }
0xcb: {  	s0 =	sadd.s32 $0x8F2B, s0  }
0xcc: {  	[sflag:s0] =	ssyncadd.remote.s32 $0x1  }
0xcd: {  	_ =	sfence.sel $0xFFFF  }
0xce: {  	[dreg:$0x0] =	wrdreg $0xFFFFFFFF;
	(pc) =	sbr.abs _section_cstart, $3  }
0xcf: {  	[dreg:$0x1] =	wrdreg $0xFFFFFFFF  }
0xd0: {  	_ =	task.clear_ibuf [dreg:s22], $0x2FFFF;
	_ =	strace $0x9FFFFFFF  }
0xd1: {  	(tm) =	ssettm $0x7FFFFFFF  }
tec
execute0_lowered:
.L_overlay_start_1:
0x0: {  	(tag) =	ssettag $0x1  }
0x1: {  	s1 =	srdreg.scid  }
0x2: {  	s0 =	stileid.u32;
	s6 =	sand.u32 $0x1, s1  }
0x3: {  	s8 =	rddreg [dreg:$0x0];
	s30 =	sshll.u32 s0, $0x8;
	s3 =	sshll.u32 s6, $0x7  }
0x4: {  	s2 =	rddreg [dreg:$0x1];
	s7 =	simm.s32 $0x1;
	s9 =	sor.u32 s3, s30  }
0x5: {  	s1 =	rddreg [dreg:$0x2];
	s3 =	simm.s32 $0x0;
	s4 =	sshrl.u32 s9, $0x3  }
0x6: {  	s10 =	ssub.s32 $0x2, s6;
	[smem:$0x7FF] =	sst s3;
	s4 =	sadd.s32 s4, s8  }
0x7: {  	_ =	strace $0x8000004A;
	s5 =	sadd.s32 $0x7C00, s4;
	s4 =	simm.s32 $0x2  }
0x8: {  	[tilespmem:s3], [sflag:$0x2] =	stream.linear.gather [hbm4b:s5+s3], $0x80, $0x38;
	[tilespmem:$0x4080] =	vst v63  }
0x9: {  	s6 =	simm.s32 $0x80;
	s11 =	sshrl.u32 s10, $0x1;
	_ =	swait.ge [sflag:s4], $0x80  }
0xa: {  	s9 =	sshll.u32 s9, $0x4;
	s31 =	ssub.s32 s10, s11;
	[sflag:s4] =	ssyncset.done $0x0  }
0xb: {  	s8 =	sadd.s32 s9, s8;
	s9 =	smax.u32 s31, $0x1;
	[sflag:s4] =	ssyncadd.s32 $0xFFFFFF80  }
0xc: {  	[tilespmem:s6], [sflag:$0x1] =	stream.indirect.gather [hbm4b:s2+s6], $0x80, s3, s6, $0xb8;
	[tilespmem:$0x4080] =	vst v63  }
0xd: {  	p0 =	sne.s32 s9, $0x1;
	_ =	swait.ge [sflag:s7], $0x4000  }
.Ltmp0:
0xe: {  	[sflag:s7] =	ssyncset.done $0x0;
	(pc) =	sbr.rel @!p0 .LBB2_2-.Ltmp0, $4  }
0xf: {  	s8 =	sadd.s32 $0x7E00, s8;
	[sflag:s7] =	ssyncadd.s32 $0xFFFFC000  }
0x10: {  	[hbm4b:s8+s3] =	stream.linear.scatter [tilespmem:s6], [sflag:$0x2], $0x4000, $0x38;
	[tilespmem:$0x4080] =	vst v63  }
0x11: {  	_ =	swait.ge [sflag:s4], $0x4000  }
0x12: {  	s9 =	sadd.s32 $0xFFFFFFFF, s9;
	[sflag:s4] =	ssyncset.done $0x0  }
.LBB2_1:
0x13: {  	p0 =	sne.s32 s9, $0x1;
	s9 =	sadd.s32 $0xFFFFFFFF, s9;
	[sflag:s4] =	ssyncadd.s32 $0xFFFFC000  }
0x14: {  	[tilespmem:s3], [sflag:$0x2] =	stream.linear.gather [hbm4b:s5+s3], $0x80, $0x38;
	[tilespmem:$0x4080] =	vst v63  }
0x15: {  	_ =	swait.ge [sflag:s4], $0x80  }
0x16: {  	[sflag:s4] =	ssyncset.done $0x0  }
0x17: {  	[sflag:s4] =	ssyncadd.s32 $0xFFFFFF80  }
0x18: {  	[tilespmem:s6], [sflag:$0x1] =	stream.indirect.gather [hbm4b:s2+s6], $0x80, s3, s6, $0xb8;
	[tilespmem:$0x4080] =	vst v63  }
0x19: {  	_ =	swait.ge [sflag:s7], $0x4000  }
.Ltmp1:
0x1a: {  	[sflag:s7] =	ssyncset.done $0x0;
	(pc) =	sbr.rel @p0 .LBB2_1-.Ltmp1, $4  }
0x1b: {  	[sflag:s7] =	ssyncadd.s32 $0xFFFFC000  }
0x1c: {  	[hbm4b:s8+s3] =	stream.linear.scatter [tilespmem:s6], [sflag:$0x2], $0x4000, $0x38;
	[tilespmem:$0x4080] =	vst v63  }
0x1d: {  	_ =	swait.ge [sflag:s4], $0x4000  }
0x1e: {  	[sflag:s4] =	ssyncset.done $0x0  }
.LBB2_2:
0x1f: {  	[sflag:s4] =	ssyncadd.s32 $0xFFFFC000  }
0x20: {  	_ =	sfence.sel $0x180000  }
0x21: {  	[bflag:$0x0] =	sbarrier.arrive $0xFFFF  }
0x22: {  	p0 =	sne.s32 s0, $0x0;
	_ =	strace $0x9000004A  }
0x23: {  	s0 =	sadd.s32 @!p0 $0x100000, s1;
	[bflag:$0x2] =	sbarrier.arrive $0xFFFF  }
0x24: {  	[sflag:s0] =	ssyncadd.tile.s32 @!p0 $0x1;
	_ =	shalt  }
.Lfunc_end2:
_tile_overlayer_lowered:
.L_overlay_start_2:
0x25: {  	(tag) =	ssettag $0x2  }
0x26: {  	s0 =	rddreg [dreg:$0x0];
	s2 =	stileid.u32  }
0x27: {  	s1 =	rddreg [dreg:$0x1];
	p0 =	sne.s32 s2, $0x0  }
0x28: {  	s3 =	rddreg [dreg:$0x2];
	[bflag:$0x3] =	sbarrier.arrive $0xFFFF;
	s2 =	simm.s32 @!p0 $0x1C02  }
0x29: {  	[timem:s3], [sflag:s2] =	dma.local @!p0 [hbm:s0], s1  }
0x2a: {  	s0 =	simm.s32 @!p0 $0x2  }
0x2b: {  	_ =	swait.ge @!p0 [sflag:s0], s1  }
0x2c: {  	s1 =	ssub.s32 @!p0 $0x0, s1;
	[sflag:s0] =	ssyncset.done @!p0 $0x0  }
0x2d: {  	[sflag:s0] =	ssyncadd.s32 @!p0 s1  }
0x2e: {  	[bflag:$0x3] =	sbarrier.arrive $0xFFFF  }
0x2f: {  	_ =	shalt  }

// kernel: kernel.13.cloned.1.call-start
scs
__scs_entry_jumppad:
0x0: {  	(pc) =	sbr.rel $0x88, $3  }
0x1: {  	(tag) =	ssettag $0x0;
	lr =	simm.s32 $0x1  }
0x2: {  	[smem:$0x3F9D] =	sst lr;
	_ =	strace $0xD0000000  }
0x3: {  	_ = 	snop  }
0x4: {  	_ = 	snop  }
0x5: {  	_ = 	snop  }
0x6: {  	_ = 	snop  }
0x7: {  	_ = 	snop  }
__scs_overlays_trampoline_lowered:
0x8: {  	[smem:$0x3FAC] =	sst s0  }
0x9: {  	[smem:$0x3FAD] =	sst s1  }
0xa: {  	[smem:$0x3FAE] =	sst s2  }
0xb: {  	[smem:$0x3FAF] =	sst s3  }
0xc: {  	[smem:$0x3FB0] =	sst s4  }
0xd: {  	[smem:$0x3FB1] =	sst s5  }
0xe: {  	[smem:$0x3FB2] =	sst s6  }
0xf: {  	[smem:$0x3FB3] =	sst s7  }
0x10: {  	[smem:$0x3FB4] =	sst s8  }
0x11: {  	[smem:$0x3FB5] =	sst s9;
	s0 =	simm.s32 @!p0 $0x0  }
0x12: {  	s1 =	sld [smem:$0x3F9B];
	s0 =	simm.s32 @p0 $0x1  }
0x13: {  	[smem:$0x3FB6] =	sst s0;
	s0 =	simm.s32 @!p1 $0x0  }
0x14: {  	s2 =	sld [smem:$0x3F9A];
	s0 =	simm.s32 @p1 $0x1  }
0x15: {  	[smem:$0x3FB7] =	sst s0;
	s0 =	simm.s32 @!p2 $0x0  }
0x16: {  	s3 =	sld [smem:$0x3FDB];
	s0 =	simm.s32 @p2 $0x1  }
0x17: {  	s4 =	simm.s32 $0x1BF5;
	[smem:$0x3FB9] =	sst s0  }
0x18: {  	s0 =	sld [smem:$0x3F9C];
	_ =	swait.ge [sflag:s4], $0x0  }
0x19: {  	s7 =	sld [smem:$0x3F9D]  }
0x1a: {  	s8 =	sadd.s32 $0xFFFFE003, lr  }
0x1b: {  	s9 =	sadd.s32 $0xFFFFFEF7, lr;
	s5 =	simm.s32 $0xFFFFFFFF;
	p2 =	slt.u32 s8, $0xFFFFF086  }
0x1c: {  	p1 =	slt.u32 s9, $0xF7A;
	s5 =	simm.s32 @!p2 $0x0  }
0x1d: {  	s5 =	simm.s32 @p1 $0x1;
	p0 =	seq.s32 s7, s2  }
0x1e: {  	s7 =	smul.u32 @!p0 $0xF7A, s2;
	p2 =	seq.s32 @!p0 s5, $0x0  }
0x1f: {  	s9 =	smul.u32 $0xF7A, s1;
	s8 =	simm.s32 @!p0 $0x1BF5;
	p2 =	por !p2, p0  }
0x20: {  	[sflag:s8] =	ssyncset.s32 @!p0 $0xFFFFF086;
	s6 =	sadd.s32 @!p0 s3, s7;
	s7 =	simm.s32 @!p0 $0x108  }
0x21: {  	s3 =	sadd.s32 s3, s9;
	s6 =	sadd.s32 @!p0 $0x88, s6;
	s7 =	simm.s32 @p2 $0x1082  }
0x22: {  	[simem:s7], [sflag:s8] =	dma.local @!p0 [hbm:s6], $0xF7A  }
0x23: {  	s9 =	sor.u32 $0xD0000000, s2;
	s6 =	simm.s32 $0x108;
	_ =	swait.ge @!p0 [sflag:s8], $0x0  }
0x24: {  	s3 =	sadd.s32 $0x88, s3;
	s6 =	simm.s32 @!p1 $0x1082;
	[sflag:s4] =	ssyncset.s32 $0xFFFFF086  }
0x25: {  	[simem:s6], [sflag:s4] =	dma.local [hbm:s3], $0xF7A  }
0x26: {  	[smem:$0x3F9D] =	sst s1;
	(tag) =	ssettag s2;
	_ =	strace s9  }
0x27: {  	s1 =	sld [smem:$0x3FAD]  }
0x28: {  	s2 =	sld [smem:$0x3FAE]  }
0x29: {  	s4 =	sld [smem:$0x3FB0]  }
0x2a: {  	p0 =	seq.s32 s5, $0x0;
	s5 =	sld [smem:$0x3FB1]  }
0x2b: {  	s6 =	sld [smem:$0x3FB2]  }
0x2c: {  	s7 =	sld [smem:$0x3FB3]  }
0x2d: {  	s3 =	simm.s32 $0x108;
	s8 =	sld [smem:$0x3FB4]  }
0x2e: {  	s3 =	simm.s32 @!p0 $0x1082;
	s9 =	sld [smem:$0x3FB5]  }
0x2f: {  	lr =	sadd.s32 s0, s3;
	s0 =	sld [smem:$0x3FAC]  }
0x30: {  	s3 =	sld [smem:$0x3FAF]  }
0x31: {  	[smem:$0x3FB8] =	sst s10  }
0x32: {  	s10 =	sld [smem:$0x3FB6];
	_ =	sdelay $0x3  }
0x33: {  	p0 =	seq.s32 s10, $0x1;
	s10 =	sld [smem:$0x3FB8];
	_ =	sdelay $0x3  }
0x34: {  	[smem:$0x3FB8] =	sst s10  }
0x35: {  	s10 =	sld [smem:$0x3FB7];
	_ =	sdelay $0x3  }
0x36: {  	p1 =	seq.s32 s10, $0x1;
	s10 =	sld [smem:$0x3FB8];
	_ =	sdelay $0x3  }
0x37: {  	[smem:$0x3FB8] =	sst s10  }
0x38: {  	s10 =	sld [smem:$0x3FB9]  }
0x39: {  	_ = 	snop;
	(pc) =	sbr.ind lr, $3  }
0x3a: {  	_ = 	snop  }
0x3b: {  	_ = 	snop  }
0x3c: {  	p2 =	seq.s32 s10, $0x1;
	s10 =	sld [smem:$0x3FB8]  }
0x3d: {  	_ =	shalt  }
0x3e: {  	_ =	shalt  }
0x3f: {  	_ =	shalt  }
0x40: {  	_ =	shalt  }
0x41: {  	_ =	shalt  }
0x42: {  	_ =	shalt  }
0x43: {  	_ =	shalt  }
0x44: {  	_ =	shalt  }
0x45: {  	_ =	shalt  }
0x46: {  	_ =	shalt  }
0x47: {  	_ =	shalt  }
0x48: {  	_ =	shalt  }
0x49: {  	_ =	shalt  }
0x4a: {  	_ =	shalt  }
0x4b: {  	_ =	shalt  }
0x4c: {  	_ =	shalt  }
0x4d: {  	_ =	shalt  }
0x4e: {  	_ =	shalt  }
0x4f: {  	_ =	shalt  }
0x50: {  	_ =	shalt  }
0x51: {  	_ =	shalt  }
0x52: {  	_ =	shalt  }
0x53: {  	_ =	shalt  }
0x54: {  	_ =	shalt  }
0x55: {  	_ =	shalt  }
0x56: {  	_ =	shalt  }
0x57: {  	_ =	shalt  }
0x58: {  	_ =	shalt  }
0x59: {  	_ =	shalt  }
0x5a: {  	_ =	shalt  }
0x5b: {  	_ =	shalt  }
0x5c: {  	_ =	shalt  }
0x5d: {  	_ =	shalt  }
0x5e: {  	_ =	shalt  }
0x5f: {  	_ =	shalt  }
0x60: {  	_ =	shalt  }
0x61: {  	_ =	shalt  }
0x62: {  	_ =	shalt  }
0x63: {  	_ =	shalt  }
0x64: {  	_ =	shalt  }
0x65: {  	_ =	shalt  }
0x66: {  	_ =	shalt  }
0x67: {  	_ =	shalt  }
0x68: {  	_ =	shalt  }
0x69: {  	_ =	shalt  }
0x6a: {  	_ =	shalt  }
0x6b: {  	_ =	shalt  }
0x6c: {  	_ =	shalt  }
0x6d: {  	_ =	shalt  }
0x6e: {  	_ =	shalt  }
0x6f: {  	_ =	shalt  }
0x70: {  	_ =	shalt  }
0x71: {  	_ =	shalt  }
0x72: {  	_ =	shalt  }
0x73: {  	_ =	shalt  }
0x74: {  	_ =	shalt  }
0x75: {  	_ =	shalt  }
0x76: {  	_ =	shalt  }
0x77: {  	_ =	shalt  }
0x78: {  	_ =	shalt  }
0x79: {  	_ =	shalt  }
0x7a: {  	_ =	shalt  }
0x7b: {  	_ =	shalt  }
0x7c: {  	_ =	shalt  }
0x7d: {  	_ =	shalt  }
0x7e: {  	_ =	shalt  }
0x7f: {  	_ =	shalt  }
0x80: {  	_ =	shalt  }
0x81: {  	_ =	shalt  }
0x82: {  	_ =	shalt  }
0x83: {  	_ =	shalt  }
0x84: {  	_ =	shalt  }
0x85: {  	_ =	shalt  }
0x86: {  	_ =	shalt  }
0x87: {  	_ =	shalt  }
.Lfunc_end0:
.L_simem_size_0:
called_computation.1_lowered:
.L_overlay_start_0:
0x88: {  	s2 =	sld [smem:$0x3FD9]  }
0x89: {  	s3 =	sld [smem:$0x3FFE];
	_ =	sdelay $0x1  }
0x8a: {  	s1 =	srdreg.scid  }
0x8b: {  	s0 =	sand.u32 $0x1, s1  }
0x8c: {  	s16 =	sshll.u32 s0, $0xA;
	s2 =	sadd.s32 s3, s2  }
0x8d: {  	s2 =	sadd.s32 s2, s16  }
0x8e: {  	[smem:$0x3FC4] =	sst s2  }
0x8f: {  	_ = 	snop  }
0x90: {  	(tm) =	ssettm $0x1  }
0x91: {  	s17 =	sld [smem:$0x3FFB];
	_ =	sdelay $0x3  }
0x92: {  	_ =	strace s17  }
0x93: {  	s2 =	sld [smem:$0x3FFC];
	_ =	sdelay $0x3  }
0x94: {  	_ =	strace s2  }
0x95: {  	s2 =	sld [smem:$0x3FFD];
	_ =	sdelay $0x3  }
0x96: {  	_ =	strace s2  }
0x97: {  	_ =	strace $0x8FFFFFFF  }
0x98: {  	s18 =	sld [smem:$0x3FDB];
	_ =	sdelay $0x1  }
0x99: {  	s19 =	simm.s32 $_scs_section_size  }
0x9a: {  	s4 =	simm.s32 $_size__tile_overlayer_lowered;
	s5 =	simm.s32 $_tile_overlayer_lowered  }
0x9b: {  	s22 =	simm.s32 $0x1BFF;
	s21 =	sshll.u32 s5, $0x1;
	s2 =	sadd.s32 s19, s18  }
0x9c: {  	s6 =	simm.s32 $0x0;
	s20 =	sshll.u32 s4, $0x1;
	s4 =	sadd.s32 s21, s2  }
0x9d: {  	[timem:s6], [sflag:s22] =	dma.local [hbm:s4], s20  }
0x9e: {  	_ =	swait.ge [sflag:s22], s20  }
0x9f: {  	s3 =	ssub.s32 $0x0, s20;
	[sflag:s22] =	ssyncset.done $0x0  }
0xa0: {  	[sflag:s22] =	ssyncadd.s32 s3;
	_ =	sdelay $0x1  }
0xa1: {  	s23 =	simm.s32 $0x1B8B  }
0xa2: {  	_ =	swait.ge [sflag:s23], $0x1  }
0xa3: {  	[sflag:s23] =	ssyncset.done $0x0  }
0xa4: {  	s25 =	simm.s32 $0x1B8E;
	s24 =	sld [smem:$0x3FFE];
	[sflag:s23] =	ssyncadd.s32 $0xFFFFFFFF  }
0xa5: {  	s26 =	simm.s32 $execute0_lowered;
	[smem:$0x3FD2] =	sst s25  }
0xa6: {  	s4 =	sshll.u32 s26, $0x1;
	_ =	strace $0x80000046;
	[dreg:$0x1] =	wrdreg $0xFFFFFFFF  }
0xa7: {  	s28 =	simm.s32 $_size_execute0_lowered;
	s2 =	sadd.s32 s2, s4;
	[dreg:$0x0] =	wrdreg $0x0  }
0xa8: {  	s4 =	sshll.u32 s28, $0x1;
	[dreg:$0x2] =	wrdreg s2  }
0xa9: {  	[dreg:$0x3] =	wrdreg s4  }
0xaa: {  	[dreg:$0x4] =	wrdreg $0xC0  }
0xab: {  	_ =	task [dreg:s6], $0x5FFFF  }
0xac: {  	[dreg:$0x1] =	wrdreg $0xFFFFFFFF  }
0xad: {  	[dreg:$0x0] =	wrdreg $0x60  }
0xae: {  	[dreg:$0x2] =	wrdreg s24  }
0xaf: {  	[dreg:$0x3] =	wrdreg $0xA  }
0xb0: {  	_ =	task.clear_ibuf [dreg:s6], $0x4FFFF;
	_ =	strace $0x90000046  }
0xb1: {  	s29 =	simm.s32 $0xA;
	_ =	strace $0x80000048  }
0xb2: {  	_ =	swait.ge [sflag:s29], $0x1  }
0xb3: {  	[sflag:s29] =	ssyncadd.s32 $0xFFFFFFFF  }
0xb4: {  	_ =	strace $0x90000048  }
0xb5: {  	_ =	sfence  }
0xb6: {  	s30 =	sld [smem:$0x0];
	_ =	sdelay $0x2  }
0xb7: {  	s31 =	sshll.u32 s1, $0xD;
	s1 =	sshrl.u32 s1, $0x2  }
0xb8: {  	s3 =	sand.u32 $0x4000, s31;
	s1 =	sadd.s32 s1, s30  }
0xb9: {  	s0 =	sor.u32 s3, s0;
	s1 =	sshll.u32 s1, $0x11  }
0xba: {  	s0 =	sor.u32 s1, s0  }
0xbb: {  	s0 =	sadd.s32 $0x8F2B, s0  }
0xbc: {  	[sflag:s0] =	ssyncadd.remote.s32 $0x1  }
0xbd: {  	_ =	sfence.sel $0xFFFF  }
0xbe: {  	[dreg:$0x0] =	wrdreg $0xFFFFFFFF;
	(pc) =	sbr.abs _section_cstart, $3  }
0xbf: {  	[dreg:$0x1] =	wrdreg $0xFFFFFFFF  }
0xc0: {  	_ =	task.clear_ibuf [dreg:s6], $0x2FFFF;
	_ =	strace $0x9FFFFFFF  }
0xc1: {  	(tm) =	ssettm $0x7FFFFFFF  }
tec
execute0_lowered:
.L_overlay_start_1:
0x0: {  	(tag) =	ssettag $0x1  }
0x1: {  	s0 =	srdreg.scid  }
0x2: {  	s2 =	sand.u32 $0x1, s0;
	s0 =	stileid.u32  }
0x3: {  	s3 =	sor.u32 s0, s2  }
0x4: {  	p0 =	sne.s32 s3, $0x0  }
.Ltmp0:
0x5: {  	_ = 	snop;
	(pc) =	sbr.rel @p0 .LBB2_5-.Ltmp0, $3  }
0x6: {  	_ =	sdelay $0x1  }
0x7: {  	s4 =	rddreg [dreg:$0x0]  }
0x8: {  	s1 =	rddreg [dreg:$0x1];
	_ =	strace $0x80000047  }
0x9: {  	s5 =	ssub.s32 $0x2, s2  }
0xa: {  	s2 =	sadd.s32 $0x1600, s4;
	s3 =	sadd.s32 $0x1800, s4;
	s4 =	sadd.s32 $0x4A00, s4  }
0xb: {  	s7 =	simm.s32 $0x1;
	s8 =	simm.s32 $0x1000;
	s6 =	sshrl.u32 s5, $0x1  }
0xc: {  	s9 =	simm.s32 $0x0;
	s5 =	ssub.s32 s5, s6;
	s6 =	simm.s32 $0x0  }
.LBB2_2:
0xd: {  	[tilespmem:s6], [sflag:$0x1] =	stream.linear.gather [hbm4b:s2+s6], $0x1000, $0x38;
	[tilespmem:$0x19700] =	vst v63  }
0xe: {  	_ =	swait.ge [sflag:s7], $0x1000  }
0xf: {  	[sflag:s7] =	ssyncset.done $0x0  }
0x10: {  	[sflag:s7] =	ssyncadd.s32 $0xFFFFF000  }
0x11: {  	[tilespmem:s8], [sflag:$0x1] =	stream.linear.gather [hbm4b:s3+s6], $0x18700, $0x38;
	[tilespmem:$0x19700] =	vst v63  }
0x12: {  	_ =	swait.ge [sflag:s7], $0x18700  }
0x13: {  	[sflag:s7] =	ssyncset.done $0x0  }
0x14: {  	s10 =	simm.s32 $0xFF0;
	[sflag:s7] =	ssyncadd.s32 $0xFFFE7900  }
0x15: {  	s11 =	simm.s32 $0xFE0;
	s12 =	simm.s32 $0xFF0;
	v0 =	vld [tilespmem:s10+$0x0]  }
.LBB2_3:
0x16: {  	p0 =	sne.s32 s11, $0x0;
	_ =	sdelay $0x2  }
0x17: {  	v1 =	vmov s10;
	s10 =	smov.u32 s11  }
.Ltmp1:
0x18: {  	v1 =	vshra.s32 v1, $0x6;
	(pc) =	sbr.rel @p0 .LBB2_3-.Ltmp1, $3  }
0x19: {  	v1 =	vbroadcast v1, $0x0;
	_ =	sdelay $0x1  }
0x1a: {  	s12 =	sadd.s32 $0xFFFFFFF0, s12;
	[tilespmem:v0+s8+$0x0] =	vst.idx.msk $0xffff, v1  }
0x1b: {  	s11 =	sadd.s32 $0xFFFFFFF0, s11;
	v0 =	vld [tilespmem:s12+$0x0]  }
0x1c: {  	_ =	sdelay $0x3  }
0x1d: {  	v1 =	vmov s10  }
0x1e: {  	v1 =	vshra.s32 v1, $0x6  }
0x1f: {  	s9 =	sadd.s32 $0x1, s9;
	v1 =	vbroadcast v1, $0x0  }
0x20: {  	p0 =	sne.s32 s9, s5  }
.Ltmp2:
0x21: {  	[tilespmem:v0+s8+$0x0] =	vst.idx.msk $0xffff, v1;
	(pc) =	sbr.rel @p0 .LBB2_2-.Ltmp2, $4  }
0x22: {  	[hbm4b:s4+s6] =	stream.linear.scatter [tilespmem:s8], [sflag:$0x1], $0x18700, $0x38;
	[tilespmem:$0x19700] =	vst v63  }
0x23: {  	_ =	swait.ge [sflag:s7], $0x18700  }
0x24: {  	[sflag:s7] =	ssyncset.done $0x0  }
0x25: {  	[sflag:s7] =	ssyncadd.s32 $0xFFFE7900  }
.LBB2_5:
0x26: {  	_ =	sfence.sel $0x180000  }
0x27: {  	[bflag:$0x0] =	sbarrier.arrive $0xFFFF  }
0x28: {  	p0 =	sne.s32 s0, $0x0;
	_ =	strace $0x90000047  }
0x29: {  	s0 =	sadd.s32 @!p0 $0x100000, s1;
	[bflag:$0x2] =	sbarrier.arrive $0xFFFF  }
0x2a: {  	[sflag:s0] =	ssyncadd.tile.s32 @!p0 $0x1;
	_ =	shalt  }
.Lfunc_end2:
_tile_overlayer_lowered:
.L_overlay_start_2:
0x2b: {  	(tag) =	ssettag $0x2  }
0x2c: {  	s0 =	rddreg [dreg:$0x0];
	s2 =	stileid.u32  }
0x2d: {  	s1 =	rddreg [dreg:$0x1];
	p0 =	sne.s32 s2, $0x0  }
0x2e: {  	s3 =	rddreg [dreg:$0x2];
	[bflag:$0x3] =	sbarrier.arrive $0xFFFF;
	s2 =	simm.s32 @!p0 $0x1C01  }
0x2f: {  	[timem:s3], [sflag:s2] =	dma.local @!p0 [hbm:s0], s1  }
0x30: {  	s0 =	simm.s32 @!p0 $0x1  }
0x31: {  	_ =	swait.ge @!p0 [sflag:s0], s1  }
0x32: {  	s1 =	ssub.s32 @!p0 $0x0, s1;
	[sflag:s0] =	ssyncset.done @!p0 $0x0  }
0x33: {  	[sflag:s0] =	ssyncadd.s32 @!p0 s1  }
0x34: {  	[bflag:$0x3] =	sbarrier.arrive $0xFFFF  }
0x35: {  	_ =	shalt  }

</sc_bundles>
